<compile_context>
chip_gen: v7x
topology: tpu7x:2x2x1
jax: 0.10.2.dev20260603
libtpu: 0.0.44.dev20260713+nightly
codegen_flags: <defaults>
</compile_context>

<pallas_src>
import functools

import jax
import jax.numpy as jnp
from jax import lax
from jax.experimental import pallas as pl
from jax.experimental.pallas import tpu as pltpu
from jax.experimental.pallas import tpu_sc as plsc

N_CODES = 8192
DIM = 256
N_TOK = 8192
TOK_BLK = 1024
CODE_BLK = 1024
N_TOK_BLKS = N_TOK // TOK_BLK
N_CODE_BLKS = N_CODES // CODE_BLK
HW = 1024
BATCH = 8
SUB_BLK = 256



def _k1_body(z_ref, wm2_ref, bsq_ref, idx1_ref, cb_ref, cm_ref, tot_ref,
             acc_ref):
    i = pl.program_id(0)
    zb = z_ref[0]
    lane = lax.broadcasted_iota(
        jnp.int32, (SUB_BLK, 128), 1).astype(jnp.float32)

    idx_parts = []
    ssum = None
    for st in range(TOK_BLK // SUB_BLK):
        zs = zb[:, st * SUB_BLK:(st + 1) * SUB_BLK]
        a = jnp.sum(zs * zs, axis=0).reshape(SUB_BLK, 1)
        rmin = None
        rkk = None
        for j in range(N_CODE_BLKS):
            wj = wm2_ref[j * CODE_BLK:(j + 1) * CODE_BLK, :]
            bj = bsq_ref[j]
            m = lax.dot_general(zs, wj, (((0,), (1,)), ((), ())),
                                preferred_element_type=jnp.float32)
            for k in range(CODE_BLK // 128):
                mk = m[:, k * 128:(k + 1) * 128]
                bk = bj[k * 128:(k + 1) * 128]
                dk = (a + bk[None, :]) + mk
                kk = float(j * (CODE_BLK // 128) + k)
                if rmin is None:
                    rmin = dk
                    rkk = jnp.zeros_like(dk)
                else:
                    lt = dk < rmin
                    rkk = jnp.where(lt, kk, rkk)
                    rmin = jnp.where(lt, dk, rmin)
        col = rkk * 128.0 + lane
        gmin = jnp.min(rmin, axis=1)
        gcol = jnp.min(jnp.where(rmin == gmin[:, None], col, float(N_CODES)),
                       axis=1)
        idx_parts.append(gcol)
        part = jnp.sum(gmin)
        ssum = part if ssum is None else ssum + part

    run_idx_i = jnp.concatenate(idx_parts).astype(jnp.int32)
    idx1_ref[...] = run_idx_i

    s = ssum

    @pl.when(i == 0)
    def _():
        acc_ref[0] = s

    @pl.when(i > 0)
    def _():
        acc_ref[0] = acc_ref[0] + s

    @pl.when(i == N_TOK_BLKS - 1)
    def _():
        total = acc_ref[0]
        cb = total * (1.0 / float(N_TOK * DIM))
        cm = 0.25 * cb
        cb_ref[...] = jnp.broadcast_to(cb, (1, 1))
        cm_ref[...] = jnp.broadcast_to(cm, (1, 1))
        tot_ref[...] = jnp.broadcast_to(cb + cm, (1, 1))


_k1 = pl.pallas_call(
    _k1_body,
    grid=(N_TOK_BLKS,),
    in_specs=[
        pl.BlockSpec((1, DIM, TOK_BLK), lambda i: (i, 0, 0)),
        pl.BlockSpec((N_CODES, DIM), lambda i: (0, 0)),
        pl.BlockSpec((N_CODE_BLKS, CODE_BLK), lambda i: (0, 0)),
    ],
    out_specs=[
        pl.BlockSpec((TOK_BLK,), lambda i: (i,)),
        pl.BlockSpec((1, 1), lambda i: (0, 0)),
        pl.BlockSpec((1, 1), lambda i: (0, 0)),
        pl.BlockSpec((1, 1), lambda i: (0, 0)),
    ],
    out_shape=[
        jax.ShapeDtypeStruct((N_TOK,), jnp.int32),
        jax.ShapeDtypeStruct((1, 1), jnp.float32),
        jax.ShapeDtypeStruct((1, 1), jnp.float32),
        jax.ShapeDtypeStruct((1, 1), jnp.float32),
    ],
    scratch_shapes=[pltpu.SMEM((1,), jnp.float32)],
)



_NC = 2
_NS = 16
_NW = _NC * _NS
_TOK_PER_W = N_TOK // _NW
_IDX_CHUNK = 128
_CHUNKS = _TOK_PER_W // _IDX_CHUNK


def _k2_body(w_hbm, idx_hbm, zeros_hbm, q_out, counts_out, idx_v, rows_v,
             ones_v, sem, bins_sh):
    c = lax.axis_index("c")
    s = lax.axis_index("s")
    wid = s * _NC + c
    base = wid * _TOK_PER_W

    def _fill(i, val):
        ones_v[pl.ds(i * 16, 16)] = jnp.full((16,), val, jnp.float32)
        return val

    lax.fori_loop(0, _IDX_CHUNK // 16, _fill, 1.0)

    for r in range(_CHUNKS):
        pltpu.sync_copy(idx_hbm.at[pl.ds(base + r * _IDX_CHUNK, _IDX_CHUNK)],
                        idx_v.at[r])

    copies = [
        pltpu.async_copy(
            w_hbm.at[idx_v.at[j]],
            rows_v.at[pl.ds(j * _IDX_CHUNK, _IDX_CHUNK)],
            sem,
        )
        for j in range(_CHUNKS)
    ]

    @pl.when(s == 0)
    def _():
        pltpu.sync_copy(zeros_hbm, bins_sh)

    plsc.subcore_barrier()
    for j in range(_CHUNKS):
        pltpu.sync_copy(ones_v, bins_sh.at[idx_v.at[j]], add=True)
    plsc.subcore_barrier()

    @pl.when(s == 0)
    def _():
        pltpu.sync_copy(bins_sh, counts_out.at[c])

    for cp in copies:
        cp.wait()
    pltpu.sync_copy(rows_v, q_out.at[pl.ds(base, _TOK_PER_W)])


@functools.lru_cache(maxsize=1)
def _get_k2():
    return pl.kernel(
        _k2_body,
        out_type=(
            jax.ShapeDtypeStruct((N_TOK, DIM), jnp.float32),
            jax.ShapeDtypeStruct((_NC, N_CODES), jnp.float32),
        ),
        mesh=plsc.VectorSubcoreMesh(core_axis_name="c", subcore_axis_name="s",
                                    num_cores=_NC, num_subcores=_NS),
        scratch_types=[
            pltpu.VMEM((_CHUNKS, _IDX_CHUNK), jnp.int32),
            pltpu.VMEM((_TOK_PER_W, DIM), jnp.float32),
            pltpu.VMEM((_IDX_CHUNK,), jnp.float32),
            pltpu.SemaphoreType.DMA,
            pltpu.VMEM_SHARED((N_CODES,), jnp.float32),
        ],
    )



def _k3_body(z_ref, q_ref, c_ref, out_ref, perp_ref):
    b = pl.program_id(0)
    q = q_ref[0]
    qt = q.T
    zb = z_ref[0]
    out_ref[0] = zb + (qt - zb)

    @pl.when(b == 0)
    def _():
        counts = c_ref[0, :] + c_ref[1, :]
        p = counts * (1.0 / float(N_TOK))
        ent = p * jnp.log(p + 1e-10)
        perp_ref[...] = jnp.broadcast_to(jnp.exp(-jnp.sum(ent)), (1, 1))


_k3 = pl.pallas_call(
    _k3_body,
    grid=(BATCH,),
    in_specs=[
        pl.BlockSpec((1, DIM, HW), lambda b: (b, 0, 0)),
        pl.BlockSpec((1, HW, DIM), lambda b: (b, 0, 0)),
        pl.BlockSpec((_NC, N_CODES), lambda b: (0, 0)),
    ],
    out_specs=[
        pl.BlockSpec((1, DIM, HW), lambda b: (b, 0, 0)),
        pl.BlockSpec((1, 1), lambda b: (0, 0)),
    ],
    out_shape=[
        jax.ShapeDtypeStruct((BATCH, DIM, HW), jnp.float32),
        jax.ShapeDtypeStruct((1, 1), jnp.float32),
    ],
)



def kernel(z, embedding_weight):
    z3 = z.reshape(BATCH, DIM, HW)
    wm2 = -2.0 * embedding_weight
    bsq = jnp.sum(embedding_weight * embedding_weight,
                  axis=1).reshape(N_CODE_BLKS, CODE_BLK)
    idx, cb, cm, tot = _k1(z3, wm2, bsq)
    q, counts = _get_k2()(embedding_weight, idx,
                          jnp.zeros((N_CODES,), jnp.float32))
    qdec3, perp = _k3(z3, q.reshape(BATCH, HW, DIM), counts)
    qdec = qdec3.reshape(BATCH, DIM, 32, 32)
    return (qdec, tot.reshape(()), cb.reshape(()), cm.reshape(()),
            perp.reshape(()), idx)

# --- scband reference (transcript-rebuilt; emitter-appended) ---
"""Pipeline reference for scband-vector-quantizer-55310588838386 (READ-ONLY COPY).

The authoritative reference and input builder live on the scoring server;
editing this copy changes nothing except your own understanding.
"""

import jax, jax.numpy as jnp
import numpy as np

NUM_EMBEDDINGS = 8192
EMBEDDING_DIM = 256
COMMITMENT_COST = 0.25

def setup_inputs(seed: int = 0) -> dict:
    key = jax.random.key(seed)
    k1, k2 = jax.random.split(key)
    z = jax.random.normal(k1, (8, 256, 32, 32), dtype=jnp.float32)
    embedding_weight = jax.random.uniform(
        k2, (NUM_EMBEDDINGS, EMBEDDING_DIM),
        minval=-1.0 / NUM_EMBEDDINGS, maxval=1.0 / NUM_EMBEDDINGS,
        dtype=jnp.float32)
    return {"z": z, "embedding_weight": embedding_weight}

def reference(z, embedding_weight):
    # z: [B, C, H, W] -> [B, H, W, C]
    z_permuted = jnp.transpose(z, (0, 2, 3, 1))
    z_flat = z_permuted.reshape(-1, EMBEDDING_DIM)
    distances = (jnp.sum(z_flat ** 2, axis=1, keepdims=True)
                 + jnp.sum(embedding_weight ** 2, axis=1)
                 - 2.0 * jnp.matmul(z_flat, embedding_weight.T))
    min_encoding_indices = jnp.argmin(distances, axis=1)
    quantized = jnp.take(embedding_weight, min_encoding_indices, axis=0).reshape(z_permuted.shape)
    codebook_loss = jnp.mean((quantized - jax.lax.stop_gradient(z_permuted)) ** 2)
    scaled_commitment_loss = COMMITMENT_COST * jnp.mean((z_permuted - jax.lax.stop_gradient(quantized)) ** 2)
    vq_loss_total = codebook_loss + scaled_commitment_loss
    quantized_for_decoder = z + jax.lax.stop_gradient(jnp.transpose(quantized, (0, 3, 1, 2)) - z)
    encodings = jax.nn.one_hot(min_encoding_indices, NUM_EMBEDDINGS, dtype=jnp.float32)
    avg_probs = jnp.mean(encodings, axis=0)
    perplexity = jnp.exp(-jnp.sum(avg_probs * jnp.log(avg_probs + 1e-10)))
    return (quantized_for_decoder, vq_loss_total, codebook_loss, scaled_commitment_loss, perplexity, min_encoding_indices)

if __name__ == "__main__":
    import jax
    _d = setup_inputs()
    print(jax.jit(kernel)(*tuple(_d.values())))

</pallas_src>

<mosaic_0001>
#map = affine_map<(d0, d1) -> (0, 0)>
#map1 = affine_map<(d0, d1) -> (0)>
module attributes {stable_mosaic.version = 14 : i64} {
  func.func @_k2_body(%arg0: i32, %arg1: i32, %arg2: memref<8192x256xf32, #tpu.memory_space<hbm>>, %arg3: memref<8192xi32, #tpu.memory_space<hbm>>, %arg4: memref<8192xf32, #tpu.memory_space<hbm>>, %arg5: memref<8192x256xf32, #tpu.memory_space<hbm>>, %arg6: memref<2x8192xf32, #tpu.memory_space<hbm>>, %arg7: memref<2x128xi32, #tpu.memory_space<vmem>>, %arg8: memref<256x256xf32, #tpu.memory_space<vmem>>, %arg9: memref<128xf32, #tpu.memory_space<vmem>>, %arg10: memref<!tpu.dma_semaphore, #tpu.memory_space<semaphore_mem>>, %arg11: memref<8192xf32, #tpu.memory_space<vmem_shared>>) attributes {dimension_semantics = [#tpu.dimension_semantics<core_parallel>, #tpu.dimension_semantics<subcore_parallel>], iteration_bounds = array<i64: 2, 16>, scalar_prefetch = 0 : i64, scratch_operands = 5 : i64, tpu.core_type = #tpu.core_type<sc_vector_subcore>, window_params = [{transform_indices = #map}, {transform_indices = #map1}, {transform_indices = #map1}, {transform_indices = #map}, {transform_indices = #map}]} {
    %mul3A = arith.constant 2 : i32
    %mul3A_0 = arith.muli %arg1, %mul3A : i32
    %add3A = arith.addi %mul3A_0, %arg0 : i32
    %mul3A_1 = arith.constant 256 : i32
    %mul3A_2 = arith.muli %add3A, %mul3A_1 : i32
    %scan3A = arith.constant 1.000000e+00 : f32
    %scan3A_3 = arith.constant 0 : i32
    %scan3A_4 = arith.constant 8 : i32
    %scan3A_5 = arith.addi %scan3A_3, %scan3A_4 : i32
    %scan3A_6 = arith.constant 1 : i32
    scf.for %scan3A_61 = %scan3A_3 to %scan3A_5 step %scan3A_6  : i32 {
      %broadcast_in_dim3A = vector.broadcast %scan3A : f32 to vector<16xf32>
      %mul3A_62 = arith.constant 16 : i32
      %mul3A_63 = arith.muli %scan3A_61, %mul3A_62 : i32
      %swap3A = arith.index_cast %mul3A_63 : i32 to index
      %swap3A_64 = tpu.vector_load %arg9[%swap3A] {strides = array<i32>} : memref<128xf32, #tpu.memory_space<vmem>>, vector<16xf32>,
      %swap3A_65 = vector.shape_cast %swap3A_64 : vector<16xf32> to vector<16xf32>
      %swap3A_66 = vector.shape_cast %broadcast_in_dim3A : vector<16xf32> to vector<16xf32>
      tpu.vector_store %arg9[%swap3A], %swap3A_66 {strides = array<i32>} : memref<128xf32, #tpu.memory_space<vmem>>, vector<16xf32>,
    }
    %scan3A_7 = arith.constant 8 : i32
    %add3A_8 = arith.constant 0 : i32
    %add3A_9 = arith.addi %mul3A_2, %add3A_8 : i32
    %run_scoped3A = arith.constant 0 : i32
    "tpu.region"() ({
      %run_scoped3A_61 = tpu.sem_alloc : memref<!tpu.dma_semaphore, #tpu.memory_space<semaphore_mem>>
      %dma_start3A_62 = arith.constant 0 : i32
      %dma_start3A_63 = tpu.memref_slice %arg7[%run_scoped3A, %dma_start3A_62] : memref<2x128xi32, #tpu.memory_space<vmem>> -> memref<1x128xi32, #tpu.memory_space<vmem>>
      %dma_start3A_64 = tpu.memref_squeeze %dma_start3A_63 : memref<1x128xi32, #tpu.memory_space<vmem>> -> memref<128xi32, #tpu.memory_space<vmem>>
      %dma_start3A_65 = tpu.memref_slice %arg3[%add3A_9] : memref<8192xi32, #tpu.memory_space<hbm>> -> memref<128xi32, #tpu.memory_space<hbm>>
      %dma_start3A_66 = arith.constant 0 : i32
      %dma_start3A_67 = tpu.memref_slice %arg7[%run_scoped3A, %dma_start3A_66] : memref<2x128xi32, #tpu.memory_space<vmem>> -> memref<1x128xi32, #tpu.memory_space<vmem>>
      %dma_start3A_68 = tpu.memref_squeeze %dma_start3A_67 : memref<1x128xi32, #tpu.memory_space<vmem>> -> memref<128xi32, #tpu.memory_space<vmem>>
      %dma_start3A_69 = tpu.memref_slice %arg3[%add3A_9] : memref<8192xi32, #tpu.memory_space<hbm>> -> memref<128xi32, #tpu.memory_space<hbm>>
      tpu.enqueue_dma source(%dma_start3A_69 : memref<128xi32, #tpu.memory_space<hbm>>) target(%dma_start3A_68 : memref<128xi32, #tpu.memory_space<vmem>>) target_semaphore(%run_scoped3A_61 : memref<!tpu.dma_semaphore, #tpu.memory_space<semaphore_mem>>)
      %dma_wait3A_70 = arith.constant 0 : i32
      %dma_wait3A_71 = tpu.memref_slice %arg7[%run_scoped3A, %dma_wait3A_70] : memref<2x128xi32, #tpu.memory_space<vmem>> -> memref<1x128xi32, #tpu.memory_space<vmem>>
      %dma_wait3A_72 = tpu.memref_squeeze %dma_wait3A_71 : memref<1x128xi32, #tpu.memory_space<vmem>> -> memref<128xi32, #tpu.memory_space<vmem>>
      %dma_wait3A_73 = tpu.memref_slice %arg3[%add3A_9] : memref<8192xi32, #tpu.memory_space<hbm>> -> memref<128xi32, #tpu.memory_space<hbm>>
      %dma_wait3A_74 = arith.constant 0 : i32
      %dma_wait3A_75 = tpu.memref_slice %arg7[%run_scoped3A, %dma_wait3A_74] : memref<2x128xi32, #tpu.memory_space<vmem>> -> memref<1x128xi32, #tpu.memory_space<vmem>>
      %dma_wait3A_76 = tpu.memref_squeeze %dma_wait3A_75 : memref<1x128xi32, #tpu.memory_space<vmem>> -> memref<128xi32, #tpu.memory_space<vmem>>
      %dma_wait3A_77 = tpu.memref_slice %arg3[%add3A_9] : memref<8192xi32, #tpu.memory_space<hbm>> -> memref<128xi32, #tpu.memory_space<hbm>>
      tpu.wait_dma2 semaphore(%run_scoped3A_61 : memref<!tpu.dma_semaphore, #tpu.memory_space<semaphore_mem>>) src(%dma_wait3A_77 : memref<128xi32, #tpu.memory_space<hbm>>) dst(%dma_wait3A_76 : memref<128xi32, #tpu.memory_space<vmem>>)
      tpu.yield
    }) : () -> ()
    %add3A_10 = arith.constant 128 : i32
    %add3A_11 = arith.addi %mul3A_2, %add3A_10 : i32
    %run_scoped3A_12 = arith.constant 1 : i32
    "tpu.region"() ({
      %run_scoped3A_61 = tpu.sem_alloc : memref<!tpu.dma_semaphore, #tpu.memory_space<semaphore_mem>>
      %dma_start3A_62 = arith.constant 0 : i32
      %dma_start3A_63 = tpu.memref_slice %arg7[%run_scoped3A_12, %dma_start3A_62] : memref<2x128xi32, #tpu.memory_space<vmem>> -> memref<1x128xi32, #tpu.memory_space<vmem>>
      %dma_start3A_64 = tpu.memref_squeeze %dma_start3A_63 : memref<1x128xi32, #tpu.memory_space<vmem>> -> memref<128xi32, #tpu.memory_space<vmem>>
      %dma_start3A_65 = tpu.memref_slice %arg3[%add3A_11] : memref<8192xi32, #tpu.memory_space<hbm>> -> memref<128xi32, #tpu.memory_space<hbm>>
      %dma_start3A_66 = arith.constant 0 : i32
      %dma_start3A_67 = tpu.memref_slice %arg7[%run_scoped3A_12, %dma_start3A_66] : memref<2x128xi32, #tpu.memory_space<vmem>> -> memref<1x128xi32, #tpu.memory_space<vmem>>
      %dma_start3A_68 = tpu.memref_squeeze %dma_start3A_67 : memref<1x128xi32, #tpu.memory_space<vmem>> -> memref<128xi32, #tpu.memory_space<vmem>>
      %dma_start3A_69 = tpu.memref_slice %arg3[%add3A_11] : memref<8192xi32, #tpu.memory_space<hbm>> -> memref<128xi32, #tpu.memory_space<hbm>>
      tpu.enqueue_dma source(%dma_start3A_69 : memref<128xi32, #tpu.memory_space<hbm>>) target(%dma_start3A_68 : memref<128xi32, #tpu.memory_space<vmem>>) target_semaphore(%run_scoped3A_61 : memref<!tpu.dma_semaphore, #tpu.memory_space<semaphore_mem>>)
      %dma_wait3A_70 = arith.constant 0 : i32
      %dma_wait3A_71 = tpu.memref_slice %arg7[%run_scoped3A_12, %dma_wait3A_70] : memref<2x128xi32, #tpu.memory_space<vmem>> -> memref<1x128xi32, #tpu.memory_space<vmem>>
      %dma_wait3A_72 = tpu.memref_squeeze %dma_wait3A_71 : memref<1x128xi32, #tpu.memory_space<vmem>> -> memref<128xi32, #tpu.memory_space<vmem>>
      %dma_wait3A_73 = tpu.memref_slice %arg3[%add3A_11] : memref<8192xi32, #tpu.memory_space<hbm>> -> memref<128xi32, #tpu.memory_space<hbm>>
      %dma_wait3A_74 = arith.constant 0 : i32
      %dma_wait3A_75 = tpu.memref_slice %arg7[%run_scoped3A_12, %dma_wait3A_74] : memref<2x128xi32, #tpu.memory_space<vmem>> -> memref<1x128xi32, #tpu.memory_space<vmem>>
      %dma_wait3A_76 = tpu.memref_squeeze %dma_wait3A_75 : memref<1x128xi32, #tpu.memory_space<vmem>> -> memref<128xi32, #tpu.memory_space<vmem>>
      %dma_wait3A_77 = tpu.memref_slice %arg3[%add3A_11] : memref<8192xi32, #tpu.memory_space<hbm>> -> memref<128xi32, #tpu.memory_space<hbm>>
      tpu.wait_dma2 semaphore(%run_scoped3A_61 : memref<!tpu.dma_semaphore, #tpu.memory_space<semaphore_mem>>) src(%dma_wait3A_77 : memref<128xi32, #tpu.memory_space<hbm>>) dst(%dma_wait3A_76 : memref<128xi32, #tpu.memory_space<vmem>>)
      tpu.yield
    }) : () -> ()
    %dma_start3A = arith.constant 0 : i32
    %dma_start3A_13 = arith.constant 0 : i32
    %dma_start3A_14 = arith.constant 0 : i32
    %dma_start3A_15 = tpu.memref_slice %arg8[%dma_start3A_13, %dma_start3A_14] : memref<256x256xf32, #tpu.memory_space<vmem>> -> memref<128x256xf32, #tpu.memory_space<vmem>>
    %dma_start3A_16 = arith.constant 0 : i32
    %dma_start3A_17 = tpu.memref_slice %arg7[%dma_start3A, %dma_start3A_16] : memref<2x128xi32, #tpu.memory_space<vmem>> -> memref<1x128xi32, #tpu.memory_space<vmem>>
    %dma_start3A_18 = tpu.memref_squeeze %dma_start3A_17 : memref<1x128xi32, #tpu.memory_space<vmem>> -> memref<128xi32, #tpu.memory_space<vmem>>
    %dma_start3A_19 = arith.constant 0 : i32
    %dma_start3A_20 = arith.constant 0 : i32
    %dma_start3A_21 = tpu.memref_slice %arg2[%dma_start3A_19, %dma_start3A_20] : memref<8192x256xf32, #tpu.memory_space<hbm>> -> memref<8192x256xf32, #tpu.memory_space<hbm>>
    tpu.enqueue_indirect_dma source(%dma_start3A_21 : memref<8192x256xf32, #tpu.memory_space<hbm>>) target(%dma_start3A_15 : memref<128x256xf32, #tpu.memory_space<vmem>>) offsets(%dma_start3A_18 : memref<128xi32, #tpu.memory_space<vmem>>) semaphore(%arg10 : memref<!tpu.dma_semaphore, #tpu.memory_space<semaphore_mem>>)
    %dma_start3A_22 = arith.constant 1 : i32
    %dma_start3A_23 = arith.constant 128 : i32
    %dma_start3A_24 = arith.constant 0 : i32
    %dma_start3A_25 = tpu.memref_slice %arg8[%dma_start3A_23, %dma_start3A_24] : memref<256x256xf32, #tpu.memory_space<vmem>> -> memref<128x256xf32, #tpu.memory_space<vmem>>
    %dma_start3A_26 = arith.constant 0 : i32
    %dma_start3A_27 = tpu.memref_slice %arg7[%dma_start3A_22, %dma_start3A_26] : memref<2x128xi32, #tpu.memory_space<vmem>> -> memref<1x128xi32, #tpu.memory_space<vmem>>
    %dma_start3A_28 = tpu.memref_squeeze %dma_start3A_27 : memref<1x128xi32, #tpu.memory_space<vmem>> -> memref<128xi32, #tpu.memory_space<vmem>>
    %dma_start3A_29 = arith.constant 0 : i32
    %dma_start3A_30 = arith.constant 0 : i32
    %dma_start3A_31 = tpu.memref_slice %arg2[%dma_start3A_29, %dma_start3A_30] : memref<8192x256xf32, #tpu.memory_space<hbm>> -> memref<8192x256xf32, #tpu.memory_space<hbm>>
    tpu.enqueue_indirect_dma source(%dma_start3A_31 : memref<8192x256xf32, #tpu.memory_space<hbm>>) target(%dma_start3A_25 : memref<128x256xf32, #tpu.memory_space<vmem>>) offsets(%dma_start3A_28 : memref<128xi32, #tpu.memory_space<vmem>>) semaphore(%arg10 : memref<!tpu.dma_semaphore, #tpu.memory_space<semaphore_mem>>)
    %eq3A = arith.constant 0 : i32
    %eq3A_32 = arith.cmpi eq, %arg1, %eq3A : i32
    %convert_element_type3A = arith.extui %eq3A_32 : i1 to i32
    %cond3A = arith.constant 0 : i32
    %cond3A_33 = arith.cmpi ne, %convert_element_type3A, %cond3A : i32
    scf.if %cond3A_33 {
      "tpu.region"() ({
        %run_scoped3A_61 = tpu.sem_alloc : memref<!tpu.dma_semaphore, #tpu.memory_space<semaphore_mem>>
        tpu.enqueue_dma source(%arg4 : memref<8192xf32, #tpu.memory_space<hbm>>) target(%arg11 : memref<8192xf32, #tpu.memory_space<vmem_shared>>) target_semaphore(%run_scoped3A_61 : memref<!tpu.dma_semaphore, #tpu.memory_space<semaphore_mem>>)
        tpu.wait_dma2 semaphore(%run_scoped3A_61 : memref<!tpu.dma_semaphore, #tpu.memory_space<semaphore_mem>>) src(%arg4 : memref<8192xf32, #tpu.memory_space<hbm>>) dst(%arg11 : memref<8192xf32, #tpu.memory_space<vmem_shared>>)
        tpu.yield
      }) : () -> ()
    } else {
    }
    %barrier3A = arith.constant 0 : index
    tpu.barrier barrier_id(%barrier3A)
    %run_scoped3A_34 = arith.constant 0 : i32
    "tpu.region"() ({
      %run_scoped3A_61 = tpu.sem_alloc : memref<!tpu.dma_semaphore, #tpu.memory_space<semaphore_mem>>
      %dma_start3A_62 = arith.constant 0 : i32
      %dma_start3A_63 = tpu.memref_slice %arg7[%run_scoped3A_34, %dma_start3A_62] : memref<2x128xi32, #tpu.memory_space<vmem>> -> memref<1x128xi32, #tpu.memory_space<vmem>>
      %dma_start3A_64 = tpu.memref_squeeze %dma_start3A_63 : memref<1x128xi32, #tpu.memory_space<vmem>> -> memref<128xi32, #tpu.memory_space<vmem>>
      %dma_start3A_65 = arith.constant 0 : i32
      %dma_start3A_66 = tpu.memref_slice %arg11[%dma_start3A_65] : memref<8192xf32, #tpu.memory_space<vmem_shared>> -> memref<8192xf32, #tpu.memory_space<vmem_shared>>
      tpu.enqueue_indirect_dma source(%arg9 : memref<128xf32, #tpu.memory_space<vmem>>) target(%dma_start3A_66 : memref<8192xf32, #tpu.memory_space<vmem_shared>>) offsets(%dma_start3A_64 : memref<128xi32, #tpu.memory_space<vmem>>) semaphore(%run_scoped3A_61 : memref<!tpu.dma_semaphore, #tpu.memory_space<semaphore_mem>>) {add = true}
      %dma_wait3A_67 = arith.constant 0 : i32
      %dma_wait3A_68 = tpu.memref_slice %arg7[%run_scoped3A_34, %dma_wait3A_67] : memref<2x128xi32, #tpu.memory_space<vmem>> -> memref<1x128xi32, #tpu.memory_space<vmem>>
      %dma_wait3A_69 = tpu.memref_squeeze %dma_wait3A_68 : memref<1x128xi32, #tpu.memory_space<vmem>> -> memref<128xi32, #tpu.memory_space<vmem>>
      %dma_wait3A_70 = arith.constant 0 : i32
      %dma_wait3A_71 = tpu.memref_slice %arg11[%dma_wait3A_70] : memref<8192xf32, #tpu.memory_space<vmem_shared>> -> memref<8192xf32, #tpu.memory_space<vmem_shared>>
      tpu.wait_indirect_dma semaphore(%run_scoped3A_61 : memref<!tpu.dma_semaphore, #tpu.memory_space<semaphore_mem>>) src(%arg9 : memref<128xf32, #tpu.memory_space<vmem>>) dst(%dma_wait3A_71 : memref<8192xf32, #tpu.memory_space<vmem_shared>>)
      tpu.yield
    }) : () -> ()
    %run_scoped3A_35 = arith.constant 1 : i32
    "tpu.region"() ({
      %run_scoped3A_61 = tpu.sem_alloc : memref<!tpu.dma_semaphore, #tpu.memory_space<semaphore_mem>>
      %dma_start3A_62 = arith.constant 0 : i32
      %dma_start3A_63 = tpu.memref_slice %arg7[%run_scoped3A_35, %dma_start3A_62] : memref<2x128xi32, #tpu.memory_space<vmem>> -> memref<1x128xi32, #tpu.memory_space<vmem>>
      %dma_start3A_64 = tpu.memref_squeeze %dma_start3A_63 : memref<1x128xi32, #tpu.memory_space<vmem>> -> memref<128xi32, #tpu.memory_space<vmem>>
      %dma_start3A_65 = arith.constant 0 : i32
      %dma_start3A_66 = tpu.memref_slice %arg11[%dma_start3A_65] : memref<8192xf32, #tpu.memory_space<vmem_shared>> -> memref<8192xf32, #tpu.memory_space<vmem_shared>>
      tpu.enqueue_indirect_dma source(%arg9 : memref<128xf32, #tpu.memory_space<vmem>>) target(%dma_start3A_66 : memref<8192xf32, #tpu.memory_space<vmem_shared>>) offsets(%dma_start3A_64 : memref<128xi32, #tpu.memory_space<vmem>>) semaphore(%run_scoped3A_61 : memref<!tpu.dma_semaphore, #tpu.memory_space<semaphore_mem>>) {add = true}
      %dma_wait3A_67 = arith.constant 0 : i32
      %dma_wait3A_68 = tpu.memref_slice %arg7[%run_scoped3A_35, %dma_wait3A_67] : memref<2x128xi32, #tpu.memory_space<vmem>> -> memref<1x128xi32, #tpu.memory_space<vmem>>
      %dma_wait3A_69 = tpu.memref_squeeze %dma_wait3A_68 : memref<1x128xi32, #tpu.memory_space<vmem>> -> memref<128xi32, #tpu.memory_space<vmem>>
      %dma_wait3A_70 = arith.constant 0 : i32
      %dma_wait3A_71 = tpu.memref_slice %arg11[%dma_wait3A_70] : memref<8192xf32, #tpu.memory_space<vmem_shared>> -> memref<8192xf32, #tpu.memory_space<vmem_shared>>
      tpu.wait_indirect_dma semaphore(%run_scoped3A_61 : memref<!tpu.dma_semaphore, #tpu.memory_space<semaphore_mem>>) src(%arg9 : memref<128xf32, #tpu.memory_space<vmem>>) dst(%dma_wait3A_71 : memref<8192xf32, #tpu.memory_space<vmem_shared>>)
      tpu.yield
    }) : () -> ()
    %barrier3A_36 = arith.constant 0 : index
    tpu.barrier barrier_id(%barrier3A_36)
    %eq3A_37 = arith.constant 0 : i32
    %eq3A_38 = arith.cmpi eq, %arg1, %eq3A_37 : i32
    %convert_element_type3A_39 = arith.extui %eq3A_38 : i1 to i32
    %cond3A_40 = arith.constant 0 : i32
    %cond3A_41 = arith.cmpi ne, %convert_element_type3A_39, %cond3A_40 : i32
    scf.if %cond3A_41 {
      "tpu.region"() ({
        %run_scoped3A_61 = tpu.sem_alloc : memref<!tpu.dma_semaphore, #tpu.memory_space<semaphore_mem>>
        %dma_start3A_62 = arith.constant 0 : i32
        %dma_start3A_63 = tpu.memref_slice %arg6[%arg0, %dma_start3A_62] : memref<2x8192xf32, #tpu.memory_space<hbm>> -> memref<1x8192xf32, #tpu.memory_space<hbm>>
        %dma_start3A_64 = tpu.memref_squeeze %dma_start3A_63 : memref<1x8192xf32, #tpu.memory_space<hbm>> -> memref<8192xf32, #tpu.memory_space<hbm>>
        tpu.enqueue_dma source(%arg11 : memref<8192xf32, #tpu.memory_space<vmem_shared>>) target(%dma_start3A_64 : memref<8192xf32, #tpu.memory_space<hbm>>) target_semaphore(%run_scoped3A_61 : memref<!tpu.dma_semaphore, #tpu.memory_space<semaphore_mem>>)
        %dma_wait3A_65 = arith.constant 0 : i32
        %dma_wait3A_66 = tpu.memref_slice %arg6[%arg0, %dma_wait3A_65] : memref<2x8192xf32, #tpu.memory_space<hbm>> -> memref<1x8192xf32, #tpu.memory_space<hbm>>
        %dma_wait3A_67 = tpu.memref_squeeze %dma_wait3A_66 : memref<1x8192xf32, #tpu.memory_space<hbm>> -> memref<8192xf32, #tpu.memory_space<hbm>>
        tpu.wait_dma2 semaphore(%run_scoped3A_61 : memref<!tpu.dma_semaphore, #tpu.memory_space<semaphore_mem>>) src(%arg11 : memref<8192xf32, #tpu.memory_space<vmem_shared>>) dst(%dma_wait3A_67 : memref<8192xf32, #tpu.memory_space<hbm>>)
        tpu.yield
      }) : () -> ()
    } else {
    }
    %dma_wait3A = arith.constant 0 : i32
    %dma_wait3A_42 = arith.constant 0 : i32
    %dma_wait3A_43 = arith.constant 0 : i32
    %dma_wait3A_44 = tpu.memref_slice %arg8[%dma_wait3A_42, %dma_wait3A_43] : memref<256x256xf32, #tpu.memory_space<vmem>> -> memref<128x256xf32, #tpu.memory_space<vmem>>
    %dma_wait3A_45 = arith.constant 0 : i32
    %dma_wait3A_46 = tpu.memref_slice %arg7[%dma_wait3A, %dma_wait3A_45] : memref<2x128xi32, #tpu.memory_space<vmem>> -> memref<1x128xi32, #tpu.memory_space<vmem>>
    %dma_wait3A_47 = tpu.memref_squeeze %dma_wait3A_46 : memref<1x128xi32, #tpu.memory_space<vmem>> -> memref<128xi32, #tpu.memory_space<vmem>>
    %dma_wait3A_48 = arith.constant 0 : i32
    %dma_wait3A_49 = arith.constant 0 : i32
    %dma_wait3A_50 = tpu.memref_slice %arg2[%dma_wait3A_48, %dma_wait3A_49] : memref<8192x256xf32, #tpu.memory_space<hbm>> -> memref<8192x256xf32, #tpu.memory_space<hbm>>
    tpu.wait_indirect_dma semaphore(%arg10 : memref<!tpu.dma_semaphore, #tpu.memory_space<semaphore_mem>>) src(%dma_wait3A_50 : memref<8192x256xf32, #tpu.memory_space<hbm>>) dst(%dma_wait3A_44 : memref<128x256xf32, #tpu.memory_space<vmem>>)
    %dma_wait3A_51 = arith.constant 1 : i32
    %dma_wait3A_52 = arith.constant 128 : i32
    %dma_wait3A_53 = arith.constant 0 : i32
    %dma_wait3A_54 = tpu.memref_slice %arg8[%dma_wait3A_52, %dma_wait3A_53] : memref<256x256xf32, #tpu.memory_space<vmem>> -> memref<128x256xf32, #tpu.memory_space<vmem>>
    %dma_wait3A_55 = arith.constant 0 : i32
    %dma_wait3A_56 = tpu.memref_slice %arg7[%dma_wait3A_51, %dma_wait3A_55] : memref<2x128xi32, #tpu.memory_space<vmem>> -> memref<1x128xi32, #tpu.memory_space<vmem>>
    %dma_wait3A_57 = tpu.memref_squeeze %dma_wait3A_56 : memref<1x128xi32, #tpu.memory_space<vmem>> -> memref<128xi32, #tpu.memory_space<vmem>>
    %dma_wait3A_58 = arith.constant 0 : i32
    %dma_wait3A_59 = arith.constant 0 : i32
    %dma_wait3A_60 = tpu.memref_slice %arg2[%dma_wait3A_58, %dma_wait3A_59] : memref<8192x256xf32, #tpu.memory_space<hbm>> -> memref<8192x256xf32, #tpu.memory_space<hbm>>
    tpu.wait_indirect_dma semaphore(%arg10 : memref<!tpu.dma_semaphore, #tpu.memory_space<semaphore_mem>>) src(%dma_wait3A_60 : memref<8192x256xf32, #tpu.memory_space<hbm>>) dst(%dma_wait3A_54 : memref<128x256xf32, #tpu.memory_space<vmem>>)
    "tpu.region"() ({
      %run_scoped3A_61 = tpu.sem_alloc : memref<!tpu.dma_semaphore, #tpu.memory_space<semaphore_mem>>
      %dma_start3A_62 = arith.constant 0 : i32
      %dma_start3A_63 = tpu.memref_slice %arg5[%mul3A_2, %dma_start3A_62] : memref<8192x256xf32, #tpu.memory_space<hbm>> -> memref<256x256xf32, #tpu.memory_space<hbm>>
      %dma_start3A_64 = arith.constant 0 : i32
      %dma_start3A_65 = tpu.memref_slice %arg5[%mul3A_2, %dma_start3A_64] : memref<8192x256xf32, #tpu.memory_space<hbm>> -> memref<256x256xf32, #tpu.memory_space<hbm>>
      tpu.enqueue_dma source(%arg8 : memref<256x256xf32, #tpu.memory_space<vmem>>) target(%dma_start3A_65 : memref<256x256xf32, #tpu.memory_space<hbm>>) target_semaphore(%run_scoped3A_61 : memref<!tpu.dma_semaphore, #tpu.memory_space<semaphore_mem>>)
      %dma_wait3A_66 = arith.constant 0 : i32
      %dma_wait3A_67 = tpu.memref_slice %arg5[%mul3A_2, %dma_wait3A_66] : memref<8192x256xf32, #tpu.memory_space<hbm>> -> memref<256x256xf32, #tpu.memory_space<hbm>>
      %dma_wait3A_68 = arith.constant 0 : i32
      %dma_wait3A_69 = tpu.memref_slice %arg5[%mul3A_2, %dma_wait3A_68] : memref<8192x256xf32, #tpu.memory_space<hbm>> -> memref<256x256xf32, #tpu.memory_space<hbm>>
      tpu.wait_dma2 semaphore(%run_scoped3A_61 : memref<!tpu.dma_semaphore, #tpu.memory_space<semaphore_mem>>) src(%arg8 : memref<256x256xf32, #tpu.memory_space<vmem>>) dst(%dma_wait3A_69 : memref<256x256xf32, #tpu.memory_space<hbm>>)
      tpu.yield
    }) : () -> ()
    return
  }
}

module attributes {stable_mosaic.version = 14 : i64} {
  func.func @_k1_body(%arg0: i32, %arg1: memref<1x256x1024xf32, #tpu.memory_space<vmem>>, %arg2: memref<8192x256xf32, #tpu.memory_space<vmem>>, %arg3: memref<8x1024xf32, #tpu.memory_space<vmem>>, %arg4: memref<1024xi32, #tpu.memory_space<vmem>>, %arg5: memref<1x1xf32, #tpu.memory_space<vmem>>, %arg6: memref<1x1xf32, #tpu.memory_space<vmem>>, %arg7: memref<1x1xf32, #tpu.memory_space<vmem>>, %arg8: memref<1xf32, #tpu.memory_space<smem>>) attributes {dimension_semantics = [#tpu.dimension_semantics<arbitrary>], iteration_bounds = array<i64: 8>, scalar_prefetch = 0 : i64, scratch_operands = 1 : i64, tpu.core_type = #tpu.core_type<tc>, window_params = [{transform_indices = @transform_0, window_bounds = array<i64: 1, 256, 1024>}, {pipeline_mode = #tpu.pipeline_mode<synchronous>, transform_indices = @transform_1, window_bounds = array<i64: 8192, 256>}, {pipeline_mode = #tpu.pipeline_mode<synchronous>, transform_indices = @transform_2, window_bounds = array<i64: 8, 1024>}, {transform_indices = @transform_3, window_bounds = array<i64: 1024>}, {pipeline_mode = #tpu.pipeline_mode<synchronous>, transform_indices = @transform_4, window_bounds = array<i64: 1, 1>}, {pipeline_mode = #tpu.pipeline_mode<synchronous>, transform_indices = @transform_5, window_bounds = array<i64: 1, 1>}, {pipeline_mode = #tpu.pipeline_mode<synchronous>, transform_indices = @transform_6, window_bounds = array<i64: 1, 1>}]} {
    %get3A = arith.constant 0 : index
    %get3A_0 = arith.constant 0 : index
    %get3A_1 = arith.constant 0 : index
    %get3A_2 = vector.load %arg1[%get3A, %get3A_0, %get3A_1] : memref<1x256x1024xf32, #tpu.memory_space<vmem>>, vector<1x256x1024xf32>
    %get3A_3 = vector.shape_cast %get3A_2 : vector<1x256x1024xf32> to vector<256x1024xf32>
    %iota3A = tpu.iota {dimensions = array<i32: 1>} : vector<256x128xi32>
    %convert_element_type3A = arith.sitofp %iota3A : vector<256x128xi32> to vector<256x128xf32>
    %slice3A = vector.extract_strided_slice %get3A_3 {offsets = [0, 0], sizes = [256, 256], strides = [1, 1]} : vector<256x1024xf32> to vector<256x256xf32>
    %mul3A = arith.mulf %slice3A, %slice3A : vector<256x256xf32>
    %reduce_sum3A = arith.constant dense<0.000000e+00> : vector<256xf32>
    %reduce_sum3A_4 = vector.multi_reduction <add>, %mul3A, %reduce_sum3A [0] : vector<256x256xf32> to vector<256xf32>
    %reshape3A = vector.shape_cast %reduce_sum3A_4 : vector<256xf32> to vector<256x1xf32>
    %get3A_5 = arith.constant 0 : index
    %get3A_6 = arith.constant 0 : index
    %get3A_7 = vector.load %arg2[%get3A_5, %get3A_6] : memref<8192x256xf32, #tpu.memory_space<vmem>>, vector<1024x256xf32>
    %get3A_8 = arith.constant 0 : index
    %get3A_9 = arith.constant 0 : index
    %get3A_10 = vector.load %arg3[%get3A_8, %get3A_9] : memref<8x1024xf32, #tpu.memory_space<vmem>>, vector<1x1024xf32>
    %get3A_11 = vector.shape_cast %get3A_10 : vector<1x1024xf32> to vector<1024xf32>
    %dot_general3A = arith.constant dense<0.000000e+00> : vector<256x1024xf32>
    %dot_general3A_12 = tpu.matmul %slice3A, %get3A_7, %dot_general3A {dimension_numbers = #tpu.dot_dimension_numbers<[0], [1], [1], [0], [0, 1, 1, 0], [], []>, transpose_lhs_hint = false} : vector<256x256xf32>, vector<1024x256xf32>, vector<256x1024xf32> -> vector<256x1024xf32>
    %slice3A_13 = vector.extract_strided_slice %dot_general3A_12 {offsets = [0, 0], sizes = [256, 128], strides = [1, 1]} : vector<256x1024xf32> to vector<256x128xf32>
    %slice3A_14 = vector.extract_strided_slice %get3A_11 {offsets = [0], sizes = [128], strides = [1]} : vector<1024xf32> to vector<128xf32>
    %broadcast_in_dim3A = vector.shape_cast %slice3A_14 : vector<128xf32> to vector<1x128xf32>
    %add3A = vector.broadcast %reshape3A : vector<256x1xf32> to vector<256x128xf32>
    %add3A_15 = vector.broadcast %broadcast_in_dim3A : vector<1x128xf32> to vector<256x128xf32>
    %add3A_16 = arith.addf %add3A, %add3A_15 : vector<256x128xf32>
    %add3A_17 = arith.addf %add3A_16, %slice3A_13 : vector<256x128xf32>
    %broadcast_in_dim3A_18 = arith.constant 0.000000e+00 : f32
    %broadcast_in_dim3A_19 = vector.broadcast %broadcast_in_dim3A_18 : f32 to vector<256x128xf32>
    %slice3A_20 = vector.extract_strided_slice %dot_general3A_12 {offsets = [0, 128], sizes = [256, 128], strides = [1, 1]} : vector<256x1024xf32> to vector<256x128xf32>
    %slice3A_21 = vector.extract_strided_slice %get3A_11 {offsets = [128], sizes = [128], strides = [1]} : vector<1024xf32> to vector<128xf32>
    %broadcast_in_dim3A_22 = vector.shape_cast %slice3A_21 : vector<128xf32> to vector<1x128xf32>
    %add3A_23 = vector.broadcast %reshape3A : vector<256x1xf32> to vector<256x128xf32>
    %add3A_24 = vector.broadcast %broadcast_in_dim3A_22 : vector<1x128xf32> to vector<256x128xf32>
    %add3A_25 = arith.addf %add3A_23, %add3A_24 : vector<256x128xf32>
    %add3A_26 = arith.addf %add3A_25, %slice3A_20 : vector<256x128xf32>
    %lt3A = arith.cmpf olt, %add3A_26, %add3A_17 : vector<256x128xf32>
    %jit3A = arith.constant 1.000000e+00 : f32
    %broadcast_in_dim3A_27 = vector.broadcast %jit3A : f32 to vector<256x128xf32>
    %select_n3A = arith.select %lt3A, %broadcast_in_dim3A_27, %broadcast_in_dim3A_19 : vector<256x128xi1>, vector<256x128xf32>
    %select_n3A_28 = arith.select %lt3A, %add3A_26, %add3A_17 : vector<256x128xi1>, vector<256x128xf32>
    %slice3A_29 = vector.extract_strided_slice %dot_general3A_12 {offsets = [0, 256], sizes = [256, 128], strides = [1, 1]} : vector<256x1024xf32> to vector<256x128xf32>
    %slice3A_30 = vector.extract_strided_slice %get3A_11 {offsets = [256], sizes = [128], strides = [1]} : vector<1024xf32> to vector<128xf32>
    %broadcast_in_dim3A_31 = vector.shape_cast %slice3A_30 : vector<128xf32> to vector<1x128xf32>
    %add3A_32 = vector.broadcast %reshape3A : vector<256x1xf32> to vector<256x128xf32>
    %add3A_33 = vector.broadcast %broadcast_in_dim3A_31 : vector<1x128xf32> to vector<256x128xf32>
    %add3A_34 = arith.addf %add3A_32, %add3A_33 : vector<256x128xf32>
    %add3A_35 = arith.addf %add3A_34, %slice3A_29 : vector<256x128xf32>
    %lt3A_36 = arith.cmpf olt, %add3A_35, %select_n3A_28 : vector<256x128xf32>
    %jit3A_37 = arith.constant 2.000000e+00 : f32
    %broadcast_in_dim3A_38 = vector.broadcast %jit3A_37 : f32 to vector<256x128xf32>
    %select_n3A_39 = arith.select %lt3A_36, %broadcast_in_dim3A_38, %select_n3A : vector<256x128xi1>, vector<256x128xf32>
    %select_n3A_40 = arith.select %lt3A_36, %add3A_35, %select_n3A_28 : vector<256x128xi1>, vector<256x128xf32>
    %slice3A_41 = vector.extract_strided_slice %dot_general3A_12 {offsets = [0, 384], sizes = [256, 128], strides = [1, 1]} : vector<256x1024xf32> to vector<256x128xf32>
    %slice3A_42 = vector.extract_strided_slice %get3A_11 {offsets = [384], sizes = [128], strides = [1]} : vector<1024xf32> to vector<128xf32>
    %broadcast_in_dim3A_43 = vector.shape_cast %slice3A_42 : vector<128xf32> to vector<1x128xf32>
    %add3A_44 = vector.broadcast %reshape3A : vector<256x1xf32> to vector<256x128xf32>
    %add3A_45 = vector.broadcast %broadcast_in_dim3A_43 : vector<1x128xf32> to vector<256x128xf32>
    %add3A_46 = arith.addf %add3A_44, %add3A_45 : vector<256x128xf32>
    %add3A_47 = arith.addf %add3A_46, %slice3A_41 : vector<256x128xf32>
    %lt3A_48 = arith.cmpf olt, %add3A_47, %select_n3A_40 : vector<256x128xf32>
    %jit3A_49 = arith.constant 3.000000e+00 : f32
    %broadcast_in_dim3A_50 = vector.broadcast %jit3A_49 : f32 to vector<256x128xf32>
    %select_n3A_51 = arith.select %lt3A_48, %broadcast_in_dim3A_50, %select_n3A_39 : vector<256x128xi1>, vector<256x128xf32>
    %select_n3A_52 = arith.select %lt3A_48, %add3A_47, %select_n3A_40 : vector<256x128xi1>, vector<256x128xf32>
    %slice3A_53 = vector.extract_strided_slice %dot_general3A_12 {offsets = [0, 512], sizes = [256, 128], strides = [1, 1]} : vector<256x1024xf32> to vector<256x128xf32>
    %slice3A_54 = vector.extract_strided_slice %get3A_11 {offsets = [512], sizes = [128], strides = [1]} : vector<1024xf32> to vector<128xf32>
    %broadcast_in_dim3A_55 = vector.shape_cast %slice3A_54 : vector<128xf32> to vector<1x128xf32>
    %add3A_56 = vector.broadcast %reshape3A : vector<256x1xf32> to vector<256x128xf32>
    %add3A_57 = vector.broadcast %broadcast_in_dim3A_55 : vector<1x128xf32> to vector<256x128xf32>
    %add3A_58 = arith.addf %add3A_56, %add3A_57 : vector<256x128xf32>
    %add3A_59 = arith.addf %add3A_58, %slice3A_53 : vector<256x128xf32>
    %lt3A_60 = arith.cmpf olt, %add3A_59, %select_n3A_52 : vector<256x128xf32>
    %jit3A_61 = arith.constant 4.000000e+00 : f32
    %broadcast_in_dim3A_62 = vector.broadcast %jit3A_61 : f32 to vector<256x128xf32>
    %select_n3A_63 = arith.select %lt3A_60, %broadcast_in_dim3A_62, %select_n3A_51 : vector<256x128xi1>, vector<256x128xf32>
    %select_n3A_64 = arith.select %lt3A_60, %add3A_59, %select_n3A_52 : vector<256x128xi1>, vector<256x128xf32>
    %slice3A_65 = vector.extract_strided_slice %dot_general3A_12 {offsets = [0, 640], sizes = [256, 128], strides = [1, 1]} : vector<256x1024xf32> to vector<256x128xf32>
    %slice3A_66 = vector.extract_strided_slice %get3A_11 {offsets = [640], sizes = [128], strides = [1]} : vector<1024xf32> to vector<128xf32>
    %broadcast_in_dim3A_67 = vector.shape_cast %slice3A_66 : vector<128xf32> to vector<1x128xf32>
    %add3A_68 = vector.broadcast %reshape3A : vector<256x1xf32> to vector<256x128xf32>
    %add3A_69 = vector.broadcast %broadcast_in_dim3A_67 : vector<1x128xf32> to vector<256x128xf32>
    %add3A_70 = arith.addf %add3A_68, %add3A_69 : vector<256x128xf32>
    %add3A_71 = arith.addf %add3A_70, %slice3A_65 : vector<256x128xf32>
    %lt3A_72 = arith.cmpf olt, %add3A_71, %select_n3A_64 : vector<256x128xf32>
    %jit3A_73 = arith.constant 5.000000e+00 : f32
    %broadcast_in_dim3A_74 = vector.broadcast %jit3A_73 : f32 to vector<256x128xf32>
    %select_n3A_75 = arith.select %lt3A_72, %broadcast_in_dim3A_74, %select_n3A_63 : vector<256x128xi1>, vector<256x128xf32>
    %select_n3A_76 = arith.select %lt3A_72, %add3A_71, %select_n3A_64 : vector<256x128xi1>, vector<256x128xf32>
    %slice3A_77 = vector.extract_strided_slice %dot_general3A_12 {offsets = [0, 768], sizes = [256, 128], strides = [1, 1]} : vector<256x1024xf32> to vector<256x128xf32>
    %slice3A_78 = vector.extract_strided_slice %get3A_11 {offsets = [768], sizes = [128], strides = [1]} : vector<1024xf32> to vector<128xf32>
    %broadcast_in_dim3A_79 = vector.shape_cast %slice3A_78 : vector<128xf32> to vector<1x128xf32>
    %add3A_80 = vector.broadcast %reshape3A : vector<256x1xf32> to vector<256x128xf32>
    %add3A_81 = vector.broadcast %broadcast_in_dim3A_79 : vector<1x128xf32> to vector<256x128xf32>
    %add3A_82 = arith.addf %add3A_80, %add3A_81 : vector<256x128xf32>
    %add3A_83 = arith.addf %add3A_82, %slice3A_77 : vector<256x128xf32>
    %lt3A_84 = arith.cmpf olt, %add3A_83, %select_n3A_76 : vector<256x128xf32>
    %jit3A_85 = arith.constant 6.000000e+00 : f32
    %broadcast_in_dim3A_86 = vector.broadcast %jit3A_85 : f32 to vector<256x128xf32>
    %select_n3A_87 = arith.select %lt3A_84, %broadcast_in_dim3A_86, %select_n3A_75 : vector<256x128xi1>, vector<256x128xf32>
    %select_n3A_88 = arith.select %lt3A_84, %add3A_83, %select_n3A_76 : vector<256x128xi1>, vector<256x128xf32>
    %slice3A_89 = vector.extract_strided_slice %dot_general3A_12 {offsets = [0, 896], sizes = [256, 128], strides = [1, 1]} : vector<256x1024xf32> to vector<256x128xf32>
    %slice3A_90 = vector.extract_strided_slice %get3A_11 {offsets = [896], sizes = [128], strides = [1]} : vector<1024xf32> to vector<128xf32>
    %broadcast_in_dim3A_91 = vector.shape_cast %slice3A_90 : vector<128xf32> to vector<1x128xf32>
    %add3A_92 = vector.broadcast %reshape3A : vector<256x1xf32> to vector<256x128xf32>
    %add3A_93 = vector.broadcast %broadcast_in_dim3A_91 : vector<1x128xf32> to vector<256x128xf32>
    %add3A_94 = arith.addf %add3A_92, %add3A_93 : vector<256x128xf32>
    %add3A_95 = arith.addf %add3A_94, %slice3A_89 : vector<256x128xf32>
    %lt3A_96 = arith.cmpf olt, %add3A_95, %select_n3A_88 : vector<256x128xf32>
    %jit3A_97 = arith.constant 7.000000e+00 : f32
    %broadcast_in_dim3A_98 = vector.broadcast %jit3A_97 : f32 to vector<256x128xf32>
    %select_n3A_99 = arith.select %lt3A_96, %broadcast_in_dim3A_98, %select_n3A_87 : vector<256x128xi1>, vector<256x128xf32>
    %select_n3A_100 = arith.select %lt3A_96, %add3A_95, %select_n3A_88 : vector<256x128xi1>, vector<256x128xf32>
    %get3A_101 = arith.constant 1024 : index
    %get3A_102 = arith.constant 0 : index
    %get3A_103 = vector.load %arg2[%get3A_101, %get3A_102] : memref<8192x256xf32, #tpu.memory_space<vmem>>, vector<1024x256xf32>
    %get3A_104 = arith.constant 1 : index
    %get3A_105 = arith.constant 0 : index
    %get3A_106 = vector.load %arg3[%get3A_104, %get3A_105] : memref<8x1024xf32, #tpu.memory_space<vmem>>, vector<1x1024xf32>
    %get3A_107 = vector.shape_cast %get3A_106 : vector<1x1024xf32> to vector<1024xf32>
    %dot_general3A_108 = arith.constant dense<0.000000e+00> : vector<256x1024xf32>
    %dot_general3A_109 = tpu.matmul %slice3A, %get3A_103, %dot_general3A_108 {dimension_numbers = #tpu.dot_dimension_numbers<[0], [1], [1], [0], [0, 1, 1, 0], [], []>, transpose_lhs_hint = false} : vector<256x256xf32>, vector<1024x256xf32>, vector<256x1024xf32> -> vector<256x1024xf32>
    %slice3A_110 = vector.extract_strided_slice %dot_general3A_109 {offsets = [0, 0], sizes = [256, 128], strides = [1, 1]} : vector<256x1024xf32> to vector<256x128xf32>
    %slice3A_111 = vector.extract_strided_slice %get3A_107 {offsets = [0], sizes = [128], strides = [1]} : vector<1024xf32> to vector<128xf32>
    %broadcast_in_dim3A_112 = vector.shape_cast %slice3A_111 : vector<128xf32> to vector<1x128xf32>
    %add3A_113 = vector.broadcast %reshape3A : vector<256x1xf32> to vector<256x128xf32>
    %add3A_114 = vector.broadcast %broadcast_in_dim3A_112 : vector<1x128xf32> to vector<256x128xf32>
    %add3A_115 = arith.addf %add3A_113, %add3A_114 : vector<256x128xf32>
    %add3A_116 = arith.addf %add3A_115, %slice3A_110 : vector<256x128xf32>
    %lt3A_117 = arith.cmpf olt, %add3A_116, %select_n3A_100 : vector<256x128xf32>
    %jit3A_118 = arith.constant 8.000000e+00 : f32
    %broadcast_in_dim3A_119 = vector.broadcast %jit3A_118 : f32 to vector<256x128xf32>
    %select_n3A_120 = arith.select %lt3A_117, %broadcast_in_dim3A_119, %select_n3A_99 : vector<256x128xi1>, vector<256x128xf32>
    %select_n3A_121 = arith.select %lt3A_117, %add3A_116, %select_n3A_100 : vector<256x128xi1>, vector<256x128xf32>
    %slice3A_122 = vector.extract_strided_slice %dot_general3A_109 {offsets = [0, 128], sizes = [256, 128], strides = [1, 1]} : vector<256x1024xf32> to vector<256x128xf32>
    %slice3A_123 = vector.extract_strided_slice %get3A_107 {offsets = [128], sizes = [128], strides = [1]} : vector<1024xf32> to vector<128xf32>
    %broadcast_in_dim3A_124 = vector.shape_cast %slice3A_123 : vector<128xf32> to vector<1x128xf32>
    %add3A_125 = vector.broadcast %reshape3A : vector<256x1xf32> to vector<256x128xf32>
    %add3A_126 = vector.broadcast %broadcast_in_dim3A_124 : vector<1x128xf32> to vector<256x128xf32>
    %add3A_127 = arith.addf %add3A_125, %add3A_126 : vector<256x128xf32>
    %add3A_128 = arith.addf %add3A_127, %slice3A_122 : vector<256x128xf32>
    %lt3A_129 = arith.cmpf olt, %add3A_128, %select_n3A_121 : vector<256x128xf32>
    %jit3A_130 = arith.constant 9.000000e+00 : f32
    %broadcast_in_dim3A_131 = vector.broadcast %jit3A_130 : f32 to vector<256x128xf32>
    %select_n3A_132 = arith.select %lt3A_129, %broadcast_in_dim3A_131, %select_n3A_120 : vector<256x128xi1>, vector<256x128xf32>
    %select_n3A_133 = arith.select %lt3A_129, %add3A_128, %select_n3A_121 : vector<256x128xi1>, vector<256x128xf32>
    %slice3A_134 = vector.extract_strided_slice %dot_general3A_109 {offsets = [0, 256], sizes = [256, 128], strides = [1, 1]} : vector<256x1024xf32> to vector<256x128xf32>
    %slice3A_135 = vector.extract_strided_slice %get3A_107 {offsets = [256], sizes = [128], strides = [1]} : vector<1024xf32> to vector<128xf32>
    %broadcast_in_dim3A_136 = vector.shape_cast %slice3A_135 : vector<128xf32> to vector<1x128xf32>
    %add3A_137 = vector.broadcast %reshape3A : vector<256x1xf32> to vector<256x128xf32>
    %add3A_138 = vector.broadcast %broadcast_in_dim3A_136 : vector<1x128xf32> to vector<256x128xf32>
    %add3A_139 = arith.addf %add3A_137, %add3A_138 : vector<256x128xf32>
    %add3A_140 = arith.addf %add3A_139, %slice3A_134 : vector<256x128xf32>
    %lt3A_141 = arith.cmpf olt, %add3A_140, %select_n3A_133 : vector<256x128xf32>
    %jit3A_142 = arith.constant 1.000000e+01 : f32
    %broadcast_in_dim3A_143 = vector.broadcast %jit3A_142 : f32 to vector<256x128xf32>
    %select_n3A_144 = arith.select %lt3A_141, %broadcast_in_dim3A_143, %select_n3A_132 : vector<256x128xi1>, vector<256x128xf32>
    %select_n3A_145 = arith.select %lt3A_141, %add3A_140, %select_n3A_133 : vector<256x128xi1>, vector<256x128xf32>
    %slice3A_146 = vector.extract_strided_slice %dot_general3A_109 {offsets = [0, 384], sizes = [256, 128], strides = [1, 1]} : vector<256x1024xf32> to vector<256x128xf32>
    %slice3A_147 = vector.extract_strided_slice %get3A_107 {offsets = [384], sizes = [128], strides = [1]} : vector<1024xf32> to vector<128xf32>
    %broadcast_in_dim3A_148 = vector.shape_cast %slice3A_147 : vector<128xf32> to vector<1x128xf32>
    %add3A_149 = vector.broadcast %reshape3A : vector<256x1xf32> to vector<256x128xf32>
    %add3A_150 = vector.broadcast %broadcast_in_dim3A_148 : vector<1x128xf32> to vector<256x128xf32>
    %add3A_151 = arith.addf %add3A_149, %add3A_150 : vector<256x128xf32>
    %add3A_152 = arith.addf %add3A_151, %slice3A_146 : vector<256x128xf32>
    %lt3A_153 = arith.cmpf olt, %add3A_152, %select_n3A_145 : vector<256x128xf32>
    %jit3A_154 = arith.constant 1.100000e+01 : f32
    %broadcast_in_dim3A_155 = vector.broadcast %jit3A_154 : f32 to vector<256x128xf32>
    %select_n3A_156 = arith.select %lt3A_153, %broadcast_in_dim3A_155, %select_n3A_144 : vector<256x128xi1>, vector<256x128xf32>
    %select_n3A_157 = arith.select %lt3A_153, %add3A_152, %select_n3A_145 : vector<256x128xi1>, vector<256x128xf32>
    %slice3A_158 = vector.extract_strided_slice %dot_general3A_109 {offsets = [0, 512], sizes = [256, 128], strides = [1, 1]} : vector<256x1024xf32> to vector<256x128xf32>
    %slice3A_159 = vector.extract_strided_slice %get3A_107 {offsets = [512], sizes = [128], strides = [1]} : vector<1024xf32> to vector<128xf32>
    %broadcast_in_dim3A_160 = vector.shape_cast %slice3A_159 : vector<128xf32> to vector<1x128xf32>
    %add3A_161 = vector.broadcast %reshape3A : vector<256x1xf32> to vector<256x128xf32>
    %add3A_162 = vector.broadcast %broadcast_in_dim3A_160 : vector<1x128xf32> to vector<256x128xf32>
    %add3A_163 = arith.addf %add3A_161, %add3A_162 : vector<256x128xf32>
    %add3A_164 = arith.addf %add3A_163, %slice3A_158 : vector<256x128xf32>
    %lt3A_165 = arith.cmpf olt, %add3A_164, %select_n3A_157 : vector<256x128xf32>
    %jit3A_166 = arith.constant 1.200000e+01 : f32
    %broadcast_in_dim3A_167 = vector.broadcast %jit3A_166 : f32 to vector<256x128xf32>
    %select_n3A_168 = arith.select %lt3A_165, %broadcast_in_dim3A_167, %select_n3A_156 : vector<256x128xi1>, vector<256x128xf32>
    %select_n3A_169 = arith.select %lt3A_165, %add3A_164, %select_n3A_157 : vector<256x128xi1>, vector<256x128xf32>
    %slice3A_170 = vector.extract_strided_slice %dot_general3A_109 {offsets = [0, 640], sizes = [256, 128], strides = [1, 1]} : vector<256x1024xf32> to vector<256x128xf32>
    %slice3A_171 = vector.extract_strided_slice %get3A_107 {offsets = [640], sizes = [128], strides = [1]} : vector<1024xf32> to vector<128xf32>
    %broadcast_in_dim3A_172 = vector.shape_cast %slice3A_171 : vector<128xf32> to vector<1x128xf32>
    %add3A_173 = vector.broadcast %reshape3A : vector<256x1xf32> to vector<256x128xf32>
    %add3A_174 = vector.broadcast %broadcast_in_dim3A_172 : vector<1x128xf32> to vector<256x128xf32>
    %add3A_175 = arith.addf %add3A_173, %add3A_174 : vector<256x128xf32>
    %add3A_176 = arith.addf %add3A_175, %slice3A_170 : vector<256x128xf32>
    %lt3A_177 = arith.cmpf olt, %add3A_176, %select_n3A_169 : vector<256x128xf32>
    %jit3A_178 = arith.constant 1.300000e+01 : f32
    %broadcast_in_dim3A_179 = vector.broadcast %jit3A_178 : f32 to vector<256x128xf32>
    %select_n3A_180 = arith.select %lt3A_177, %broadcast_in_dim3A_179, %select_n3A_168 : vector<256x128xi1>, vector<256x128xf32>
    %select_n3A_181 = arith.select %lt3A_177, %add3A_176, %select_n3A_169 : vector<256x128xi1>, vector<256x128xf32>
    %slice3A_182 = vector.extract_strided_slice %dot_general3A_109 {offsets = [0, 768], sizes = [256, 128], strides = [1, 1]} : vector<256x1024xf32> to vector<256x128xf32>
    %slice3A_183 = vector.extract_strided_slice %get3A_107 {offsets = [768], sizes = [128], strides = [1]} : vector<1024xf32> to vector<128xf32>
    %broadcast_in_dim3A_184 = vector.shape_cast %slice3A_183 : vector<128xf32> to vector<1x128xf32>
    %add3A_185 = vector.broadcast %reshape3A : vector<256x1xf32> to vector<256x128xf32>
    %add3A_186 = vector.broadcast %broadcast_in_dim3A_184 : vector<1x128xf32> to vector<256x128xf32>
    %add3A_187 = arith.addf %add3A_185, %add3A_186 : vector<256x128xf32>
    %add3A_188 = arith.addf %add3A_187, %slice3A_182 : vector<256x128xf32>
    %lt3A_189 = arith.cmpf olt, %add3A_188, %select_n3A_181 : vector<256x128xf32>
    %jit3A_190 = arith.constant 1.400000e+01 : f32
    %broadcast_in_dim3A_191 = vector.broadcast %jit3A_190 : f32 to vector<256x128xf32>
    %select_n3A_192 = arith.select %lt3A_189, %broadcast_in_dim3A_191, %select_n3A_180 : vector<256x128xi1>, vector<256x128xf32>
    %select_n3A_193 = arith.select %lt3A_189, %add3A_188, %select_n3A_181 : vector<256x128xi1>, vector<256x128xf32>
    %slice3A_194 = vector.extract_strided_slice %dot_general3A_109 {offsets = [0, 896], sizes = [256, 128], strides = [1, 1]} : vector<256x1024xf32> to vector<256x128xf32>
    %slice3A_195 = vector.extract_strided_slice %get3A_107 {offsets = [896], sizes = [128], strides = [1]} : vector<1024xf32> to vector<128xf32>
    %broadcast_in_dim3A_196 = vector.shape_cast %slice3A_195 : vector<128xf32> to vector<1x128xf32>
    %add3A_197 = vector.broadcast %reshape3A : vector<256x1xf32> to vector<256x128xf32>
    %add3A_198 = vector.broadcast %broadcast_in_dim3A_196 : vector<1x128xf32> to vector<256x128xf32>
    %add3A_199 = arith.addf %add3A_197, %add3A_198 : vector<256x128xf32>
    %add3A_200 = arith.addf %add3A_199, %slice3A_194 : vector<256x128xf32>
    %lt3A_201 = arith.cmpf olt, %add3A_200, %select_n3A_193 : vector<256x128xf32>
    %jit3A_202 = arith.constant 1.500000e+01 : f32
    %broadcast_in_dim3A_203 = vector.broadcast %jit3A_202 : f32 to vector<256x128xf32>
    %select_n3A_204 = arith.select %lt3A_201, %broadcast_in_dim3A_203, %select_n3A_192 : vector<256x128xi1>, vector<256x128xf32>
    %select_n3A_205 = arith.select %lt3A_201, %add3A_200, %select_n3A_193 : vector<256x128xi1>, vector<256x128xf32>
    %get3A_206 = arith.constant 2048 : index
    %get3A_207 = arith.constant 0 : index
    %get3A_208 = vector.load %arg2[%get3A_206, %get3A_207] : memref<8192x256xf32, #tpu.memory_space<vmem>>, vector<1024x256xf32>
    %get3A_209 = arith.constant 2 : index
    %get3A_210 = arith.constant 0 : index
    %get3A_211 = vector.load %arg3[%get3A_209, %get3A_210] : memref<8x1024xf32, #tpu.memory_space<vmem>>, vector<1x1024xf32>
    %get3A_212 = vector.shape_cast %get3A_211 : vector<1x1024xf32> to vector<1024xf32>
    %dot_general3A_213 = arith.constant dense<0.000000e+00> : vector<256x1024xf32>
    %dot_general3A_214 = tpu.matmul %slice3A, %get3A_208, %dot_general3A_213 {dimension_numbers = #tpu.dot_dimension_numbers<[0], [1], [1], [0], [0, 1, 1, 0], [], []>, transpose_lhs_hint = false} : vector<256x256xf32>, vector<1024x256xf32>, vector<256x1024xf32> -> vector<256x1024xf32>
    %slice3A_215 = vector.extract_strided_slice %dot_general3A_214 {offsets = [0, 0], sizes = [256, 128], strides = [1, 1]} : vector<256x1024xf32> to vector<256x128xf32>
    %slice3A_216 = vector.extract_strided_slice %get3A_212 {offsets = [0], sizes = [128], strides = [1]} : vector<1024xf32> to vector<128xf32>
    %broadcast_in_dim3A_217 = vector.shape_cast %slice3A_216 : vector<128xf32> to vector<1x128xf32>
    %add3A_218 = vector.broadcast %reshape3A : vector<256x1xf32> to vector<256x128xf32>
    %add3A_219 = vector.broadcast %broadcast_in_dim3A_217 : vector<1x128xf32> to vector<256x128xf32>
    %add3A_220 = arith.addf %add3A_218, %add3A_219 : vector<256x128xf32>
    %add3A_221 = arith.addf %add3A_220, %slice3A_215 : vector<256x128xf32>
    %lt3A_222 = arith.cmpf olt, %add3A_221, %select_n3A_205 : vector<256x128xf32>
    %jit3A_223 = arith.constant 1.600000e+01 : f32
    %broadcast_in_dim3A_224 = vector.broadcast %jit3A_223 : f32 to vector<256x128xf32>
    %select_n3A_225 = arith.select %lt3A_222, %broadcast_in_dim3A_224, %select_n3A_204 : vector<256x128xi1>, vector<256x128xf32>
    %select_n3A_226 = arith.select %lt3A_222, %add3A_221, %select_n3A_205 : vector<256x128xi1>, vector<256x128xf32>
    %slice3A_227 = vector.extract_strided_slice %dot_general3A_214 {offsets = [0, 128], sizes = [256, 128], strides = [1, 1]} : vector<256x1024xf32> to vector<256x128xf32>
    %slice3A_228 = vector.extract_strided_slice %get3A_212 {offsets = [128], sizes = [128], strides = [1]} : vector<1024xf32> to vector<128xf32>
    %broadcast_in_dim3A_229 = vector.shape_cast %slice3A_228 : vector<128xf32> to vector<1x128xf32>
    %add3A_230 = vector.broadcast %reshape3A : vector<256x1xf32> to vector<256x128xf32>
    %add3A_231 = vector.broadcast %broadcast_in_dim3A_229 : vector<1x128xf32> to vector<256x128xf32>
    %add3A_232 = arith.addf %add3A_230, %add3A_231 : vector<256x128xf32>
    %add3A_233 = arith.addf %add3A_232, %slice3A_227 : vector<256x128xf32>
    %lt3A_234 = arith.cmpf olt, %add3A_233, %select_n3A_226 : vector<256x128xf32>
    %jit3A_235 = arith.constant 1.700000e+01 : f32
    %broadcast_in_dim3A_236 = vector.broadcast %jit3A_235 : f32 to vector<256x128xf32>
    %select_n3A_237 = arith.select %lt3A_234, %broadcast_in_dim3A_236, %select_n3A_225 : vector<256x128xi1>, vector<256x128xf32>
    %select_n3A_238 = arith.select %lt3A_234, %add3A_233, %select_n3A_226 : vector<256x128xi1>, vector<256x128xf32>
    %slice3A_239 = vector.extract_strided_slice %dot_general3A_214 {offsets = [0, 256], sizes = [256, 128], strides = [1, 1]} : vector<256x1024xf32> to vector<256x128xf32>
    %slice3A_240 = vector.extract_strided_slice %get3A_212 {offsets = [256], sizes = [128], strides = [1]} : vector<1024xf32> to vector<128xf32>
    %broadcast_in_dim3A_241 = vector.shape_cast %slice3A_240 : vector<128xf32> to vector<1x128xf32>
    %add3A_242 = vector.broadcast %reshape3A : vector<256x1xf32> to vector<256x128xf32>
    %add3A_243 = vector.broadcast %broadcast_in_dim3A_241 : vector<1x128xf32> to vector<256x128xf32>
    %add3A_244 = arith.addf %add3A_242, %add3A_243 : vector<256x128xf32>
    %add3A_245 = arith.addf %add3A_244, %slice3A_239 : vector<256x128xf32>
    %lt3A_246 = arith.cmpf olt, %add3A_245, %select_n3A_238 : vector<256x128xf32>
    %jit3A_247 = arith.constant 1.800000e+01 : f32
    %broadcast_in_dim3A_248 = vector.broadcast %jit3A_247 : f32 to vector<256x128xf32>
    %select_n3A_249 = arith.select %lt3A_246, %broadcast_in_dim3A_248, %select_n3A_237 : vector<256x128xi1>, vector<256x128xf32>
    %select_n3A_250 = arith.select %lt3A_246, %add3A_245, %select_n3A_238 : vector<256x128xi1>, vector<256x128xf32>
    %slice3A_251 = vector.extract_strided_slice %dot_general3A_214 {offsets = [0, 384], sizes = [256, 128], strides = [1, 1]} : vector<256x1024xf32> to vector<256x128xf32>
    %slice3A_252 = vector.extract_strided_slice %get3A_212 {offsets = [384], sizes = [128], strides = [1]} : vector<1024xf32> to vector<128xf32>
    %broadcast_in_dim3A_253 = vector.shape_cast %slice3A_252 : vector<128xf32> to vector<1x128xf32>
    %add3A_254 = vector.broadcast %reshape3A : vector<256x1xf32> to vector<256x128xf32>
    %add3A_255 = vector.broadcast %broadcast_in_dim3A_253 : vector<1x128xf32> to vector<256x128xf32>
    %add3A_256 = arith.addf %add3A_254, %add3A_255 : vector<256x128xf32>
    %add3A_257 = arith.addf %add3A_256, %slice3A_251 : vector<256x128xf32>
    %lt3A_258 = arith.cmpf olt, %add3A_257, %select_n3A_250 : vector<256x128xf32>
    %jit3A_259 = arith.constant 1.900000e+01 : f32
    %broadcast_in_dim3A_260 = vector.broadcast %jit3A_259 : f32 to vector<256x128xf32>
    %select_n3A_261 = arith.select %lt3A_258, %broadcast_in_dim3A_260, %select_n3A_249 : vector<256x128xi1>, vector<256x128xf32>
    %select_n3A_262 = arith.select %lt3A_258, %add3A_257, %select_n3A_250 : vector<256x128xi1>, vector<256x128xf32>
    %slice3A_263 = vector.extract_strided_slice %dot_general3A_214 {offsets = [0, 512], sizes = [256, 128], strides = [1, 1]} : vector<256x1024xf32> to vector<256x128xf32>
    %slice3A_264 = vector.extract_strided_slice %get3A_212 {offsets = [512], sizes = [128], strides = [1]} : vector<1024xf32> to vector<128xf32>
    %broadcast_in_dim3A_265 = vector.shape_cast %slice3A_264 : vector<128xf32> to vector<1x128xf32>
    %add3A_266 = vector.broadcast %reshape3A : vector<256x1xf32> to vector<256x128xf32>
    %add3A_267 = vector.broadcast %broadcast_in_dim3A_265 : vector<1x128xf32> to vector<256x128xf32>
    %add3A_268 = arith.addf %add3A_266, %add3A_267 : vector<256x128xf32>
    %add3A_269 = arith.addf %add3A_268, %slice3A_263 : vector<256x128xf32>
    %lt3A_270 = arith.cmpf olt, %add3A_269, %select_n3A_262 : vector<256x128xf32>
    %jit3A_271 = arith.constant 2.000000e+01 : f32
    %broadcast_in_dim3A_272 = vector.broadcast %jit3A_271 : f32 to vector<256x128xf32>
    %select_n3A_273 = arith.select %lt3A_270, %broadcast_in_dim3A_272, %select_n3A_261 : vector<256x128xi1>, vector<256x128xf32>
    %select_n3A_274 = arith.select %lt3A_270, %add3A_269, %select_n3A_262 : vector<256x128xi1>, vector<256x128xf32>
    %slice3A_275 = vector.extract_strided_slice %dot_general3A_214 {offsets = [0, 640], sizes = [256, 128], strides = [1, 1]} : vector<256x1024xf32> to vector<256x128xf32>
    %slice3A_276 = vector.extract_strided_slice %get3A_212 {offsets = [640], sizes = [128], strides = [1]} : vector<1024xf32> to vector<128xf32>
    %broadcast_in_dim3A_277 = vector.shape_cast %slice3A_276 : vector<128xf32> to vector<1x128xf32>
    %add3A_278 = vector.broadcast %reshape3A : vector<256x1xf32> to vector<256x128xf32>
    %add3A_279 = vector.broadcast %broadcast_in_dim3A_277 : vector<1x128xf32> to vector<256x128xf32>
    %add3A_280 = arith.addf %add3A_278, %add3A_279 : vector<256x128xf32>
    %add3A_281 = arith.addf %add3A_280, %slice3A_275 : vector<256x128xf32>
    %lt3A_282 = arith.cmpf olt, %add3A_281, %select_n3A_274 : vector<256x128xf32>
    %jit3A_283 = arith.constant 2.100000e+01 : f32
    %broadcast_in_dim3A_284 = vector.broadcast %jit3A_283 : f32 to vector<256x128xf32>
    %select_n3A_285 = arith.select %lt3A_282, %broadcast_in_dim3A_284, %select_n3A_273 : vector<256x128xi1>, vector<256x128xf32>
    %select_n3A_286 = arith.select %lt3A_282, %add3A_281, %select_n3A_274 : vector<256x128xi1>, vector<256x128xf32>
    %slice3A_287 = vector.extract_strided_slice %dot_general3A_214 {offsets = [0, 768], sizes = [256, 128], strides = [1, 1]} : vector<256x1024xf32> to vector<256x128xf32>
    %slice3A_288 = vector.extract_strided_slice %get3A_212 {offsets = [768], sizes = [128], strides = [1]} : vector<1024xf32> to vector<128xf32>
    %broadcast_in_dim3A_289 = vector.shape_cast %slice3A_288 : vector<128xf32> to vector<1x128xf32>
    %add3A_290 = vector.broadcast %reshape3A : vector<256x1xf32> to vector<256x128xf32>
    %add3A_291 = vector.broadcast %broadcast_in_dim3A_289 : vector<1x128xf32> to vector<256x128xf32>
    %add3A_292 = arith.addf %add3A_290, %add3A_291 : vector<256x128xf32>
    %add3A_293 = arith.addf %add3A_292, %slice3A_287 : vector<256x128xf32>
    %lt3A_294 = arith.cmpf olt, %add3A_293, %select_n3A_286 : vector<256x128xf32>
    %jit3A_295 = arith.constant 2.200000e+01 : f32
    %broadcast_in_dim3A_296 = vector.broadcast %jit3A_295 : f32 to vector<256x128xf32>
    %select_n3A_297 = arith.select %lt3A_294, %broadcast_in_dim3A_296, %select_n3A_285 : vector<256x128xi1>, vector<256x128xf32>
    %select_n3A_298 = arith.select %lt3A_294, %add3A_293, %select_n3A_286 : vector<256x128xi1>, vector<256x128xf32>
    %slice3A_299 = vector.extract_strided_slice %dot_general3A_214 {offsets = [0, 896], sizes = [256, 128], strides = [1, 1]} : vector<256x1024xf32> to vector<256x128xf32>
    %slice3A_300 = vector.extract_strided_slice %get3A_212 {offsets = [896], sizes = [128], strides = [1]} : vector<1024xf32> to vector<128xf32>
    %broadcast_in_dim3A_301 = vector.shape_cast %slice3A_300 : vector<128xf32> to vector<1x128xf32>
    %add3A_302 = vector.broadcast %reshape3A : vector<256x1xf32> to vector<256x128xf32>
    %add3A_303 = vector.broadcast %broadcast_in_dim3A_301 : vector<1x128xf32> to vector<256x128xf32>
    %add3A_304 = arith.addf %add3A_302, %add3A_303 : vector<256x128xf32>
    %add3A_305 = arith.addf %add3A_304, %slice3A_299 : vector<256x128xf32>
    %lt3A_306 = arith.cmpf olt, %add3A_305, %select_n3A_298 : vector<256x128xf32>
    %jit3A_307 = arith.constant 2.300000e+01 : f32
    %broadcast_in_dim3A_308 = vector.broadcast %jit3A_307 : f32 to vector<256x128xf32>
    %select_n3A_309 = arith.select %lt3A_306, %broadcast_in_dim3A_308, %select_n3A_297 : vector<256x128xi1>, vector<256x128xf32>
    %select_n3A_310 = arith.select %lt3A_306, %add3A_305, %select_n3A_298 : vector<256x128xi1>, vector<256x128xf32>
    %get3A_311 = arith.constant 3072 : index
    %get3A_312 = arith.constant 0 : index
    %get3A_313 = vector.load %arg2[%get3A_311, %get3A_312] : memref<8192x256xf32, #tpu.memory_space<vmem>>, vector<1024x256xf32>
    %get3A_314 = arith.constant 3 : index
    %get3A_315 = arith.constant 0 : index
    %get3A_316 = vector.load %arg3[%get3A_314, %get3A_315] : memref<8x1024xf32, #tpu.memory_space<vmem>>, vector<1x1024xf32>
    %get3A_317 = vector.shape_cast %get3A_316 : vector<1x1024xf32> to vector<1024xf32>
    %dot_general3A_318 = arith.constant dense<0.000000e+00> : vector<256x1024xf32>
    %dot_general3A_319 = tpu.matmul %slice3A, %get3A_313, %dot_general3A_318 {dimension_numbers = #tpu.dot_dimension_numbers<[0], [1], [1], [0], [0, 1, 1, 0], [], []>, transpose_lhs_hint = false} : vector<256x256xf32>, vector<1024x256xf32>, vector<256x1024xf32> -> vector<256x1024xf32>
    %slice3A_320 = vector.extract_strided_slice %dot_general3A_319 {offsets = [0, 0], sizes = [256, 128], strides = [1, 1]} : vector<256x1024xf32> to vector<256x128xf32>
    %slice3A_321 = vector.extract_strided_slice %get3A_317 {offsets = [0], sizes = [128], strides = [1]} : vector<1024xf32> to vector<128xf32>
    %broadcast_in_dim3A_322 = vector.shape_cast %slice3A_321 : vector<128xf32> to vector<1x128xf32>
    %add3A_323 = vector.broadcast %reshape3A : vector<256x1xf32> to vector<256x128xf32>
    %add3A_324 = vector.broadcast %broadcast_in_dim3A_322 : vector<1x128xf32> to vector<256x128xf32>
    %add3A_325 = arith.addf %add3A_323, %add3A_324 : vector<256x128xf32>
    %add3A_326 = arith.addf %add3A_325, %slice3A_320 : vector<256x128xf32>
    %lt3A_327 = arith.cmpf olt, %add3A_326, %select_n3A_310 : vector<256x128xf32>
    %jit3A_328 = arith.constant 2.400000e+01 : f32
    %broadcast_in_dim3A_329 = vector.broadcast %jit3A_328 : f32 to vector<256x128xf32>
    %select_n3A_330 = arith.select %lt3A_327, %broadcast_in_dim3A_329, %select_n3A_309 : vector<256x128xi1>, vector<256x128xf32>
    %select_n3A_331 = arith.select %lt3A_327, %add3A_326, %select_n3A_310 : vector<256x128xi1>, vector<256x128xf32>
    %slice3A_332 = vector.extract_strided_slice %dot_general3A_319 {offsets = [0, 128], sizes = [256, 128], strides = [1, 1]} : vector<256x1024xf32> to vector<256x128xf32>
    %slice3A_333 = vector.extract_strided_slice %get3A_317 {offsets = [128], sizes = [128], strides = [1]} : vector<1024xf32> to vector<128xf32>
    %broadcast_in_dim3A_334 = vector.shape_cast %slice3A_333 : vector<128xf32> to vector<1x128xf32>
    %add3A_335 = vector.broadcast %reshape3A : vector<256x1xf32> to vector<256x128xf32>
    %add3A_336 = vector.broadcast %broadcast_in_dim3A_334 : vector<1x128xf32> to vector<256x128xf32>
    %add3A_337 = arith.addf %add3A_335, %add3A_336 : vector<256x128xf32>
    %add3A_338 = arith.addf %add3A_337, %slice3A_332 : vector<256x128xf32>
    %lt3A_339 = arith.cmpf olt, %add3A_338, %select_n3A_331 : vector<256x128xf32>
    %jit3A_340 = arith.constant 2.500000e+01 : f32
    %broadcast_in_dim3A_341 = vector.broadcast %jit3A_340 : f32 to vector<256x128xf32>
    %select_n3A_342 = arith.select %lt3A_339, %broadcast_in_dim3A_341, %select_n3A_330 : vector<256x128xi1>, vector<256x128xf32>
    %select_n3A_343 = arith.select %lt3A_339, %add3A_338, %select_n3A_331 : vector<256x128xi1>, vector<256x128xf32>
    %slice3A_344 = vector.extract_strided_slice %dot_general3A_319 {offsets = [0, 256], sizes = [256, 128], strides = [1, 1]} : vector<256x1024xf32> to vector<256x128xf32>
    %slice3A_345 = vector.extract_strided_slice %get3A_317 {offsets = [256], sizes = [128], strides = [1]} : vector<1024xf32> to vector<128xf32>
    %broadcast_in_dim3A_346 = vector.shape_cast %slice3A_345 : vector<128xf32> to vector<1x128xf32>
    %add3A_347 = vector.broadcast %reshape3A : vector<256x1xf32> to vector<256x128xf32>
    %add3A_348 = vector.broadcast %broadcast_in_dim3A_346 : vector<1x128xf32> to vector<256x128xf32>
    %add3A_349 = arith.addf %add3A_347, %add3A_348 : vector<256x128xf32>
    %add3A_350 = arith.addf %add3A_349, %slice3A_344 : vector<256x128xf32>
    %lt3A_351 = arith.cmpf olt, %add3A_350, %select_n3A_343 : vector<256x128xf32>
    %jit3A_352 = arith.constant 2.600000e+01 : f32
    %broadcast_in_dim3A_353 = vector.broadcast %jit3A_352 : f32 to vector<256x128xf32>
    %select_n3A_354 = arith.select %lt3A_351, %broadcast_in_dim3A_353, %select_n3A_342 : vector<256x128xi1>, vector<256x128xf32>
    %select_n3A_355 = arith.select %lt3A_351, %add3A_350, %select_n3A_343 : vector<256x128xi1>, vector<256x128xf32>
    %slice3A_356 = vector.extract_strided_slice %dot_general3A_319 {offsets = [0, 384], sizes = [256, 128], strides = [1, 1]} : vector<256x1024xf32> to vector<256x128xf32>
    %slice3A_357 = vector.extract_strided_slice %get3A_317 {offsets = [384], sizes = [128], strides = [1]} : vector<1024xf32> to vector<128xf32>
    %broadcast_in_dim3A_358 = vector.shape_cast %slice3A_357 : vector<128xf32> to vector<1x128xf32>
    %add3A_359 = vector.broadcast %reshape3A : vector<256x1xf32> to vector<256x128xf32>
    %add3A_360 = vector.broadcast %broadcast_in_dim3A_358 : vector<1x128xf32> to vector<256x128xf32>
    %add3A_361 = arith.addf %add3A_359, %add3A_360 : vector<256x128xf32>
    %add3A_362 = arith.addf %add3A_361, %slice3A_356 : vector<256x128xf32>
    %lt3A_363 = arith.cmpf olt, %add3A_362, %select_n3A_355 : vector<256x128xf32>
    %jit3A_364 = arith.constant 2.700000e+01 : f32
    %broadcast_in_dim3A_365 = vector.broadcast %jit3A_364 : f32 to vector<256x128xf32>
    %select_n3A_366 = arith.select %lt3A_363, %broadcast_in_dim3A_365, %select_n3A_354 : vector<256x128xi1>, vector<256x128xf32>
    %select_n3A_367 = arith.select %lt3A_363, %add3A_362, %select_n3A_355 : vector<256x128xi1>, vector<256x128xf32>
    %slice3A_368 = vector.extract_strided_slice %dot_general3A_319 {offsets = [0, 512], sizes = [256, 128], strides = [1, 1]} : vector<256x1024xf32> to vector<256x128xf32>
    %slice3A_369 = vector.extract_strided_slice %get3A_317 {offsets = [512], sizes = [128], strides = [1]} : vector<1024xf32> to vector<128xf32>
    %broadcast_in_dim3A_370 = vector.shape_cast %slice3A_369 : vector<128xf32> to vector<1x128xf32>
    %add3A_371 = vector.broadcast %reshape3A : vector<256x1xf32> to vector<256x128xf32>
    %add3A_372 = vector.broadcast %broadcast_in_dim3A_370 : vector<1x128xf32> to vector<256x128xf32>
    %add3A_373 = arith.addf %add3A_371, %add3A_372 : vector<256x128xf32>
    %add3A_374 = arith.addf %add3A_373, %slice3A_368 : vector<256x128xf32>
    %lt3A_375 = arith.cmpf olt, %add3A_374, %select_n3A_367 : vector<256x128xf32>
    %jit3A_376 = arith.constant 2.800000e+01 : f32
    %broadcast_in_dim3A_377 = vector.broadcast %jit3A_376 : f32 to vector<256x128xf32>
    %select_n3A_378 = arith.select %lt3A_375, %broadcast_in_dim3A_377, %select_n3A_366 : vector<256x128xi1>, vector<256x128xf32>
    %select_n3A_379 = arith.select %lt3A_375, %add3A_374, %select_n3A_367 : vector<256x128xi1>, vector<256x128xf32>
    %slice3A_380 = vector.extract_strided_slice %dot_general3A_319 {offsets = [0, 640], sizes = [256, 128], strides = [1, 1]} : vector<256x1024xf32> to vector<256x128xf32>
    %slice3A_381 = vector.extract_strided_slice %get3A_317 {offsets = [640], sizes = [128], strides = [1]} : vector<1024xf32> to vector<128xf32>
    %broadcast_in_dim3A_382 = vector.shape_cast %slice3A_381 : vector<128xf32> to vector<1x128xf32>
    %add3A_383 = vector.broadcast %reshape3A : vector<256x1xf32> to vector<256x128xf32>
    %add3A_384 = vector.broadcast %broadcast_in_dim3A_382 : vector<1x128xf32> to vector<256x128xf32>
    %add3A_385 = arith.addf %add3A_383, %add3A_384 : vector<256x128xf32>
    %add3A_386 = arith.addf %add3A_385, %slice3A_380 : vector<256x128xf32>
    %lt3A_387 = arith.cmpf olt, %add3A_386, %select_n3A_379 : vector<256x128xf32>
    %jit3A_388 = arith.constant 2.900000e+01 : f32
    %broadcast_in_dim3A_389 = vector.broadcast %jit3A_388 : f32 to vector<256x128xf32>
    %select_n3A_390 = arith.select %lt3A_387, %broadcast_in_dim3A_389, %select_n3A_378 : vector<256x128xi1>, vector<256x128xf32>
    %select_n3A_391 = arith.select %lt3A_387, %add3A_386, %select_n3A_379 : vector<256x128xi1>, vector<256x128xf32>
    %slice3A_392 = vector.extract_strided_slice %dot_general3A_319 {offsets = [0, 768], sizes = [256, 128], strides = [1, 1]} : vector<256x1024xf32> to vector<256x128xf32>
    %slice3A_393 = vector.extract_strided_slice %get3A_317 {offsets = [768], sizes = [128], strides = [1]} : vector<1024xf32> to vector<128xf32>
    %broadcast_in_dim3A_394 = vector.shape_cast %slice3A_393 : vector<128xf32> to vector<1x128xf32>
    %add3A_395 = vector.broadcast %reshape3A : vector<256x1xf32> to vector<256x128xf32>
    %add3A_396 = vector.broadcast %broadcast_in_dim3A_394 : vector<1x128xf32> to vector<256x128xf32>
    %add3A_397 = arith.addf %add3A_395, %add3A_396 : vector<256x128xf32>
    %add3A_398 = arith.addf %add3A_397, %slice3A_392 : vector<256x128xf32>
    %lt3A_399 = arith.cmpf olt, %add3A_398, %select_n3A_391 : vector<256x128xf32>
    %jit3A_400 = arith.constant 3.000000e+01 : f32
    %broadcast_in_dim3A_401 = vector.broadcast %jit3A_400 : f32 to vector<256x128xf32>
    %select_n3A_402 = arith.select %lt3A_399, %broadcast_in_dim3A_401, %select_n3A_390 : vector<256x128xi1>, vector<256x128xf32>
    %select_n3A_403 = arith.select %lt3A_399, %add3A_398, %select_n3A_391 : vector<256x128xi1>, vector<256x128xf32>
    %slice3A_404 = vector.extract_strided_slice %dot_general3A_319 {offsets = [0, 896], sizes = [256, 128], strides = [1, 1]} : vector<256x1024xf32> to vector<256x128xf32>
    %slice3A_405 = vector.extract_strided_slice %get3A_317 {offsets = [896], sizes = [128], strides = [1]} : vector<1024xf32> to vector<128xf32>
    %broadcast_in_dim3A_406 = vector.shape_cast %slice3A_405 : vector<128xf32> to vector<1x128xf32>
    %add3A_407 = vector.broadcast %reshape3A : vector<256x1xf32> to vector<256x128xf32>
    %add3A_408 = vector.broadcast %broadcast_in_dim3A_406 : vector<1x128xf32> to vector<256x128xf32>
    %add3A_409 = arith.addf %add3A_407, %add3A_408 : vector<256x128xf32>
    %add3A_410 = arith.addf %add3A_409, %slice3A_404 : vector<256x128xf32>
    %lt3A_411 = arith.cmpf olt, %add3A_410, %select_n3A_403 : vector<256x128xf32>
    %jit3A_412 = arith.constant 3.100000e+01 : f32
    %broadcast_in_dim3A_413 = vector.broadcast %jit3A_412 : f32 to vector<256x128xf32>
    %select_n3A_414 = arith.select %lt3A_411, %broadcast_in_dim3A_413, %select_n3A_402 : vector<256x128xi1>, vector<256x128xf32>
    %select_n3A_415 = arith.select %lt3A_411, %add3A_410, %select_n3A_403 : vector<256x128xi1>, vector<256x128xf32>
    %get3A_416 = arith.constant 4096 : index
    %get3A_417 = arith.constant 0 : index
    %get3A_418 = vector.load %arg2[%get3A_416, %get3A_417] : memref<8192x256xf32, #tpu.memory_space<vmem>>, vector<1024x256xf32>
    %get3A_419 = arith.constant 4 : index
    %get3A_420 = arith.constant 0 : index
    %get3A_421 = vector.load %arg3[%get3A_419, %get3A_420] : memref<8x1024xf32, #tpu.memory_space<vmem>>, vector<1x1024xf32>
    %get3A_422 = vector.shape_cast %get3A_421 : vector<1x1024xf32> to vector<1024xf32>
    %dot_general3A_423 = arith.constant dense<0.000000e+00> : vector<256x1024xf32>
    %dot_general3A_424 = tpu.matmul %slice3A, %get3A_418, %dot_general3A_423 {dimension_numbers = #tpu.dot_dimension_numbers<[0], [1], [1], [0], [0, 1, 1, 0], [], []>, transpose_lhs_hint = false} : vector<256x256xf32>, vector<1024x256xf32>, vector<256x1024xf32> -> vector<256x1024xf32>
    %slice3A_425 = vector.extract_strided_slice %dot_general3A_424 {offsets = [0, 0], sizes = [256, 128], strides = [1, 1]} : vector<256x1024xf32> to vector<256x128xf32>
    %slice3A_426 = vector.extract_strided_slice %get3A_422 {offsets = [0], sizes = [128], strides = [1]} : vector<1024xf32> to vector<128xf32>
    %broadcast_in_dim3A_427 = vector.shape_cast %slice3A_426 : vector<128xf32> to vector<1x128xf32>
    %add3A_428 = vector.broadcast %reshape3A : vector<256x1xf32> to vector<256x128xf32>
    %add3A_429 = vector.broadcast %broadcast_in_dim3A_427 : vector<1x128xf32> to vector<256x128xf32>
    %add3A_430 = arith.addf %add3A_428, %add3A_429 : vector<256x128xf32>
    %add3A_431 = arith.addf %add3A_430, %slice3A_425 : vector<256x128xf32>
    %lt3A_432 = arith.cmpf olt, %add3A_431, %select_n3A_415 : vector<256x128xf32>
    %jit3A_433 = arith.constant 3.200000e+01 : f32
    %broadcast_in_dim3A_434 = vector.broadcast %jit3A_433 : f32 to vector<256x128xf32>
    %select_n3A_435 = arith.select %lt3A_432, %broadcast_in_dim3A_434, %select_n3A_414 : vector<256x128xi1>, vector<256x128xf32>
    %select_n3A_436 = arith.select %lt3A_432, %add3A_431, %select_n3A_415 : vector<256x128xi1>, vector<256x128xf32>
    %slice3A_437 = vector.extract_strided_slice %dot_general3A_424 {offsets = [0, 128], sizes = [256, 128], strides = [1, 1]} : vector<256x1024xf32> to vector<256x128xf32>
    %slice3A_438 = vector.extract_strided_slice %get3A_422 {offsets = [128], sizes = [128], strides = [1]} : vector<1024xf32> to vector<128xf32>
    %broadcast_in_dim3A_439 = vector.shape_cast %slice3A_438 : vector<128xf32> to vector<1x128xf32>
    %add3A_440 = vector.broadcast %reshape3A : vector<256x1xf32> to vector<256x128xf32>
    %add3A_441 = vector.broadcast %broadcast_in_dim3A_439 : vector<1x128xf32> to vector<256x128xf32>
    %add3A_442 = arith.addf %add3A_440, %add3A_441 : vector<256x128xf32>
    %add3A_443 = arith.addf %add3A_442, %slice3A_437 : vector<256x128xf32>
    %lt3A_444 = arith.cmpf olt, %add3A_443, %select_n3A_436 : vector<256x128xf32>
    %jit3A_445 = arith.constant 3.300000e+01 : f32
    %broadcast_in_dim3A_446 = vector.broadcast %jit3A_445 : f32 to vector<256x128xf32>
    %select_n3A_447 = arith.select %lt3A_444, %broadcast_in_dim3A_446, %select_n3A_435 : vector<256x128xi1>, vector<256x128xf32>
    %select_n3A_448 = arith.select %lt3A_444, %add3A_443, %select_n3A_436 : vector<256x128xi1>, vector<256x128xf32>
    %slice3A_449 = vector.extract_strided_slice %dot_general3A_424 {offsets = [0, 256], sizes = [256, 128], strides = [1, 1]} : vector<256x1024xf32> to vector<256x128xf32>
    %slice3A_450 = vector.extract_strided_slice %get3A_422 {offsets = [256], sizes = [128], strides = [1]} : vector<1024xf32> to vector<128xf32>
    %broadcast_in_dim3A_451 = vector.shape_cast %slice3A_450 : vector<128xf32> to vector<1x128xf32>
    %add3A_452 = vector.broadcast %reshape3A : vector<256x1xf32> to vector<256x128xf32>
    %add3A_453 = vector.broadcast %broadcast_in_dim3A_451 : vector<1x128xf32> to vector<256x128xf32>
    %add3A_454 = arith.addf %add3A_452, %add3A_453 : vector<256x128xf32>
    %add3A_455 = arith.addf %add3A_454, %slice3A_449 : vector<256x128xf32>
    %lt3A_456 = arith.cmpf olt, %add3A_455, %select_n3A_448 : vector<256x128xf32>
    %jit3A_457 = arith.constant 3.400000e+01 : f32
    %broadcast_in_dim3A_458 = vector.broadcast %jit3A_457 : f32 to vector<256x128xf32>
    %select_n3A_459 = arith.select %lt3A_456, %broadcast_in_dim3A_458, %select_n3A_447 : vector<256x128xi1>, vector<256x128xf32>
    %select_n3A_460 = arith.select %lt3A_456, %add3A_455, %select_n3A_448 : vector<256x128xi1>, vector<256x128xf32>
    %slice3A_461 = vector.extract_strided_slice %dot_general3A_424 {offsets = [0, 384], sizes = [256, 128], strides = [1, 1]} : vector<256x1024xf32> to vector<256x128xf32>
    %slice3A_462 = vector.extract_strided_slice %get3A_422 {offsets = [384], sizes = [128], strides = [1]} : vector<1024xf32> to vector<128xf32>
    %broadcast_in_dim3A_463 = vector.shape_cast %slice3A_462 : vector<128xf32> to vector<1x128xf32>
    %add3A_464 = vector.broadcast %reshape3A : vector<256x1xf32> to vector<256x128xf32>
    %add3A_465 = vector.broadcast %broadcast_in_dim3A_463 : vector<1x128xf32> to vector<256x128xf32>
    %add3A_466 = arith.addf %add3A_464, %add3A_465 : vector<256x128xf32>
    %add3A_467 = arith.addf %add3A_466, %slice3A_461 : vector<256x128xf32>
    %lt3A_468 = arith.cmpf olt, %add3A_467, %select_n3A_460 : vector<256x128xf32>
    %jit3A_469 = arith.constant 3.500000e+01 : f32
    %broadcast_in_dim3A_470 = vector.broadcast %jit3A_469 : f32 to vector<256x128xf32>
    %select_n3A_471 = arith.select %lt3A_468, %broadcast_in_dim3A_470, %select_n3A_459 : vector<256x128xi1>, vector<256x128xf32>
    %select_n3A_472 = arith.select %lt3A_468, %add3A_467, %select_n3A_460 : vector<256x128xi1>, vector<256x128xf32>
    %slice3A_473 = vector.extract_strided_slice %dot_general3A_424 {offsets = [0, 512], sizes = [256, 128], strides = [1, 1]} : vector<256x1024xf32> to vector<256x128xf32>
    %slice3A_474 = vector.extract_strided_slice %get3A_422 {offsets = [512], sizes = [128], strides = [1]} : vector<1024xf32> to vector<128xf32>
    %broadcast_in_dim3A_475 = vector.shape_cast %slice3A_474 : vector<128xf32> to vector<1x128xf32>
    %add3A_476 = vector.broadcast %reshape3A : vector<256x1xf32> to vector<256x128xf32>
    %add3A_477 = vector.broadcast %broadcast_in_dim3A_475 : vector<1x128xf32> to vector<256x128xf32>
    %add3A_478 = arith.addf %add3A_476, %add3A_477 : vector<256x128xf32>
    %add3A_479 = arith.addf %add3A_478, %slice3A_473 : vector<256x128xf32>
    %lt3A_480 = arith.cmpf olt, %add3A_479, %select_n3A_472 : vector<256x128xf32>
    %jit3A_481 = arith.constant 3.600000e+01 : f32
    %broadcast_in_dim3A_482 = vector.broadcast %jit3A_481 : f32 to vector<256x128xf32>
    %select_n3A_483 = arith.select %lt3A_480, %broadcast_in_dim3A_482, %select_n3A_471 : vector<256x128xi1>, vector<256x128xf32>
    %select_n3A_484 = arith.select %lt3A_480, %add3A_479, %select_n3A_472 : vector<256x128xi1>, vector<256x128xf32>
    %slice3A_485 = vector.extract_strided_slice %dot_general3A_424 {offsets = [0, 640], sizes = [256, 128], strides = [1, 1]} : vector<256x1024xf32> to vector<256x128xf32>
    %slice3A_486 = vector.extract_strided_slice %get3A_422 {offsets = [640], sizes = [128], strides = [1]} : vector<1024xf32> to vector<128xf32>
    %broadcast_in_dim3A_487 = vector.shape_cast %slice3A_486 : vector<128xf32> to vector<1x128xf32>
    %add3A_488 = vector.broadcast %reshape3A : vector<256x1xf32> to vector<256x128xf32>
    %add3A_489 = vector.broadcast %broadcast_in_dim3A_487 : vector<1x128xf32> to vector<256x128xf32>
    %add3A_490 = arith.addf %add3A_488, %add3A_489 : vector<256x128xf32>
    %add3A_491 = arith.addf %add3A_490, %slice3A_485 : vector<256x128xf32>
    %lt3A_492 = arith.cmpf olt, %add3A_491, %select_n3A_484 : vector<256x128xf32>
    %jit3A_493 = arith.constant 3.700000e+01 : f32
    %broadcast_in_dim3A_494 = vector.broadcast %jit3A_493 : f32 to vector<256x128xf32>
    %select_n3A_495 = arith.select %lt3A_492, %broadcast_in_dim3A_494, %select_n3A_483 : vector<256x128xi1>, vector<256x128xf32>
    %select_n3A_496 = arith.select %lt3A_492, %add3A_491, %select_n3A_484 : vector<256x128xi1>, vector<256x128xf32>
    %slice3A_497 = vector.extract_strided_slice %dot_general3A_424 {offsets = [0, 768], sizes = [256, 128], strides = [1, 1]} : vector<256x1024xf32> to vector<256x128xf32>
    %slice3A_498 = vector.extract_strided_slice %get3A_422 {offsets = [768], sizes = [128], strides = [1]} : vector<1024xf32> to vector<128xf32>
    %broadcast_in_dim3A_499 = vector.shape_cast %slice3A_498 : vector<128xf32> to vector<1x128xf32>
    %add3A_500 = vector.broadcast %reshape3A : vector<256x1xf32> to vector<256x128xf32>
    %add3A_501 = vector.broadcast %broadcast_in_dim3A_499 : vector<1x128xf32> to vector<256x128xf32>
    %add3A_502 = arith.addf %add3A_500, %add3A_501 : vector<256x128xf32>
    %add3A_503 = arith.addf %add3A_502, %slice3A_497 : vector<256x128xf32>
    %lt3A_504 = arith.cmpf olt, %add3A_503, %select_n3A_496 : vector<256x128xf32>
    %jit3A_505 = arith.constant 3.800000e+01 : f32
    %broadcast_in_dim3A_506 = vector.broadcast %jit3A_505 : f32 to vector<256x128xf32>
    %select_n3A_507 = arith.select %lt3A_504, %broadcast_in_dim3A_506, %select_n3A_495 : vector<256x128xi1>, vector<256x128xf32>
    %select_n3A_508 = arith.select %lt3A_504, %add3A_503, %select_n3A_496 : vector<256x128xi1>, vector<256x128xf32>
    %slice3A_509 = vector.extract_strided_slice %dot_general3A_424 {offsets = [0, 896], sizes = [256, 128], strides = [1, 1]} : vector<256x1024xf32> to vector<256x128xf32>
    %slice3A_510 = vector.extract_strided_slice %get3A_422 {offsets = [896], sizes = [128], strides = [1]} : vector<1024xf32> to vector<128xf32>
    %broadcast_in_dim3A_511 = vector.shape_cast %slice3A_510 : vector<128xf32> to vector<1x128xf32>
    %add3A_512 = vector.broadcast %reshape3A : vector<256x1xf32> to vector<256x128xf32>
    %add3A_513 = vector.broadcast %broadcast_in_dim3A_511 : vector<1x128xf32> to vector<256x128xf32>
    %add3A_514 = arith.addf %add3A_512, %add3A_513 : vector<256x128xf32>
    %add3A_515 = arith.addf %add3A_514, %slice3A_509 : vector<256x128xf32>
    %lt3A_516 = arith.cmpf olt, %add3A_515, %select_n3A_508 : vector<256x128xf32>
    %jit3A_517 = arith.constant 3.900000e+01 : f32
    %broadcast_in_dim3A_518 = vector.broadcast %jit3A_517 : f32 to vector<256x128xf32>
    %select_n3A_519 = arith.select %lt3A_516, %broadcast_in_dim3A_518, %select_n3A_507 : vector<256x128xi1>, vector<256x128xf32>
    %select_n3A_520 = arith.select %lt3A_516, %add3A_515, %select_n3A_508 : vector<256x128xi1>, vector<256x128xf32>
    %get3A_521 = arith.constant 5120 : index
    %get3A_522 = arith.constant 0 : index
    %get3A_523 = vector.load %arg2[%get3A_521, %get3A_522] : memref<8192x256xf32, #tpu.memory_space<vmem>>, vector<1024x256xf32>
    %get3A_524 = arith.constant 5 : index
    %get3A_525 = arith.constant 0 : index
    %get3A_526 = vector.load %arg3[%get3A_524, %get3A_525] : memref<8x1024xf32, #tpu.memory_space<vmem>>, vector<1x1024xf32>
    %get3A_527 = vector.shape_cast %get3A_526 : vector<1x1024xf32> to vector<1024xf32>
    %dot_general3A_528 = arith.constant dense<0.000000e+00> : vector<256x1024xf32>
    %dot_general3A_529 = tpu.matmul %slice3A, %get3A_523, %dot_general3A_528 {dimension_numbers = #tpu.dot_dimension_numbers<[0], [1], [1], [0], [0, 1, 1, 0], [], []>, transpose_lhs_hint = false} : vector<256x256xf32>, vector<1024x256xf32>, vector<256x1024xf32> -> vector<256x1024xf32>
    %slice3A_530 = vector.extract_strided_slice %dot_general3A_529 {offsets = [0, 0], sizes = [256, 128], strides = [1, 1]} : vector<256x1024xf32> to vector<256x128xf32>
    %slice3A_531 = vector.extract_strided_slice %get3A_527 {offsets = [0], sizes = [128], strides = [1]} : vector<1024xf32> to vector<128xf32>
    %broadcast_in_dim3A_532 = vector.shape_cast %slice3A_531 : vector<128xf32> to vector<1x128xf32>
    %add3A_533 = vector.broadcast %reshape3A : vector<256x1xf32> to vector<256x128xf32>
    %add3A_534 = vector.broadcast %broadcast_in_dim3A_532 : vector<1x128xf32> to vector<256x128xf32>
    %add3A_535 = arith.addf %add3A_533, %add3A_534 : vector<256x128xf32>
    %add3A_536 = arith.addf %add3A_535, %slice3A_530 : vector<256x128xf32>
    %lt3A_537 = arith.cmpf olt, %add3A_536, %select_n3A_520 : vector<256x128xf32>
    %jit3A_538 = arith.constant 4.000000e+01 : f32
    %broadcast_in_dim3A_539 = vector.broadcast %jit3A_538 : f32 to vector<256x128xf32>
    %select_n3A_540 = arith.select %lt3A_537, %broadcast_in_dim3A_539, %select_n3A_519 : vector<256x128xi1>, vector<256x128xf32>
    %select_n3A_541 = arith.select %lt3A_537, %add3A_536, %select_n3A_520 : vector<256x128xi1>, vector<256x128xf32>
    %slice3A_542 = vector.extract_strided_slice %dot_general3A_529 {offsets = [0, 128], sizes = [256, 128], strides = [1, 1]} : vector<256x1024xf32> to vector<256x128xf32>
    %slice3A_543 = vector.extract_strided_slice %get3A_527 {offsets = [128], sizes = [128], strides = [1]} : vector<1024xf32> to vector<128xf32>
    %broadcast_in_dim3A_544 = vector.shape_cast %slice3A_543 : vector<128xf32> to vector<1x128xf32>
    %add3A_545 = vector.broadcast %reshape3A : vector<256x1xf32> to vector<256x128xf32>
    %add3A_546 = vector.broadcast %broadcast_in_dim3A_544 : vector<1x128xf32> to vector<256x128xf32>
    %add3A_547 = arith.addf %add3A_545, %add3A_546 : vector<256x128xf32>
    %add3A_548 = arith.addf %add3A_547, %slice3A_542 : vector<256x128xf32>
    %lt3A_549 = arith.cmpf olt, %add3A_548, %select_n3A_541 : vector<256x128xf32>
    %jit3A_550 = arith.constant 4.100000e+01 : f32
    %broadcast_in_dim3A_551 = vector.broadcast %jit3A_550 : f32 to vector<256x128xf32>
    %select_n3A_552 = arith.select %lt3A_549, %broadcast_in_dim3A_551, %select_n3A_540 : vector<256x128xi1>, vector<256x128xf32>
    %select_n3A_553 = arith.select %lt3A_549, %add3A_548, %select_n3A_541 : vector<256x128xi1>, vector<256x128xf32>
    %slice3A_554 = vector.extract_strided_slice %dot_general3A_529 {offsets = [0, 256], sizes = [256, 128], strides = [1, 1]} : vector<256x1024xf32> to vector<256x128xf32>
    %slice3A_555 = vector.extract_strided_slice %get3A_527 {offsets = [256], sizes = [128], strides = [1]} : vector<1024xf32> to vector<128xf32>
    %broadcast_in_dim3A_556 = vector.shape_cast %slice3A_555 : vector<128xf32> to vector<1x128xf32>
    %add3A_557 = vector.broadcast %reshape3A : vector<256x1xf32> to vector<256x128xf32>
    %add3A_558 = vector.broadcast %broadcast_in_dim3A_556 : vector<1x128xf32> to vector<256x128xf32>
    %add3A_559 = arith.addf %add3A_557, %add3A_558 : vector<256x128xf32>
    %add3A_560 = arith.addf %add3A_559, %slice3A_554 : vector<256x128xf32>
    %lt3A_561 = arith.cmpf olt, %add3A_560, %select_n3A_553 : vector<256x128xf32>
    %jit3A_562 = arith.constant 4.200000e+01 : f32
    %broadcast_in_dim3A_563 = vector.broadcast %jit3A_562 : f32 to vector<256x128xf32>
    %select_n3A_564 = arith.select %lt3A_561, %broadcast_in_dim3A_563, %select_n3A_552 : vector<256x128xi1>, vector<256x128xf32>
    %select_n3A_565 = arith.select %lt3A_561, %add3A_560, %select_n3A_553 : vector<256x128xi1>, vector<256x128xf32>
    %slice3A_566 = vector.extract_strided_slice %dot_general3A_529 {offsets = [0, 384], sizes = [256, 128], strides = [1, 1]} : vector<256x1024xf32> to vector<256x128xf32>
    %slice3A_567 = vector.extract_strided_slice %get3A_527 {offsets = [384], sizes = [128], strides = [1]} : vector<1024xf32> to vector<128xf32>
    %broadcast_in_dim3A_568 = vector.shape_cast %slice3A_567 : vector<128xf32> to vector<1x128xf32>
    %add3A_569 = vector.broadcast %reshape3A : vector<256x1xf32> to vector<256x128xf32>
    %add3A_570 = vector.broadcast %broadcast_in_dim3A_568 : vector<1x128xf32> to vector<256x128xf32>
    %add3A_571 = arith.addf %add3A_569, %add3A_570 : vector<256x128xf32>
    %add3A_572 = arith.addf %add3A_571, %slice3A_566 : vector<256x128xf32>
    %lt3A_573 = arith.cmpf olt, %add3A_572, %select_n3A_565 : vector<256x128xf32>
    %jit3A_574 = arith.constant 4.300000e+01 : f32
    %broadcast_in_dim3A_575 = vector.broadcast %jit3A_574 : f32 to vector<256x128xf32>
    %select_n3A_576 = arith.select %lt3A_573, %broadcast_in_dim3A_575, %select_n3A_564 : vector<256x128xi1>, vector<256x128xf32>
    %select_n3A_577 = arith.select %lt3A_573, %add3A_572, %select_n3A_565 : vector<256x128xi1>, vector<256x128xf32>
    %slice3A_578 = vector.extract_strided_slice %dot_general3A_529 {offsets = [0, 512], sizes = [256, 128], strides = [1, 1]} : vector<256x1024xf32> to vector<256x128xf32>
    %slice3A_579 = vector.extract_strided_slice %get3A_527 {offsets = [512], sizes = [128], strides = [1]} : vector<1024xf32> to vector<128xf32>
    %broadcast_in_dim3A_580 = vector.shape_cast %slice3A_579 : vector<128xf32> to vector<1x128xf32>
    %add3A_581 = vector.broadcast %reshape3A : vector<256x1xf32> to vector<256x128xf32>
    %add3A_582 = vector.broadcast %broadcast_in_dim3A_580 : vector<1x128xf32> to vector<256x128xf32>
    %add3A_583 = arith.addf %add3A_581, %add3A_582 : vector<256x128xf32>
    %add3A_584 = arith.addf %add3A_583, %slice3A_578 : vector<256x128xf32>
    %lt3A_585 = arith.cmpf olt, %add3A_584, %select_n3A_577 : vector<256x128xf32>
    %jit3A_586 = arith.constant 4.400000e+01 : f32
    %broadcast_in_dim3A_587 = vector.broadcast %jit3A_586 : f32 to vector<256x128xf32>
    %select_n3A_588 = arith.select %lt3A_585, %broadcast_in_dim3A_587, %select_n3A_576 : vector<256x128xi1>, vector<256x128xf32>
    %select_n3A_589 = arith.select %lt3A_585, %add3A_584, %select_n3A_577 : vector<256x128xi1>, vector<256x128xf32>
    %slice3A_590 = vector.extract_strided_slice %dot_general3A_529 {offsets = [0, 640], sizes = [256, 128], strides = [1, 1]} : vector<256x1024xf32> to vector<256x128xf32>
    %slice3A_591 = vector.extract_strided_slice %get3A_527 {offsets = [640], sizes = [128], strides = [1]} : vector<1024xf32> to vector<128xf32>
    %broadcast_in_dim3A_592 = vector.shape_cast %slice3A_591 : vector<128xf32> to vector<1x128xf32>
    %add3A_593 = vector.broadcast %reshape3A : vector<256x1xf32> to vector<256x128xf32>
    %add3A_594 = vector.broadcast %broadcast_in_dim3A_592 : vector<1x128xf32> to vector<256x128xf32>
    %add3A_595 = arith.addf %add3A_593, %add3A_594 : vector<256x128xf32>
    %add3A_596 = arith.addf %add3A_595, %slice3A_590 : vector<256x128xf32>
    %lt3A_597 = arith.cmpf olt, %add3A_596, %select_n3A_589 : vector<256x128xf32>
    %jit3A_598 = arith.constant 4.500000e+01 : f32
    %broadcast_in_dim3A_599 = vector.broadcast %jit3A_598 : f32 to vector<256x128xf32>
    %select_n3A_600 = arith.select %lt3A_597, %broadcast_in_dim3A_599, %select_n3A_588 : vector<256x128xi1>, vector<256x128xf32>
    %select_n3A_601 = arith.select %lt3A_597, %add3A_596, %select_n3A_589 : vector<256x128xi1>, vector<256x128xf32>
    %slice3A_602 = vector.extract_strided_slice %dot_general3A_529 {offsets = [0, 768], sizes = [256, 128], strides = [1, 1]} : vector<256x1024xf32> to vector<256x128xf32>
    %slice3A_603 = vector.extract_strided_slice %get3A_527 {offsets = [768], sizes = [128], strides = [1]} : vector<1024xf32> to vector<128xf32>
    %broadcast_in_dim3A_604 = vector.shape_cast %slice3A_603 : vector<128xf32> to vector<1x128xf32>
    %add3A_605 = vector.broadcast %reshape3A : vector<256x1xf32> to vector<256x128xf32>
    %add3A_606 = vector.broadcast %broadcast_in_dim3A_604 : vector<1x128xf32> to vector<256x128xf32>
    %add3A_607 = arith.addf %add3A_605, %add3A_606 : vector<256x128xf32>
    %add3A_608 = arith.addf %add3A_607, %slice3A_602 : vector<256x128xf32>
    %lt3A_609 = arith.cmpf olt, %add3A_608, %select_n3A_601 : vector<256x128xf32>
    %jit3A_610 = arith.constant 4.600000e+01 : f32
    %broadcast_in_dim3A_611 = vector.broadcast %jit3A_610 : f32 to vector<256x128xf32>
    %select_n3A_612 = arith.select %lt3A_609, %broadcast_in_dim3A_611, %select_n3A_600 : vector<256x128xi1>, vector<256x128xf32>
    %select_n3A_613 = arith.select %lt3A_609, %add3A_608, %select_n3A_601 : vector<256x128xi1>, vector<256x128xf32>
    %slice3A_614 = vector.extract_strided_slice %dot_general3A_529 {offsets = [0, 896], sizes = [256, 128], strides = [1, 1]} : vector<256x1024xf32> to vector<256x128xf32>
    %slice3A_615 = vector.extract_strided_slice %get3A_527 {offsets = [896], sizes = [128], strides = [1]} : vector<1024xf32> to vector<128xf32>
    %broadcast_in_dim3A_616 = vector.shape_cast %slice3A_615 : vector<128xf32> to vector<1x128xf32>
    %add3A_617 = vector.broadcast %reshape3A : vector<256x1xf32> to vector<256x128xf32>
    %add3A_618 = vector.broadcast %broadcast_in_dim3A_616 : vector<1x128xf32> to vector<256x128xf32>
    %add3A_619 = arith.addf %add3A_617, %add3A_618 : vector<256x128xf32>
    %add3A_620 = arith.addf %add3A_619, %slice3A_614 : vector<256x128xf32>
    %lt3A_621 = arith.cmpf olt, %add3A_620, %select_n3A_613 : vector<256x128xf32>
    %jit3A_622 = arith.constant 4.700000e+01 : f32
    %broadcast_in_dim3A_623 = vector.broadcast %jit3A_622 : f32 to vector<256x128xf32>
    %select_n3A_624 = arith.select %lt3A_621, %broadcast_in_dim3A_623, %select_n3A_612 : vector<256x128xi1>, vector<256x128xf32>
    %select_n3A_625 = arith.select %lt3A_621, %add3A_620, %select_n3A_613 : vector<256x128xi1>, vector<256x128xf32>
    %get3A_626 = arith.constant 6144 : index
    %get3A_627 = arith.constant 0 : index
    %get3A_628 = vector.load %arg2[%get3A_626, %get3A_627] : memref<8192x256xf32, #tpu.memory_space<vmem>>, vector<1024x256xf32>
    %get3A_629 = arith.constant 6 : index
    %get3A_630 = arith.constant 0 : index
    %get3A_631 = vector.load %arg3[%get3A_629, %get3A_630] : memref<8x1024xf32, #tpu.memory_space<vmem>>, vector<1x1024xf32>
    %get3A_632 = vector.shape_cast %get3A_631 : vector<1x1024xf32> to vector<1024xf32>
    %dot_general3A_633 = arith.constant dense<0.000000e+00> : vector<256x1024xf32>
    %dot_general3A_634 = tpu.matmul %slice3A, %get3A_628, %dot_general3A_633 {dimension_numbers = #tpu.dot_dimension_numbers<[0], [1], [1], [0], [0, 1, 1, 0], [], []>, transpose_lhs_hint = false} : vector<256x256xf32>, vector<1024x256xf32>, vector<256x1024xf32> -> vector<256x1024xf32>
    %slice3A_635 = vector.extract_strided_slice %dot_general3A_634 {offsets = [0, 0], sizes = [256, 128], strides = [1, 1]} : vector<256x1024xf32> to vector<256x128xf32>
    %slice3A_636 = vector.extract_strided_slice %get3A_632 {offsets = [0], sizes = [128], strides = [1]} : vector<1024xf32> to vector<128xf32>
    %broadcast_in_dim3A_637 = vector.shape_cast %slice3A_636 : vector<128xf32> to vector<1x128xf32>
    %add3A_638 = vector.broadcast %reshape3A : vector<256x1xf32> to vector<256x128xf32>
    %add3A_639 = vector.broadcast %broadcast_in_dim3A_637 : vector<1x128xf32> to vector<256x128xf32>
    %add3A_640 = arith.addf %add3A_638, %add3A_639 : vector<256x128xf32>
    %add3A_641 = arith.addf %add3A_640, %slice3A_635 : vector<256x128xf32>
    %lt3A_642 = arith.cmpf olt, %add3A_641, %select_n3A_625 : vector<256x128xf32>
    %jit3A_643 = arith.constant 4.800000e+01 : f32
    %broadcast_in_dim3A_644 = vector.broadcast %jit3A_643 : f32 to vector<256x128xf32>
    %select_n3A_645 = arith.select %lt3A_642, %broadcast_in_dim3A_644, %select_n3A_624 : vector<256x128xi1>, vector<256x128xf32>
    %select_n3A_646 = arith.select %lt3A_642, %add3A_641, %select_n3A_625 : vector<256x128xi1>, vector<256x128xf32>
    %slice3A_647 = vector.extract_strided_slice %dot_general3A_634 {offsets = [0, 128], sizes = [256, 128], strides = [1, 1]} : vector<256x1024xf32> to vector<256x128xf32>
    %slice3A_648 = vector.extract_strided_slice %get3A_632 {offsets = [128], sizes = [128], strides = [1]} : vector<1024xf32> to vector<128xf32>
    %broadcast_in_dim3A_649 = vector.shape_cast %slice3A_648 : vector<128xf32> to vector<1x128xf32>
    %add3A_650 = vector.broadcast %reshape3A : vector<256x1xf32> to vector<256x128xf32>
    %add3A_651 = vector.broadcast %broadcast_in_dim3A_649 : vector<1x128xf32> to vector<256x128xf32>
    %add3A_652 = arith.addf %add3A_650, %add3A_651 : vector<256x128xf32>
    %add3A_653 = arith.addf %add3A_652, %slice3A_647 : vector<256x128xf32>
    %lt3A_654 = arith.cmpf olt, %add3A_653, %select_n3A_646 : vector<256x128xf32>
    %jit3A_655 = arith.constant 4.900000e+01 : f32
    %broadcast_in_dim3A_656 = vector.broadcast %jit3A_655 : f32 to vector<256x128xf32>
    %select_n3A_657 = arith.select %lt3A_654, %broadcast_in_dim3A_656, %select_n3A_645 : vector<256x128xi1>, vector<256x128xf32>
    %select_n3A_658 = arith.select %lt3A_654, %add3A_653, %select_n3A_646 : vector<256x128xi1>, vector<256x128xf32>
    %slice3A_659 = vector.extract_strided_slice %dot_general3A_634 {offsets = [0, 256], sizes = [256, 128], strides = [1, 1]} : vector<256x1024xf32> to vector<256x128xf32>
    %slice3A_660 = vector.extract_strided_slice %get3A_632 {offsets = [256], sizes = [128], strides = [1]} : vector<1024xf32> to vector<128xf32>
    %broadcast_in_dim3A_661 = vector.shape_cast %slice3A_660 : vector<128xf32> to vector<1x128xf32>
    %add3A_662 = vector.broadcast %reshape3A : vector<256x1xf32> to vector<256x128xf32>
    %add3A_663 = vector.broadcast %broadcast_in_dim3A_661 : vector<1x128xf32> to vector<256x128xf32>
    %add3A_664 = arith.addf %add3A_662, %add3A_663 : vector<256x128xf32>
    %add3A_665 = arith.addf %add3A_664, %slice3A_659 : vector<256x128xf32>
    %lt3A_666 = arith.cmpf olt, %add3A_665, %select_n3A_658 : vector<256x128xf32>
    %jit3A_667 = arith.constant 5.000000e+01 : f32
    %broadcast_in_dim3A_668 = vector.broadcast %jit3A_667 : f32 to vector<256x128xf32>
    %select_n3A_669 = arith.select %lt3A_666, %broadcast_in_dim3A_668, %select_n3A_657 : vector<256x128xi1>, vector<256x128xf32>
    %select_n3A_670 = arith.select %lt3A_666, %add3A_665, %select_n3A_658 : vector<256x128xi1>, vector<256x128xf32>
    %slice3A_671 = vector.extract_strided_slice %dot_general3A_634 {offsets = [0, 384], sizes = [256, 128], strides = [1, 1]} : vector<256x1024xf32> to vector<256x128xf32>
    %slice3A_672 = vector.extract_strided_slice %get3A_632 {offsets = [384], sizes = [128], strides = [1]} : vector<1024xf32> to vector<128xf32>
    %broadcast_in_dim3A_673 = vector.shape_cast %slice3A_672 : vector<128xf32> to vector<1x128xf32>
    %add3A_674 = vector.broadcast %reshape3A : vector<256x1xf32> to vector<256x128xf32>
    %add3A_675 = vector.broadcast %broadcast_in_dim3A_673 : vector<1x128xf32> to vector<256x128xf32>
    %add3A_676 = arith.addf %add3A_674, %add3A_675 : vector<256x128xf32>
    %add3A_677 = arith.addf %add3A_676, %slice3A_671 : vector<256x128xf32>
    %lt3A_678 = arith.cmpf olt, %add3A_677, %select_n3A_670 : vector<256x128xf32>
    %jit3A_679 = arith.constant 5.100000e+01 : f32
    %broadcast_in_dim3A_680 = vector.broadcast %jit3A_679 : f32 to vector<256x128xf32>
    %select_n3A_681 = arith.select %lt3A_678, %broadcast_in_dim3A_680, %select_n3A_669 : vector<256x128xi1>, vector<256x128xf32>
    %select_n3A_682 = arith.select %lt3A_678, %add3A_677, %select_n3A_670 : vector<256x128xi1>, vector<256x128xf32>
    %slice3A_683 = vector.extract_strided_slice %dot_general3A_634 {offsets = [0, 512], sizes = [256, 128], strides = [1, 1]} : vector<256x1024xf32> to vector<256x128xf32>
    %slice3A_684 = vector.extract_strided_slice %get3A_632 {offsets = [512], sizes = [128], strides = [1]} : vector<1024xf32> to vector<128xf32>
    %broadcast_in_dim3A_685 = vector.shape_cast %slice3A_684 : vector<128xf32> to vector<1x128xf32>
    %add3A_686 = vector.broadcast %reshape3A : vector<256x1xf32> to vector<256x128xf32>
    %add3A_687 = vector.broadcast %broadcast_in_dim3A_685 : vector<1x128xf32> to vector<256x128xf32>
    %add3A_688 = arith.addf %add3A_686, %add3A_687 : vector<256x128xf32>
    %add3A_689 = arith.addf %add3A_688, %slice3A_683 : vector<256x128xf32>
    %lt3A_690 = arith.cmpf olt, %add3A_689, %select_n3A_682 : vector<256x128xf32>
    %jit3A_691 = arith.constant 5.200000e+01 : f32
    %broadcast_in_dim3A_692 = vector.broadcast %jit3A_691 : f32 to vector<256x128xf32>
    %select_n3A_693 = arith.select %lt3A_690, %broadcast_in_dim3A_692, %select_n3A_681 : vector<256x128xi1>, vector<256x128xf32>
    %select_n3A_694 = arith.select %lt3A_690, %add3A_689, %select_n3A_682 : vector<256x128xi1>, vector<256x128xf32>
    %slice3A_695 = vector.extract_strided_slice %dot_general3A_634 {offsets = [0, 640], sizes = [256, 128], strides = [1, 1]} : vector<256x1024xf32> to vector<256x128xf32>
    %slice3A_696 = vector.extract_strided_slice %get3A_632 {offsets = [640], sizes = [128], strides = [1]} : vector<1024xf32> to vector<128xf32>
    %broadcast_in_dim3A_697 = vector.shape_cast %slice3A_696 : vector<128xf32> to vector<1x128xf32>
    %add3A_698 = vector.broadcast %reshape3A : vector<256x1xf32> to vector<256x128xf32>
    %add3A_699 = vector.broadcast %broadcast_in_dim3A_697 : vector<1x128xf32> to vector<256x128xf32>
    %add3A_700 = arith.addf %add3A_698, %add3A_699 : vector<256x128xf32>
    %add3A_701 = arith.addf %add3A_700, %slice3A_695 : vector<256x128xf32>
    %lt3A_702 = arith.cmpf olt, %add3A_701, %select_n3A_694 : vector<256x128xf32>
    %jit3A_703 = arith.constant 5.300000e+01 : f32
    %broadcast_in_dim3A_704 = vector.broadcast %jit3A_703 : f32 to vector<256x128xf32>
    %select_n3A_705 = arith.select %lt3A_702, %broadcast_in_dim3A_704, %select_n3A_693 : vector<256x128xi1>, vector<256x128xf32>
    %select_n3A_706 = arith.select %lt3A_702, %add3A_701, %select_n3A_694 : vector<256x128xi1>, vector<256x128xf32>
    %slice3A_707 = vector.extract_strided_slice %dot_general3A_634 {offsets = [0, 768], sizes = [256, 128], strides = [1, 1]} : vector<256x1024xf32> to vector<256x128xf32>
    %slice3A_708 = vector.extract_strided_slice %get3A_632 {offsets = [768], sizes = [128], strides = [1]} : vector<1024xf32> to vector<128xf32>
    %broadcast_in_dim3A_709 = vector.shape_cast %slice3A_708 : vector<128xf32> to vector<1x128xf32>
    %add3A_710 = vector.broadcast %reshape3A : vector<256x1xf32> to vector<256x128xf32>
    %add3A_711 = vector.broadcast %broadcast_in_dim3A_709 : vector<1x128xf32> to vector<256x128xf32>
    %add3A_712 = arith.addf %add3A_710, %add3A_711 : vector<256x128xf32>
    %add3A_713 = arith.addf %add3A_712, %slice3A_707 : vector<256x128xf32>
    %lt3A_714 = arith.cmpf olt, %add3A_713, %select_n3A_706 : vector<256x128xf32>
    %jit3A_715 = arith.constant 5.400000e+01 : f32
    %broadcast_in_dim3A_716 = vector.broadcast %jit3A_715 : f32 to vector<256x128xf32>
    %select_n3A_717 = arith.select %lt3A_714, %broadcast_in_dim3A_716, %select_n3A_705 : vector<256x128xi1>, vector<256x128xf32>
    %select_n3A_718 = arith.select %lt3A_714, %add3A_713, %select_n3A_706 : vector<256x128xi1>, vector<256x128xf32>
    %slice3A_719 = vector.extract_strided_slice %dot_general3A_634 {offsets = [0, 896], sizes = [256, 128], strides = [1, 1]} : vector<256x1024xf32> to vector<256x128xf32>
    %slice3A_720 = vector.extract_strided_slice %get3A_632 {offsets = [896], sizes = [128], strides = [1]} : vector<1024xf32> to vector<128xf32>
    %broadcast_in_dim3A_721 = vector.shape_cast %slice3A_720 : vector<128xf32> to vector<1x128xf32>
    %add3A_722 = vector.broadcast %reshape3A : vector<256x1xf32> to vector<256x128xf32>
    %add3A_723 = vector.broadcast %broadcast_in_dim3A_721 : vector<1x128xf32> to vector<256x128xf32>
    %add3A_724 = arith.addf %add3A_722, %add3A_723 : vector<256x128xf32>
    %add3A_725 = arith.addf %add3A_724, %slice3A_719 : vector<256x128xf32>
    %lt3A_726 = arith.cmpf olt, %add3A_725, %select_n3A_718 : vector<256x128xf32>
    %jit3A_727 = arith.constant 5.500000e+01 : f32
    %broadcast_in_dim3A_728 = vector.broadcast %jit3A_727 : f32 to vector<256x128xf32>
    %select_n3A_729 = arith.select %lt3A_726, %broadcast_in_dim3A_728, %select_n3A_717 : vector<256x128xi1>, vector<256x128xf32>
    %select_n3A_730 = arith.select %lt3A_726, %add3A_725, %select_n3A_718 : vector<256x128xi1>, vector<256x128xf32>
    %get3A_731 = arith.constant 7168 : index
    %get3A_732 = arith.constant 0 : index
    %get3A_733 = vector.load %arg2[%get3A_731, %get3A_732] : memref<8192x256xf32, #tpu.memory_space<vmem>>, vector<1024x256xf32>
    %get3A_734 = arith.constant 7 : index
    %get3A_735 = arith.constant 0 : index
    %get3A_736 = vector.load %arg3[%get3A_734, %get3A_735] : memref<8x1024xf32, #tpu.memory_space<vmem>>, vector<1x1024xf32>
    %get3A_737 = vector.shape_cast %get3A_736 : vector<1x1024xf32> to vector<1024xf32>
    %dot_general3A_738 = arith.constant dense<0.000000e+00> : vector<256x1024xf32>
    %dot_general3A_739 = tpu.matmul %slice3A, %get3A_733, %dot_general3A_738 {dimension_numbers = #tpu.dot_dimension_numbers<[0], [1], [1], [0], [0, 1, 1, 0], [], []>, transpose_lhs_hint = false} : vector<256x256xf32>, vector<1024x256xf32>, vector<256x1024xf32> -> vector<256x1024xf32>
    %slice3A_740 = vector.extract_strided_slice %dot_general3A_739 {offsets = [0, 0], sizes = [256, 128], strides = [1, 1]} : vector<256x1024xf32> to vector<256x128xf32>
    %slice3A_741 = vector.extract_strided_slice %get3A_737 {offsets = [0], sizes = [128], strides = [1]} : vector<1024xf32> to vector<128xf32>
    %broadcast_in_dim3A_742 = vector.shape_cast %slice3A_741 : vector<128xf32> to vector<1x128xf32>
    %add3A_743 = vector.broadcast %reshape3A : vector<256x1xf32> to vector<256x128xf32>
    %add3A_744 = vector.broadcast %broadcast_in_dim3A_742 : vector<1x128xf32> to vector<256x128xf32>
    %add3A_745 = arith.addf %add3A_743, %add3A_744 : vector<256x128xf32>
    %add3A_746 = arith.addf %add3A_745, %slice3A_740 : vector<256x128xf32>
    %lt3A_747 = arith.cmpf olt, %add3A_746, %select_n3A_730 : vector<256x128xf32>
    %jit3A_748 = arith.constant 5.600000e+01 : f32
    %broadcast_in_dim3A_749 = vector.broadcast %jit3A_748 : f32 to vector<256x128xf32>
    %select_n3A_750 = arith.select %lt3A_747, %broadcast_in_dim3A_749, %select_n3A_729 : vector<256x128xi1>, vector<256x128xf32>
    %select_n3A_751 = arith.select %lt3A_747, %add3A_746, %select_n3A_730 : vector<256x128xi1>, vector<256x128xf32>
    %slice3A_752 = vector.extract_strided_slice %dot_general3A_739 {offsets = [0, 128], sizes = [256, 128], strides = [1, 1]} : vector<256x1024xf32> to vector<256x128xf32>
    %slice3A_753 = vector.extract_strided_slice %get3A_737 {offsets = [128], sizes = [128], strides = [1]} : vector<1024xf32> to vector<128xf32>
    %broadcast_in_dim3A_754 = vector.shape_cast %slice3A_753 : vector<128xf32> to vector<1x128xf32>
    %add3A_755 = vector.broadcast %reshape3A : vector<256x1xf32> to vector<256x128xf32>
    %add3A_756 = vector.broadcast %broadcast_in_dim3A_754 : vector<1x128xf32> to vector<256x128xf32>
    %add3A_757 = arith.addf %add3A_755, %add3A_756 : vector<256x128xf32>
    %add3A_758 = arith.addf %add3A_757, %slice3A_752 : vector<256x128xf32>
    %lt3A_759 = arith.cmpf olt, %add3A_758, %select_n3A_751 : vector<256x128xf32>
    %jit3A_760 = arith.constant 5.700000e+01 : f32
    %broadcast_in_dim3A_761 = vector.broadcast %jit3A_760 : f32 to vector<256x128xf32>
    %select_n3A_762 = arith.select %lt3A_759, %broadcast_in_dim3A_761, %select_n3A_750 : vector<256x128xi1>, vector<256x128xf32>
    %select_n3A_763 = arith.select %lt3A_759, %add3A_758, %select_n3A_751 : vector<256x128xi1>, vector<256x128xf32>
    %slice3A_764 = vector.extract_strided_slice %dot_general3A_739 {offsets = [0, 256], sizes = [256, 128], strides = [1, 1]} : vector<256x1024xf32> to vector<256x128xf32>
    %slice3A_765 = vector.extract_strided_slice %get3A_737 {offsets = [256], sizes = [128], strides = [1]} : vector<1024xf32> to vector<128xf32>
    %broadcast_in_dim3A_766 = vector.shape_cast %slice3A_765 : vector<128xf32> to vector<1x128xf32>
    %add3A_767 = vector.broadcast %reshape3A : vector<256x1xf32> to vector<256x128xf32>
    %add3A_768 = vector.broadcast %broadcast_in_dim3A_766 : vector<1x128xf32> to vector<256x128xf32>
    %add3A_769 = arith.addf %add3A_767, %add3A_768 : vector<256x128xf32>
    %add3A_770 = arith.addf %add3A_769, %slice3A_764 : vector<256x128xf32>
    %lt3A_771 = arith.cmpf olt, %add3A_770, %select_n3A_763 : vector<256x128xf32>
    %jit3A_772 = arith.constant 5.800000e+01 : f32
    %broadcast_in_dim3A_773 = vector.broadcast %jit3A_772 : f32 to vector<256x128xf32>
    %select_n3A_774 = arith.select %lt3A_771, %broadcast_in_dim3A_773, %select_n3A_762 : vector<256x128xi1>, vector<256x128xf32>
    %select_n3A_775 = arith.select %lt3A_771, %add3A_770, %select_n3A_763 : vector<256x128xi1>, vector<256x128xf32>
    %slice3A_776 = vector.extract_strided_slice %dot_general3A_739 {offsets = [0, 384], sizes = [256, 128], strides = [1, 1]} : vector<256x1024xf32> to vector<256x128xf32>
    %slice3A_777 = vector.extract_strided_slice %get3A_737 {offsets = [384], sizes = [128], strides = [1]} : vector<1024xf32> to vector<128xf32>
    %broadcast_in_dim3A_778 = vector.shape_cast %slice3A_777 : vector<128xf32> to vector<1x128xf32>
    %add3A_779 = vector.broadcast %reshape3A : vector<256x1xf32> to vector<256x128xf32>
    %add3A_780 = vector.broadcast %broadcast_in_dim3A_778 : vector<1x128xf32> to vector<256x128xf32>
    %add3A_781 = arith.addf %add3A_779, %add3A_780 : vector<256x128xf32>
    %add3A_782 = arith.addf %add3A_781, %slice3A_776 : vector<256x128xf32>
    %lt3A_783 = arith.cmpf olt, %add3A_782, %select_n3A_775 : vector<256x128xf32>
    %jit3A_784 = arith.constant 5.900000e+01 : f32
    %broadcast_in_dim3A_785 = vector.broadcast %jit3A_784 : f32 to vector<256x128xf32>
    %select_n3A_786 = arith.select %lt3A_783, %broadcast_in_dim3A_785, %select_n3A_774 : vector<256x128xi1>, vector<256x128xf32>
    %select_n3A_787 = arith.select %lt3A_783, %add3A_782, %select_n3A_775 : vector<256x128xi1>, vector<256x128xf32>
    %slice3A_788 = vector.extract_strided_slice %dot_general3A_739 {offsets = [0, 512], sizes = [256, 128], strides = [1, 1]} : vector<256x1024xf32> to vector<256x128xf32>
    %slice3A_789 = vector.extract_strided_slice %get3A_737 {offsets = [512], sizes = [128], strides = [1]} : vector<1024xf32> to vector<128xf32>
    %broadcast_in_dim3A_790 = vector.shape_cast %slice3A_789 : vector<128xf32> to vector<1x128xf32>
    %add3A_791 = vector.broadcast %reshape3A : vector<256x1xf32> to vector<256x128xf32>
    %add3A_792 = vector.broadcast %broadcast_in_dim3A_790 : vector<1x128xf32> to vector<256x128xf32>
    %add3A_793 = arith.addf %add3A_791, %add3A_792 : vector<256x128xf32>
    %add3A_794 = arith.addf %add3A_793, %slice3A_788 : vector<256x128xf32>
    %lt3A_795 = arith.cmpf olt, %add3A_794, %select_n3A_787 : vector<256x128xf32>
    %jit3A_796 = arith.constant 6.000000e+01 : f32
    %broadcast_in_dim3A_797 = vector.broadcast %jit3A_796 : f32 to vector<256x128xf32>
    %select_n3A_798 = arith.select %lt3A_795, %broadcast_in_dim3A_797, %select_n3A_786 : vector<256x128xi1>, vector<256x128xf32>
    %select_n3A_799 = arith.select %lt3A_795, %add3A_794, %select_n3A_787 : vector<256x128xi1>, vector<256x128xf32>
    %slice3A_800 = vector.extract_strided_slice %dot_general3A_739 {offsets = [0, 640], sizes = [256, 128], strides = [1, 1]} : vector<256x1024xf32> to vector<256x128xf32>
    %slice3A_801 = vector.extract_strided_slice %get3A_737 {offsets = [640], sizes = [128], strides = [1]} : vector<1024xf32> to vector<128xf32>
    %broadcast_in_dim3A_802 = vector.shape_cast %slice3A_801 : vector<128xf32> to vector<1x128xf32>
    %add3A_803 = vector.broadcast %reshape3A : vector<256x1xf32> to vector<256x128xf32>
    %add3A_804 = vector.broadcast %broadcast_in_dim3A_802 : vector<1x128xf32> to vector<256x128xf32>
    %add3A_805 = arith.addf %add3A_803, %add3A_804 : vector<256x128xf32>
    %add3A_806 = arith.addf %add3A_805, %slice3A_800 : vector<256x128xf32>
    %lt3A_807 = arith.cmpf olt, %add3A_806, %select_n3A_799 : vector<256x128xf32>
    %jit3A_808 = arith.constant 6.100000e+01 : f32
    %broadcast_in_dim3A_809 = vector.broadcast %jit3A_808 : f32 to vector<256x128xf32>
    %select_n3A_810 = arith.select %lt3A_807, %broadcast_in_dim3A_809, %select_n3A_798 : vector<256x128xi1>, vector<256x128xf32>
    %select_n3A_811 = arith.select %lt3A_807, %add3A_806, %select_n3A_799 : vector<256x128xi1>, vector<256x128xf32>
    %slice3A_812 = vector.extract_strided_slice %dot_general3A_739 {offsets = [0, 768], sizes = [256, 128], strides = [1, 1]} : vector<256x1024xf32> to vector<256x128xf32>
    %slice3A_813 = vector.extract_strided_slice %get3A_737 {offsets = [768], sizes = [128], strides = [1]} : vector<1024xf32> to vector<128xf32>
    %broadcast_in_dim3A_814 = vector.shape_cast %slice3A_813 : vector<128xf32> to vector<1x128xf32>
    %add3A_815 = vector.broadcast %reshape3A : vector<256x1xf32> to vector<256x128xf32>
    %add3A_816 = vector.broadcast %broadcast_in_dim3A_814 : vector<1x128xf32> to vector<256x128xf32>
    %add3A_817 = arith.addf %add3A_815, %add3A_816 : vector<256x128xf32>
    %add3A_818 = arith.addf %add3A_817, %slice3A_812 : vector<256x128xf32>
    %lt3A_819 = arith.cmpf olt, %add3A_818, %select_n3A_811 : vector<256x128xf32>
    %jit3A_820 = arith.constant 6.200000e+01 : f32
    %broadcast_in_dim3A_821 = vector.broadcast %jit3A_820 : f32 to vector<256x128xf32>
    %select_n3A_822 = arith.select %lt3A_819, %broadcast_in_dim3A_821, %select_n3A_810 : vector<256x128xi1>, vector<256x128xf32>
    %select_n3A_823 = arith.select %lt3A_819, %add3A_818, %select_n3A_811 : vector<256x128xi1>, vector<256x128xf32>
    %slice3A_824 = vector.extract_strided_slice %dot_general3A_739 {offsets = [0, 896], sizes = [256, 128], strides = [1, 1]} : vector<256x1024xf32> to vector<256x128xf32>
    %slice3A_825 = vector.extract_strided_slice %get3A_737 {offsets = [896], sizes = [128], strides = [1]} : vector<1024xf32> to vector<128xf32>
    %broadcast_in_dim3A_826 = vector.shape_cast %slice3A_825 : vector<128xf32> to vector<1x128xf32>
    %add3A_827 = vector.broadcast %reshape3A : vector<256x1xf32> to vector<256x128xf32>
    %add3A_828 = vector.broadcast %broadcast_in_dim3A_826 : vector<1x128xf32> to vector<256x128xf32>
    %add3A_829 = arith.addf %add3A_827, %add3A_828 : vector<256x128xf32>
    %add3A_830 = arith.addf %add3A_829, %slice3A_824 : vector<256x128xf32>
    %lt3A_831 = arith.cmpf olt, %add3A_830, %select_n3A_823 : vector<256x128xf32>
    %jit3A_832 = arith.constant 6.300000e+01 : f32
    %broadcast_in_dim3A_833 = vector.broadcast %jit3A_832 : f32 to vector<256x128xf32>
    %select_n3A_834 = arith.select %lt3A_831, %broadcast_in_dim3A_833, %select_n3A_822 : vector<256x128xi1>, vector<256x128xf32>
    %select_n3A_835 = arith.select %lt3A_831, %add3A_830, %select_n3A_823 : vector<256x128xi1>, vector<256x128xf32>
    %mul3A_836 = arith.constant 1.280000e+02 : f32
    %mul3A_837 = vector.broadcast %mul3A_836 : f32 to vector<256x128xf32>
    %mul3A_838 = arith.mulf %select_n3A_834, %mul3A_837 : vector<256x128xf32>
    %add3A_839 = arith.addf %mul3A_838, %convert_element_type3A : vector<256x128xf32>
    %reduce_min3A = arith.constant dense<0x7F800000> : vector<256xf32>
    %reduce_min3A_840 = vector.multi_reduction <minimumf>, %select_n3A_835, %reduce_min3A [1] : vector<256x128xf32> to vector<256xf32>
    %broadcast_in_dim3A_841 = vector.shape_cast %reduce_min3A_840 : vector<256xf32> to vector<256x1xf32>
    %eq3A = vector.broadcast %broadcast_in_dim3A_841 : vector<256x1xf32> to vector<256x128xf32>
    %eq3A_842 = arith.cmpf oeq, %select_n3A_835, %eq3A : vector<256x128xf32>
    %jit3A_843 = arith.constant 8.192000e+03 : f32
    %broadcast_in_dim3A_844 = vector.broadcast %jit3A_843 : f32 to vector<256x128xf32>
    %select_n3A_845 = arith.select %eq3A_842, %add3A_839, %broadcast_in_dim3A_844 : vector<256x128xi1>, vector<256x128xf32>
    %reduce_min3A_846 = arith.constant dense<0x7F800000> : vector<256xf32>
    %reduce_min3A_847 = vector.multi_reduction <minimumf>, %select_n3A_845, %reduce_min3A_846 [1] : vector<256x128xf32> to vector<256xf32>
    %reduce_sum3A_848 = vector.shape_cast %reduce_min3A_840 : vector<256xf32> to vector<1x256xf32>
    %reduce_sum3A_849 = arith.constant dense<0.000000e+00> : vector<1xf32>
    %reduce_sum3A_850 = vector.multi_reduction <add>, %reduce_sum3A_848, %reduce_sum3A_849 [1] : vector<1x256xf32> to vector<1xf32>
    %reduce_sum3A_851 = vector.shape_cast %reduce_sum3A_850 : vector<1xf32> to vector<1x1xf32>
    %reduce_sum3A_852 = vector.extract %reduce_sum3A_851[0, 0] : f32 from vector<1x1xf32>
    %slice3A_853 = vector.extract_strided_slice %get3A_3 {offsets = [0, 256], sizes = [256, 256], strides = [1, 1]} : vector<256x1024xf32> to vector<256x256xf32>
    %mul3A_854 = arith.mulf %slice3A_853, %slice3A_853 : vector<256x256xf32>
    %reduce_sum3A_855 = arith.constant dense<0.000000e+00> : vector<256xf32>
    %reduce_sum3A_856 = vector.multi_reduction <add>, %mul3A_854, %reduce_sum3A_855 [0] : vector<256x256xf32> to vector<256xf32>
    %reshape3A_857 = vector.shape_cast %reduce_sum3A_856 : vector<256xf32> to vector<256x1xf32>
    %get3A_858 = arith.constant 0 : index
    %get3A_859 = arith.constant 0 : index
    %get3A_860 = vector.load %arg2[%get3A_858, %get3A_859] : memref<8192x256xf32, #tpu.memory_space<vmem>>, vector<1024x256xf32>
    %get3A_861 = arith.constant 0 : index
    %get3A_862 = arith.constant 0 : index
    %get3A_863 = vector.load %arg3[%get3A_861, %get3A_862] : memref<8x1024xf32, #tpu.memory_space<vmem>>, vector<1x1024xf32>
    %get3A_864 = vector.shape_cast %get3A_863 : vector<1x1024xf32> to vector<1024xf32>
    %dot_general3A_865 = arith.constant dense<0.000000e+00> : vector<256x1024xf32>
    %dot_general3A_866 = tpu.matmul %slice3A_853, %get3A_860, %dot_general3A_865 {dimension_numbers = #tpu.dot_dimension_numbers<[0], [1], [1], [0], [0, 1, 1, 0], [], []>, transpose_lhs_hint = false} : vector<256x256xf32>, vector<1024x256xf32>, vector<256x1024xf32> -> vector<256x1024xf32>
    %slice3A_867 = vector.extract_strided_slice %dot_general3A_866 {offsets = [0, 0], sizes = [256, 128], strides = [1, 1]} : vector<256x1024xf32> to vector<256x128xf32>
    %slice3A_868 = vector.extract_strided_slice %get3A_864 {offsets = [0], sizes = [128], strides = [1]} : vector<1024xf32> to vector<128xf32>
    %broadcast_in_dim3A_869 = vector.shape_cast %slice3A_868 : vector<128xf32> to vector<1x128xf32>
    %add3A_870 = vector.broadcast %reshape3A_857 : vector<256x1xf32> to vector<256x128xf32>
    %add3A_871 = vector.broadcast %broadcast_in_dim3A_869 : vector<1x128xf32> to vector<256x128xf32>
    %add3A_872 = arith.addf %add3A_870, %add3A_871 : vector<256x128xf32>
    %add3A_873 = arith.addf %add3A_872, %slice3A_867 : vector<256x128xf32>
    %broadcast_in_dim3A_874 = arith.constant 0.000000e+00 : f32
    %broadcast_in_dim3A_875 = vector.broadcast %broadcast_in_dim3A_874 : f32 to vector<256x128xf32>
    %slice3A_876 = vector.extract_strided_slice %dot_general3A_866 {offsets = [0, 128], sizes = [256, 128], strides = [1, 1]} : vector<256x1024xf32> to vector<256x128xf32>
    %slice3A_877 = vector.extract_strided_slice %get3A_864 {offsets = [128], sizes = [128], strides = [1]} : vector<1024xf32> to vector<128xf32>
    %broadcast_in_dim3A_878 = vector.shape_cast %slice3A_877 : vector<128xf32> to vector<1x128xf32>
    %add3A_879 = vector.broadcast %reshape3A_857 : vector<256x1xf32> to vector<256x128xf32>
    %add3A_880 = vector.broadcast %broadcast_in_dim3A_878 : vector<1x128xf32> to vector<256x128xf32>
    %add3A_881 = arith.addf %add3A_879, %add3A_880 : vector<256x128xf32>
    %add3A_882 = arith.addf %add3A_881, %slice3A_876 : vector<256x128xf32>
    %lt3A_883 = arith.cmpf olt, %add3A_882, %add3A_873 : vector<256x128xf32>
    %jit3A_884 = arith.constant 1.000000e+00 : f32
    %broadcast_in_dim3A_885 = vector.broadcast %jit3A_884 : f32 to vector<256x128xf32>
    %select_n3A_886 = arith.select %lt3A_883, %broadcast_in_dim3A_885, %broadcast_in_dim3A_875 : vector<256x128xi1>, vector<256x128xf32>
    %select_n3A_887 = arith.select %lt3A_883, %add3A_882, %add3A_873 : vector<256x128xi1>, vector<256x128xf32>
    %slice3A_888 = vector.extract_strided_slice %dot_general3A_866 {offsets = [0, 256], sizes = [256, 128], strides = [1, 1]} : vector<256x1024xf32> to vector<256x128xf32>
    %slice3A_889 = vector.extract_strided_slice %get3A_864 {offsets = [256], sizes = [128], strides = [1]} : vector<1024xf32> to vector<128xf32>
    %broadcast_in_dim3A_890 = vector.shape_cast %slice3A_889 : vector<128xf32> to vector<1x128xf32>
    %add3A_891 = vector.broadcast %reshape3A_857 : vector<256x1xf32> to vector<256x128xf32>
    %add3A_892 = vector.broadcast %broadcast_in_dim3A_890 : vector<1x128xf32> to vector<256x128xf32>
    %add3A_893 = arith.addf %add3A_891, %add3A_892 : vector<256x128xf32>
    %add3A_894 = arith.addf %add3A_893, %slice3A_888 : vector<256x128xf32>
    %lt3A_895 = arith.cmpf olt, %add3A_894, %select_n3A_887 : vector<256x128xf32>
    %jit3A_896 = arith.constant 2.000000e+00 : f32
    %broadcast_in_dim3A_897 = vector.broadcast %jit3A_896 : f32 to vector<256x128xf32>
    %select_n3A_898 = arith.select %lt3A_895, %broadcast_in_dim3A_897, %select_n3A_886 : vector<256x128xi1>, vector<256x128xf32>
    %select_n3A_899 = arith.select %lt3A_895, %add3A_894, %select_n3A_887 : vector<256x128xi1>, vector<256x128xf32>
    %slice3A_900 = vector.extract_strided_slice %dot_general3A_866 {offsets = [0, 384], sizes = [256, 128], strides = [1, 1]} : vector<256x1024xf32> to vector<256x128xf32>
    %slice3A_901 = vector.extract_strided_slice %get3A_864 {offsets = [384], sizes = [128], strides = [1]} : vector<1024xf32> to vector<128xf32>
    %broadcast_in_dim3A_902 = vector.shape_cast %slice3A_901 : vector<128xf32> to vector<1x128xf32>
    %add3A_903 = vector.broadcast %reshape3A_857 : vector<256x1xf32> to vector<256x128xf32>
    %add3A_904 = vector.broadcast %broadcast_in_dim3A_902 : vector<1x128xf32> to vector<256x128xf32>
    %add3A_905 = arith.addf %add3A_903, %add3A_904 : vector<256x128xf32>
    %add3A_906 = arith.addf %add3A_905, %slice3A_900 : vector<256x128xf32>
    %lt3A_907 = arith.cmpf olt, %add3A_906, %select_n3A_899 : vector<256x128xf32>
    %jit3A_908 = arith.constant 3.000000e+00 : f32
    %broadcast_in_dim3A_909 = vector.broadcast %jit3A_908 : f32 to vector<256x128xf32>
    %select_n3A_910 = arith.select %lt3A_907, %broadcast_in_dim3A_909, %select_n3A_898 : vector<256x128xi1>, vector<256x128xf32>
    %select_n3A_911 = arith.select %lt3A_907, %add3A_906, %select_n3A_899 : vector<256x128xi1>, vector<256x128xf32>
    %slice3A_912 = vector.extract_strided_slice %dot_general3A_866 {offsets = [0, 512], sizes = [256, 128], strides = [1, 1]} : vector<256x1024xf32> to vector<256x128xf32>
    %slice3A_913 = vector.extract_strided_slice %get3A_864 {offsets = [512], sizes = [128], strides = [1]} : vector<1024xf32> to vector<128xf32>
    %broadcast_in_dim3A_914 = vector.shape_cast %slice3A_913 : vector<128xf32> to vector<1x128xf32>
    %add3A_915 = vector.broadcast %reshape3A_857 : vector<256x1xf32> to vector<256x128xf32>
    %add3A_916 = vector.broadcast %broadcast_in_dim3A_914 : vector<1x128xf32> to vector<256x128xf32>
    %add3A_917 = arith.addf %add3A_915, %add3A_916 : vector<256x128xf32>
    %add3A_918 = arith.addf %add3A_917, %slice3A_912 : vector<256x128xf32>
    %lt3A_919 = arith.cmpf olt, %add3A_918, %select_n3A_911 : vector<256x128xf32>
    %jit3A_920 = arith.constant 4.000000e+00 : f32
    %broadcast_in_dim3A_921 = vector.broadcast %jit3A_920 : f32 to vector<256x128xf32>
    %select_n3A_922 = arith.select %lt3A_919, %broadcast_in_dim3A_921, %select_n3A_910 : vector<256x128xi1>, vector<256x128xf32>
    %select_n3A_923 = arith.select %lt3A_919, %add3A_918, %select_n3A_911 : vector<256x128xi1>, vector<256x128xf32>
    %slice3A_924 = vector.extract_strided_slice %dot_general3A_866 {offsets = [0, 640], sizes = [256, 128], strides = [1, 1]} : vector<256x1024xf32> to vector<256x128xf32>
    %slice3A_925 = vector.extract_strided_slice %get3A_864 {offsets = [640], sizes = [128], strides = [1]} : vector<1024xf32> to vector<128xf32>
    %broadcast_in_dim3A_926 = vector.shape_cast %slice3A_925 : vector<128xf32> to vector<1x128xf32>
    %add3A_927 = vector.broadcast %reshape3A_857 : vector<256x1xf32> to vector<256x128xf32>
    %add3A_928 = vector.broadcast %broadcast_in_dim3A_926 : vector<1x128xf32> to vector<256x128xf32>
    %add3A_929 = arith.addf %add3A_927, %add3A_928 : vector<256x128xf32>
    %add3A_930 = arith.addf %add3A_929, %slice3A_924 : vector<256x128xf32>
    %lt3A_931 = arith.cmpf olt, %add3A_930, %select_n3A_923 : vector<256x128xf32>
    %jit3A_932 = arith.constant 5.000000e+00 : f32
    %broadcast_in_dim3A_933 = vector.broadcast %jit3A_932 : f32 to vector<256x128xf32>
    %select_n3A_934 = arith.select %lt3A_931, %broadcast_in_dim3A_933, %select_n3A_922 : vector<256x128xi1>, vector<256x128xf32>
    %select_n3A_935 = arith.select %lt3A_931, %add3A_930, %select_n3A_923 : vector<256x128xi1>, vector<256x128xf32>
    %slice3A_936 = vector.extract_strided_slice %dot_general3A_866 {offsets = [0, 768], sizes = [256, 128], strides = [1, 1]} : vector<256x1024xf32> to vector<256x128xf32>
    %slice3A_937 = vector.extract_strided_slice %get3A_864 {offsets = [768], sizes = [128], strides = [1]} : vector<1024xf32> to vector<128xf32>
    %broadcast_in_dim3A_938 = vector.shape_cast %slice3A_937 : vector<128xf32> to vector<1x128xf32>
    %add3A_939 = vector.broadcast %reshape3A_857 : vector<256x1xf32> to vector<256x128xf32>
    %add3A_940 = vector.broadcast %broadcast_in_dim3A_938 : vector<1x128xf32> to vector<256x128xf32>
    %add3A_941 = arith.addf %add3A_939, %add3A_940 : vector<256x128xf32>
    %add3A_942 = arith.addf %add3A_941, %slice3A_936 : vector<256x128xf32>
    %lt3A_943 = arith.cmpf olt, %add3A_942, %select_n3A_935 : vector<256x128xf32>
    %jit3A_944 = arith.constant 6.000000e+00 : f32
    %broadcast_in_dim3A_945 = vector.broadcast %jit3A_944 : f32 to vector<256x128xf32>
    %select_n3A_946 = arith.select %lt3A_943, %broadcast_in_dim3A_945, %select_n3A_934 : vector<256x128xi1>, vector<256x128xf32>
    %select_n3A_947 = arith.select %lt3A_943, %add3A_942, %select_n3A_935 : vector<256x128xi1>, vector<256x128xf32>
    %slice3A_948 = vector.extract_strided_slice %dot_general3A_866 {offsets = [0, 896], sizes = [256, 128], strides = [1, 1]} : vector<256x1024xf32> to vector<256x128xf32>
    %slice3A_949 = vector.extract_strided_slice %get3A_864 {offsets = [896], sizes = [128], strides = [1]} : vector<1024xf32> to vector<128xf32>
    %broadcast_in_dim3A_950 = vector.shape_cast %slice3A_949 : vector<128xf32> to vector<1x128xf32>
    %add3A_951 = vector.broadcast %reshape3A_857 : vector<256x1xf32> to vector<256x128xf32>
    %add3A_952 = vector.broadcast %broadcast_in_dim3A_950 : vector<1x128xf32> to vector<256x128xf32>
    %add3A_953 = arith.addf %add3A_951, %add3A_952 : vector<256x128xf32>
    %add3A_954 = arith.addf %add3A_953, %slice3A_948 : vector<256x128xf32>
    %lt3A_955 = arith.cmpf olt, %add3A_954, %select_n3A_947 : vector<256x128xf32>
    %jit3A_956 = arith.constant 7.000000e+00 : f32
    %broadcast_in_dim3A_957 = vector.broadcast %jit3A_956 : f32 to vector<256x128xf32>
    %select_n3A_958 = arith.select %lt3A_955, %broadcast_in_dim3A_957, %select_n3A_946 : vector<256x128xi1>, vector<256x128xf32>
    %select_n3A_959 = arith.select %lt3A_955, %add3A_954, %select_n3A_947 : vector<256x128xi1>, vector<256x128xf32>
    %get3A_960 = arith.constant 1024 : index
    %get3A_961 = arith.constant 0 : index
    %get3A_962 = vector.load %arg2[%get3A_960, %get3A_961] : memref<8192x256xf32, #tpu.memory_space<vmem>>, vector<1024x256xf32>
    %get3A_963 = arith.constant 1 : index
    %get3A_964 = arith.constant 0 : index
    %get3A_965 = vector.load %arg3[%get3A_963, %get3A_964] : memref<8x1024xf32, #tpu.memory_space<vmem>>, vector<1x1024xf32>
    %get3A_966 = vector.shape_cast %get3A_965 : vector<1x1024xf32> to vector<1024xf32>
    %dot_general3A_967 = arith.constant dense<0.000000e+00> : vector<256x1024xf32>
    %dot_general3A_968 = tpu.matmul %slice3A_853, %get3A_962, %dot_general3A_967 {dimension_numbers = #tpu.dot_dimension_numbers<[0], [1], [1], [0], [0, 1, 1, 0], [], []>, transpose_lhs_hint = false} : vector<256x256xf32>, vector<1024x256xf32>, vector<256x1024xf32> -> vector<256x1024xf32>
    %slice3A_969 = vector.extract_strided_slice %dot_general3A_968 {offsets = [0, 0], sizes = [256, 128], strides = [1, 1]} : vector<256x1024xf32> to vector<256x128xf32>
    %slice3A_970 = vector.extract_strided_slice %get3A_966 {offsets = [0], sizes = [128], strides = [1]} : vector<1024xf32> to vector<128xf32>
    %broadcast_in_dim3A_971 = vector.shape_cast %slice3A_970 : vector<128xf32> to vector<1x128xf32>
    %add3A_972 = vector.broadcast %reshape3A_857 : vector<256x1xf32> to vector<256x128xf32>
    %add3A_973 = vector.broadcast %broadcast_in_dim3A_971 : vector<1x128xf32> to vector<256x128xf32>
    %add3A_974 = arith.addf %add3A_972, %add3A_973 : vector<256x128xf32>
    %add3A_975 = arith.addf %add3A_974, %slice3A_969 : vector<256x128xf32>
    %lt3A_976 = arith.cmpf olt, %add3A_975, %select_n3A_959 : vector<256x128xf32>
    %jit3A_977 = arith.constant 8.000000e+00 : f32
    %broadcast_in_dim3A_978 = vector.broadcast %jit3A_977 : f32 to vector<256x128xf32>
    %select_n3A_979 = arith.select %lt3A_976, %broadcast_in_dim3A_978, %select_n3A_958 : vector<256x128xi1>, vector<256x128xf32>
    %select_n3A_980 = arith.select %lt3A_976, %add3A_975, %select_n3A_959 : vector<256x128xi1>, vector<256x128xf32>
    %slice3A_981 = vector.extract_strided_slice %dot_general3A_968 {offsets = [0, 128], sizes = [256, 128], strides = [1, 1]} : vector<256x1024xf32> to vector<256x128xf32>
    %slice3A_982 = vector.extract_strided_slice %get3A_966 {offsets = [128], sizes = [128], strides = [1]} : vector<1024xf32> to vector<128xf32>
    %broadcast_in_dim3A_983 = vector.shape_cast %slice3A_982 : vector<128xf32> to vector<1x128xf32>
    %add3A_984 = vector.broadcast %reshape3A_857 : vector<256x1xf32> to vector<256x128xf32>
    %add3A_985 = vector.broadcast %broadcast_in_dim3A_983 : vector<1x128xf32> to vector<256x128xf32>
    %add3A_986 = arith.addf %add3A_984, %add3A_985 : vector<256x128xf32>
    %add3A_987 = arith.addf %add3A_986, %slice3A_981 : vector<256x128xf32>
    %lt3A_988 = arith.cmpf olt, %add3A_987, %select_n3A_980 : vector<256x128xf32>
    %jit3A_989 = arith.constant 9.000000e+00 : f32
    %broadcast_in_dim3A_990 = vector.broadcast %jit3A_989 : f32 to vector<256x128xf32>
    %select_n3A_991 = arith.select %lt3A_988, %broadcast_in_dim3A_990, %select_n3A_979 : vector<256x128xi1>, vector<256x128xf32>
    %select_n3A_992 = arith.select %lt3A_988, %add3A_987, %select_n3A_980 : vector<256x128xi1>, vector<256x128xf32>
    %slice3A_993 = vector.extract_strided_slice %dot_general3A_968 {offsets = [0, 256], sizes = [256, 128], strides = [1, 1]} : vector<256x1024xf32> to vector<256x128xf32>
    %slice3A_994 = vector.extract_strided_slice %get3A_966 {offsets = [256], sizes = [128], strides = [1]} : vector<1024xf32> to vector<128xf32>
    %broadcast_in_dim3A_995 = vector.shape_cast %slice3A_994 : vector<128xf32> to vector<1x128xf32>
    %add3A_996 = vector.broadcast %reshape3A_857 : vector<256x1xf32> to vector<256x128xf32>
    %add3A_997 = vector.broadcast %broadcast_in_dim3A_995 : vector<1x128xf32> to vector<256x128xf32>
    %add3A_998 = arith.addf %add3A_996, %add3A_997 : vector<256x128xf32>
    %add3A_999 = arith.addf %add3A_998, %slice3A_993 : vector<256x128xf32>
    %lt3A_1000 = arith.cmpf olt, %add3A_999, %select_n3A_992 : vector<256x128xf32>
    %jit3A_1001 = arith.constant 1.000000e+01 : f32
    %broadcast_in_dim3A_1002 = vector.broadcast %jit3A_1001 : f32 to vector<256x128xf32>
    %select_n3A_1003 = arith.select %lt3A_1000, %broadcast_in_dim3A_1002, %select_n3A_991 : vector<256x128xi1>, vector<256x128xf32>
    %select_n3A_1004 = arith.select %lt3A_1000, %add3A_999, %select_n3A_992 : vector<256x128xi1>, vector<256x128xf32>
    %slice3A_1005 = vector.extract_strided_slice %dot_general3A_968 {offsets = [0, 384], sizes = [256, 128], strides = [1, 1]} : vector<256x1024xf32> to vector<256x128xf32>
    %slice3A_1006 = vector.extract_strided_slice %get3A_966 {offsets = [384], sizes = [128], strides = [1]} : vector<1024xf32> to vector<128xf32>
    %broadcast_in_dim3A_1007 = vector.shape_cast %slice3A_1006 : vector<128xf32> to vector<1x128xf32>
    %add3A_1008 = vector.broadcast %reshape3A_857 : vector<256x1xf32> to vector<256x128xf32>
    %add3A_1009 = vector.broadcast %broadcast_in_dim3A_1007 : vector<1x128xf32> to vector<256x128xf32>
    %add3A_1010 = arith.addf %add3A_1008, %add3A_1009 : vector<256x128xf32>
    %add3A_1011 = arith.addf %add3A_1010, %slice3A_1005 : vector<256x128xf32>
    %lt3A_1012 = arith.cmpf olt, %add3A_1011, %select_n3A_1004 : vector<256x128xf32>
    %jit3A_1013 = arith.constant 1.100000e+01 : f32
    %broadcast_in_dim3A_1014 = vector.broadcast %jit3A_1013 : f32 to vector<256x128xf32>
    %select_n3A_1015 = arith.select %lt3A_1012, %broadcast_in_dim3A_1014, %select_n3A_1003 : vector<256x128xi1>, vector<256x128xf32>
    %select_n3A_1016 = arith.select %lt3A_1012, %add3A_1011, %select_n3A_1004 : vector<256x128xi1>, vector<256x128xf32>
    %slice3A_1017 = vector.extract_strided_slice %dot_general3A_968 {offsets = [0, 512], sizes = [256, 128], strides = [1, 1]} : vector<256x1024xf32> to vector<256x128xf32>
    %slice3A_1018 = vector.extract_strided_slice %get3A_966 {offsets = [512], sizes = [128], strides = [1]} : vector<1024xf32> to vector<128xf32>
    %broadcast_in_dim3A_1019 = vector.shape_cast %slice3A_1018 : vector<128xf32> to vector<1x128xf32>
    %add3A_1020 = vector.broadcast %reshape3A_857 : vector<256x1xf32> to vector<256x128xf32>
    %add3A_1021 = vector.broadcast %broadcast_in_dim3A_1019 : vector<1x128xf32> to vector<256x128xf32>
    %add3A_1022 = arith.addf %add3A_1020, %add3A_1021 : vector<256x128xf32>
    %add3A_1023 = arith.addf %add3A_1022, %slice3A_1017 : vector<256x128xf32>
    %lt3A_1024 = arith.cmpf olt, %add3A_1023, %select_n3A_1016 : vector<256x128xf32>
    %jit3A_1025 = arith.constant 1.200000e+01 : f32
    %broadcast_in_dim3A_1026 = vector.broadcast %jit3A_1025 : f32 to vector<256x128xf32>
    %select_n3A_1027 = arith.select %lt3A_1024, %broadcast_in_dim3A_1026, %select_n3A_1015 : vector<256x128xi1>, vector<256x128xf32>
    %select_n3A_1028 = arith.select %lt3A_1024, %add3A_1023, %select_n3A_1016 : vector<256x128xi1>, vector<256x128xf32>
    %slice3A_1029 = vector.extract_strided_slice %dot_general3A_968 {offsets = [0, 640], sizes = [256, 128], strides = [1, 1]} : vector<256x1024xf32> to vector<256x128xf32>
    %slice3A_1030 = vector.extract_strided_slice %get3A_966 {offsets = [640], sizes = [128], strides = [1]} : vector<1024xf32> to vector<128xf32>
    %broadcast_in_dim3A_1031 = vector.shape_cast %slice3A_1030 : vector<128xf32> to vector<1x128xf32>
    %add3A_1032 = vector.broadcast %reshape3A_857 : vector<256x1xf32> to vector<256x128xf32>
    %add3A_1033 = vector.broadcast %broadcast_in_dim3A_1031 : vector<1x128xf32> to vector<256x128xf32>
    %add3A_1034 = arith.addf %add3A_1032, %add3A_1033 : vector<256x128xf32>
    %add3A_1035 = arith.addf %add3A_1034, %slice3A_1029 : vector<256x128xf32>
    %lt3A_1036 = arith.cmpf olt, %add3A_1035, %select_n3A_1028 : vector<256x128xf32>
    %jit3A_1037 = arith.constant 1.300000e+01 : f32
    %broadcast_in_dim3A_1038 = vector.broadcast %jit3A_1037 : f32 to vector<256x128xf32>
    %select_n3A_1039 = arith.select %lt3A_1036, %broadcast_in_dim3A_1038, %select_n3A_1027 : vector<256x128xi1>, vector<256x128xf32>
    %select_n3A_1040 = arith.select %lt3A_1036, %add3A_1035, %select_n3A_1028 : vector<256x128xi1>, vector<256x128xf32>
    %slice3A_1041 = vector.extract_strided_slice %dot_general3A_968 {offsets = [0, 768], sizes = [256, 128], strides = [1, 1]} : vector<256x1024xf32> to vector<256x128xf32>
    %slice3A_1042 = vector.extract_strided_slice %get3A_966 {offsets = [768], sizes = [128], strides = [1]} : vector<1024xf32> to vector<128xf32>
    %broadcast_in_dim3A_1043 = vector.shape_cast %slice3A_1042 : vector<128xf32> to vector<1x128xf32>
    %add3A_1044 = vector.broadcast %reshape3A_857 : vector<256x1xf32> to vector<256x128xf32>
    %add3A_1045 = vector.broadcast %broadcast_in_dim3A_1043 : vector<1x128xf32> to vector<256x128xf32>
    %add3A_1046 = arith.addf %add3A_1044, %add3A_1045 : vector<256x128xf32>
    %add3A_1047 = arith.addf %add3A_1046, %slice3A_1041 : vector<256x128xf32>
    %lt3A_1048 = arith.cmpf olt, %add3A_1047, %select_n3A_1040 : vector<256x128xf32>
    %jit3A_1049 = arith.constant 1.400000e+01 : f32
    %broadcast_in_dim3A_1050 = vector.broadcast %jit3A_1049 : f32 to vector<256x128xf32>
    %select_n3A_1051 = arith.select %lt3A_1048, %broadcast_in_dim3A_1050, %select_n3A_1039 : vector<256x128xi1>, vector<256x128xf32>
    %select_n3A_1052 = arith.select %lt3A_1048, %add3A_1047, %select_n3A_1040 : vector<256x128xi1>, vector<256x128xf32>
    %slice3A_1053 = vector.extract_strided_slice %dot_general3A_968 {offsets = [0, 896], sizes = [256, 128], strides = [1, 1]} : vector<256x1024xf32> to vector<256x128xf32>
    %slice3A_1054 = vector.extract_strided_slice %get3A_966 {offsets = [896], sizes = [128], strides = [1]} : vector<1024xf32> to vector<128xf32>
    %broadcast_in_dim3A_1055 = vector.shape_cast %slice3A_1054 : vector<128xf32> to vector<1x128xf32>
    %add3A_1056 = vector.broadcast %reshape3A_857 : vector<256x1xf32> to vector<256x128xf32>
    %add3A_1057 = vector.broadcast %broadcast_in_dim3A_1055 : vector<1x128xf32> to vector<256x128xf32>
    %add3A_1058 = arith.addf %add3A_1056, %add3A_1057 : vector<256x128xf32>
    %add3A_1059 = arith.addf %add3A_1058, %slice3A_1053 : vector<256x128xf32>
    %lt3A_1060 = arith.cmpf olt, %add3A_1059, %select_n3A_1052 : vector<256x128xf32>
    %jit3A_1061 = arith.constant 1.500000e+01 : f32
    %broadcast_in_dim3A_1062 = vector.broadcast %jit3A_1061 : f32 to vector<256x128xf32>
    %select_n3A_1063 = arith.select %lt3A_1060, %broadcast_in_dim3A_1062, %select_n3A_1051 : vector<256x128xi1>, vector<256x128xf32>
    %select_n3A_1064 = arith.select %lt3A_1060, %add3A_1059, %select_n3A_1052 : vector<256x128xi1>, vector<256x128xf32>
    %get3A_1065 = arith.constant 2048 : index
    %get3A_1066 = arith.constant 0 : index
    %get3A_1067 = vector.load %arg2[%get3A_1065, %get3A_1066] : memref<8192x256xf32, #tpu.memory_space<vmem>>, vector<1024x256xf32>
    %get3A_1068 = arith.constant 2 : index
    %get3A_1069 = arith.constant 0 : index
    %get3A_1070 = vector.load %arg3[%get3A_1068, %get3A_1069] : memref<8x1024xf32, #tpu.memory_space<vmem>>, vector<1x1024xf32>
    %get3A_1071 = vector.shape_cast %get3A_1070 : vector<1x1024xf32> to vector<1024xf32>
    %dot_general3A_1072 = arith.constant dense<0.000000e+00> : vector<256x1024xf32>
    %dot_general3A_1073 = tpu.matmul %slice3A_853, %get3A_1067, %dot_general3A_1072 {dimension_numbers = #tpu.dot_dimension_numbers<[0], [1], [1], [0], [0, 1, 1, 0], [], []>, transpose_lhs_hint = false} : vector<256x256xf32>, vector<1024x256xf32>, vector<256x1024xf32> -> vector<256x1024xf32>
    %slice3A_1074 = vector.extract_strided_slice %dot_general3A_1073 {offsets = [0, 0], sizes = [256, 128], strides = [1, 1]} : vector<256x1024xf32> to vector<256x128xf32>
    %slice3A_1075 = vector.extract_strided_slice %get3A_1071 {offsets = [0], sizes = [128], strides = [1]} : vector<1024xf32> to vector<128xf32>
    %broadcast_in_dim3A_1076 = vector.shape_cast %slice3A_1075 : vector<128xf32> to vector<1x128xf32>
    %add3A_1077 = vector.broadcast %reshape3A_857 : vector<256x1xf32> to vector<256x128xf32>
    %add3A_1078 = vector.broadcast %broadcast_in_dim3A_1076 : vector<1x128xf32> to vector<256x128xf32>
    %add3A_1079 = arith.addf %add3A_1077, %add3A_1078 : vector<256x128xf32>
    %add3A_1080 = arith.addf %add3A_1079, %slice3A_1074 : vector<256x128xf32>
    %lt3A_1081 = arith.cmpf olt, %add3A_1080, %select_n3A_1064 : vector<256x128xf32>
    %jit3A_1082 = arith.constant 1.600000e+01 : f32
    %broadcast_in_dim3A_1083 = vector.broadcast %jit3A_1082 : f32 to vector<256x128xf32>
    %select_n3A_1084 = arith.select %lt3A_1081, %broadcast_in_dim3A_1083, %select_n3A_1063 : vector<256x128xi1>, vector<256x128xf32>
    %select_n3A_1085 = arith.select %lt3A_1081, %add3A_1080, %select_n3A_1064 : vector<256x128xi1>, vector<256x128xf32>
    %slice3A_1086 = vector.extract_strided_slice %dot_general3A_1073 {offsets = [0, 128], sizes = [256, 128], strides = [1, 1]} : vector<256x1024xf32> to vector<256x128xf32>
    %slice3A_1087 = vector.extract_strided_slice %get3A_1071 {offsets = [128], sizes = [128], strides = [1]} : vector<1024xf32> to vector<128xf32>
    %broadcast_in_dim3A_1088 = vector.shape_cast %slice3A_1087 : vector<128xf32> to vector<1x128xf32>
    %add3A_1089 = vector.broadcast %reshape3A_857 : vector<256x1xf32> to vector<256x128xf32>
    %add3A_1090 = vector.broadcast %broadcast_in_dim3A_1088 : vector<1x128xf32> to vector<256x128xf32>
    %add3A_1091 = arith.addf %add3A_1089, %add3A_1090 : vector<256x128xf32>
    %add3A_1092 = arith.addf %add3A_1091, %slice3A_1086 : vector<256x128xf32>
    %lt3A_1093 = arith.cmpf olt, %add3A_1092, %select_n3A_1085 : vector<256x128xf32>
    %jit3A_1094 = arith.constant 1.700000e+01 : f32
    %broadcast_in_dim3A_1095 = vector.broadcast %jit3A_1094 : f32 to vector<256x128xf32>
    %select_n3A_1096 = arith.select %lt3A_1093, %broadcast_in_dim3A_1095, %select_n3A_1084 : vector<256x128xi1>, vector<256x128xf32>
    %select_n3A_1097 = arith.select %lt3A_1093, %add3A_1092, %select_n3A_1085 : vector<256x128xi1>, vector<256x128xf32>
    %slice3A_1098 = vector.extract_strided_slice %dot_general3A_1073 {offsets = [0, 256], sizes = [256, 128], strides = [1, 1]} : vector<256x1024xf32> to vector<256x128xf32>
    %slice3A_1099 = vector.extract_strided_slice %get3A_1071 {offsets = [256], sizes = [128], strides = [1]} : vector<1024xf32> to vector<128xf32>
    %broadcast_in_dim3A_1100 = vector.shape_cast %slice3A_1099 : vector<128xf32> to vector<1x128xf32>
    %add3A_1101 = vector.broadcast %reshape3A_857 : vector<256x1xf32> to vector<256x128xf32>
    %add3A_1102 = vector.broadcast %broadcast_in_dim3A_1100 : vector<1x128xf32> to vector<256x128xf32>
    %add3A_1103 = arith.addf %add3A_1101, %add3A_1102 : vector<256x128xf32>
    %add3A_1104 = arith.addf %add3A_1103, %slice3A_1098 : vector<256x128xf32>
    %lt3A_1105 = arith.cmpf olt, %add3A_1104, %select_n3A_1097 : vector<256x128xf32>
    %jit3A_1106 = arith.constant 1.800000e+01 : f32
    %broadcast_in_dim3A_1107 = vector.broadcast %jit3A_1106 : f32 to vector<256x128xf32>
    %select_n3A_1108 = arith.select %lt3A_1105, %broadcast_in_dim3A_1107, %select_n3A_1096 : vector<256x128xi1>, vector<256x128xf32>
    %select_n3A_1109 = arith.select %lt3A_1105, %add3A_1104, %select_n3A_1097 : vector<256x128xi1>, vector<256x128xf32>
    %slice3A_1110 = vector.extract_strided_slice %dot_general3A_1073 {offsets = [0, 384], sizes = [256, 128], strides = [1, 1]} : vector<256x1024xf32> to vector<256x128xf32>
    %slice3A_1111 = vector.extract_strided_slice %get3A_1071 {offsets = [384], sizes = [128], strides = [1]} : vector<1024xf32> to vector<128xf32>
    %broadcast_in_dim3A_1112 = vector.shape_cast %slice3A_1111 : vector<128xf32> to vector<1x128xf32>
    %add3A_1113 = vector.broadcast %reshape3A_857 : vector<256x1xf32> to vector<256x128xf32>
    %add3A_1114 = vector.broadcast %broadcast_in_dim3A_1112 : vector<1x128xf32> to vector<256x128xf32>
    %add3A_1115 = arith.addf %add3A_1113, %add3A_1114 : vector<256x128xf32>
    %add3A_1116 = arith.addf %add3A_1115, %slice3A_1110 : vector<256x128xf32>
    %lt3A_1117 = arith.cmpf olt, %add3A_1116, %select_n3A_1109 : vector<256x128xf32>
    %jit3A_1118 = arith.constant 1.900000e+01 : f32
    %broadcast_in_dim3A_1119 = vector.broadcast %jit3A_1118 : f32 to vector<256x128xf32>
    %select_n3A_1120 = arith.select %lt3A_1117, %broadcast_in_dim3A_1119, %select_n3A_1108 : vector<256x128xi1>, vector<256x128xf32>
    %select_n3A_1121 = arith.select %lt3A_1117, %add3A_1116, %select_n3A_1109 : vector<256x128xi1>, vector<256x128xf32>
    %slice3A_1122 = vector.extract_strided_slice %dot_general3A_1073 {offsets = [0, 512], sizes = [256, 128], strides = [1, 1]} : vector<256x1024xf32> to vector<256x128xf32>
    %slice3A_1123 = vector.extract_strided_slice %get3A_1071 {offsets = [512], sizes = [128], strides = [1]} : vector<1024xf32> to vector<128xf32>
    %broadcast_in_dim3A_1124 = vector.shape_cast %slice3A_1123 : vector<128xf32> to vector<1x128xf32>
    %add3A_1125 = vector.broadcast %reshape3A_857 : vector<256x1xf32> to vector<256x128xf32>
    %add3A_1126 = vector.broadcast %broadcast_in_dim3A_1124 : vector<1x128xf32> to vector<256x128xf32>
    %add3A_1127 = arith.addf %add3A_1125, %add3A_1126 : vector<256x128xf32>
    %add3A_1128 = arith.addf %add3A_1127, %slice3A_1122 : vector<256x128xf32>
    %lt3A_1129 = arith.cmpf olt, %add3A_1128, %select_n3A_1121 : vector<256x128xf32>
    %jit3A_1130 = arith.constant 2.000000e+01 : f32
    %broadcast_in_dim3A_1131 = vector.broadcast %jit3A_1130 : f32 to vector<256x128xf32>
    %select_n3A_1132 = arith.select %lt3A_1129, %broadcast_in_dim3A_1131, %select_n3A_1120 : vector<256x128xi1>, vector<256x128xf32>
    %select_n3A_1133 = arith.select %lt3A_1129, %add3A_1128, %select_n3A_1121 : vector<256x128xi1>, vector<256x128xf32>
    %slice3A_1134 = vector.extract_strided_slice %dot_general3A_1073 {offsets = [0, 640], sizes = [256, 128], strides = [1, 1]} : vector<256x1024xf32> to vector<256x128xf32>
    %slice3A_1135 = vector.extract_strided_slice %get3A_1071 {offsets = [640], sizes = [128], strides = [1]} : vector<1024xf32> to vector<128xf32>
    %broadcast_in_dim3A_1136 = vector.shape_cast %slice3A_1135 : vector<128xf32> to vector<1x128xf32>
    %add3A_1137 = vector.broadcast %reshape3A_857 : vector<256x1xf32> to vector<256x128xf32>
    %add3A_1138 = vector.broadcast %broadcast_in_dim3A_1136 : vector<1x128xf32> to vector<256x128xf32>
    %add3A_1139 = arith.addf %add3A_1137, %add3A_1138 : vector<256x128xf32>
    %add3A_1140 = arith.addf %add3A_1139, %slice3A_1134 : vector<256x128xf32>
    %lt3A_1141 = arith.cmpf olt, %add3A_1140, %select_n3A_1133 : vector<256x128xf32>
    %jit3A_1142 = arith.constant 2.100000e+01 : f32
    %broadcast_in_dim3A_1143 = vector.broadcast %jit3A_1142 : f32 to vector<256x128xf32>
    %select_n3A_1144 = arith.select %lt3A_1141, %broadcast_in_dim3A_1143, %select_n3A_1132 : vector<256x128xi1>, vector<256x128xf32>
    %select_n3A_1145 = arith.select %lt3A_1141, %add3A_1140, %select_n3A_1133 : vector<256x128xi1>, vector<256x128xf32>
    %slice3A_1146 = vector.extract_strided_slice %dot_general3A_1073 {offsets = [0, 768], sizes = [256, 128], strides = [1, 1]} : vector<256x1024xf32> to vector<256x128xf32>
    %slice3A_1147 = vector.extract_strided_slice %get3A_1071 {offsets = [768], sizes = [128], strides = [1]} : vector<1024xf32> to vector<128xf32>
    %broadcast_in_dim3A_1148 = vector.shape_cast %slice3A_1147 : vector<128xf32> to vector<1x128xf32>
    %add3A_1149 = vector.broadcast %reshape3A_857 : vector<256x1xf32> to vector<256x128xf32>
    %add3A_1150 = vector.broadcast %broadcast_in_dim3A_1148 : vector<1x128xf32> to vector<256x128xf32>
    %add3A_1151 = arith.addf %add3A_1149, %add3A_1150 : vector<256x128xf32>
    %add3A_1152 = arith.addf %add3A_1151, %slice3A_1146 : vector<256x128xf32>
    %lt3A_1153 = arith.cmpf olt, %add3A_1152, %select_n3A_1145 : vector<256x128xf32>
    %jit3A_1154 = arith.constant 2.200000e+01 : f32
    %broadcast_in_dim3A_1155 = vector.broadcast %jit3A_1154 : f32 to vector<256x128xf32>
    %select_n3A_1156 = arith.select %lt3A_1153, %broadcast_in_dim3A_1155, %select_n3A_1144 : vector<256x128xi1>, vector<256x128xf32>
    %select_n3A_1157 = arith.select %lt3A_1153, %add3A_1152, %select_n3A_1145 : vector<256x128xi1>, vector<256x128xf32>
    %slice3A_1158 = vector.extract_strided_slice %dot_general3A_1073 {offsets = [0, 896], sizes = [256, 128], strides = [1, 1]} : vector<256x1024xf32> to vector<256x128xf32>
    %slice3A_1159 = vector.extract_strided_slice %get3A_1071 {offsets = [896], sizes = [128], strides = [1]} : vector<1024xf32> to vector<128xf32>
    %broadcast_in_dim3A_1160 = vector.shape_cast %slice3A_1159 : vector<128xf32> to vector<1x128xf32>
    %add3A_1161 = vector.broadcast %reshape3A_857 : vector<256x1xf32> to vector<256x128xf32>
    %add3A_1162 = vector.broadcast %broadcast_in_dim3A_1160 : vector<1x128xf32> to vector<256x128xf32>
    %add3A_1163 = arith.addf %add3A_1161, %add3A_1162 : vector<256x128xf32>
    %add3A_1164 = arith.addf %add3A_1163, %slice3A_1158 : vector<256x128xf32>
    %lt3A_1165 = arith.cmpf olt, %add3A_1164, %select_n3A_1157 : vector<256x128xf32>
    %jit3A_1166 = arith.constant 2.300000e+01 : f32
    %broadcast_in_dim3A_1167 = vector.broadcast %jit3A_1166 : f32 to vector<256x128xf32>
    %select_n3A_1168 = arith.select %lt3A_1165, %broadcast_in_dim3A_1167, %select_n3A_1156 : vector<256x128xi1>, vector<256x128xf32>
    %select_n3A_1169 = arith.select %lt3A_1165, %add3A_1164, %select_n3A_1157 : vector<256x128xi1>, vector<256x128xf32>
    %get3A_1170 = arith.constant 3072 : index
    %get3A_1171 = arith.constant 0 : index
    %get3A_1172 = vector.load %arg2[%get3A_1170, %get3A_1171] : memref<8192x256xf32, #tpu.memory_space<vmem>>, vector<1024x256xf32>
    %get3A_1173 = arith.constant 3 : index
    %get3A_1174 = arith.constant 0 : index
    %get3A_1175 = vector.load %arg3[%get3A_1173, %get3A_1174] : memref<8x1024xf32, #tpu.memory_space<vmem>>, vector<1x1024xf32>
    %get3A_1176 = vector.shape_cast %get3A_1175 : vector<1x1024xf32> to vector<1024xf32>
    %dot_general3A_1177 = arith.constant dense<0.000000e+00> : vector<256x1024xf32>
    %dot_general3A_1178 = tpu.matmul %slice3A_853, %get3A_1172, %dot_general3A_1177 {dimension_numbers = #tpu.dot_dimension_numbers<[0], [1], [1], [0], [0, 1, 1, 0], [], []>, transpose_lhs_hint = false} : vector<256x256xf32>, vector<1024x256xf32>, vector<256x1024xf32> -> vector<256x1024xf32>
    %slice3A_1179 = vector.extract_strided_slice %dot_general3A_1178 {offsets = [0, 0], sizes = [256, 128], strides = [1, 1]} : vector<256x1024xf32> to vector<256x128xf32>
    %slice3A_1180 = vector.extract_strided_slice %get3A_1176 {offsets = [0], sizes = [128], strides = [1]} : vector<1024xf32> to vector<128xf32>
    %broadcast_in_dim3A_1181 = vector.shape_cast %slice3A_1180 : vector<128xf32> to vector<1x128xf32>
    %add3A_1182 = vector.broadcast %reshape3A_857 : vector<256x1xf32> to vector<256x128xf32>
    %add3A_1183 = vector.broadcast %broadcast_in_dim3A_1181 : vector<1x128xf32> to vector<256x128xf32>
    %add3A_1184 = arith.addf %add3A_1182, %add3A_1183 : vector<256x128xf32>
    %add3A_1185 = arith.addf %add3A_1184, %slice3A_1179 : vector<256x128xf32>
    %lt3A_1186 = arith.cmpf olt, %add3A_1185, %select_n3A_1169 : vector<256x128xf32>
    %jit3A_1187 = arith.constant 2.400000e+01 : f32
    %broadcast_in_dim3A_1188 = vector.broadcast %jit3A_1187 : f32 to vector<256x128xf32>
    %select_n3A_1189 = arith.select %lt3A_1186, %broadcast_in_dim3A_1188, %select_n3A_1168 : vector<256x128xi1>, vector<256x128xf32>
    %select_n3A_1190 = arith.select %lt3A_1186, %add3A_1185, %select_n3A_1169 : vector<256x128xi1>, vector<256x128xf32>
    %slice3A_1191 = vector.extract_strided_slice %dot_general3A_1178 {offsets = [0, 128], sizes = [256, 128], strides = [1, 1]} : vector<256x1024xf32> to vector<256x128xf32>
    %slice3A_1192 = vector.extract_strided_slice %get3A_1176 {offsets = [128], sizes = [128], strides = [1]} : vector<1024xf32> to vector<128xf32>
    %broadcast_in_dim3A_1193 = vector.shape_cast %slice3A_1192 : vector<128xf32> to vector<1x128xf32>
    %add3A_1194 = vector.broadcast %reshape3A_857 : vector<256x1xf32> to vector<256x128xf32>
    %add3A_1195 = vector.broadcast %broadcast_in_dim3A_1193 : vector<1x128xf32> to vector<256x128xf32>
    %add3A_1196 = arith.addf %add3A_1194, %add3A_1195 : vector<256x128xf32>
    %add3A_1197 = arith.addf %add3A_1196, %slice3A_1191 : vector<256x128xf32>
    %lt3A_1198 = arith.cmpf olt, %add3A_1197, %select_n3A_1190 : vector<256x128xf32>
    %jit3A_1199 = arith.constant 2.500000e+01 : f32
    %broadcast_in_dim3A_1200 = vector.broadcast %jit3A_1199 : f32 to vector<256x128xf32>
    %select_n3A_1201 = arith.select %lt3A_1198, %broadcast_in_dim3A_1200, %select_n3A_1189 : vector<256x128xi1>, vector<256x128xf32>
    %select_n3A_1202 = arith.select %lt3A_1198, %add3A_1197, %select_n3A_1190 : vector<256x128xi1>, vector<256x128xf32>
    %slice3A_1203 = vector.extract_strided_slice %dot_general3A_1178 {offsets = [0, 256], sizes = [256, 128], strides = [1, 1]} : vector<256x1024xf32> to vector<256x128xf32>
    %slice3A_1204 = vector.extract_strided_slice %get3A_1176 {offsets = [256], sizes = [128], strides = [1]} : vector<1024xf32> to vector<128xf32>
    %broadcast_in_dim3A_1205 = vector.shape_cast %slice3A_1204 : vector<128xf32> to vector<1x128xf32>
    %add3A_1206 = vector.broadcast %reshape3A_857 : vector<256x1xf32> to vector<256x128xf32>
    %add3A_1207 = vector.broadcast %broadcast_in_dim3A_1205 : vector<1x128xf32> to vector<256x128xf32>
    %add3A_1208 = arith.addf %add3A_1206, %add3A_1207 : vector<256x128xf32>
    %add3A_1209 = arith.addf %add3A_1208, %slice3A_1203 : vector<256x128xf32>
    %lt3A_1210 = arith.cmpf olt, %add3A_1209, %select_n3A_1202 : vector<256x128xf32>
    %jit3A_1211 = arith.constant 2.600000e+01 : f32
    %broadcast_in_dim3A_1212 = vector.broadcast %jit3A_1211 : f32 to vector<256x128xf32>
    %select_n3A_1213 = arith.select %lt3A_1210, %broadcast_in_dim3A_1212, %select_n3A_1201 : vector<256x128xi1>, vector<256x128xf32>
    %select_n3A_1214 = arith.select %lt3A_1210, %add3A_1209, %select_n3A_1202 : vector<256x128xi1>, vector<256x128xf32>
    %slice3A_1215 = vector.extract_strided_slice %dot_general3A_1178 {offsets = [0, 384], sizes = [256, 128], strides = [1, 1]} : vector<256x1024xf32> to vector<256x128xf32>
    %slice3A_1216 = vector.extract_strided_slice %get3A_1176 {offsets = [384], sizes = [128], strides = [1]} : vector<1024xf32> to vector<128xf32>
    %broadcast_in_dim3A_1217 = vector.shape_cast %slice3A_1216 : vector<128xf32> to vector<1x128xf32>
    %add3A_1218 = vector.broadcast %reshape3A_857 : vector<256x1xf32> to vector<256x128xf32>
    %add3A_1219 = vector.broadcast %broadcast_in_dim3A_1217 : vector<1x128xf32> to vector<256x128xf32>
    %add3A_1220 = arith.addf %add3A_1218, %add3A_1219 : vector<256x128xf32>
    %add3A_1221 = arith.addf %add3A_1220, %slice3A_1215 : vector<256x128xf32>
    %lt3A_1222 = arith.cmpf olt, %add3A_1221, %select_n3A_1214 : vector<256x128xf32>
    %jit3A_1223 = arith.constant 2.700000e+01 : f32
    %broadcast_in_dim3A_1224 = vector.broadcast %jit3A_1223 : f32 to vector<256x128xf32>
    %select_n3A_1225 = arith.select %lt3A_1222, %broadcast_in_dim3A_1224, %select_n3A_1213 : vector<256x128xi1>, vector<256x128xf32>
    %select_n3A_1226 = arith.select %lt3A_1222, %add3A_1221, %select_n3A_1214 : vector<256x128xi1>, vector<256x128xf32>
    %slice3A_1227 = vector.extract_strided_slice %dot_general3A_1178 {offsets = [0, 512], sizes = [256, 128], strides = [1, 1]} : vector<256x1024xf32> to vector<256x128xf32>
    %slice3A_1228 = vector.extract_strided_slice %get3A_1176 {offsets = [512], sizes = [128], strides = [1]} : vector<1024xf32> to vector<128xf32>
    %broadcast_in_dim3A_1229 = vector.shape_cast %slice3A_1228 : vector<128xf32> to vector<1x128xf32>
    %add3A_1230 = vector.broadcast %reshape3A_857 : vector<256x1xf32> to vector<256x128xf32>
    %add3A_1231 = vector.broadcast %broadcast_in_dim3A_1229 : vector<1x128xf32> to vector<256x128xf32>
    %add3A_1232 = arith.addf %add3A_1230, %add3A_1231 : vector<256x128xf32>
    %add3A_1233 = arith.addf %add3A_1232, %slice3A_1227 : vector<256x128xf32>
    %lt3A_1234 = arith.cmpf olt, %add3A_1233, %select_n3A_1226 : vector<256x128xf32>
    %jit3A_1235 = arith.constant 2.800000e+01 : f32
    %broadcast_in_dim3A_1236 = vector.broadcast %jit3A_1235 : f32 to vector<256x128xf32>
    %select_n3A_1237 = arith.select %lt3A_1234, %broadcast_in_dim3A_1236, %select_n3A_1225 : vector<256x128xi1>, vector<256x128xf32>
    %select_n3A_1238 = arith.select %lt3A_1234, %add3A_1233, %select_n3A_1226 : vector<256x128xi1>, vector<256x128xf32>
    %slice3A_1239 = vector.extract_strided_slice %dot_general3A_1178 {offsets = [0, 640], sizes = [256, 128], strides = [1, 1]} : vector<256x1024xf32> to vector<256x128xf32>
    %slice3A_1240 = vector.extract_strided_slice %get3A_1176 {offsets = [640], sizes = [128], strides = [1]} : vector<1024xf32> to vector<128xf32>
    %broadcast_in_dim3A_1241 = vector.shape_cast %slice3A_1240 : vector<128xf32> to vector<1x128xf32>
    %add3A_1242 = vector.broadcast %reshape3A_857 : vector<256x1xf32> to vector<256x128xf32>
    %add3A_1243 = vector.broadcast %broadcast_in_dim3A_1241 : vector<1x128xf32> to vector<256x128xf32>
    %add3A_1244 = arith.addf %add3A_1242, %add3A_1243 : vector<256x128xf32>
    %add3A_1245 = arith.addf %add3A_1244, %slice3A_1239 : vector<256x128xf32>
    %lt3A_1246 = arith.cmpf olt, %add3A_1245, %select_n3A_1238 : vector<256x128xf32>
    %jit3A_1247 = arith.constant 2.900000e+01 : f32
    %broadcast_in_dim3A_1248 = vector.broadcast %jit3A_1247 : f32 to vector<256x128xf32>
    %select_n3A_1249 = arith.select %lt3A_1246, %broadcast_in_dim3A_1248, %select_n3A_1237 : vector<256x128xi1>, vector<256x128xf32>
    %select_n3A_1250 = arith.select %lt3A_1246, %add3A_1245, %select_n3A_1238 : vector<256x128xi1>, vector<256x128xf32>
    %slice3A_1251 = vector.extract_strided_slice %dot_general3A_1178 {offsets = [0, 768], sizes = [256, 128], strides = [1, 1]} : vector<256x1024xf32> to vector<256x128xf32>
    %slice3A_1252 = vector.extract_strided_slice %get3A_1176 {offsets = [768], sizes = [128], strides = [1]} : vector<1024xf32> to vector<128xf32>
    %broadcast_in_dim3A_1253 = vector.shape_cast %slice3A_1252 : vector<128xf32> to vector<1x128xf32>
    %add3A_1254 = vector.broadcast %reshape3A_857 : vector<256x1xf32> to vector<256x128xf32>
    %add3A_1255 = vector.broadcast %broadcast_in_dim3A_1253 : vector<1x128xf32> to vector<256x128xf32>
    %add3A_1256 = arith.addf %add3A_1254, %add3A_1255 : vector<256x128xf32>
    %add3A_1257 = arith.addf %add3A_1256, %slice3A_1251 : vector<256x128xf32>
    %lt3A_1258 = arith.cmpf olt, %add3A_1257, %select_n3A_1250 : vector<256x128xf32>
    %jit3A_1259 = arith.constant 3.000000e+01 : f32
    %broadcast_in_dim3A_1260 = vector.broadcast %jit3A_1259 : f32 to vector<256x128xf32>
    %select_n3A_1261 = arith.select %lt3A_1258, %broadcast_in_dim3A_1260, %select_n3A_1249 : vector<256x128xi1>, vector<256x128xf32>
    %select_n3A_1262 = arith.select %lt3A_1258, %add3A_1257, %select_n3A_1250 : vector<256x128xi1>, vector<256x128xf32>
    %slice3A_1263 = vector.extract_strided_slice %dot_general3A_1178 {offsets = [0, 896], sizes = [256, 128], strides = [1, 1]} : vector<256x1024xf32> to vector<256x128xf32>
    %slice3A_1264 = vector.extract_strided_slice %get3A_1176 {offsets = [896], sizes = [128], strides = [1]} : vector<1024xf32> to vector<128xf32>
    %broadcast_in_dim3A_1265 = vector.shape_cast %slice3A_1264 : vector<128xf32> to vector<1x128xf32>
    %add3A_1266 = vector.broadcast %reshape3A_857 : vector<256x1xf32> to vector<256x128xf32>
    %add3A_1267 = vector.broadcast %broadcast_in_dim3A_1265 : vector<1x128xf32> to vector<256x128xf32>
    %add3A_1268 = arith.addf %add3A_1266, %add3A_1267 : vector<256x128xf32>
    %add3A_1269 = arith.addf %add3A_1268, %slice3A_1263 : vector<256x128xf32>
    %lt3A_1270 = arith.cmpf olt, %add3A_1269, %select_n3A_1262 : vector<256x128xf32>
    %jit3A_1271 = arith.constant 3.100000e+01 : f32
    %broadcast_in_dim3A_1272 = vector.broadcast %jit3A_1271 : f32 to vector<256x128xf32>
    %select_n3A_1273 = arith.select %lt3A_1270, %broadcast_in_dim3A_1272, %select_n3A_1261 : vector<256x128xi1>, vector<256x128xf32>
    %select_n3A_1274 = arith.select %lt3A_1270, %add3A_1269, %select_n3A_1262 : vector<256x128xi1>, vector<256x128xf32>
    %get3A_1275 = arith.constant 4096 : index
    %get3A_1276 = arith.constant 0 : index
    %get3A_1277 = vector.load %arg2[%get3A_1275, %get3A_1276] : memref<8192x256xf32, #tpu.memory_space<vmem>>, vector<1024x256xf32>
    %get3A_1278 = arith.constant 4 : index
    %get3A_1279 = arith.constant 0 : index
    %get3A_1280 = vector.load %arg3[%get3A_1278, %get3A_1279] : memref<8x1024xf32, #tpu.memory_space<vmem>>, vector<1x1024xf32>
    %get3A_1281 = vector.shape_cast %get3A_1280 : vector<1x1024xf32> to vector<1024xf32>
    %dot_general3A_1282 = arith.constant dense<0.000000e+00> : vector<256x1024xf32>
    %dot_general3A_1283 = tpu.matmul %slice3A_853, %get3A_1277, %dot_general3A_1282 {dimension_numbers = #tpu.dot_dimension_numbers<[0], [1], [1], [0], [0, 1, 1, 0], [], []>, transpose_lhs_hint = false} : vector<256x256xf32>, vector<1024x256xf32>, vector<256x1024xf32> -> vector<256x1024xf32>
    %slice3A_1284 = vector.extract_strided_slice %dot_general3A_1283 {offsets = [0, 0], sizes = [256, 128], strides = [1, 1]} : vector<256x1024xf32> to vector<256x128xf32>
    %slice3A_1285 = vector.extract_strided_slice %get3A_1281 {offsets = [0], sizes = [128], strides = [1]} : vector<1024xf32> to vector<128xf32>
    %broadcast_in_dim3A_1286 = vector.shape_cast %slice3A_1285 : vector<128xf32> to vector<1x128xf32>
    %add3A_1287 = vector.broadcast %reshape3A_857 : vector<256x1xf32> to vector<256x128xf32>
    %add3A_1288 = vector.broadcast %broadcast_in_dim3A_1286 : vector<1x128xf32> to vector<256x128xf32>
    %add3A_1289 = arith.addf %add3A_1287, %add3A_1288 : vector<256x128xf32>
    %add3A_1290 = arith.addf %add3A_1289, %slice3A_1284 : vector<256x128xf32>
    %lt3A_1291 = arith.cmpf olt, %add3A_1290, %select_n3A_1274 : vector<256x128xf32>
    %jit3A_1292 = arith.constant 3.200000e+01 : f32
    %broadcast_in_dim3A_1293 = vector.broadcast %jit3A_1292 : f32 to vector<256x128xf32>
    %select_n3A_1294 = arith.select %lt3A_1291, %broadcast_in_dim3A_1293, %select_n3A_1273 : vector<256x128xi1>, vector<256x128xf32>
    %select_n3A_1295 = arith.select %lt3A_1291, %add3A_1290, %select_n3A_1274 : vector<256x128xi1>, vector<256x128xf32>
    %slice3A_1296 = vector.extract_strided_slice %dot_general3A_1283 {offsets = [0, 128], sizes = [256, 128], strides = [1, 1]} : vector<256x1024xf32> to vector<256x128xf32>
    %slice3A_1297 = vector.extract_strided_slice %get3A_1281 {offsets = [128], sizes = [128], strides = [1]} : vector<1024xf32> to vector<128xf32>
    %broadcast_in_dim3A_1298 = vector.shape_cast %slice3A_1297 : vector<128xf32> to vector<1x128xf32>
    %add3A_1299 = vector.broadcast %reshape3A_857 : vector<256x1xf32> to vector<256x128xf32>
    %add3A_1300 = vector.broadcast %broadcast_in_dim3A_1298 : vector<1x128xf32> to vector<256x128xf32>
    %add3A_1301 = arith.addf %add3A_1299, %add3A_1300 : vector<256x128xf32>
    %add3A_1302 = arith.addf %add3A_1301, %slice3A_1296 : vector<256x128xf32>
    %lt3A_1303 = arith.cmpf olt, %add3A_1302, %select_n3A_1295 : vector<256x128xf32>
    %jit3A_1304 = arith.constant 3.300000e+01 : f32
    %broadcast_in_dim3A_1305 = vector.broadcast %jit3A_1304 : f32 to vector<256x128xf32>
    %select_n3A_1306 = arith.select %lt3A_1303, %broadcast_in_dim3A_1305, %select_n3A_1294 : vector<256x128xi1>, vector<256x128xf32>
    %select_n3A_1307 = arith.select %lt3A_1303, %add3A_1302, %select_n3A_1295 : vector<256x128xi1>, vector<256x128xf32>
    %slice3A_1308 = vector.extract_strided_slice %dot_general3A_1283 {offsets = [0, 256], sizes = [256, 128], strides = [1, 1]} : vector<256x1024xf32> to vector<256x128xf32>
    %slice3A_1309 = vector.extract_strided_slice %get3A_1281 {offsets = [256], sizes = [128], strides = [1]} : vector<1024xf32> to vector<128xf32>
    %broadcast_in_dim3A_1310 = vector.shape_cast %slice3A_1309 : vector<128xf32> to vector<1x128xf32>
    %add3A_1311 = vector.broadcast %reshape3A_857 : vector<256x1xf32> to vector<256x128xf32>
    %add3A_1312 = vector.broadcast %broadcast_in_dim3A_1310 : vector<1x128xf32> to vector<256x128xf32>
    %add3A_1313 = arith.addf %add3A_1311, %add3A_1312 : vector<256x128xf32>
    %add3A_1314 = arith.addf %add3A_1313, %slice3A_1308 : vector<256x128xf32>
    %lt3A_1315 = arith.cmpf olt, %add3A_1314, %select_n3A_1307 : vector<256x128xf32>
    %jit3A_1316 = arith.constant 3.400000e+01 : f32
    %broadcast_in_dim3A_1317 = vector.broadcast %jit3A_1316 : f32 to vector<256x128xf32>
    %select_n3A_1318 = arith.select %lt3A_1315, %broadcast_in_dim3A_1317, %select_n3A_1306 : vector<256x128xi1>, vector<256x128xf32>
    %select_n3A_1319 = arith.select %lt3A_1315, %add3A_1314, %select_n3A_1307 : vector<256x128xi1>, vector<256x128xf32>
    %slice3A_1320 = vector.extract_strided_slice %dot_general3A_1283 {offsets = [0, 384], sizes = [256, 128], strides = [1, 1]} : vector<256x1024xf32> to vector<256x128xf32>
    %slice3A_1321 = vector.extract_strided_slice %get3A_1281 {offsets = [384], sizes = [128], strides = [1]} : vector<1024xf32> to vector<128xf32>
    %broadcast_in_dim3A_1322 = vector.shape_cast %slice3A_1321 : vector<128xf32> to vector<1x128xf32>
    %add3A_1323 = vector.broadcast %reshape3A_857 : vector<256x1xf32> to vector<256x128xf32>
    %add3A_1324 = vector.broadcast %broadcast_in_dim3A_1322 : vector<1x128xf32> to vector<256x128xf32>
    %add3A_1325 = arith.addf %add3A_1323, %add3A_1324 : vector<256x128xf32>
    %add3A_1326 = arith.addf %add3A_1325, %slice3A_1320 : vector<256x128xf32>
    %lt3A_1327 = arith.cmpf olt, %add3A_1326, %select_n3A_1319 : vector<256x128xf32>
    %jit3A_1328 = arith.constant 3.500000e+01 : f32
    %broadcast_in_dim3A_1329 = vector.broadcast %jit3A_1328 : f32 to vector<256x128xf32>
    %select_n3A_1330 = arith.select %lt3A_1327, %broadcast_in_dim3A_1329, %select_n3A_1318 : vector<256x128xi1>, vector<256x128xf32>
    %select_n3A_1331 = arith.select %lt3A_1327, %add3A_1326, %select_n3A_1319 : vector<256x128xi1>, vector<256x128xf32>
    %slice3A_1332 = vector.extract_strided_slice %dot_general3A_1283 {offsets = [0, 512], sizes = [256, 128], strides = [1, 1]} : vector<256x1024xf32> to vector<256x128xf32>
    %slice3A_1333 = vector.extract_strided_slice %get3A_1281 {offsets = [512], sizes = [128], strides = [1]} : vector<1024xf32> to vector<128xf32>
    %broadcast_in_dim3A_1334 = vector.shape_cast %slice3A_1333 : vector<128xf32> to vector<1x128xf32>
    %add3A_1335 = vector.broadcast %reshape3A_857 : vector<256x1xf32> to vector<256x128xf32>
    %add3A_1336 = vector.broadcast %broadcast_in_dim3A_1334 : vector<1x128xf32> to vector<256x128xf32>
    %add3A_1337 = arith.addf %add3A_1335, %add3A_1336 : vector<256x128xf32>
    %add3A_1338 = arith.addf %add3A_1337, %slice3A_1332 : vector<256x128xf32>
    %lt3A_1339 = arith.cmpf olt, %add3A_1338, %select_n3A_1331 : vector<256x128xf32>
    %jit3A_1340 = arith.constant 3.600000e+01 : f32
    %broadcast_in_dim3A_1341 = vector.broadcast %jit3A_1340 : f32 to vector<256x128xf32>
    %select_n3A_1342 = arith.select %lt3A_1339, %broadcast_in_dim3A_1341, %select_n3A_1330 : vector<256x128xi1>, vector<256x128xf32>
    %select_n3A_1343 = arith.select %lt3A_1339, %add3A_1338, %select_n3A_1331 : vector<256x128xi1>, vector<256x128xf32>
    %slice3A_1344 = vector.extract_strided_slice %dot_general3A_1283 {offsets = [0, 640], sizes = [256, 128], strides = [1, 1]} : vector<256x1024xf32> to vector<256x128xf32>
    %slice3A_1345 = vector.extract_strided_slice %get3A_1281 {offsets = [640], sizes = [128], strides = [1]} : vector<1024xf32> to vector<128xf32>
    %broadcast_in_dim3A_1346 = vector.shape_cast %slice3A_1345 : vector<128xf32> to vector<1x128xf32>
    %add3A_1347 = vector.broadcast %reshape3A_857 : vector<256x1xf32> to vector<256x128xf32>
    %add3A_1348 = vector.broadcast %broadcast_in_dim3A_1346 : vector<1x128xf32> to vector<256x128xf32>
    %add3A_1349 = arith.addf %add3A_1347, %add3A_1348 : vector<256x128xf32>
    %add3A_1350 = arith.addf %add3A_1349, %slice3A_1344 : vector<256x128xf32>
    %lt3A_1351 = arith.cmpf olt, %add3A_1350, %select_n3A_1343 : vector<256x128xf32>
    %jit3A_1352 = arith.constant 3.700000e+01 : f32
    %broadcast_in_dim3A_1353 = vector.broadcast %jit3A_1352 : f32 to vector<256x128xf32>
    %select_n3A_1354 = arith.select %lt3A_1351, %broadcast_in_dim3A_1353, %select_n3A_1342 : vector<256x128xi1>, vector<256x128xf32>
    %select_n3A_1355 = arith.select %lt3A_1351, %add3A_1350, %select_n3A_1343 : vector<256x128xi1>, vector<256x128xf32>
    %slice3A_1356 = vector.extract_strided_slice %dot_general3A_1283 {offsets = [0, 768], sizes = [256, 128], strides = [1, 1]} : vector<256x1024xf32> to vector<256x128xf32>
    %slice3A_1357 = vector.extract_strided_slice %get3A_1281 {offsets = [768], sizes = [128], strides = [1]} : vector<1024xf32> to vector<128xf32>
    %broadcast_in_dim3A_1358 = vector.shape_cast %slice3A_1357 : vector<128xf32> to vector<1x128xf32>
    %add3A_1359 = vector.broadcast %reshape3A_857 : vector<256x1xf32> to vector<256x128xf32>
    %add3A_1360 = vector.broadcast %broadcast_in_dim3A_1358 : vector<1x128xf32> to vector<256x128xf32>
    %add3A_1361 = arith.addf %add3A_1359, %add3A_1360 : vector<256x128xf32>
    %add3A_1362 = arith.addf %add3A_1361, %slice3A_1356 : vector<256x128xf32>
    %lt3A_1363 = arith.cmpf olt, %add3A_1362, %select_n3A_1355 : vector<256x128xf32>
    %jit3A_1364 = arith.constant 3.800000e+01 : f32
    %broadcast_in_dim3A_1365 = vector.broadcast %jit3A_1364 : f32 to vector<256x128xf32>
    %select_n3A_1366 = arith.select %lt3A_1363, %broadcast_in_dim3A_1365, %select_n3A_1354 : vector<256x128xi1>, vector<256x128xf32>
    %select_n3A_1367 = arith.select %lt3A_1363, %add3A_1362, %select_n3A_1355 : vector<256x128xi1>, vector<256x128xf32>
    %slice3A_1368 = vector.extract_strided_slice %dot_general3A_1283 {offsets = [0, 896], sizes = [256, 128], strides = [1, 1]} : vector<256x1024xf32> to vector<256x128xf32>
    %slice3A_1369 = vector.extract_strided_slice %get3A_1281 {offsets = [896], sizes = [128], strides = [1]} : vector<1024xf32> to vector<128xf32>
    %broadcast_in_dim3A_1370 = vector.shape_cast %slice3A_1369 : vector<128xf32> to vector<1x128xf32>
    %add3A_1371 = vector.broadcast %reshape3A_857 : vector<256x1xf32> to vector<256x128xf32>
    %add3A_1372 = vector.broadcast %broadcast_in_dim3A_1370 : vector<1x128xf32> to vector<256x128xf32>
    %add3A_1373 = arith.addf %add3A_1371, %add3A_1372 : vector<256x128xf32>
    %add3A_1374 = arith.addf %add3A_1373, %slice3A_1368 : vector<256x128xf32>
    %lt3A_1375 = arith.cmpf olt, %add3A_1374, %select_n3A_1367 : vector<256x128xf32>
    %jit3A_1376 = arith.constant 3.900000e+01 : f32
    %broadcast_in_dim3A_1377 = vector.broadcast %jit3A_1376 : f32 to vector<256x128xf32>
    %select_n3A_1378 = arith.select %lt3A_1375, %broadcast_in_dim3A_1377, %select_n3A_1366 : vector<256x128xi1>, vector<256x128xf32>
    %select_n3A_1379 = arith.select %lt3A_1375, %add3A_1374, %select_n3A_1367 : vector<256x128xi1>, vector<256x128xf32>
    %get3A_1380 = arith.constant 5120 : index
    %get3A_1381 = arith.constant 0 : index
    %get3A_1382 = vector.load %arg2[%get3A_1380, %get3A_1381] : memref<8192x256xf32, #tpu.memory_space<vmem>>, vector<1024x256xf32>
    %get3A_1383 = arith.constant 5 : index
    %get3A_1384 = arith.constant 0 : index
    %get3A_1385 = vector.load %arg3[%get3A_1383, %get3A_1384] : memref<8x1024xf32, #tpu.memory_space<vmem>>, vector<1x1024xf32>
    %get3A_1386 = vector.shape_cast %get3A_1385 : vector<1x1024xf32> to vector<1024xf32>
    %dot_general3A_1387 = arith.constant dense<0.000000e+00> : vector<256x1024xf32>
    %dot_general3A_1388 = tpu.matmul %slice3A_853, %get3A_1382, %dot_general3A_1387 {dimension_numbers = #tpu.dot_dimension_numbers<[0], [1], [1], [0], [0, 1, 1, 0], [], []>, transpose_lhs_hint = false} : vector<256x256xf32>, vector<1024x256xf32>, vector<256x1024xf32> -> vector<256x1024xf32>
    %slice3A_1389 = vector.extract_strided_slice %dot_general3A_1388 {offsets = [0, 0], sizes = [256, 128], strides = [1, 1]} : vector<256x1024xf32> to vector<256x128xf32>
    %slice3A_1390 = vector.extract_strided_slice %get3A_1386 {offsets = [0], sizes = [128], strides = [1]} : vector<1024xf32> to vector<128xf32>
    %broadcast_in_dim3A_1391 = vector.shape_cast %slice3A_1390 : vector<128xf32> to vector<1x128xf32>
    %add3A_1392 = vector.broadcast %reshape3A_857 : vector<256x1xf32> to vector<256x128xf32>
    %add3A_1393 = vector.broadcast %broadcast_in_dim3A_1391 : vector<1x128xf32> to vector<256x128xf32>
    %add3A_1394 = arith.addf %add3A_1392, %add3A_1393 : vector<256x128xf32>
    %add3A_1395 = arith.addf %add3A_1394, %slice3A_1389 : vector<256x128xf32>
    %lt3A_1396 = arith.cmpf olt, %add3A_1395, %select_n3A_1379 : vector<256x128xf32>
    %jit3A_1397 = arith.constant 4.000000e+01 : f32
    %broadcast_in_dim3A_1398 = vector.broadcast %jit3A_1397 : f32 to vector<256x128xf32>
    %select_n3A_1399 = arith.select %lt3A_1396, %broadcast_in_dim3A_1398, %select_n3A_1378 : vector<256x128xi1>, vector<256x128xf32>
    %select_n3A_1400 = arith.select %lt3A_1396, %add3A_1395, %select_n3A_1379 : vector<256x128xi1>, vector<256x128xf32>
    %slice3A_1401 = vector.extract_strided_slice %dot_general3A_1388 {offsets = [0, 128], sizes = [256, 128], strides = [1, 1]} : vector<256x1024xf32> to vector<256x128xf32>
    %slice3A_1402 = vector.extract_strided_slice %get3A_1386 {offsets = [128], sizes = [128], strides = [1]} : vector<1024xf32> to vector<128xf32>
    %broadcast_in_dim3A_1403 = vector.shape_cast %slice3A_1402 : vector<128xf32> to vector<1x128xf32>
    %add3A_1404 = vector.broadcast %reshape3A_857 : vector<256x1xf32> to vector<256x128xf32>
    %add3A_1405 = vector.broadcast %broadcast_in_dim3A_1403 : vector<1x128xf32> to vector<256x128xf32>
    %add3A_1406 = arith.addf %add3A_1404, %add3A_1405 : vector<256x128xf32>
    %add3A_1407 = arith.addf %add3A_1406, %slice3A_1401 : vector<256x128xf32>
    %lt3A_1408 = arith.cmpf olt, %add3A_1407, %select_n3A_1400 : vector<256x128xf32>
    %jit3A_1409 = arith.constant 4.100000e+01 : f32
    %broadcast_in_dim3A_1410 = vector.broadcast %jit3A_1409 : f32 to vector<256x128xf32>
    %select_n3A_1411 = arith.select %lt3A_1408, %broadcast_in_dim3A_1410, %select_n3A_1399 : vector<256x128xi1>, vector<256x128xf32>
    %select_n3A_1412 = arith.select %lt3A_1408, %add3A_1407, %select_n3A_1400 : vector<256x128xi1>, vector<256x128xf32>
    %slice3A_1413 = vector.extract_strided_slice %dot_general3A_1388 {offsets = [0, 256], sizes = [256, 128], strides = [1, 1]} : vector<256x1024xf32> to vector<256x128xf32>
    %slice3A_1414 = vector.extract_strided_slice %get3A_1386 {offsets = [256], sizes = [128], strides = [1]} : vector<1024xf32> to vector<128xf32>
    %broadcast_in_dim3A_1415 = vector.shape_cast %slice3A_1414 : vector<128xf32> to vector<1x128xf32>
    %add3A_1416 = vector.broadcast %reshape3A_857 : vector<256x1xf32> to vector<256x128xf32>
    %add3A_1417 = vector.broadcast %broadcast_in_dim3A_1415 : vector<1x128xf32> to vector<256x128xf32>
    %add3A_1418 = arith.addf %add3A_1416, %add3A_1417 : vector<256x128xf32>
    %add3A_1419 = arith.addf %add3A_1418, %slice3A_1413 : vector<256x128xf32>
    %lt3A_1420 = arith.cmpf olt, %add3A_1419, %select_n3A_1412 : vector<256x128xf32>
    %jit3A_1421 = arith.constant 4.200000e+01 : f32
    %broadcast_in_dim3A_1422 = vector.broadcast %jit3A_1421 : f32 to vector<256x128xf32>
    %select_n3A_1423 = arith.select %lt3A_1420, %broadcast_in_dim3A_1422, %select_n3A_1411 : vector<256x128xi1>, vector<256x128xf32>
    %select_n3A_1424 = arith.select %lt3A_1420, %add3A_1419, %select_n3A_1412 : vector<256x128xi1>, vector<256x128xf32>
    %slice3A_1425 = vector.extract_strided_slice %dot_general3A_1388 {offsets = [0, 384], sizes = [256, 128], strides = [1, 1]} : vector<256x1024xf32> to vector<256x128xf32>
    %slice3A_1426 = vector.extract_strided_slice %get3A_1386 {offsets = [384], sizes = [128], strides = [1]} : vector<1024xf32> to vector<128xf32>
    %broadcast_in_dim3A_1427 = vector.shape_cast %slice3A_1426 : vector<128xf32> to vector<1x128xf32>
    %add3A_1428 = vector.broadcast %reshape3A_857 : vector<256x1xf32> to vector<256x128xf32>
    %add3A_1429 = vector.broadcast %broadcast_in_dim3A_1427 : vector<1x128xf32> to vector<256x128xf32>
    %add3A_1430 = arith.addf %add3A_1428, %add3A_1429 : vector<256x128xf32>
    %add3A_1431 = arith.addf %add3A_1430, %slice3A_1425 : vector<256x128xf32>
    %lt3A_1432 = arith.cmpf olt, %add3A_1431, %select_n3A_1424 : vector<256x128xf32>
    %jit3A_1433 = arith.constant 4.300000e+01 : f32
    %broadcast_in_dim3A_1434 = vector.broadcast %jit3A_1433 : f32 to vector<256x128xf32>
    %select_n3A_1435 = arith.select %lt3A_1432, %broadcast_in_dim3A_1434, %select_n3A_1423 : vector<256x128xi1>, vector<256x128xf32>
    %select_n3A_1436 = arith.select %lt3A_1432, %add3A_1431, %select_n3A_1424 : vector<256x128xi1>, vector<256x128xf32>
    %slice3A_1437 = vector.extract_strided_slice %dot_general3A_1388 {offsets = [0, 512], sizes = [256, 128], strides = [1, 1]} : vector<256x1024xf32> to vector<256x128xf32>
    %slice3A_1438 = vector.extract_strided_slice %get3A_1386 {offsets = [512], sizes = [128], strides = [1]} : vector<1024xf32> to vector<128xf32>
    %broadcast_in_dim3A_1439 = vector.shape_cast %slice3A_1438 : vector<128xf32> to vector<1x128xf32>
    %add3A_1440 = vector.broadcast %reshape3A_857 : vector<256x1xf32> to vector<256x128xf32>
    %add3A_1441 = vector.broadcast %broadcast_in_dim3A_1439 : vector<1x128xf32> to vector<256x128xf32>
    %add3A_1442 = arith.addf %add3A_1440, %add3A_1441 : vector<256x128xf32>
    %add3A_1443 = arith.addf %add3A_1442, %slice3A_1437 : vector<256x128xf32>
    %lt3A_1444 = arith.cmpf olt, %add3A_1443, %select_n3A_1436 : vector<256x128xf32>
    %jit3A_1445 = arith.constant 4.400000e+01 : f32
    %broadcast_in_dim3A_1446 = vector.broadcast %jit3A_1445 : f32 to vector<256x128xf32>
    %select_n3A_1447 = arith.select %lt3A_1444, %broadcast_in_dim3A_1446, %select_n3A_1435 : vector<256x128xi1>, vector<256x128xf32>
    %select_n3A_1448 = arith.select %lt3A_1444, %add3A_1443, %select_n3A_1436 : vector<256x128xi1>, vector<256x128xf32>
    %slice3A_1449 = vector.extract_strided_slice %dot_general3A_1388 {offsets = [0, 640], sizes = [256, 128], strides = [1, 1]} : vector<256x1024xf32> to vector<256x128xf32>
    %slice3A_1450 = vector.extract_strided_slice %get3A_1386 {offsets = [640], sizes = [128], strides = [1]} : vector<1024xf32> to vector<128xf32>
    %broadcast_in_dim3A_1451 = vector.shape_cast %slice3A_1450 : vector<128xf32> to vector<1x128xf32>
    %add3A_1452 = vector.broadcast %reshape3A_857 : vector<256x1xf32> to vector<256x128xf32>
    %add3A_1453 = vector.broadcast %broadcast_in_dim3A_1451 : vector<1x128xf32> to vector<256x128xf32>
    %add3A_1454 = arith.addf %add3A_1452, %add3A_1453 : vector<256x128xf32>
    %add3A_1455 = arith.addf %add3A_1454, %slice3A_1449 : vector<256x128xf32>
    %lt3A_1456 = arith.cmpf olt, %add3A_1455, %select_n3A_1448 : vector<256x128xf32>
    %jit3A_1457 = arith.constant 4.500000e+01 : f32
    %broadcast_in_dim3A_1458 = vector.broadcast %jit3A_1457 : f32 to vector<256x128xf32>
    %select_n3A_1459 = arith.select %lt3A_1456, %broadcast_in_dim3A_1458, %select_n3A_1447 : vector<256x128xi1>, vector<256x128xf32>
    %select_n3A_1460 = arith.select %lt3A_1456, %add3A_1455, %select_n3A_1448 : vector<256x128xi1>, vector<256x128xf32>
    %slice3A_1461 = vector.extract_strided_slice %dot_general3A_1388 {offsets = [0, 768], sizes = [256, 128], strides = [1, 1]} : vector<256x1024xf32> to vector<256x128xf32>
    %slice3A_1462 = vector.extract_strided_slice %get3A_1386 {offsets = [768], sizes = [128], strides = [1]} : vector<1024xf32> to vector<128xf32>
    %broadcast_in_dim3A_1463 = vector.shape_cast %slice3A_1462 : vector<128xf32> to vector<1x128xf32>
    %add3A_1464 = vector.broadcast %reshape3A_857 : vector<256x1xf32> to vector<256x128xf32>
    %add3A_1465 = vector.broadcast %broadcast_in_dim3A_1463 : vector<1x128xf32> to vector<256x128xf32>
    %add3A_1466 = arith.addf %add3A_1464, %add3A_1465 : vector<256x128xf32>
    %add3A_1467 = arith.addf %add3A_1466, %slice3A_1461 : vector<256x128xf32>
    %lt3A_1468 = arith.cmpf olt, %add3A_1467, %select_n3A_1460 : vector<256x128xf32>
    %jit3A_1469 = arith.constant 4.600000e+01 : f32
    %broadcast_in_dim3A_1470 = vector.broadcast %jit3A_1469 : f32 to vector<256x128xf32>
    %select_n3A_1471 = arith.select %lt3A_1468, %broadcast_in_dim3A_1470, %select_n3A_1459 : vector<256x128xi1>, vector<256x128xf32>
    %select_n3A_1472 = arith.select %lt3A_1468, %add3A_1467, %select_n3A_1460 : vector<256x128xi1>, vector<256x128xf32>
    %slice3A_1473 = vector.extract_strided_slice %dot_general3A_1388 {offsets = [0, 896], sizes = [256, 128], strides = [1, 1]} : vector<256x1024xf32> to vector<256x128xf32>
    %slice3A_1474 = vector.extract_strided_slice %get3A_1386 {offsets = [896], sizes = [128], strides = [1]} : vector<1024xf32> to vector<128xf32>
    %broadcast_in_dim3A_1475 = vector.shape_cast %slice3A_1474 : vector<128xf32> to vector<1x128xf32>
    %add3A_1476 = vector.broadcast %reshape3A_857 : vector<256x1xf32> to vector<256x128xf32>
    %add3A_1477 = vector.broadcast %broadcast_in_dim3A_1475 : vector<1x128xf32> to vector<256x128xf32>
    %add3A_1478 = arith.addf %add3A_1476, %add3A_1477 : vector<256x128xf32>
    %add3A_1479 = arith.addf %add3A_1478, %slice3A_1473 : vector<256x128xf32>
    %lt3A_1480 = arith.cmpf olt, %add3A_1479, %select_n3A_1472 : vector<256x128xf32>
    %jit3A_1481 = arith.constant 4.700000e+01 : f32
    %broadcast_in_dim3A_1482 = vector.broadcast %jit3A_1481 : f32 to vector<256x128xf32>
    %select_n3A_1483 = arith.select %lt3A_1480, %broadcast_in_dim3A_1482, %select_n3A_1471 : vector<256x128xi1>, vector<256x128xf32>
    %select_n3A_1484 = arith.select %lt3A_1480, %add3A_1479, %select_n3A_1472 : vector<256x128xi1>, vector<256x128xf32>
    %get3A_1485 = arith.constant 6144 : index
    %get3A_1486 = arith.constant 0 : index
    %get3A_1487 = vector.load %arg2[%get3A_1485, %get3A_1486] : memref<8192x256xf32, #tpu.memory_space<vmem>>, vector<1024x256xf32>
    %get3A_1488 = arith.constant 6 : index
    %get3A_1489 = arith.constant 0 : index
    %get3A_1490 = vector.load %arg3[%get3A_1488, %get3A_1489] : memref<8x1024xf32, #tpu.memory_space<vmem>>, vector<1x1024xf32>
    %get3A_1491 = vector.shape_cast %get3A_1490 : vector<1x1024xf32> to vector<1024xf32>
    %dot_general3A_1492 = arith.constant dense<0.000000e+00> : vector<256x1024xf32>
    %dot_general3A_1493 = tpu.matmul %slice3A_853, %get3A_1487, %dot_general3A_1492 {dimension_numbers = #tpu.dot_dimension_numbers<[0], [1], [1], [0], [0, 1, 1, 0], [], []>, transpose_lhs_hint = false} : vector<256x256xf32>, vector<1024x256xf32>, vector<256x1024xf32> -> vector<256x1024xf32>
    %slice3A_1494 = vector.extract_strided_slice %dot_general3A_1493 {offsets = [0, 0], sizes = [256, 128], strides = [1, 1]} : vector<256x1024xf32> to vector<256x128xf32>
    %slice3A_1495 = vector.extract_strided_slice %get3A_1491 {offsets = [0], sizes = [128], strides = [1]} : vector<1024xf32> to vector<128xf32>
    %broadcast_in_dim3A_1496 = vector.shape_cast %slice3A_1495 : vector<128xf32> to vector<1x128xf32>
    %add3A_1497 = vector.broadcast %reshape3A_857 : vector<256x1xf32> to vector<256x128xf32>
    %add3A_1498 = vector.broadcast %broadcast_in_dim3A_1496 : vector<1x128xf32> to vector<256x128xf32>
    %add3A_1499 = arith.addf %add3A_1497, %add3A_1498 : vector<256x128xf32>
    %add3A_1500 = arith.addf %add3A_1499, %slice3A_1494 : vector<256x128xf32>
    %lt3A_1501 = arith.cmpf olt, %add3A_1500, %select_n3A_1484 : vector<256x128xf32>
    %jit3A_1502 = arith.constant 4.800000e+01 : f32
    %broadcast_in_dim3A_1503 = vector.broadcast %jit3A_1502 : f32 to vector<256x128xf32>
    %select_n3A_1504 = arith.select %lt3A_1501, %broadcast_in_dim3A_1503, %select_n3A_1483 : vector<256x128xi1>, vector<256x128xf32>
    %select_n3A_1505 = arith.select %lt3A_1501, %add3A_1500, %select_n3A_1484 : vector<256x128xi1>, vector<256x128xf32>
    %slice3A_1506 = vector.extract_strided_slice %dot_general3A_1493 {offsets = [0, 128], sizes = [256, 128], strides = [1, 1]} : vector<256x1024xf32> to vector<256x128xf32>
    %slice3A_1507 = vector.extract_strided_slice %get3A_1491 {offsets = [128], sizes = [128], strides = [1]} : vector<1024xf32> to vector<128xf32>
    %broadcast_in_dim3A_1508 = vector.shape_cast %slice3A_1507 : vector<128xf32> to vector<1x128xf32>
    %add3A_1509 = vector.broadcast %reshape3A_857 : vector<256x1xf32> to vector<256x128xf32>
    %add3A_1510 = vector.broadcast %broadcast_in_dim3A_1508 : vector<1x128xf32> to vector<256x128xf32>
    %add3A_1511 = arith.addf %add3A_1509, %add3A_1510 : vector<256x128xf32>
    %add3A_1512 = arith.addf %add3A_1511, %slice3A_1506 : vector<256x128xf32>
    %lt3A_1513 = arith.cmpf olt, %add3A_1512, %select_n3A_1505 : vector<256x128xf32>
    %jit3A_1514 = arith.constant 4.900000e+01 : f32
    %broadcast_in_dim3A_1515 = vector.broadcast %jit3A_1514 : f32 to vector<256x128xf32>
    %select_n3A_1516 = arith.select %lt3A_1513, %broadcast_in_dim3A_1515, %select_n3A_1504 : vector<256x128xi1>, vector<256x128xf32>
    %select_n3A_1517 = arith.select %lt3A_1513, %add3A_1512, %select_n3A_1505 : vector<256x128xi1>, vector<256x128xf32>
    %slice3A_1518 = vector.extract_strided_slice %dot_general3A_1493 {offsets = [0, 256], sizes = [256, 128], strides = [1, 1]} : vector<256x1024xf32> to vector<256x128xf32>
    %slice3A_1519 = vector.extract_strided_slice %get3A_1491 {offsets = [256], sizes = [128], strides = [1]} : vector<1024xf32> to vector<128xf32>
    %broadcast_in_dim3A_1520 = vector.shape_cast %slice3A_1519 : vector<128xf32> to vector<1x128xf32>
    %add3A_1521 = vector.broadcast %reshape3A_857 : vector<256x1xf32> to vector<256x128xf32>
    %add3A_1522 = vector.broadcast %broadcast_in_dim3A_1520 : vector<1x128xf32> to vector<256x128xf32>
    %add3A_1523 = arith.addf %add3A_1521, %add3A_1522 : vector<256x128xf32>
    %add3A_1524 = arith.addf %add3A_1523, %slice3A_1518 : vector<256x128xf32>
    %lt3A_1525 = arith.cmpf olt, %add3A_1524, %select_n3A_1517 : vector<256x128xf32>
    %jit3A_1526 = arith.constant 5.000000e+01 : f32
    %broadcast_in_dim3A_1527 = vector.broadcast %jit3A_1526 : f32 to vector<256x128xf32>
    %select_n3A_1528 = arith.select %lt3A_1525, %broadcast_in_dim3A_1527, %select_n3A_1516 : vector<256x128xi1>, vector<256x128xf32>
    %select_n3A_1529 = arith.select %lt3A_1525, %add3A_1524, %select_n3A_1517 : vector<256x128xi1>, vector<256x128xf32>
    %slice3A_1530 = vector.extract_strided_slice %dot_general3A_1493 {offsets = [0, 384], sizes = [256, 128], strides = [1, 1]} : vector<256x1024xf32> to vector<256x128xf32>
    %slice3A_1531 = vector.extract_strided_slice %get3A_1491 {offsets = [384], sizes = [128], strides = [1]} : vector<1024xf32> to vector<128xf32>
    %broadcast_in_dim3A_1532 = vector.shape_cast %slice3A_1531 : vector<128xf32> to vector<1x128xf32>
    %add3A_1533 = vector.broadcast %reshape3A_857 : vector<256x1xf32> to vector<256x128xf32>
    %add3A_1534 = vector.broadcast %broadcast_in_dim3A_1532 : vector<1x128xf32> to vector<256x128xf32>
    %add3A_1535 = arith.addf %add3A_1533, %add3A_1534 : vector<256x128xf32>
    %add3A_1536 = arith.addf %add3A_1535, %slice3A_1530 : vector<256x128xf32>
    %lt3A_1537 = arith.cmpf olt, %add3A_1536, %select_n3A_1529 : vector<256x128xf32>
    %jit3A_1538 = arith.constant 5.100000e+01 : f32
    %broadcast_in_dim3A_1539 = vector.broadcast %jit3A_1538 : f32 to vector<256x128xf32>
    %select_n3A_1540 = arith.select %lt3A_1537, %broadcast_in_dim3A_1539, %select_n3A_1528 : vector<256x128xi1>, vector<256x128xf32>
    %select_n3A_1541 = arith.select %lt3A_1537, %add3A_1536, %select_n3A_1529 : vector<256x128xi1>, vector<256x128xf32>
    %slice3A_1542 = vector.extract_strided_slice %dot_general3A_1493 {offsets = [0, 512], sizes = [256, 128], strides = [1, 1]} : vector<256x1024xf32> to vector<256x128xf32>
    %slice3A_1543 = vector.extract_strided_slice %get3A_1491 {offsets = [512], sizes = [128], strides = [1]} : vector<1024xf32> to vector<128xf32>
    %broadcast_in_dim3A_1544 = vector.shape_cast %slice3A_1543 : vector<128xf32> to vector<1x128xf32>
    %add3A_1545 = vector.broadcast %reshape3A_857 : vector<256x1xf32> to vector<256x128xf32>
    %add3A_1546 = vector.broadcast %broadcast_in_dim3A_1544 : vector<1x128xf32> to vector<256x128xf32>
    %add3A_1547 = arith.addf %add3A_1545, %add3A_1546 : vector<256x128xf32>
    %add3A_1548 = arith.addf %add3A_1547, %slice3A_1542 : vector<256x128xf32>
    %lt3A_1549 = arith.cmpf olt, %add3A_1548, %select_n3A_1541 : vector<256x128xf32>
    %jit3A_1550 = arith.constant 5.200000e+01 : f32
    %broadcast_in_dim3A_1551 = vector.broadcast %jit3A_1550 : f32 to vector<256x128xf32>
    %select_n3A_1552 = arith.select %lt3A_1549, %broadcast_in_dim3A_1551, %select_n3A_1540 : vector<256x128xi1>, vector<256x128xf32>
    %select_n3A_1553 = arith.select %lt3A_1549, %add3A_1548, %select_n3A_1541 : vector<256x128xi1>, vector<256x128xf32>
    %slice3A_1554 = vector.extract_strided_slice %dot_general3A_1493 {offsets = [0, 640], sizes = [256, 128], strides = [1, 1]} : vector<256x1024xf32> to vector<256x128xf32>
    %slice3A_1555 = vector.extract_strided_slice %get3A_1491 {offsets = [640], sizes = [128], strides = [1]} : vector<1024xf32> to vector<128xf32>
    %broadcast_in_dim3A_1556 = vector.shape_cast %slice3A_1555 : vector<128xf32> to vector<1x128xf32>
    %add3A_1557 = vector.broadcast %reshape3A_857 : vector<256x1xf32> to vector<256x128xf32>
    %add3A_1558 = vector.broadcast %broadcast_in_dim3A_1556 : vector<1x128xf32> to vector<256x128xf32>
    %add3A_1559 = arith.addf %add3A_1557, %add3A_1558 : vector<256x128xf32>
    %add3A_1560 = arith.addf %add3A_1559, %slice3A_1554 : vector<256x128xf32>
    %lt3A_1561 = arith.cmpf olt, %add3A_1560, %select_n3A_1553 : vector<256x128xf32>
    %jit3A_1562 = arith.constant 5.300000e+01 : f32
    %broadcast_in_dim3A_1563 = vector.broadcast %jit3A_1562 : f32 to vector<256x128xf32>
    %select_n3A_1564 = arith.select %lt3A_1561, %broadcast_in_dim3A_1563, %select_n3A_1552 : vector<256x128xi1>, vector<256x128xf32>
    %select_n3A_1565 = arith.select %lt3A_1561, %add3A_1560, %select_n3A_1553 : vector<256x128xi1>, vector<256x128xf32>
    %slice3A_1566 = vector.extract_strided_slice %dot_general3A_1493 {offsets = [0, 768], sizes = [256, 128], strides = [1, 1]} : vector<256x1024xf32> to vector<256x128xf32>
    %slice3A_1567 = vector.extract_strided_slice %get3A_1491 {offsets = [768], sizes = [128], strides = [1]} : vector<1024xf32> to vector<128xf32>
    %broadcast_in_dim3A_1568 = vector.shape_cast %slice3A_1567 : vector<128xf32> to vector<1x128xf32>
    %add3A_1569 = vector.broadcast %reshape3A_857 : vector<256x1xf32> to vector<256x128xf32>
    %add3A_1570 = vector.broadcast %broadcast_in_dim3A_1568 : vector<1x128xf32> to vector<256x128xf32>
    %add3A_1571 = arith.addf %add3A_1569, %add3A_1570 : vector<256x128xf32>
    %add3A_1572 = arith.addf %add3A_1571, %slice3A_1566 : vector<256x128xf32>
    %lt3A_1573 = arith.cmpf olt, %add3A_1572, %select_n3A_1565 : vector<256x128xf32>
    %jit3A_1574 = arith.constant 5.400000e+01 : f32
    %broadcast_in_dim3A_1575 = vector.broadcast %jit3A_1574 : f32 to vector<256x128xf32>
    %select_n3A_1576 = arith.select %lt3A_1573, %broadcast_in_dim3A_1575, %select_n3A_1564 : vector<256x128xi1>, vector<256x128xf32>
    %select_n3A_1577 = arith.select %lt3A_1573, %add3A_1572, %select_n3A_1565 : vector<256x128xi1>, vector<256x128xf32>
    %slice3A_1578 = vector.extract_strided_slice %dot_general3A_1493 {offsets = [0, 896], sizes = [256, 128], strides = [1, 1]} : vector<256x1024xf32> to vector<256x128xf32>
    %slice3A_1579 = vector.extract_strided_slice %get3A_1491 {offsets = [896], sizes = [128], strides = [1]} : vector<1024xf32> to vector<128xf32>
    %broadcast_in_dim3A_1580 = vector.shape_cast %slice3A_1579 : vector<128xf32> to vector<1x128xf32>
    %add3A_1581 = vector.broadcast %reshape3A_857 : vector<256x1xf32> to vector<256x128xf32>
    %add3A_1582 = vector.broadcast %broadcast_in_dim3A_1580 : vector<1x128xf32> to vector<256x128xf32>
    %add3A_1583 = arith.addf %add3A_1581, %add3A_1582 : vector<256x128xf32>
    %add3A_1584 = arith.addf %add3A_1583, %slice3A_1578 : vector<256x128xf32>
    %lt3A_1585 = arith.cmpf olt, %add3A_1584, %select_n3A_1577 : vector<256x128xf32>
    %jit3A_1586 = arith.constant 5.500000e+01 : f32
    %broadcast_in_dim3A_1587 = vector.broadcast %jit3A_1586 : f32 to vector<256x128xf32>
    %select_n3A_1588 = arith.select %lt3A_1585, %broadcast_in_dim3A_1587, %select_n3A_1576 : vector<256x128xi1>, vector<256x128xf32>
    %select_n3A_1589 = arith.select %lt3A_1585, %add3A_1584, %select_n3A_1577 : vector<256x128xi1>, vector<256x128xf32>
    %get3A_1590 = arith.constant 7168 : index
    %get3A_1591 = arith.constant 0 : index
    %get3A_1592 = vector.load %arg2[%get3A_1590, %get3A_1591] : memref<8192x256xf32, #tpu.memory_space<vmem>>, vector<1024x256xf32>
    %get3A_1593 = arith.constant 7 : index
    %get3A_1594 = arith.constant 0 : index
    %get3A_1595 = vector.load %arg3[%get3A_1593, %get3A_1594] : memref<8x1024xf32, #tpu.memory_space<vmem>>, vector<1x1024xf32>
    %get3A_1596 = vector.shape_cast %get3A_1595 : vector<1x1024xf32> to vector<1024xf32>
    %dot_general3A_1597 = arith.constant dense<0.000000e+00> : vector<256x1024xf32>
    %dot_general3A_1598 = tpu.matmul %slice3A_853, %get3A_1592, %dot_general3A_1597 {dimension_numbers = #tpu.dot_dimension_numbers<[0], [1], [1], [0], [0, 1, 1, 0], [], []>, transpose_lhs_hint = false} : vector<256x256xf32>, vector<1024x256xf32>, vector<256x1024xf32> -> vector<256x1024xf32>
    %slice3A_1599 = vector.extract_strided_slice %dot_general3A_1598 {offsets = [0, 0], sizes = [256, 128], strides = [1, 1]} : vector<256x1024xf32> to vector<256x128xf32>
    %slice3A_1600 = vector.extract_strided_slice %get3A_1596 {offsets = [0], sizes = [128], strides = [1]} : vector<1024xf32> to vector<128xf32>
    %broadcast_in_dim3A_1601 = vector.shape_cast %slice3A_1600 : vector<128xf32> to vector<1x128xf32>
    %add3A_1602 = vector.broadcast %reshape3A_857 : vector<256x1xf32> to vector<256x128xf32>
    %add3A_1603 = vector.broadcast %broadcast_in_dim3A_1601 : vector<1x128xf32> to vector<256x128xf32>
    %add3A_1604 = arith.addf %add3A_1602, %add3A_1603 : vector<256x128xf32>
    %add3A_1605 = arith.addf %add3A_1604, %slice3A_1599 : vector<256x128xf32>
    %lt3A_1606 = arith.cmpf olt, %add3A_1605, %select_n3A_1589 : vector<256x128xf32>
    %jit3A_1607 = arith.constant 5.600000e+01 : f32
    %broadcast_in_dim3A_1608 = vector.broadcast %jit3A_1607 : f32 to vector<256x128xf32>
    %select_n3A_1609 = arith.select %lt3A_1606, %broadcast_in_dim3A_1608, %select_n3A_1588 : vector<256x128xi1>, vector<256x128xf32>
    %select_n3A_1610 = arith.select %lt3A_1606, %add3A_1605, %select_n3A_1589 : vector<256x128xi1>, vector<256x128xf32>
    %slice3A_1611 = vector.extract_strided_slice %dot_general3A_1598 {offsets = [0, 128], sizes = [256, 128], strides = [1, 1]} : vector<256x1024xf32> to vector<256x128xf32>
    %slice3A_1612 = vector.extract_strided_slice %get3A_1596 {offsets = [128], sizes = [128], strides = [1]} : vector<1024xf32> to vector<128xf32>
    %broadcast_in_dim3A_1613 = vector.shape_cast %slice3A_1612 : vector<128xf32> to vector<1x128xf32>
    %add3A_1614 = vector.broadcast %reshape3A_857 : vector<256x1xf32> to vector<256x128xf32>
    %add3A_1615 = vector.broadcast %broadcast_in_dim3A_1613 : vector<1x128xf32> to vector<256x128xf32>
    %add3A_1616 = arith.addf %add3A_1614, %add3A_1615 : vector<256x128xf32>
    %add3A_1617 = arith.addf %add3A_1616, %slice3A_1611 : vector<256x128xf32>
    %lt3A_1618 = arith.cmpf olt, %add3A_1617, %select_n3A_1610 : vector<256x128xf32>
    %jit3A_1619 = arith.constant 5.700000e+01 : f32
    %broadcast_in_dim3A_1620 = vector.broadcast %jit3A_1619 : f32 to vector<256x128xf32>
    %select_n3A_1621 = arith.select %lt3A_1618, %broadcast_in_dim3A_1620, %select_n3A_1609 : vector<256x128xi1>, vector<256x128xf32>
    %select_n3A_1622 = arith.select %lt3A_1618, %add3A_1617, %select_n3A_1610 : vector<256x128xi1>, vector<256x128xf32>
    %slice3A_1623 = vector.extract_strided_slice %dot_general3A_1598 {offsets = [0, 256], sizes = [256, 128], strides = [1, 1]} : vector<256x1024xf32> to vector<256x128xf32>
    %slice3A_1624 = vector.extract_strided_slice %get3A_1596 {offsets = [256], sizes = [128], strides = [1]} : vector<1024xf32> to vector<128xf32>
    %broadcast_in_dim3A_1625 = vector.shape_cast %slice3A_1624 : vector<128xf32> to vector<1x128xf32>
    %add3A_1626 = vector.broadcast %reshape3A_857 : vector<256x1xf32> to vector<256x128xf32>
    %add3A_1627 = vector.broadcast %broadcast_in_dim3A_1625 : vector<1x128xf32> to vector<256x128xf32>
    %add3A_1628 = arith.addf %add3A_1626, %add3A_1627 : vector<256x128xf32>
    %add3A_1629 = arith.addf %add3A_1628, %slice3A_1623 : vector<256x128xf32>
    %lt3A_1630 = arith.cmpf olt, %add3A_1629, %select_n3A_1622 : vector<256x128xf32>
    %jit3A_1631 = arith.constant 5.800000e+01 : f32
    %broadcast_in_dim3A_1632 = vector.broadcast %jit3A_1631 : f32 to vector<256x128xf32>
    %select_n3A_1633 = arith.select %lt3A_1630, %broadcast_in_dim3A_1632, %select_n3A_1621 : vector<256x128xi1>, vector<256x128xf32>
    %select_n3A_1634 = arith.select %lt3A_1630, %add3A_1629, %select_n3A_1622 : vector<256x128xi1>, vector<256x128xf32>
    %slice3A_1635 = vector.extract_strided_slice %dot_general3A_1598 {offsets = [0, 384], sizes = [256, 128], strides = [1, 1]} : vector<256x1024xf32> to vector<256x128xf32>
    %slice3A_1636 = vector.extract_strided_slice %get3A_1596 {offsets = [384], sizes = [128], strides = [1]} : vector<1024xf32> to vector<128xf32>
    %broadcast_in_dim3A_1637 = vector.shape_cast %slice3A_1636 : vector<128xf32> to vector<1x128xf32>
    %add3A_1638 = vector.broadcast %reshape3A_857 : vector<256x1xf32> to vector<256x128xf32>
    %add3A_1639 = vector.broadcast %broadcast_in_dim3A_1637 : vector<1x128xf32> to vector<256x128xf32>
    %add3A_1640 = arith.addf %add3A_1638, %add3A_1639 : vector<256x128xf32>
    %add3A_1641 = arith.addf %add3A_1640, %slice3A_1635 : vector<256x128xf32>
    %lt3A_1642 = arith.cmpf olt, %add3A_1641, %select_n3A_1634 : vector<256x128xf32>
    %jit3A_1643 = arith.constant 5.900000e+01 : f32
    %broadcast_in_dim3A_1644 = vector.broadcast %jit3A_1643 : f32 to vector<256x128xf32>
    %select_n3A_1645 = arith.select %lt3A_1642, %broadcast_in_dim3A_1644, %select_n3A_1633 : vector<256x128xi1>, vector<256x128xf32>
    %select_n3A_1646 = arith.select %lt3A_1642, %add3A_1641, %select_n3A_1634 : vector<256x128xi1>, vector<256x128xf32>
    %slice3A_1647 = vector.extract_strided_slice %dot_general3A_1598 {offsets = [0, 512], sizes = [256, 128], strides = [1, 1]} : vector<256x1024xf32> to vector<256x128xf32>
    %slice3A_1648 = vector.extract_strided_slice %get3A_1596 {offsets = [512], sizes = [128], strides = [1]} : vector<1024xf32> to vector<128xf32>
    %broadcast_in_dim3A_1649 = vector.shape_cast %slice3A_1648 : vector<128xf32> to vector<1x128xf32>
    %add3A_1650 = vector.broadcast %reshape3A_857 : vector<256x1xf32> to vector<256x128xf32>
    %add3A_1651 = vector.broadcast %broadcast_in_dim3A_1649 : vector<1x128xf32> to vector<256x128xf32>
    %add3A_1652 = arith.addf %add3A_1650, %add3A_1651 : vector<256x128xf32>
    %add3A_1653 = arith.addf %add3A_1652, %slice3A_1647 : vector<256x128xf32>
    %lt3A_1654 = arith.cmpf olt, %add3A_1653, %select_n3A_1646 : vector<256x128xf32>
    %jit3A_1655 = arith.constant 6.000000e+01 : f32
    %broadcast_in_dim3A_1656 = vector.broadcast %jit3A_1655 : f32 to vector<256x128xf32>
    %select_n3A_1657 = arith.select %lt3A_1654, %broadcast_in_dim3A_1656, %select_n3A_1645 : vector<256x128xi1>, vector<256x128xf32>
    %select_n3A_1658 = arith.select %lt3A_1654, %add3A_1653, %select_n3A_1646 : vector<256x128xi1>, vector<256x128xf32>
    %slice3A_1659 = vector.extract_strided_slice %dot_general3A_1598 {offsets = [0, 640], sizes = [256, 128], strides = [1, 1]} : vector<256x1024xf32> to vector<256x128xf32>
    %slice3A_1660 = vector.extract_strided_slice %get3A_1596 {offsets = [640], sizes = [128], strides = [1]} : vector<1024xf32> to vector<128xf32>
    %broadcast_in_dim3A_1661 = vector.shape_cast %slice3A_1660 : vector<128xf32> to vector<1x128xf32>
    %add3A_1662 = vector.broadcast %reshape3A_857 : vector<256x1xf32> to vector<256x128xf32>
    %add3A_1663 = vector.broadcast %broadcast_in_dim3A_1661 : vector<1x128xf32> to vector<256x128xf32>
    %add3A_1664 = arith.addf %add3A_1662, %add3A_1663 : vector<256x128xf32>
    %add3A_1665 = arith.addf %add3A_1664, %slice3A_1659 : vector<256x128xf32>
    %lt3A_1666 = arith.cmpf olt, %add3A_1665, %select_n3A_1658 : vector<256x128xf32>
    %jit3A_1667 = arith.constant 6.100000e+01 : f32
    %broadcast_in_dim3A_1668 = vector.broadcast %jit3A_1667 : f32 to vector<256x128xf32>
    %select_n3A_1669 = arith.select %lt3A_1666, %broadcast_in_dim3A_1668, %select_n3A_1657 : vector<256x128xi1>, vector<256x128xf32>
    %select_n3A_1670 = arith.select %lt3A_1666, %add3A_1665, %select_n3A_1658 : vector<256x128xi1>, vector<256x128xf32>
    %slice3A_1671 = vector.extract_strided_slice %dot_general3A_1598 {offsets = [0, 768], sizes = [256, 128], strides = [1, 1]} : vector<256x1024xf32> to vector<256x128xf32>
    %slice3A_1672 = vector.extract_strided_slice %get3A_1596 {offsets = [768], sizes = [128], strides = [1]} : vector<1024xf32> to vector<128xf32>
    %broadcast_in_dim3A_1673 = vector.shape_cast %slice3A_1672 : vector<128xf32> to vector<1x128xf32>
    %add3A_1674 = vector.broadcast %reshape3A_857 : vector<256x1xf32> to vector<256x128xf32>
    %add3A_1675 = vector.broadcast %broadcast_in_dim3A_1673 : vector<1x128xf32> to vector<256x128xf32>
    %add3A_1676 = arith.addf %add3A_1674, %add3A_1675 : vector<256x128xf32>
    %add3A_1677 = arith.addf %add3A_1676, %slice3A_1671 : vector<256x128xf32>
    %lt3A_1678 = arith.cmpf olt, %add3A_1677, %select_n3A_1670 : vector<256x128xf32>
    %jit3A_1679 = arith.constant 6.200000e+01 : f32
    %broadcast_in_dim3A_1680 = vector.broadcast %jit3A_1679 : f32 to vector<256x128xf32>
    %select_n3A_1681 = arith.select %lt3A_1678, %broadcast_in_dim3A_1680, %select_n3A_1669 : vector<256x128xi1>, vector<256x128xf32>
    %select_n3A_1682 = arith.select %lt3A_1678, %add3A_1677, %select_n3A_1670 : vector<256x128xi1>, vector<256x128xf32>
    %slice3A_1683 = vector.extract_strided_slice %dot_general3A_1598 {offsets = [0, 896], sizes = [256, 128], strides = [1, 1]} : vector<256x1024xf32> to vector<256x128xf32>
    %slice3A_1684 = vector.extract_strided_slice %get3A_1596 {offsets = [896], sizes = [128], strides = [1]} : vector<1024xf32> to vector<128xf32>
    %broadcast_in_dim3A_1685 = vector.shape_cast %slice3A_1684 : vector<128xf32> to vector<1x128xf32>
    %add3A_1686 = vector.broadcast %reshape3A_857 : vector<256x1xf32> to vector<256x128xf32>
    %add3A_1687 = vector.broadcast %broadcast_in_dim3A_1685 : vector<1x128xf32> to vector<256x128xf32>
    %add3A_1688 = arith.addf %add3A_1686, %add3A_1687 : vector<256x128xf32>
    %add3A_1689 = arith.addf %add3A_1688, %slice3A_1683 : vector<256x128xf32>
    %lt3A_1690 = arith.cmpf olt, %add3A_1689, %select_n3A_1682 : vector<256x128xf32>
    %jit3A_1691 = arith.constant 6.300000e+01 : f32
    %broadcast_in_dim3A_1692 = vector.broadcast %jit3A_1691 : f32 to vector<256x128xf32>
    %select_n3A_1693 = arith.select %lt3A_1690, %broadcast_in_dim3A_1692, %select_n3A_1681 : vector<256x128xi1>, vector<256x128xf32>
    %select_n3A_1694 = arith.select %lt3A_1690, %add3A_1689, %select_n3A_1682 : vector<256x128xi1>, vector<256x128xf32>
    %mul3A_1695 = arith.constant 1.280000e+02 : f32
    %mul3A_1696 = vector.broadcast %mul3A_1695 : f32 to vector<256x128xf32>
    %mul3A_1697 = arith.mulf %select_n3A_1693, %mul3A_1696 : vector<256x128xf32>
    %add3A_1698 = arith.addf %mul3A_1697, %convert_element_type3A : vector<256x128xf32>
    %reduce_min3A_1699 = arith.constant dense<0x7F800000> : vector<256xf32>
    %reduce_min3A_1700 = vector.multi_reduction <minimumf>, %select_n3A_1694, %reduce_min3A_1699 [1] : vector<256x128xf32> to vector<256xf32>
    %broadcast_in_dim3A_1701 = vector.shape_cast %reduce_min3A_1700 : vector<256xf32> to vector<256x1xf32>
    %eq3A_1702 = vector.broadcast %broadcast_in_dim3A_1701 : vector<256x1xf32> to vector<256x128xf32>
    %eq3A_1703 = arith.cmpf oeq, %select_n3A_1694, %eq3A_1702 : vector<256x128xf32>
    %jit3A_1704 = arith.constant 8.192000e+03 : f32
    %broadcast_in_dim3A_1705 = vector.broadcast %jit3A_1704 : f32 to vector<256x128xf32>
    %select_n3A_1706 = arith.select %eq3A_1703, %add3A_1698, %broadcast_in_dim3A_1705 : vector<256x128xi1>, vector<256x128xf32>
    %reduce_min3A_1707 = arith.constant dense<0x7F800000> : vector<256xf32>
    %reduce_min3A_1708 = vector.multi_reduction <minimumf>, %select_n3A_1706, %reduce_min3A_1707 [1] : vector<256x128xf32> to vector<256xf32>
    %reduce_sum3A_1709 = vector.shape_cast %reduce_min3A_1700 : vector<256xf32> to vector<1x256xf32>
    %reduce_sum3A_1710 = arith.constant dense<0.000000e+00> : vector<1xf32>
    %reduce_sum3A_1711 = vector.multi_reduction <add>, %reduce_sum3A_1709, %reduce_sum3A_1710 [1] : vector<1x256xf32> to vector<1xf32>
    %reduce_sum3A_1712 = vector.shape_cast %reduce_sum3A_1711 : vector<1xf32> to vector<1x1xf32>
    %reduce_sum3A_1713 = vector.extract %reduce_sum3A_1712[0, 0] : f32 from vector<1x1xf32>
    %add3A_1714 = arith.addf %reduce_sum3A_852, %reduce_sum3A_1713 : f32
    %slice3A_1715 = vector.extract_strided_slice %get3A_3 {offsets = [0, 512], sizes = [256, 256], strides = [1, 1]} : vector<256x1024xf32> to vector<256x256xf32>
    %mul3A_1716 = arith.mulf %slice3A_1715, %slice3A_1715 : vector<256x256xf32>
    %reduce_sum3A_1717 = arith.constant dense<0.000000e+00> : vector<256xf32>
    %reduce_sum3A_1718 = vector.multi_reduction <add>, %mul3A_1716, %reduce_sum3A_1717 [0] : vector<256x256xf32> to vector<256xf32>
    %reshape3A_1719 = vector.shape_cast %reduce_sum3A_1718 : vector<256xf32> to vector<256x1xf32>
    %get3A_1720 = arith.constant 0 : index
    %get3A_1721 = arith.constant 0 : index
    %get3A_1722 = vector.load %arg2[%get3A_1720, %get3A_1721] : memref<8192x256xf32, #tpu.memory_space<vmem>>, vector<1024x256xf32>
    %get3A_1723 = arith.constant 0 : index
    %get3A_1724 = arith.constant 0 : index
    %get3A_1725 = vector.load %arg3[%get3A_1723, %get3A_1724] : memref<8x1024xf32, #tpu.memory_space<vmem>>, vector<1x1024xf32>
    %get3A_1726 = vector.shape_cast %get3A_1725 : vector<1x1024xf32> to vector<1024xf32>
    %dot_general3A_1727 = arith.constant dense<0.000000e+00> : vector<256x1024xf32>
    %dot_general3A_1728 = tpu.matmul %slice3A_1715, %get3A_1722, %dot_general3A_1727 {dimension_numbers = #tpu.dot_dimension_numbers<[0], [1], [1], [0], [0, 1, 1, 0], [], []>, transpose_lhs_hint = false} : vector<256x256xf32>, vector<1024x256xf32>, vector<256x1024xf32> -> vector<256x1024xf32>
    %slice3A_1729 = vector.extract_strided_slice %dot_general3A_1728 {offsets = [0, 0], sizes = [256, 128], strides = [1, 1]} : vector<256x1024xf32> to vector<256x128xf32>
    %slice3A_1730 = vector.extract_strided_slice %get3A_1726 {offsets = [0], sizes = [128], strides = [1]} : vector<1024xf32> to vector<128xf32>
    %broadcast_in_dim3A_1731 = vector.shape_cast %slice3A_1730 : vector<128xf32> to vector<1x128xf32>
    %add3A_1732 = vector.broadcast %reshape3A_1719 : vector<256x1xf32> to vector<256x128xf32>
    %add3A_1733 = vector.broadcast %broadcast_in_dim3A_1731 : vector<1x128xf32> to vector<256x128xf32>
    %add3A_1734 = arith.addf %add3A_1732, %add3A_1733 : vector<256x128xf32>
    %add3A_1735 = arith.addf %add3A_1734, %slice3A_1729 : vector<256x128xf32>
    %broadcast_in_dim3A_1736 = arith.constant 0.000000e+00 : f32
    %broadcast_in_dim3A_1737 = vector.broadcast %broadcast_in_dim3A_1736 : f32 to vector<256x128xf32>
    %slice3A_1738 = vector.extract_strided_slice %dot_general3A_1728 {offsets = [0, 128], sizes = [256, 128], strides = [1, 1]} : vector<256x1024xf32> to vector<256x128xf32>
    %slice3A_1739 = vector.extract_strided_slice %get3A_1726 {offsets = [128], sizes = [128], strides = [1]} : vector<1024xf32> to vector<128xf32>
    %broadcast_in_dim3A_1740 = vector.shape_cast %slice3A_1739 : vector<128xf32> to vector<1x128xf32>
    %add3A_1741 = vector.broadcast %reshape3A_1719 : vector<256x1xf32> to vector<256x128xf32>
    %add3A_1742 = vector.broadcast %broadcast_in_dim3A_1740 : vector<1x128xf32> to vector<256x128xf32>
    %add3A_1743 = arith.addf %add3A_1741, %add3A_1742 : vector<256x128xf32>
    %add3A_1744 = arith.addf %add3A_1743, %slice3A_1738 : vector<256x128xf32>
    %lt3A_1745 = arith.cmpf olt, %add3A_1744, %add3A_1735 : vector<256x128xf32>
    %jit3A_1746 = arith.constant 1.000000e+00 : f32
    %broadcast_in_dim3A_1747 = vector.broadcast %jit3A_1746 : f32 to vector<256x128xf32>
    %select_n3A_1748 = arith.select %lt3A_1745, %broadcast_in_dim3A_1747, %broadcast_in_dim3A_1737 : vector<256x128xi1>, vector<256x128xf32>
    %select_n3A_1749 = arith.select %lt3A_1745, %add3A_1744, %add3A_1735 : vector<256x128xi1>, vector<256x128xf32>
    %slice3A_1750 = vector.extract_strided_slice %dot_general3A_1728 {offsets = [0, 256], sizes = [256, 128], strides = [1, 1]} : vector<256x1024xf32> to vector<256x128xf32>
    %slice3A_1751 = vector.extract_strided_slice %get3A_1726 {offsets = [256], sizes = [128], strides = [1]} : vector<1024xf32> to vector<128xf32>
    %broadcast_in_dim3A_1752 = vector.shape_cast %slice3A_1751 : vector<128xf32> to vector<1x128xf32>
    %add3A_1753 = vector.broadcast %reshape3A_1719 : vector<256x1xf32> to vector<256x128xf32>
    %add3A_1754 = vector.broadcast %broadcast_in_dim3A_1752 : vector<1x128xf32> to vector<256x128xf32>
    %add3A_1755 = arith.addf %add3A_1753, %add3A_1754 : vector<256x128xf32>
    %add3A_1756 = arith.addf %add3A_1755, %slice3A_1750 : vector<256x128xf32>
    %lt3A_1757 = arith.cmpf olt, %add3A_1756, %select_n3A_1749 : vector<256x128xf32>
    %jit3A_1758 = arith.constant 2.000000e+00 : f32
    %broadcast_in_dim3A_1759 = vector.broadcast %jit3A_1758 : f32 to vector<256x128xf32>
    %select_n3A_1760 = arith.select %lt3A_1757, %broadcast_in_dim3A_1759, %select_n3A_1748 : vector<256x128xi1>, vector<256x128xf32>
    %select_n3A_1761 = arith.select %lt3A_1757, %add3A_1756, %select_n3A_1749 : vector<256x128xi1>, vector<256x128xf32>
    %slice3A_1762 = vector.extract_strided_slice %dot_general3A_1728 {offsets = [0, 384], sizes = [256, 128], strides = [1, 1]} : vector<256x1024xf32> to vector<256x128xf32>
    %slice3A_1763 = vector.extract_strided_slice %get3A_1726 {offsets = [384], sizes = [128], strides = [1]} : vector<1024xf32> to vector<128xf32>
    %broadcast_in_dim3A_1764 = vector.shape_cast %slice3A_1763 : vector<128xf32> to vector<1x128xf32>
    %add3A_1765 = vector.broadcast %reshape3A_1719 : vector<256x1xf32> to vector<256x128xf32>
    %add3A_1766 = vector.broadcast %broadcast_in_dim3A_1764 : vector<1x128xf32> to vector<256x128xf32>
    %add3A_1767 = arith.addf %add3A_1765, %add3A_1766 : vector<256x128xf32>
    %add3A_1768 = arith.addf %add3A_1767, %slice3A_1762 : vector<256x128xf32>
    %lt3A_1769 = arith.cmpf olt, %add3A_1768, %select_n3A_1761 : vector<256x128xf32>
    %jit3A_1770 = arith.constant 3.000000e+00 : f32
    %broadcast_in_dim3A_1771 = vector.broadcast %jit3A_1770 : f32 to vector<256x128xf32>
    %select_n3A_1772 = arith.select %lt3A_1769, %broadcast_in_dim3A_1771, %select_n3A_1760 : vector<256x128xi1>, vector<256x128xf32>
    %select_n3A_1773 = arith.select %lt3A_1769, %add3A_1768, %select_n3A_1761 : vector<256x128xi1>, vector<256x128xf32>
    %slice3A_1774 = vector.extract_strided_slice %dot_general3A_1728 {offsets = [0, 512], sizes = [256, 128], strides = [1, 1]} : vector<256x1024xf32> to vector<256x128xf32>
    %slice3A_1775 = vector.extract_strided_slice %get3A_1726 {offsets = [512], sizes = [128], strides = [1]} : vector<1024xf32> to vector<128xf32>
    %broadcast_in_dim3A_1776 = vector.shape_cast %slice3A_1775 : vector<128xf32> to vector<1x128xf32>
    %add3A_1777 = vector.broadcast %reshape3A_1719 : vector<256x1xf32> to vector<256x128xf32>
    %add3A_1778 = vector.broadcast %broadcast_in_dim3A_1776 : vector<1x128xf32> to vector<256x128xf32>
    %add3A_1779 = arith.addf %add3A_1777, %add3A_1778 : vector<256x128xf32>
    %add3A_1780 = arith.addf %add3A_1779, %slice3A_1774 : vector<256x128xf32>
    %lt3A_1781 = arith.cmpf olt, %add3A_1780, %select_n3A_1773 : vector<256x128xf32>
    %jit3A_1782 = arith.constant 4.000000e+00 : f32
    %broadcast_in_dim3A_1783 = vector.broadcast %jit3A_1782 : f32 to vector<256x128xf32>
    %select_n3A_1784 = arith.select %lt3A_1781, %broadcast_in_dim3A_1783, %select_n3A_1772 : vector<256x128xi1>, vector<256x128xf32>
    %select_n3A_1785 = arith.select %lt3A_1781, %add3A_1780, %select_n3A_1773 : vector<256x128xi1>, vector<256x128xf32>
    %slice3A_1786 = vector.extract_strided_slice %dot_general3A_1728 {offsets = [0, 640], sizes = [256, 128], strides = [1, 1]} : vector<256x1024xf32> to vector<256x128xf32>
    %slice3A_1787 = vector.extract_strided_slice %get3A_1726 {offsets = [640], sizes = [128], strides = [1]} : vector<1024xf32> to vector<128xf32>
    %broadcast_in_dim3A_1788 = vector.shape_cast %slice3A_1787 : vector<128xf32> to vector<1x128xf32>
    %add3A_1789 = vector.broadcast %reshape3A_1719 : vector<256x1xf32> to vector<256x128xf32>
    %add3A_1790 = vector.broadcast %broadcast_in_dim3A_1788 : vector<1x128xf32> to vector<256x128xf32>
    %add3A_1791 = arith.addf %add3A_1789, %add3A_1790 : vector<256x128xf32>
    %add3A_1792 = arith.addf %add3A_1791, %slice3A_1786 : vector<256x128xf32>
    %lt3A_1793 = arith.cmpf olt, %add3A_1792, %select_n3A_1785 : vector<256x128xf32>
    %jit3A_1794 = arith.constant 5.000000e+00 : f32
    %broadcast_in_dim3A_1795 = vector.broadcast %jit3A_1794 : f32 to vector<256x128xf32>
    %select_n3A_1796 = arith.select %lt3A_1793, %broadcast_in_dim3A_1795, %select_n3A_1784 : vector<256x128xi1>, vector<256x128xf32>
    %select_n3A_1797 = arith.select %lt3A_1793, %add3A_1792, %select_n3A_1785 : vector<256x128xi1>, vector<256x128xf32>
    %slice3A_1798 = vector.extract_strided_slice %dot_general3A_1728 {offsets = [0, 768], sizes = [256, 128], strides = [1, 1]} : vector<256x1024xf32> to vector<256x128xf32>
    %slice3A_1799 = vector.extract_strided_slice %get3A_1726 {offsets = [768], sizes = [128], strides = [1]} : vector<1024xf32> to vector<128xf32>
    %broadcast_in_dim3A_1800 = vector.shape_cast %slice3A_1799 : vector<128xf32> to vector<1x128xf32>
    %add3A_1801 = vector.broadcast %reshape3A_1719 : vector<256x1xf32> to vector<256x128xf32>
    %add3A_1802 = vector.broadcast %broadcast_in_dim3A_1800 : vector<1x128xf32> to vector<256x128xf32>
    %add3A_1803 = arith.addf %add3A_1801, %add3A_1802 : vector<256x128xf32>
    %add3A_1804 = arith.addf %add3A_1803, %slice3A_1798 : vector<256x128xf32>
    %lt3A_1805 = arith.cmpf olt, %add3A_1804, %select_n3A_1797 : vector<256x128xf32>
    %jit3A_1806 = arith.constant 6.000000e+00 : f32
    %broadcast_in_dim3A_1807 = vector.broadcast %jit3A_1806 : f32 to vector<256x128xf32>
    %select_n3A_1808 = arith.select %lt3A_1805, %broadcast_in_dim3A_1807, %select_n3A_1796 : vector<256x128xi1>, vector<256x128xf32>
    %select_n3A_1809 = arith.select %lt3A_1805, %add3A_1804, %select_n3A_1797 : vector<256x128xi1>, vector<256x128xf32>
    %slice3A_1810 = vector.extract_strided_slice %dot_general3A_1728 {offsets = [0, 896], sizes = [256, 128], strides = [1, 1]} : vector<256x1024xf32> to vector<256x128xf32>
    %slice3A_1811 = vector.extract_strided_slice %get3A_1726 {offsets = [896], sizes = [128], strides = [1]} : vector<1024xf32> to vector<128xf32>
    %broadcast_in_dim3A_1812 = vector.shape_cast %slice3A_1811 : vector<128xf32> to vector<1x128xf32>
    %add3A_1813 = vector.broadcast %reshape3A_1719 : vector<256x1xf32> to vector<256x128xf32>
    %add3A_1814 = vector.broadcast %broadcast_in_dim3A_1812 : vector<1x128xf32> to vector<256x128xf32>
    %add3A_1815 = arith.addf %add3A_1813, %add3A_1814 : vector<256x128xf32>
    %add3A_1816 = arith.addf %add3A_1815, %slice3A_1810 : vector<256x128xf32>
    %lt3A_1817 = arith.cmpf olt, %add3A_1816, %select_n3A_1809 : vector<256x128xf32>
    %jit3A_1818 = arith.constant 7.000000e+00 : f32
    %broadcast_in_dim3A_1819 = vector.broadcast %jit3A_1818 : f32 to vector<256x128xf32>
    %select_n3A_1820 = arith.select %lt3A_1817, %broadcast_in_dim3A_1819, %select_n3A_1808 : vector<256x128xi1>, vector<256x128xf32>
    %select_n3A_1821 = arith.select %lt3A_1817, %add3A_1816, %select_n3A_1809 : vector<256x128xi1>, vector<256x128xf32>
    %get3A_1822 = arith.constant 1024 : index
    %get3A_1823 = arith.constant 0 : index
    %get3A_1824 = vector.load %arg2[%get3A_1822, %get3A_1823] : memref<8192x256xf32, #tpu.memory_space<vmem>>, vector<1024x256xf32>
    %get3A_1825 = arith.constant 1 : index
    %get3A_1826 = arith.constant 0 : index
    %get3A_1827 = vector.load %arg3[%get3A_1825, %get3A_1826] : memref<8x1024xf32, #tpu.memory_space<vmem>>, vector<1x1024xf32>
    %get3A_1828 = vector.shape_cast %get3A_1827 : vector<1x1024xf32> to vector<1024xf32>
    %dot_general3A_1829 = arith.constant dense<0.000000e+00> : vector<256x1024xf32>
    %dot_general3A_1830 = tpu.matmul %slice3A_1715, %get3A_1824, %dot_general3A_1829 {dimension_numbers = #tpu.dot_dimension_numbers<[0], [1], [1], [0], [0, 1, 1, 0], [], []>, transpose_lhs_hint = false} : vector<256x256xf32>, vector<1024x256xf32>, vector<256x1024xf32> -> vector<256x1024xf32>
    %slice3A_1831 = vector.extract_strided_slice %dot_general3A_1830 {offsets = [0, 0], sizes = [256, 128], strides = [1, 1]} : vector<256x1024xf32> to vector<256x128xf32>
    %slice3A_1832 = vector.extract_strided_slice %get3A_1828 {offsets = [0], sizes = [128], strides = [1]} : vector<1024xf32> to vector<128xf32>
    %broadcast_in_dim3A_1833 = vector.shape_cast %slice3A_1832 : vector<128xf32> to vector<1x128xf32>
    %add3A_1834 = vector.broadcast %reshape3A_1719 : vector<256x1xf32> to vector<256x128xf32>
    %add3A_1835 = vector.broadcast %broadcast_in_dim3A_1833 : vector<1x128xf32> to vector<256x128xf32>
    %add3A_1836 = arith.addf %add3A_1834, %add3A_1835 : vector<256x128xf32>
    %add3A_1837 = arith.addf %add3A_1836, %slice3A_1831 : vector<256x128xf32>
    %lt3A_1838 = arith.cmpf olt, %add3A_1837, %select_n3A_1821 : vector<256x128xf32>
    %jit3A_1839 = arith.constant 8.000000e+00 : f32
    %broadcast_in_dim3A_1840 = vector.broadcast %jit3A_1839 : f32 to vector<256x128xf32>
    %select_n3A_1841 = arith.select %lt3A_1838, %broadcast_in_dim3A_1840, %select_n3A_1820 : vector<256x128xi1>, vector<256x128xf32>
    %select_n3A_1842 = arith.select %lt3A_1838, %add3A_1837, %select_n3A_1821 : vector<256x128xi1>, vector<256x128xf32>
    %slice3A_1843 = vector.extract_strided_slice %dot_general3A_1830 {offsets = [0, 128], sizes = [256, 128], strides = [1, 1]} : vector<256x1024xf32> to vector<256x128xf32>
    %slice3A_1844 = vector.extract_strided_slice %get3A_1828 {offsets = [128], sizes = [128], strides = [1]} : vector<1024xf32> to vector<128xf32>
    %broadcast_in_dim3A_1845 = vector.shape_cast %slice3A_1844 : vector<128xf32> to vector<1x128xf32>
    %add3A_1846 = vector.broadcast %reshape3A_1719 : vector<256x1xf32> to vector<256x128xf32>
    %add3A_1847 = vector.broadcast %broadcast_in_dim3A_1845 : vector<1x128xf32> to vector<256x128xf32>
    %add3A_1848 = arith.addf %add3A_1846, %add3A_1847 : vector<256x128xf32>
    %add3A_1849 = arith.addf %add3A_1848, %slice3A_1843 : vector<256x128xf32>
    %lt3A_1850 = arith.cmpf olt, %add3A_1849, %select_n3A_1842 : vector<256x128xf32>
    %jit3A_1851 = arith.constant 9.000000e+00 : f32
    %broadcast_in_dim3A_1852 = vector.broadcast %jit3A_1851 : f32 to vector<256x128xf32>
    %select_n3A_1853 = arith.select %lt3A_1850, %broadcast_in_dim3A_1852, %select_n3A_1841 : vector<256x128xi1>, vector<256x128xf32>
    %select_n3A_1854 = arith.select %lt3A_1850, %add3A_1849, %select_n3A_1842 : vector<256x128xi1>, vector<256x128xf32>
    %slice3A_1855 = vector.extract_strided_slice %dot_general3A_1830 {offsets = [0, 256], sizes = [256, 128], strides = [1, 1]} : vector<256x1024xf32> to vector<256x128xf32>
    %slice3A_1856 = vector.extract_strided_slice %get3A_1828 {offsets = [256], sizes = [128], strides = [1]} : vector<1024xf32> to vector<128xf32>
    %broadcast_in_dim3A_1857 = vector.shape_cast %slice3A_1856 : vector<128xf32> to vector<1x128xf32>
    %add3A_1858 = vector.broadcast %reshape3A_1719 : vector<256x1xf32> to vector<256x128xf32>
    %add3A_1859 = vector.broadcast %broadcast_in_dim3A_1857 : vector<1x128xf32> to vector<256x128xf32>
    %add3A_1860 = arith.addf %add3A_1858, %add3A_1859 : vector<256x128xf32>
    %add3A_1861 = arith.addf %add3A_1860, %slice3A_1855 : vector<256x128xf32>
    %lt3A_1862 = arith.cmpf olt, %add3A_1861, %select_n3A_1854 : vector<256x128xf32>
    %jit3A_1863 = arith.constant 1.000000e+01 : f32
    %broadcast_in_dim3A_1864 = vector.broadcast %jit3A_1863 : f32 to vector<256x128xf32>
    %select_n3A_1865 = arith.select %lt3A_1862, %broadcast_in_dim3A_1864, %select_n3A_1853 : vector<256x128xi1>, vector<256x128xf32>
    %select_n3A_1866 = arith.select %lt3A_1862, %add3A_1861, %select_n3A_1854 : vector<256x128xi1>, vector<256x128xf32>
    %slice3A_1867 = vector.extract_strided_slice %dot_general3A_1830 {offsets = [0, 384], sizes = [256, 128], strides = [1, 1]} : vector<256x1024xf32> to vector<256x128xf32>
    %slice3A_1868 = vector.extract_strided_slice %get3A_1828 {offsets = [384], sizes = [128], strides = [1]} : vector<1024xf32> to vector<128xf32>
    %broadcast_in_dim3A_1869 = vector.shape_cast %slice3A_1868 : vector<128xf32> to vector<1x128xf32>
    %add3A_1870 = vector.broadcast %reshape3A_1719 : vector<256x1xf32> to vector<256x128xf32>
    %add3A_1871 = vector.broadcast %broadcast_in_dim3A_1869 : vector<1x128xf32> to vector<256x128xf32>
    %add3A_1872 = arith.addf %add3A_1870, %add3A_1871 : vector<256x128xf32>
    %add3A_1873 = arith.addf %add3A_1872, %slice3A_1867 : vector<256x128xf32>
    %lt3A_1874 = arith.cmpf olt, %add3A_1873, %select_n3A_1866 : vector<256x128xf32>
    %jit3A_1875 = arith.constant 1.100000e+01 : f32
    %broadcast_in_dim3A_1876 = vector.broadcast %jit3A_1875 : f32 to vector<256x128xf32>
    %select_n3A_1877 = arith.select %lt3A_1874, %broadcast_in_dim3A_1876, %select_n3A_1865 : vector<256x128xi1>, vector<256x128xf32>
    %select_n3A_1878 = arith.select %lt3A_1874, %add3A_1873, %select_n3A_1866 : vector<256x128xi1>, vector<256x128xf32>
    %slice3A_1879 = vector.extract_strided_slice %dot_general3A_1830 {offsets = [0, 512], sizes = [256, 128], strides = [1, 1]} : vector<256x1024xf32> to vector<256x128xf32>
    %slice3A_1880 = vector.extract_strided_slice %get3A_1828 {offsets = [512], sizes = [128], strides = [1]} : vector<1024xf32> to vector<128xf32>
    %broadcast_in_dim3A_1881 = vector.shape_cast %slice3A_1880 : vector<128xf32> to vector<1x128xf32>
    %add3A_1882 = vector.broadcast %reshape3A_1719 : vector<256x1xf32> to vector<256x128xf32>
    %add3A_1883 = vector.broadcast %broadcast_in_dim3A_1881 : vector<1x128xf32> to vector<256x128xf32>
    %add3A_1884 = arith.addf %add3A_1882, %add3A_1883 : vector<256x128xf32>
    %add3A_1885 = arith.addf %add3A_1884, %slice3A_1879 : vector<256x128xf32>
    %lt3A_1886 = arith.cmpf olt, %add3A_1885, %select_n3A_1878 : vector<256x128xf32>
    %jit3A_1887 = arith.constant 1.200000e+01 : f32
    %broadcast_in_dim3A_1888 = vector.broadcast %jit3A_1887 : f32 to vector<256x128xf32>
    %select_n3A_1889 = arith.select %lt3A_1886, %broadcast_in_dim3A_1888, %select_n3A_1877 : vector<256x128xi1>, vector<256x128xf32>
    %select_n3A_1890 = arith.select %lt3A_1886, %add3A_1885, %select_n3A_1878 : vector<256x128xi1>, vector<256x128xf32>
    %slice3A_1891 = vector.extract_strided_slice %dot_general3A_1830 {offsets = [0, 640], sizes = [256, 128], strides = [1, 1]} : vector<256x1024xf32> to vector<256x128xf32>
    %slice3A_1892 = vector.extract_strided_slice %get3A_1828 {offsets = [640], sizes = [128], strides = [1]} : vector<1024xf32> to vector<128xf32>
    %broadcast_in_dim3A_1893 = vector.shape_cast %slice3A_1892 : vector<128xf32> to vector<1x128xf32>
    %add3A_1894 = vector.broadcast %reshape3A_1719 : vector<256x1xf32> to vector<256x128xf32>
    %add3A_1895 = vector.broadcast %broadcast_in_dim3A_1893 : vector<1x128xf32> to vector<256x128xf32>
    %add3A_1896 = arith.addf %add3A_1894, %add3A_1895 : vector<256x128xf32>
    %add3A_1897 = arith.addf %add3A_1896, %slice3A_1891 : vector<256x128xf32>
    %lt3A_1898 = arith.cmpf olt, %add3A_1897, %select_n3A_1890 : vector<256x128xf32>
    %jit3A_1899 = arith.constant 1.300000e+01 : f32
    %broadcast_in_dim3A_1900 = vector.broadcast %jit3A_1899 : f32 to vector<256x128xf32>
    %select_n3A_1901 = arith.select %lt3A_1898, %broadcast_in_dim3A_1900, %select_n3A_1889 : vector<256x128xi1>, vector<256x128xf32>
    %select_n3A_1902 = arith.select %lt3A_1898, %add3A_1897, %select_n3A_1890 : vector<256x128xi1>, vector<256x128xf32>
    %slice3A_1903 = vector.extract_strided_slice %dot_general3A_1830 {offsets = [0, 768], sizes = [256, 128], strides = [1, 1]} : vector<256x1024xf32> to vector<256x128xf32>
    %slice3A_1904 = vector.extract_strided_slice %get3A_1828 {offsets = [768], sizes = [128], strides = [1]} : vector<1024xf32> to vector<128xf32>
    %broadcast_in_dim3A_1905 = vector.shape_cast %slice3A_1904 : vector<128xf32> to vector<1x128xf32>
    %add3A_1906 = vector.broadcast %reshape3A_1719 : vector<256x1xf32> to vector<256x128xf32>
    %add3A_1907 = vector.broadcast %broadcast_in_dim3A_1905 : vector<1x128xf32> to vector<256x128xf32>
    %add3A_1908 = arith.addf %add3A_1906, %add3A_1907 : vector<256x128xf32>
    %add3A_1909 = arith.addf %add3A_1908, %slice3A_1903 : vector<256x128xf32>
    %lt3A_1910 = arith.cmpf olt, %add3A_1909, %select_n3A_1902 : vector<256x128xf32>
    %jit3A_1911 = arith.constant 1.400000e+01 : f32
    %broadcast_in_dim3A_1912 = vector.broadcast %jit3A_1911 : f32 to vector<256x128xf32>
    %select_n3A_1913 = arith.select %lt3A_1910, %broadcast_in_dim3A_1912, %select_n3A_1901 : vector<256x128xi1>, vector<256x128xf32>
    %select_n3A_1914 = arith.select %lt3A_1910, %add3A_1909, %select_n3A_1902 : vector<256x128xi1>, vector<256x128xf32>
    %slice3A_1915 = vector.extract_strided_slice %dot_general3A_1830 {offsets = [0, 896], sizes = [256, 128], strides = [1, 1]} : vector<256x1024xf32> to vector<256x128xf32>
    %slice3A_1916 = vector.extract_strided_slice %get3A_1828 {offsets = [896], sizes = [128], strides = [1]} : vector<1024xf32> to vector<128xf32>
    %broadcast_in_dim3A_1917 = vector.shape_cast %slice3A_1916 : vector<128xf32> to vector<1x128xf32>
    %add3A_1918 = vector.broadcast %reshape3A_1719 : vector<256x1xf32> to vector<256x128xf32>
    %add3A_1919 = vector.broadcast %broadcast_in_dim3A_1917 : vector<1x128xf32> to vector<256x128xf32>
    %add3A_1920 = arith.addf %add3A_1918, %add3A_1919 : vector<256x128xf32>
    %add3A_1921 = arith.addf %add3A_1920, %slice3A_1915 : vector<256x128xf32>
    %lt3A_1922 = arith.cmpf olt, %add3A_1921, %select_n3A_1914 : vector<256x128xf32>
    %jit3A_1923 = arith.constant 1.500000e+01 : f32
    %broadcast_in_dim3A_1924 = vector.broadcast %jit3A_1923 : f32 to vector<256x128xf32>
    %select_n3A_1925 = arith.select %lt3A_1922, %broadcast_in_dim3A_1924, %select_n3A_1913 : vector<256x128xi1>, vector<256x128xf32>
    %select_n3A_1926 = arith.select %lt3A_1922, %add3A_1921, %select_n3A_1914 : vector<256x128xi1>, vector<256x128xf32>
    %get3A_1927 = arith.constant 2048 : index
    %get3A_1928 = arith.constant 0 : index
    %get3A_1929 = vector.load %arg2[%get3A_1927, %get3A_1928] : memref<8192x256xf32, #tpu.memory_space<vmem>>, vector<1024x256xf32>
    %get3A_1930 = arith.constant 2 : index
    %get3A_1931 = arith.constant 0 : index
    %get3A_1932 = vector.load %arg3[%get3A_1930, %get3A_1931] : memref<8x1024xf32, #tpu.memory_space<vmem>>, vector<1x1024xf32>
    %get3A_1933 = vector.shape_cast %get3A_1932 : vector<1x1024xf32> to vector<1024xf32>
    %dot_general3A_1934 = arith.constant dense<0.000000e+00> : vector<256x1024xf32>
    %dot_general3A_1935 = tpu.matmul %slice3A_1715, %get3A_1929, %dot_general3A_1934 {dimension_numbers = #tpu.dot_dimension_numbers<[0], [1], [1], [0], [0, 1, 1, 0], [], []>, transpose_lhs_hint = false} : vector<256x256xf32>, vector<1024x256xf32>, vector<256x1024xf32> -> vector<256x1024xf32>
    %slice3A_1936 = vector.extract_strided_slice %dot_general3A_1935 {offsets = [0, 0], sizes = [256, 128], strides = [1, 1]} : vector<256x1024xf32> to vector<256x128xf32>
    %slice3A_1937 = vector.extract_strided_slice %get3A_1933 {offsets = [0], sizes = [128], strides = [1]} : vector<1024xf32> to vector<128xf32>
    %broadcast_in_dim3A_1938 = vector.shape_cast %slice3A_1937 : vector<128xf32> to vector<1x128xf32>
    %add3A_1939 = vector.broadcast %reshape3A_1719 : vector<256x1xf32> to vector<256x128xf32>
    %add3A_1940 = vector.broadcast %broadcast_in_dim3A_1938 : vector<1x128xf32> to vector<256x128xf32>
    %add3A_1941 = arith.addf %add3A_1939, %add3A_1940 : vector<256x128xf32>
    %add3A_1942 = arith.addf %add3A_1941, %slice3A_1936 : vector<256x128xf32>
    %lt3A_1943 = arith.cmpf olt, %add3A_1942, %select_n3A_1926 : vector<256x128xf32>
    %jit3A_1944 = arith.constant 1.600000e+01 : f32
    %broadcast_in_dim3A_1945 = vector.broadcast %jit3A_1944 : f32 to vector<256x128xf32>
    %select_n3A_1946 = arith.select %lt3A_1943, %broadcast_in_dim3A_1945, %select_n3A_1925 : vector<256x128xi1>, vector<256x128xf32>
    %select_n3A_1947 = arith.select %lt3A_1943, %add3A_1942, %select_n3A_1926 : vector<256x128xi1>, vector<256x128xf32>
    %slice3A_1948 = vector.extract_strided_slice %dot_general3A_1935 {offsets = [0, 128], sizes = [256, 128], strides = [1, 1]} : vector<256x1024xf32> to vector<256x128xf32>
    %slice3A_1949 = vector.extract_strided_slice %get3A_1933 {offsets = [128], sizes = [128], strides = [1]} : vector<1024xf32> to vector<128xf32>
    %broadcast_in_dim3A_1950 = vector.shape_cast %slice3A_1949 : vector<128xf32> to vector<1x128xf32>
    %add3A_1951 = vector.broadcast %reshape3A_1719 : vector<256x1xf32> to vector<256x128xf32>
    %add3A_1952 = vector.broadcast %broadcast_in_dim3A_1950 : vector<1x128xf32> to vector<256x128xf32>
    %add3A_1953 = arith.addf %add3A_1951, %add3A_1952 : vector<256x128xf32>
    %add3A_1954 = arith.addf %add3A_1953, %slice3A_1948 : vector<256x128xf32>
    %lt3A_1955 = arith.cmpf olt, %add3A_1954, %select_n3A_1947 : vector<256x128xf32>
    %jit3A_1956 = arith.constant 1.700000e+01 : f32
    %broadcast_in_dim3A_1957 = vector.broadcast %jit3A_1956 : f32 to vector<256x128xf32>
    %select_n3A_1958 = arith.select %lt3A_1955, %broadcast_in_dim3A_1957, %select_n3A_1946 : vector<256x128xi1>, vector<256x128xf32>
    %select_n3A_1959 = arith.select %lt3A_1955, %add3A_1954, %select_n3A_1947 : vector<256x128xi1>, vector<256x128xf32>
    %slice3A_1960 = vector.extract_strided_slice %dot_general3A_1935 {offsets = [0, 256], sizes = [256, 128], strides = [1, 1]} : vector<256x1024xf32> to vector<256x128xf32>
    %slice3A_1961 = vector.extract_strided_slice %get3A_1933 {offsets = [256], sizes = [128], strides = [1]} : vector<1024xf32> to vector<128xf32>
    %broadcast_in_dim3A_1962 = vector.shape_cast %slice3A_1961 : vector<128xf32> to vector<1x128xf32>
    %add3A_1963 = vector.broadcast %reshape3A_1719 : vector<256x1xf32> to vector<256x128xf32>
    %add3A_1964 = vector.broadcast %broadcast_in_dim3A_1962 : vector<1x128xf32> to vector<256x128xf32>
    %add3A_1965 = arith.addf %add3A_1963, %add3A_1964 : vector<256x128xf32>
    %add3A_1966 = arith.addf %add3A_1965, %slice3A_1960 : vector<256x128xf32>
    %lt3A_1967 = arith.cmpf olt, %add3A_1966, %select_n3A_1959 : vector<256x128xf32>
    %jit3A_1968 = arith.constant 1.800000e+01 : f32
    %broadcast_in_dim3A_1969 = vector.broadcast %jit3A_1968 : f32 to vector<256x128xf32>
    %select_n3A_1970 = arith.select %lt3A_1967, %broadcast_in_dim3A_1969, %select_n3A_1958 : vector<256x128xi1>, vector<256x128xf32>
    %select_n3A_1971 = arith.select %lt3A_1967, %add3A_1966, %select_n3A_1959 : vector<256x128xi1>, vector<256x128xf32>
    %slice3A_1972 = vector.extract_strided_slice %dot_general3A_1935 {offsets = [0, 384], sizes = [256, 128], strides = [1, 1]} : vector<256x1024xf32> to vector<256x128xf32>
    %slice3A_1973 = vector.extract_strided_slice %get3A_1933 {offsets = [384], sizes = [128], strides = [1]} : vector<1024xf32> to vector<128xf32>
    %broadcast_in_dim3A_1974 = vector.shape_cast %slice3A_1973 : vector<128xf32> to vector<1x128xf32>
    %add3A_1975 = vector.broadcast %reshape3A_1719 : vector<256x1xf32> to vector<256x128xf32>
    %add3A_1976 = vector.broadcast %broadcast_in_dim3A_1974 : vector<1x128xf32> to vector<256x128xf32>
    %add3A_1977 = arith.addf %add3A_1975, %add3A_1976 : vector<256x128xf32>
    %add3A_1978 = arith.addf %add3A_1977, %slice3A_1972 : vector<256x128xf32>
    %lt3A_1979 = arith.cmpf olt, %add3A_1978, %select_n3A_1971 : vector<256x128xf32>
    %jit3A_1980 = arith.constant 1.900000e+01 : f32
    %broadcast_in_dim3A_1981 = vector.broadcast %jit3A_1980 : f32 to vector<256x128xf32>
    %select_n3A_1982 = arith.select %lt3A_1979, %broadcast_in_dim3A_1981, %select_n3A_1970 : vector<256x128xi1>, vector<256x128xf32>
    %select_n3A_1983 = arith.select %lt3A_1979, %add3A_1978, %select_n3A_1971 : vector<256x128xi1>, vector<256x128xf32>
    %slice3A_1984 = vector.extract_strided_slice %dot_general3A_1935 {offsets = [0, 512], sizes = [256, 128], strides = [1, 1]} : vector<256x1024xf32> to vector<256x128xf32>
    %slice3A_1985 = vector.extract_strided_slice %get3A_1933 {offsets = [512], sizes = [128], strides = [1]} : vector<1024xf32> to vector<128xf32>
    %broadcast_in_dim3A_1986 = vector.shape_cast %slice3A_1985 : vector<128xf32> to vector<1x128xf32>
    %add3A_1987 = vector.broadcast %reshape3A_1719 : vector<256x1xf32> to vector<256x128xf32>
    %add3A_1988 = vector.broadcast %broadcast_in_dim3A_1986 : vector<1x128xf32> to vector<256x128xf32>
    %add3A_1989 = arith.addf %add3A_1987, %add3A_1988 : vector<256x128xf32>
    %add3A_1990 = arith.addf %add3A_1989, %slice3A_1984 : vector<256x128xf32>
    %lt3A_1991 = arith.cmpf olt, %add3A_1990, %select_n3A_1983 : vector<256x128xf32>
    %jit3A_1992 = arith.constant 2.000000e+01 : f32
    %broadcast_in_dim3A_1993 = vector.broadcast %jit3A_1992 : f32 to vector<256x128xf32>
    %select_n3A_1994 = arith.select %lt3A_1991, %broadcast_in_dim3A_1993, %select_n3A_1982 : vector<256x128xi1>, vector<256x128xf32>
    %select_n3A_1995 = arith.select %lt3A_1991, %add3A_1990, %select_n3A_1983 : vector<256x128xi1>, vector<256x128xf32>
    %slice3A_1996 = vector.extract_strided_slice %dot_general3A_1935 {offsets = [0, 640], sizes = [256, 128], strides = [1, 1]} : vector<256x1024xf32> to vector<256x128xf32>
    %slice3A_1997 = vector.extract_strided_slice %get3A_1933 {offsets = [640], sizes = [128], strides = [1]} : vector<1024xf32> to vector<128xf32>
    %broadcast_in_dim3A_1998 = vector.shape_cast %slice3A_1997 : vector<128xf32> to vector<1x128xf32>
    %add3A_1999 = vector.broadcast %reshape3A_1719 : vector<256x1xf32> to vector<256x128xf32>
    %add3A_2000 = vector.broadcast %broadcast_in_dim3A_1998 : vector<1x128xf32> to vector<256x128xf32>
    %add3A_2001 = arith.addf %add3A_1999, %add3A_2000 : vector<256x128xf32>
    %add3A_2002 = arith.addf %add3A_2001, %slice3A_1996 : vector<256x128xf32>
    %lt3A_2003 = arith.cmpf olt, %add3A_2002, %select_n3A_1995 : vector<256x128xf32>
    %jit3A_2004 = arith.constant 2.100000e+01 : f32
    %broadcast_in_dim3A_2005 = vector.broadcast %jit3A_2004 : f32 to vector<256x128xf32>
    %select_n3A_2006 = arith.select %lt3A_2003, %broadcast_in_dim3A_2005, %select_n3A_1994 : vector<256x128xi1>, vector<256x128xf32>
    %select_n3A_2007 = arith.select %lt3A_2003, %add3A_2002, %select_n3A_1995 : vector<256x128xi1>, vector<256x128xf32>
    %slice3A_2008 = vector.extract_strided_slice %dot_general3A_1935 {offsets = [0, 768], sizes = [256, 128], strides = [1, 1]} : vector<256x1024xf32> to vector<256x128xf32>
    %slice3A_2009 = vector.extract_strided_slice %get3A_1933 {offsets = [768], sizes = [128], strides = [1]} : vector<1024xf32> to vector<128xf32>
    %broadcast_in_dim3A_2010 = vector.shape_cast %slice3A_2009 : vector<128xf32> to vector<1x128xf32>
    %add3A_2011 = vector.broadcast %reshape3A_1719 : vector<256x1xf32> to vector<256x128xf32>
    %add3A_2012 = vector.broadcast %broadcast_in_dim3A_2010 : vector<1x128xf32> to vector<256x128xf32>
    %add3A_2013 = arith.addf %add3A_2011, %add3A_2012 : vector<256x128xf32>
    %add3A_2014 = arith.addf %add3A_2013, %slice3A_2008 : vector<256x128xf32>
    %lt3A_2015 = arith.cmpf olt, %add3A_2014, %select_n3A_2007 : vector<256x128xf32>
    %jit3A_2016 = arith.constant 2.200000e+01 : f32
    %broadcast_in_dim3A_2017 = vector.broadcast %jit3A_2016 : f32 to vector<256x128xf32>
    %select_n3A_2018 = arith.select %lt3A_2015, %broadcast_in_dim3A_2017, %select_n3A_2006 : vector<256x128xi1>, vector<256x128xf32>
    %select_n3A_2019 = arith.select %lt3A_2015, %add3A_2014, %select_n3A_2007 : vector<256x128xi1>, vector<256x128xf32>
    %slice3A_2020 = vector.extract_strided_slice %dot_general3A_1935 {offsets = [0, 896], sizes = [256, 128], strides = [1, 1]} : vector<256x1024xf32> to vector<256x128xf32>
    %slice3A_2021 = vector.extract_strided_slice %get3A_1933 {offsets = [896], sizes = [128], strides = [1]} : vector<1024xf32> to vector<128xf32>
    %broadcast_in_dim3A_2022 = vector.shape_cast %slice3A_2021 : vector<128xf32> to vector<1x128xf32>
    %add3A_2023 = vector.broadcast %reshape3A_1719 : vector<256x1xf32> to vector<256x128xf32>
    %add3A_2024 = vector.broadcast %broadcast_in_dim3A_2022 : vector<1x128xf32> to vector<256x128xf32>
    %add3A_2025 = arith.addf %add3A_2023, %add3A_2024 : vector<256x128xf32>
    %add3A_2026 = arith.addf %add3A_2025, %slice3A_2020 : vector<256x128xf32>
    %lt3A_2027 = arith.cmpf olt, %add3A_2026, %select_n3A_2019 : vector<256x128xf32>
    %jit3A_2028 = arith.constant 2.300000e+01 : f32
    %broadcast_in_dim3A_2029 = vector.broadcast %jit3A_2028 : f32 to vector<256x128xf32>
    %select_n3A_2030 = arith.select %lt3A_2027, %broadcast_in_dim3A_2029, %select_n3A_2018 : vector<256x128xi1>, vector<256x128xf32>
    %select_n3A_2031 = arith.select %lt3A_2027, %add3A_2026, %select_n3A_2019 : vector<256x128xi1>, vector<256x128xf32>
    %get3A_2032 = arith.constant 3072 : index
    %get3A_2033 = arith.constant 0 : index
    %get3A_2034 = vector.load %arg2[%get3A_2032, %get3A_2033] : memref<8192x256xf32, #tpu.memory_space<vmem>>, vector<1024x256xf32>
    %get3A_2035 = arith.constant 3 : index
    %get3A_2036 = arith.constant 0 : index
    %get3A_2037 = vector.load %arg3[%get3A_2035, %get3A_2036] : memref<8x1024xf32, #tpu.memory_space<vmem>>, vector<1x1024xf32>
    %get3A_2038 = vector.shape_cast %get3A_2037 : vector<1x1024xf32> to vector<1024xf32>
    %dot_general3A_2039 = arith.constant dense<0.000000e+00> : vector<256x1024xf32>
    %dot_general3A_2040 = tpu.matmul %slice3A_1715, %get3A_2034, %dot_general3A_2039 {dimension_numbers = #tpu.dot_dimension_numbers<[0], [1], [1], [0], [0, 1, 1, 0], [], []>, transpose_lhs_hint = false} : vector<256x256xf32>, vector<1024x256xf32>, vector<256x1024xf32> -> vector<256x1024xf32>
    %slice3A_2041 = vector.extract_strided_slice %dot_general3A_2040 {offsets = [0, 0], sizes = [256, 128], strides = [1, 1]} : vector<256x1024xf32> to vector<256x128xf32>
    %slice3A_2042 = vector.extract_strided_slice %get3A_2038 {offsets = [0], sizes = [128], strides = [1]} : vector<1024xf32> to vector<128xf32>
    %broadcast_in_dim3A_2043 = vector.shape_cast %slice3A_2042 : vector<128xf32> to vector<1x128xf32>
    %add3A_2044 = vector.broadcast %reshape3A_1719 : vector<256x1xf32> to vector<256x128xf32>
    %add3A_2045 = vector.broadcast %broadcast_in_dim3A_2043 : vector<1x128xf32> to vector<256x128xf32>
    %add3A_2046 = arith.addf %add3A_2044, %add3A_2045 : vector<256x128xf32>
    %add3A_2047 = arith.addf %add3A_2046, %slice3A_2041 : vector<256x128xf32>
    %lt3A_2048 = arith.cmpf olt, %add3A_2047, %select_n3A_2031 : vector<256x128xf32>
    %jit3A_2049 = arith.constant 2.400000e+01 : f32
    %broadcast_in_dim3A_2050 = vector.broadcast %jit3A_2049 : f32 to vector<256x128xf32>
    %select_n3A_2051 = arith.select %lt3A_2048, %broadcast_in_dim3A_2050, %select_n3A_2030 : vector<256x128xi1>, vector<256x128xf32>
    %select_n3A_2052 = arith.select %lt3A_2048, %add3A_2047, %select_n3A_2031 : vector<256x128xi1>, vector<256x128xf32>
    %slice3A_2053 = vector.extract_strided_slice %dot_general3A_2040 {offsets = [0, 128], sizes = [256, 128], strides = [1, 1]} : vector<256x1024xf32> to vector<256x128xf32>
    %slice3A_2054 = vector.extract_strided_slice %get3A_2038 {offsets = [128], sizes = [128], strides = [1]} : vector<1024xf32> to vector<128xf32>
    %broadcast_in_dim3A_2055 = vector.shape_cast %slice3A_2054 : vector<128xf32> to vector<1x128xf32>
    %add3A_2056 = vector.broadcast %reshape3A_1719 : vector<256x1xf32> to vector<256x128xf32>
    %add3A_2057 = vector.broadcast %broadcast_in_dim3A_2055 : vector<1x128xf32> to vector<256x128xf32>
    %add3A_2058 = arith.addf %add3A_2056, %add3A_2057 : vector<256x128xf32>
    %add3A_2059 = arith.addf %add3A_2058, %slice3A_2053 : vector<256x128xf32>
    %lt3A_2060 = arith.cmpf olt, %add3A_2059, %select_n3A_2052 : vector<256x128xf32>
    %jit3A_2061 = arith.constant 2.500000e+01 : f32
    %broadcast_in_dim3A_2062 = vector.broadcast %jit3A_2061 : f32 to vector<256x128xf32>
    %select_n3A_2063 = arith.select %lt3A_2060, %broadcast_in_dim3A_2062, %select_n3A_2051 : vector<256x128xi1>, vector<256x128xf32>
    %select_n3A_2064 = arith.select %lt3A_2060, %add3A_2059, %select_n3A_2052 : vector<256x128xi1>, vector<256x128xf32>
    %slice3A_2065 = vector.extract_strided_slice %dot_general3A_2040 {offsets = [0, 256], sizes = [256, 128], strides = [1, 1]} : vector<256x1024xf32> to vector<256x128xf32>
    %slice3A_2066 = vector.extract_strided_slice %get3A_2038 {offsets = [256], sizes = [128], strides = [1]} : vector<1024xf32> to vector<128xf32>
    %broadcast_in_dim3A_2067 = vector.shape_cast %slice3A_2066 : vector<128xf32> to vector<1x128xf32>
    %add3A_2068 = vector.broadcast %reshape3A_1719 : vector<256x1xf32> to vector<256x128xf32>
    %add3A_2069 = vector.broadcast %broadcast_in_dim3A_2067 : vector<1x128xf32> to vector<256x128xf32>
    %add3A_2070 = arith.addf %add3A_2068, %add3A_2069 : vector<256x128xf32>
    %add3A_2071 = arith.addf %add3A_2070, %slice3A_2065 : vector<256x128xf32>
    %lt3A_2072 = arith.cmpf olt, %add3A_2071, %select_n3A_2064 : vector<256x128xf32>
    %jit3A_2073 = arith.constant 2.600000e+01 : f32
    %broadcast_in_dim3A_2074 = vector.broadcast %jit3A_2073 : f32 to vector<256x128xf32>
    %select_n3A_2075 = arith.select %lt3A_2072, %broadcast_in_dim3A_2074, %select_n3A_2063 : vector<256x128xi1>, vector<256x128xf32>
    %select_n3A_2076 = arith.select %lt3A_2072, %add3A_2071, %select_n3A_2064 : vector<256x128xi1>, vector<256x128xf32>
    %slice3A_2077 = vector.extract_strided_slice %dot_general3A_2040 {offsets = [0, 384], sizes = [256, 128], strides = [1, 1]} : vector<256x1024xf32> to vector<256x128xf32>
    %slice3A_2078 = vector.extract_strided_slice %get3A_2038 {offsets = [384], sizes = [128], strides = [1]} : vector<1024xf32> to vector<128xf32>
    %broadcast_in_dim3A_2079 = vector.shape_cast %slice3A_2078 : vector<128xf32> to vector<1x128xf32>
    %add3A_2080 = vector.broadcast %reshape3A_1719 : vector<256x1xf32> to vector<256x128xf32>
    %add3A_2081 = vector.broadcast %broadcast_in_dim3A_2079 : vector<1x128xf32> to vector<256x128xf32>
    %add3A_2082 = arith.addf %add3A_2080, %add3A_2081 : vector<256x128xf32>
    %add3A_2083 = arith.addf %add3A_2082, %slice3A_2077 : vector<256x128xf32>
    %lt3A_2084 = arith.cmpf olt, %add3A_2083, %select_n3A_2076 : vector<256x128xf32>
    %jit3A_2085 = arith.constant 2.700000e+01 : f32
    %broadcast_in_dim3A_2086 = vector.broadcast %jit3A_2085 : f32 to vector<256x128xf32>
    %select_n3A_2087 = arith.select %lt3A_2084, %broadcast_in_dim3A_2086, %select_n3A_2075 : vector<256x128xi1>, vector<256x128xf32>
    %select_n3A_2088 = arith.select %lt3A_2084, %add3A_2083, %select_n3A_2076 : vector<256x128xi1>, vector<256x128xf32>
    %slice3A_2089 = vector.extract_strided_slice %dot_general3A_2040 {offsets = [0, 512], sizes = [256, 128], strides = [1, 1]} : vector<256x1024xf32> to vector<256x128xf32>
    %slice3A_2090 = vector.extract_strided_slice %get3A_2038 {offsets = [512], sizes = [128], strides = [1]} : vector<1024xf32> to vector<128xf32>
    %broadcast_in_dim3A_2091 = vector.shape_cast %slice3A_2090 : vector<128xf32> to vector<1x128xf32>
    %add3A_2092 = vector.broadcast %reshape3A_1719 : vector<256x1xf32> to vector<256x128xf32>
    %add3A_2093 = vector.broadcast %broadcast_in_dim3A_2091 : vector<1x128xf32> to vector<256x128xf32>
    %add3A_2094 = arith.addf %add3A_2092, %add3A_2093 : vector<256x128xf32>
    %add3A_2095 = arith.addf %add3A_2094, %slice3A_2089 : vector<256x128xf32>
    %lt3A_2096 = arith.cmpf olt, %add3A_2095, %select_n3A_2088 : vector<256x128xf32>
    %jit3A_2097 = arith.constant 2.800000e+01 : f32
    %broadcast_in_dim3A_2098 = vector.broadcast %jit3A_2097 : f32 to vector<256x128xf32>
    %select_n3A_2099 = arith.select %lt3A_2096, %broadcast_in_dim3A_2098, %select_n3A_2087 : vector<256x128xi1>, vector<256x128xf32>
    %select_n3A_2100 = arith.select %lt3A_2096, %add3A_2095, %select_n3A_2088 : vector<256x128xi1>, vector<256x128xf32>
    %slice3A_2101 = vector.extract_strided_slice %dot_general3A_2040 {offsets = [0, 640], sizes = [256, 128], strides = [1, 1]} : vector<256x1024xf32> to vector<256x128xf32>
    %slice3A_2102 = vector.extract_strided_slice %get3A_2038 {offsets = [640], sizes = [128], strides = [1]} : vector<1024xf32> to vector<128xf32>
    %broadcast_in_dim3A_2103 = vector.shape_cast %slice3A_2102 : vector<128xf32> to vector<1x128xf32>
    %add3A_2104 = vector.broadcast %reshape3A_1719 : vector<256x1xf32> to vector<256x128xf32>
    %add3A_2105 = vector.broadcast %broadcast_in_dim3A_2103 : vector<1x128xf32> to vector<256x128xf32>
    %add3A_2106 = arith.addf %add3A_2104, %add3A_2105 : vector<256x128xf32>
    %add3A_2107 = arith.addf %add3A_2106, %slice3A_2101 : vector<256x128xf32>
    %lt3A_2108 = arith.cmpf olt, %add3A_2107, %select_n3A_2100 : vector<256x128xf32>
    %jit3A_2109 = arith.constant 2.900000e+01 : f32
    %broadcast_in_dim3A_2110 = vector.broadcast %jit3A_2109 : f32 to vector<256x128xf32>
    %select_n3A_2111 = arith.select %lt3A_2108, %broadcast_in_dim3A_2110, %select_n3A_2099 : vector<256x128xi1>, vector<256x128xf32>
    %select_n3A_2112 = arith.select %lt3A_2108, %add3A_2107, %select_n3A_2100 : vector<256x128xi1>, vector<256x128xf32>
    %slice3A_2113 = vector.extract_strided_slice %dot_general3A_2040 {offsets = [0, 768], sizes = [256, 128], strides = [1, 1]} : vector<256x1024xf32> to vector<256x128xf32>
    %slice3A_2114 = vector.extract_strided_slice %get3A_2038 {offsets = [768], sizes = [128], strides = [1]} : vector<1024xf32> to vector<128xf32>
    %broadcast_in_dim3A_2115 = vector.shape_cast %slice3A_2114 : vector<128xf32> to vector<1x128xf32>
    %add3A_2116 = vector.broadcast %reshape3A_1719 : vector<256x1xf32> to vector<256x128xf32>
    %add3A_2117 = vector.broadcast %broadcast_in_dim3A_2115 : vector<1x128xf32> to vector<256x128xf32>
    %add3A_2118 = arith.addf %add3A_2116, %add3A_2117 : vector<256x128xf32>
    %add3A_2119 = arith.addf %add3A_2118, %slice3A_2113 : vector<256x128xf32>
    %lt3A_2120 = arith.cmpf olt, %add3A_2119, %select_n3A_2112 : vector<256x128xf32>
    %jit3A_2121 = arith.constant 3.000000e+01 : f32
    %broadcast_in_dim3A_2122 = vector.broadcast %jit3A_2121 : f32 to vector<256x128xf32>
    %select_n3A_2123 = arith.select %lt3A_2120, %broadcast_in_dim3A_2122, %select_n3A_2111 : vector<256x128xi1>, vector<256x128xf32>
    %select_n3A_2124 = arith.select %lt3A_2120, %add3A_2119, %select_n3A_2112 : vector<256x128xi1>, vector<256x128xf32>
    %slice3A_2125 = vector.extract_strided_slice %dot_general3A_2040 {offsets = [0, 896], sizes = [256, 128], strides = [1, 1]} : vector<256x1024xf32> to vector<256x128xf32>
    %slice3A_2126 = vector.extract_strided_slice %get3A_2038 {offsets = [896], sizes = [128], strides = [1]} : vector<1024xf32> to vector<128xf32>
    %broadcast_in_dim3A_2127 = vector.shape_cast %slice3A_2126 : vector<128xf32> to vector<1x128xf32>
    %add3A_2128 = vector.broadcast %reshape3A_1719 : vector<256x1xf32> to vector<256x128xf32>
    %add3A_2129 = vector.broadcast %broadcast_in_dim3A_2127 : vector<1x128xf32> to vector<256x128xf32>
    %add3A_2130 = arith.addf %add3A_2128, %add3A_2129 : vector<256x128xf32>
    %add3A_2131 = arith.addf %add3A_2130, %slice3A_2125 : vector<256x128xf32>
    %lt3A_2132 = arith.cmpf olt, %add3A_2131, %select_n3A_2124 : vector<256x128xf32>
    %jit3A_2133 = arith.constant 3.100000e+01 : f32
    %broadcast_in_dim3A_2134 = vector.broadcast %jit3A_2133 : f32 to vector<256x128xf32>
    %select_n3A_2135 = arith.select %lt3A_2132, %broadcast_in_dim3A_2134, %select_n3A_2123 : vector<256x128xi1>, vector<256x128xf32>
    %select_n3A_2136 = arith.select %lt3A_2132, %add3A_2131, %select_n3A_2124 : vector<256x128xi1>, vector<256x128xf32>
    %get3A_2137 = arith.constant 4096 : index
    %get3A_2138 = arith.constant 0 : index
    %get3A_2139 = vector.load %arg2[%get3A_2137, %get3A_2138] : memref<8192x256xf32, #tpu.memory_space<vmem>>, vector<1024x256xf32>
    %get3A_2140 = arith.constant 4 : index
    %get3A_2141 = arith.constant 0 : index
    %get3A_2142 = vector.load %arg3[%get3A_2140, %get3A_2141] : memref<8x1024xf32, #tpu.memory_space<vmem>>, vector<1x1024xf32>
    %get3A_2143 = vector.shape_cast %get3A_2142 : vector<1x1024xf32> to vector<1024xf32>
    %dot_general3A_2144 = arith.constant dense<0.000000e+00> : vector<256x1024xf32>
    %dot_general3A_2145 = tpu.matmul %slice3A_1715, %get3A_2139, %dot_general3A_2144 {dimension_numbers = #tpu.dot_dimension_numbers<[0], [1], [1], [0], [0, 1, 1, 0], [], []>, transpose_lhs_hint = false} : vector<256x256xf32>, vector<1024x256xf32>, vector<256x1024xf32> -> vector<256x1024xf32>
    %slice3A_2146 = vector.extract_strided_slice %dot_general3A_2145 {offsets = [0, 0], sizes = [256, 128], strides = [1, 1]} : vector<256x1024xf32> to vector<256x128xf32>
    %slice3A_2147 = vector.extract_strided_slice %get3A_2143 {offsets = [0], sizes = [128], strides = [1]} : vector<1024xf32> to vector<128xf32>
    %broadcast_in_dim3A_2148 = vector.shape_cast %slice3A_2147 : vector<128xf32> to vector<1x128xf32>
    %add3A_2149 = vector.broadcast %reshape3A_1719 : vector<256x1xf32> to vector<256x128xf32>
    %add3A_2150 = vector.broadcast %broadcast_in_dim3A_2148 : vector<1x128xf32> to vector<256x128xf32>
    %add3A_2151 = arith.addf %add3A_2149, %add3A_2150 : vector<256x128xf32>
    %add3A_2152 = arith.addf %add3A_2151, %slice3A_2146 : vector<256x128xf32>
    %lt3A_2153 = arith.cmpf olt, %add3A_2152, %select_n3A_2136 : vector<256x128xf32>
    %jit3A_2154 = arith.constant 3.200000e+01 : f32
    %broadcast_in_dim3A_2155 = vector.broadcast %jit3A_2154 : f32 to vector<256x128xf32>
    %select_n3A_2156 = arith.select %lt3A_2153, %broadcast_in_dim3A_2155, %select_n3A_2135 : vector<256x128xi1>, vector<256x128xf32>
    %select_n3A_2157 = arith.select %lt3A_2153, %add3A_2152, %select_n3A_2136 : vector<256x128xi1>, vector<256x128xf32>
    %slice3A_2158 = vector.extract_strided_slice %dot_general3A_2145 {offsets = [0, 128], sizes = [256, 128], strides = [1, 1]} : vector<256x1024xf32> to vector<256x128xf32>
    %slice3A_2159 = vector.extract_strided_slice %get3A_2143 {offsets = [128], sizes = [128], strides = [1]} : vector<1024xf32> to vector<128xf32>
    %broadcast_in_dim3A_2160 = vector.shape_cast %slice3A_2159 : vector<128xf32> to vector<1x128xf32>
    %add3A_2161 = vector.broadcast %reshape3A_1719 : vector<256x1xf32> to vector<256x128xf32>
    %add3A_2162 = vector.broadcast %broadcast_in_dim3A_2160 : vector<1x128xf32> to vector<256x128xf32>
    %add3A_2163 = arith.addf %add3A_2161, %add3A_2162 : vector<256x128xf32>
    %add3A_2164 = arith.addf %add3A_2163, %slice3A_2158 : vector<256x128xf32>
    %lt3A_2165 = arith.cmpf olt, %add3A_2164, %select_n3A_2157 : vector<256x128xf32>
    %jit3A_2166 = arith.constant 3.300000e+01 : f32
    %broadcast_in_dim3A_2167 = vector.broadcast %jit3A_2166 : f32 to vector<256x128xf32>
    %select_n3A_2168 = arith.select %lt3A_2165, %broadcast_in_dim3A_2167, %select_n3A_2156 : vector<256x128xi1>, vector<256x128xf32>
    %select_n3A_2169 = arith.select %lt3A_2165, %add3A_2164, %select_n3A_2157 : vector<256x128xi1>, vector<256x128xf32>
    %slice3A_2170 = vector.extract_strided_slice %dot_general3A_2145 {offsets = [0, 256], sizes = [256, 128], strides = [1, 1]} : vector<256x1024xf32> to vector<256x128xf32>
    %slice3A_2171 = vector.extract_strided_slice %get3A_2143 {offsets = [256], sizes = [128], strides = [1]} : vector<1024xf32> to vector<128xf32>
    %broadcast_in_dim3A_2172 = vector.shape_cast %slice3A_2171 : vector<128xf32> to vector<1x128xf32>
    %add3A_2173 = vector.broadcast %reshape3A_1719 : vector<256x1xf32> to vector<256x128xf32>
    %add3A_2174 = vector.broadcast %broadcast_in_dim3A_2172 : vector<1x128xf32> to vector<256x128xf32>
    %add3A_2175 = arith.addf %add3A_2173, %add3A_2174 : vector<256x128xf32>
    %add3A_2176 = arith.addf %add3A_2175, %slice3A_2170 : vector<256x128xf32>
    %lt3A_2177 = arith.cmpf olt, %add3A_2176, %select_n3A_2169 : vector<256x128xf32>
    %jit3A_2178 = arith.constant 3.400000e+01 : f32
    %broadcast_in_dim3A_2179 = vector.broadcast %jit3A_2178 : f32 to vector<256x128xf32>
    %select_n3A_2180 = arith.select %lt3A_2177, %broadcast_in_dim3A_2179, %select_n3A_2168 : vector<256x128xi1>, vector<256x128xf32>
    %select_n3A_2181 = arith.select %lt3A_2177, %add3A_2176, %select_n3A_2169 : vector<256x128xi1>, vector<256x128xf32>
    %slice3A_2182 = vector.extract_strided_slice %dot_general3A_2145 {offsets = [0, 384], sizes = [256, 128], strides = [1, 1]} : vector<256x1024xf32> to vector<256x128xf32>
    %slice3A_2183 = vector.extract_strided_slice %get3A_2143 {offsets = [384], sizes = [128], strides = [1]} : vector<1024xf32> to vector<128xf32>
    %broadcast_in_dim3A_2184 = vector.shape_cast %slice3A_2183 : vector<128xf32> to vector<1x128xf32>
    %add3A_2185 = vector.broadcast %reshape3A_1719 : vector<256x1xf32> to vector<256x128xf32>
    %add3A_2186 = vector.broadcast %broadcast_in_dim3A_2184 : vector<1x128xf32> to vector<256x128xf32>
    %add3A_2187 = arith.addf %add3A_2185, %add3A_2186 : vector<256x128xf32>
    %add3A_2188 = arith.addf %add3A_2187, %slice3A_2182 : vector<256x128xf32>
    %lt3A_2189 = arith.cmpf olt, %add3A_2188, %select_n3A_2181 : vector<256x128xf32>
    %jit3A_2190 = arith.constant 3.500000e+01 : f32
    %broadcast_in_dim3A_2191 = vector.broadcast %jit3A_2190 : f32 to vector<256x128xf32>
    %select_n3A_2192 = arith.select %lt3A_2189, %broadcast_in_dim3A_2191, %select_n3A_2180 : vector<256x128xi1>, vector<256x128xf32>
    %select_n3A_2193 = arith.select %lt3A_2189, %add3A_2188, %select_n3A_2181 : vector<256x128xi1>, vector<256x128xf32>
    %slice3A_2194 = vector.extract_strided_slice %dot_general3A_2145 {offsets = [0, 512], sizes = [256, 128], strides = [1, 1]} : vector<256x1024xf32> to vector<256x128xf32>
    %slice3A_2195 = vector.extract_strided_slice %get3A_2143 {offsets = [512], sizes = [128], strides = [1]} : vector<1024xf32> to vector<128xf32>
    %broadcast_in_dim3A_2196 = vector.shape_cast %slice3A_2195 : vector<128xf32> to vector<1x128xf32>
    %add3A_2197 = vector.broadcast %reshape3A_1719 : vector<256x1xf32> to vector<256x128xf32>
    %add3A_2198 = vector.broadcast %broadcast_in_dim3A_2196 : vector<1x128xf32> to vector<256x128xf32>
    %add3A_2199 = arith.addf %add3A_2197, %add3A_2198 : vector<256x128xf32>
    %add3A_2200 = arith.addf %add3A_2199, %slice3A_2194 : vector<256x128xf32>
    %lt3A_2201 = arith.cmpf olt, %add3A_2200, %select_n3A_2193 : vector<256x128xf32>
    %jit3A_2202 = arith.constant 3.600000e+01 : f32
    %broadcast_in_dim3A_2203 = vector.broadcast %jit3A_2202 : f32 to vector<256x128xf32>
    %select_n3A_2204 = arith.select %lt3A_2201, %broadcast_in_dim3A_2203, %select_n3A_2192 : vector<256x128xi1>, vector<256x128xf32>
    %select_n3A_2205 = arith.select %lt3A_2201, %add3A_2200, %select_n3A_2193 : vector<256x128xi1>, vector<256x128xf32>
    %slice3A_2206 = vector.extract_strided_slice %dot_general3A_2145 {offsets = [0, 640], sizes = [256, 128], strides = [1, 1]} : vector<256x1024xf32> to vector<256x128xf32>
    %slice3A_2207 = vector.extract_strided_slice %get3A_2143 {offsets = [640], sizes = [128], strides = [1]} : vector<1024xf32> to vector<128xf32>
    %broadcast_in_dim3A_2208 = vector.shape_cast %slice3A_2207 : vector<128xf32> to vector<1x128xf32>
    %add3A_2209 = vector.broadcast %reshape3A_1719 : vector<256x1xf32> to vector<256x128xf32>
    %add3A_2210 = vector.broadcast %broadcast_in_dim3A_2208 : vector<1x128xf32> to vector<256x128xf32>
    %add3A_2211 = arith.addf %add3A_2209, %add3A_2210 : vector<256x128xf32>
    %add3A_2212 = arith.addf %add3A_2211, %slice3A_2206 : vector<256x128xf32>
    %lt3A_2213 = arith.cmpf olt, %add3A_2212, %select_n3A_2205 : vector<256x128xf32>
    %jit3A_2214 = arith.constant 3.700000e+01 : f32
    %broadcast_in_dim3A_2215 = vector.broadcast %jit3A_2214 : f32 to vector<256x128xf32>
    %select_n3A_2216 = arith.select %lt3A_2213, %broadcast_in_dim3A_2215, %select_n3A_2204 : vector<256x128xi1>, vector<256x128xf32>
    %select_n3A_2217 = arith.select %lt3A_2213, %add3A_2212, %select_n3A_2205 : vector<256x128xi1>, vector<256x128xf32>
    %slice3A_2218 = vector.extract_strided_slice %dot_general3A_2145 {offsets = [0, 768], sizes = [256, 128], strides = [1, 1]} : vector<256x1024xf32> to vector<256x128xf32>
    %slice3A_2219 = vector.extract_strided_slice %get3A_2143 {offsets = [768], sizes = [128], strides = [1]} : vector<1024xf32> to vector<128xf32>
    %broadcast_in_dim3A_2220 = vector.shape_cast %slice3A_2219 : vector<128xf32> to vector<1x128xf32>
    %add3A_2221 = vector.broadcast %reshape3A_1719 : vector<256x1xf32> to vector<256x128xf32>
    %add3A_2222 = vector.broadcast %broadcast_in_dim3A_2220 : vector<1x128xf32> to vector<256x128xf32>
    %add3A_2223 = arith.addf %add3A_2221, %add3A_2222 : vector<256x128xf32>
    %add3A_2224 = arith.addf %add3A_2223, %slice3A_2218 : vector<256x128xf32>
    %lt3A_2225 = arith.cmpf olt, %add3A_2224, %select_n3A_2217 : vector<256x128xf32>
    %jit3A_2226 = arith.constant 3.800000e+01 : f32
    %broadcast_in_dim3A_2227 = vector.broadcast %jit3A_2226 : f32 to vector<256x128xf32>
    %select_n3A_2228 = arith.select %lt3A_2225, %broadcast_in_dim3A_2227, %select_n3A_2216 : vector<256x128xi1>, vector<256x128xf32>
    %select_n3A_2229 = arith.select %lt3A_2225, %add3A_2224, %select_n3A_2217 : vector<256x128xi1>, vector<256x128xf32>
    %slice3A_2230 = vector.extract_strided_slice %dot_general3A_2145 {offsets = [0, 896], sizes = [256, 128], strides = [1, 1]} : vector<256x1024xf32> to vector<256x128xf32>
    %slice3A_2231 = vector.extract_strided_slice %get3A_2143 {offsets = [896], sizes = [128], strides = [1]} : vector<1024xf32> to vector<128xf32>
    %broadcast_in_dim3A_2232 = vector.shape_cast %slice3A_2231 : vector<128xf32> to vector<1x128xf32>
    %add3A_2233 = vector.broadcast %reshape3A_1719 : vector<256x1xf32> to vector<256x128xf32>
    %add3A_2234 = vector.broadcast %broadcast_in_dim3A_2232 : vector<1x128xf32> to vector<256x128xf32>
    %add3A_2235 = arith.addf %add3A_2233, %add3A_2234 : vector<256x128xf32>
    %add3A_2236 = arith.addf %add3A_2235, %slice3A_2230 : vector<256x128xf32>
    %lt3A_2237 = arith.cmpf olt, %add3A_2236, %select_n3A_2229 : vector<256x128xf32>
    %jit3A_2238 = arith.constant 3.900000e+01 : f32
    %broadcast_in_dim3A_2239 = vector.broadcast %jit3A_2238 : f32 to vector<256x128xf32>
    %select_n3A_2240 = arith.select %lt3A_2237, %broadcast_in_dim3A_2239, %select_n3A_2228 : vector<256x128xi1>, vector<256x128xf32>
    %select_n3A_2241 = arith.select %lt3A_2237, %add3A_2236, %select_n3A_2229 : vector<256x128xi1>, vector<256x128xf32>
    %get3A_2242 = arith.constant 5120 : index
    %get3A_2243 = arith.constant 0 : index
    %get3A_2244 = vector.load %arg2[%get3A_2242, %get3A_2243] : memref<8192x256xf32, #tpu.memory_space<vmem>>, vector<1024x256xf32>
    %get3A_2245 = arith.constant 5 : index
    %get3A_2246 = arith.constant 0 : index
    %get3A_2247 = vector.load %arg3[%get3A_2245, %get3A_2246] : memref<8x1024xf32, #tpu.memory_space<vmem>>, vector<1x1024xf32>
    %get3A_2248 = vector.shape_cast %get3A_2247 : vector<1x1024xf32> to vector<1024xf32>
    %dot_general3A_2249 = arith.constant dense<0.000000e+00> : vector<256x1024xf32>
    %dot_general3A_2250 = tpu.matmul %slice3A_1715, %get3A_2244, %dot_general3A_2249 {dimension_numbers = #tpu.dot_dimension_numbers<[0], [1], [1], [0], [0, 1, 1, 0], [], []>, transpose_lhs_hint = false} : vector<256x256xf32>, vector<1024x256xf32>, vector<256x1024xf32> -> vector<256x1024xf32>
    %slice3A_2251 = vector.extract_strided_slice %dot_general3A_2250 {offsets = [0, 0], sizes = [256, 128], strides = [1, 1]} : vector<256x1024xf32> to vector<256x128xf32>
    %slice3A_2252 = vector.extract_strided_slice %get3A_2248 {offsets = [0], sizes = [128], strides = [1]} : vector<1024xf32> to vector<128xf32>
    %broadcast_in_dim3A_2253 = vector.shape_cast %slice3A_2252 : vector<128xf32> to vector<1x128xf32>
    %add3A_2254 = vector.broadcast %reshape3A_1719 : vector<256x1xf32> to vector<256x128xf32>
    %add3A_2255 = vector.broadcast %broadcast_in_dim3A_2253 : vector<1x128xf32> to vector<256x128xf32>
    %add3A_2256 = arith.addf %add3A_2254, %add3A_2255 : vector<256x128xf32>
    %add3A_2257 = arith.addf %add3A_2256, %slice3A_2251 : vector<256x128xf32>
    %lt3A_2258 = arith.cmpf olt, %add3A_2257, %select_n3A_2241 : vector<256x128xf32>
    %jit3A_2259 = arith.constant 4.000000e+01 : f32
    %broadcast_in_dim3A_2260 = vector.broadcast %jit3A_2259 : f32 to vector<256x128xf32>
    %select_n3A_2261 = arith.select %lt3A_2258, %broadcast_in_dim3A_2260, %select_n3A_2240 : vector<256x128xi1>, vector<256x128xf32>
    %select_n3A_2262 = arith.select %lt3A_2258, %add3A_2257, %select_n3A_2241 : vector<256x128xi1>, vector<256x128xf32>
    %slice3A_2263 = vector.extract_strided_slice %dot_general3A_2250 {offsets = [0, 128], sizes = [256, 128], strides = [1, 1]} : vector<256x1024xf32> to vector<256x128xf32>
    %slice3A_2264 = vector.extract_strided_slice %get3A_2248 {offsets = [128], sizes = [128], strides = [1]} : vector<1024xf32> to vector<128xf32>
    %broadcast_in_dim3A_2265 = vector.shape_cast %slice3A_2264 : vector<128xf32> to vector<1x128xf32>
    %add3A_2266 = vector.broadcast %reshape3A_1719 : vector<256x1xf32> to vector<256x128xf32>
    %add3A_2267 = vector.broadcast %broadcast_in_dim3A_2265 : vector<1x128xf32> to vector<256x128xf32>
    %add3A_2268 = arith.addf %add3A_2266, %add3A_2267 : vector<256x128xf32>
    %add3A_2269 = arith.addf %add3A_2268, %slice3A_2263 : vector<256x128xf32>
    %lt3A_2270 = arith.cmpf olt, %add3A_2269, %select_n3A_2262 : vector<256x128xf32>
    %jit3A_2271 = arith.constant 4.100000e+01 : f32
    %broadcast_in_dim3A_2272 = vector.broadcast %jit3A_2271 : f32 to vector<256x128xf32>
    %select_n3A_2273 = arith.select %lt3A_2270, %broadcast_in_dim3A_2272, %select_n3A_2261 : vector<256x128xi1>, vector<256x128xf32>
    %select_n3A_2274 = arith.select %lt3A_2270, %add3A_2269, %select_n3A_2262 : vector<256x128xi1>, vector<256x128xf32>
    %slice3A_2275 = vector.extract_strided_slice %dot_general3A_2250 {offsets = [0, 256], sizes = [256, 128], strides = [1, 1]} : vector<256x1024xf32> to vector<256x128xf32>
    %slice3A_2276 = vector.extract_strided_slice %get3A_2248 {offsets = [256], sizes = [128], strides = [1]} : vector<1024xf32> to vector<128xf32>
    %broadcast_in_dim3A_2277 = vector.shape_cast %slice3A_2276 : vector<128xf32> to vector<1x128xf32>
    %add3A_2278 = vector.broadcast %reshape3A_1719 : vector<256x1xf32> to vector<256x128xf32>
    %add3A_2279 = vector.broadcast %broadcast_in_dim3A_2277 : vector<1x128xf32> to vector<256x128xf32>
    %add3A_2280 = arith.addf %add3A_2278, %add3A_2279 : vector<256x128xf32>
    %add3A_2281 = arith.addf %add3A_2280, %slice3A_2275 : vector<256x128xf32>
    %lt3A_2282 = arith.cmpf olt, %add3A_2281, %select_n3A_2274 : vector<256x128xf32>
    %jit3A_2283 = arith.constant 4.200000e+01 : f32
    %broadcast_in_dim3A_2284 = vector.broadcast %jit3A_2283 : f32 to vector<256x128xf32>
    %select_n3A_2285 = arith.select %lt3A_2282, %broadcast_in_dim3A_2284, %select_n3A_2273 : vector<256x128xi1>, vector<256x128xf32>
    %select_n3A_2286 = arith.select %lt3A_2282, %add3A_2281, %select_n3A_2274 : vector<256x128xi1>, vector<256x128xf32>
    %slice3A_2287 = vector.extract_strided_slice %dot_general3A_2250 {offsets = [0, 384], sizes = [256, 128], strides = [1, 1]} : vector<256x1024xf32> to vector<256x128xf32>
    %slice3A_2288 = vector.extract_strided_slice %get3A_2248 {offsets = [384], sizes = [128], strides = [1]} : vector<1024xf32> to vector<128xf32>
    %broadcast_in_dim3A_2289 = vector.shape_cast %slice3A_2288 : vector<128xf32> to vector<1x128xf32>
    %add3A_2290 = vector.broadcast %reshape3A_1719 : vector<256x1xf32> to vector<256x128xf32>
    %add3A_2291 = vector.broadcast %broadcast_in_dim3A_2289 : vector<1x128xf32> to vector<256x128xf32>
    %add3A_2292 = arith.addf %add3A_2290, %add3A_2291 : vector<256x128xf32>
    %add3A_2293 = arith.addf %add3A_2292, %slice3A_2287 : vector<256x128xf32>
    %lt3A_2294 = arith.cmpf olt, %add3A_2293, %select_n3A_2286 : vector<256x128xf32>
    %jit3A_2295 = arith.constant 4.300000e+01 : f32
    %broadcast_in_dim3A_2296 = vector.broadcast %jit3A_2295 : f32 to vector<256x128xf32>
    %select_n3A_2297 = arith.select %lt3A_2294, %broadcast_in_dim3A_2296, %select_n3A_2285 : vector<256x128xi1>, vector<256x128xf32>
    %select_n3A_2298 = arith.select %lt3A_2294, %add3A_2293, %select_n3A_2286 : vector<256x128xi1>, vector<256x128xf32>
    %slice3A_2299 = vector.extract_strided_slice %dot_general3A_2250 {offsets = [0, 512], sizes = [256, 128], strides = [1, 1]} : vector<256x1024xf32> to vector<256x128xf32>
    %slice3A_2300 = vector.extract_strided_slice %get3A_2248 {offsets = [512], sizes = [128], strides = [1]} : vector<1024xf32> to vector<128xf32>
    %broadcast_in_dim3A_2301 = vector.shape_cast %slice3A_2300 : vector<128xf32> to vector<1x128xf32>
    %add3A_2302 = vector.broadcast %reshape3A_1719 : vector<256x1xf32> to vector<256x128xf32>
    %add3A_2303 = vector.broadcast %broadcast_in_dim3A_2301 : vector<1x128xf32> to vector<256x128xf32>
    %add3A_2304 = arith.addf %add3A_2302, %add3A_2303 : vector<256x128xf32>
    %add3A_2305 = arith.addf %add3A_2304, %slice3A_2299 : vector<256x128xf32>
    %lt3A_2306 = arith.cmpf olt, %add3A_2305, %select_n3A_2298 : vector<256x128xf32>
    %jit3A_2307 = arith.constant 4.400000e+01 : f32
    %broadcast_in_dim3A_2308 = vector.broadcast %jit3A_2307 : f32 to vector<256x128xf32>
    %select_n3A_2309 = arith.select %lt3A_2306, %broadcast_in_dim3A_2308, %select_n3A_2297 : vector<256x128xi1>, vector<256x128xf32>
    %select_n3A_2310 = arith.select %lt3A_2306, %add3A_2305, %select_n3A_2298 : vector<256x128xi1>, vector<256x128xf32>
    %slice3A_2311 = vector.extract_strided_slice %dot_general3A_2250 {offsets = [0, 640], sizes = [256, 128], strides = [1, 1]} : vector<256x1024xf32> to vector<256x128xf32>
    %slice3A_2312 = vector.extract_strided_slice %get3A_2248 {offsets = [640], sizes = [128], strides = [1]} : vector<1024xf32> to vector<128xf32>
    %broadcast_in_dim3A_2313 = vector.shape_cast %slice3A_2312 : vector<128xf32> to vector<1x128xf32>
    %add3A_2314 = vector.broadcast %reshape3A_1719 : vector<256x1xf32> to vector<256x128xf32>
    %add3A_2315 = vector.broadcast %broadcast_in_dim3A_2313 : vector<1x128xf32> to vector<256x128xf32>
    %add3A_2316 = arith.addf %add3A_2314, %add3A_2315 : vector<256x128xf32>
    %add3A_2317 = arith.addf %add3A_2316, %slice3A_2311 : vector<256x128xf32>
    %lt3A_2318 = arith.cmpf olt, %add3A_2317, %select_n3A_2310 : vector<256x128xf32>
    %jit3A_2319 = arith.constant 4.500000e+01 : f32
    %broadcast_in_dim3A_2320 = vector.broadcast %jit3A_2319 : f32 to vector<256x128xf32>
    %select_n3A_2321 = arith.select %lt3A_2318, %broadcast_in_dim3A_2320, %select_n3A_2309 : vector<256x128xi1>, vector<256x128xf32>
    %select_n3A_2322 = arith.select %lt3A_2318, %add3A_2317, %select_n3A_2310 : vector<256x128xi1>, vector<256x128xf32>
    %slice3A_2323 = vector.extract_strided_slice %dot_general3A_2250 {offsets = [0, 768], sizes = [256, 128], strides = [1, 1]} : vector<256x1024xf32> to vector<256x128xf32>
    %slice3A_2324 = vector.extract_strided_slice %get3A_2248 {offsets = [768], sizes = [128], strides = [1]} : vector<1024xf32> to vector<128xf32>
    %broadcast_in_dim3A_2325 = vector.shape_cast %slice3A_2324 : vector<128xf32> to vector<1x128xf32>
    %add3A_2326 = vector.broadcast %reshape3A_1719 : vector<256x1xf32> to vector<256x128xf32>
    %add3A_2327 = vector.broadcast %broadcast_in_dim3A_2325 : vector<1x128xf32> to vector<256x128xf32>
    %add3A_2328 = arith.addf %add3A_2326, %add3A_2327 : vector<256x128xf32>
    %add3A_2329 = arith.addf %add3A_2328, %slice3A_2323 : vector<256x128xf32>
    %lt3A_2330 = arith.cmpf olt, %add3A_2329, %select_n3A_2322 : vector<256x128xf32>
    %jit3A_2331 = arith.constant 4.600000e+01 : f32
    %broadcast_in_dim3A_2332 = vector.broadcast %jit3A_2331 : f32 to vector<256x128xf32>
    %select_n3A_2333 = arith.select %lt3A_2330, %broadcast_in_dim3A_2332, %select_n3A_2321 : vector<256x128xi1>, vector<256x128xf32>
    %select_n3A_2334 = arith.select %lt3A_2330, %add3A_2329, %select_n3A_2322 : vector<256x128xi1>, vector<256x128xf32>
    %slice3A_2335 = vector.extract_strided_slice %dot_general3A_2250 {offsets = [0, 896], sizes = [256, 128], strides = [1, 1]} : vector<256x1024xf32> to vector<256x128xf32>
    %slice3A_2336 = vector.extract_strided_slice %get3A_2248 {offsets = [896], sizes = [128], strides = [1]} : vector<1024xf32> to vector<128xf32>
    %broadcast_in_dim3A_2337 = vector.shape_cast %slice3A_2336 : vector<128xf32> to vector<1x128xf32>
    %add3A_2338 = vector.broadcast %reshape3A_1719 : vector<256x1xf32> to vector<256x128xf32>
    %add3A_2339 = vector.broadcast %broadcast_in_dim3A_2337 : vector<1x128xf32> to vector<256x128xf32>
    %add3A_2340 = arith.addf %add3A_2338, %add3A_2339 : vector<256x128xf32>
    %add3A_2341 = arith.addf %add3A_2340, %slice3A_2335 : vector<256x128xf32>
    %lt3A_2342 = arith.cmpf olt, %add3A_2341, %select_n3A_2334 : vector<256x128xf32>
    %jit3A_2343 = arith.constant 4.700000e+01 : f32
    %broadcast_in_dim3A_2344 = vector.broadcast %jit3A_2343 : f32 to vector<256x128xf32>
    %select_n3A_2345 = arith.select %lt3A_2342, %broadcast_in_dim3A_2344, %select_n3A_2333 : vector<256x128xi1>, vector<256x128xf32>
    %select_n3A_2346 = arith.select %lt3A_2342, %add3A_2341, %select_n3A_2334 : vector<256x128xi1>, vector<256x128xf32>
    %get3A_2347 = arith.constant 6144 : index
    %get3A_2348 = arith.constant 0 : index
    %get3A_2349 = vector.load %arg2[%get3A_2347, %get3A_2348] : memref<8192x256xf32, #tpu.memory_space<vmem>>, vector<1024x256xf32>
    %get3A_2350 = arith.constant 6 : index
    %get3A_2351 = arith.constant 0 : index
    %get3A_2352 = vector.load %arg3[%get3A_2350, %get3A_2351] : memref<8x1024xf32, #tpu.memory_space<vmem>>, vector<1x1024xf32>
    %get3A_2353 = vector.shape_cast %get3A_2352 : vector<1x1024xf32> to vector<1024xf32>
    %dot_general3A_2354 = arith.constant dense<0.000000e+00> : vector<256x1024xf32>
    %dot_general3A_2355 = tpu.matmul %slice3A_1715, %get3A_2349, %dot_general3A_2354 {dimension_numbers = #tpu.dot_dimension_numbers<[0], [1], [1], [0], [0, 1, 1, 0], [], []>, transpose_lhs_hint = false} : vector<256x256xf32>, vector<1024x256xf32>, vector<256x1024xf32> -> vector<256x1024xf32>
    %slice3A_2356 = vector.extract_strided_slice %dot_general3A_2355 {offsets = [0, 0], sizes = [256, 128], strides = [1, 1]} : vector<256x1024xf32> to vector<256x128xf32>
    %slice3A_2357 = vector.extract_strided_slice %get3A_2353 {offsets = [0], sizes = [128], strides = [1]} : vector<1024xf32> to vector<128xf32>
    %broadcast_in_dim3A_2358 = vector.shape_cast %slice3A_2357 : vector<128xf32> to vector<1x128xf32>
    %add3A_2359 = vector.broadcast %reshape3A_1719 : vector<256x1xf32> to vector<256x128xf32>
    %add3A_2360 = vector.broadcast %broadcast_in_dim3A_2358 : vector<1x128xf32> to vector<256x128xf32>
    %add3A_2361 = arith.addf %add3A_2359, %add3A_2360 : vector<256x128xf32>
    %add3A_2362 = arith.addf %add3A_2361, %slice3A_2356 : vector<256x128xf32>
    %lt3A_2363 = arith.cmpf olt, %add3A_2362, %select_n3A_2346 : vector<256x128xf32>
    %jit3A_2364 = arith.constant 4.800000e+01 : f32
    %broadcast_in_dim3A_2365 = vector.broadcast %jit3A_2364 : f32 to vector<256x128xf32>
    %select_n3A_2366 = arith.select %lt3A_2363, %broadcast_in_dim3A_2365, %select_n3A_2345 : vector<256x128xi1>, vector<256x128xf32>
    %select_n3A_2367 = arith.select %lt3A_2363, %add3A_2362, %select_n3A_2346 : vector<256x128xi1>, vector<256x128xf32>
    %slice3A_2368 = vector.extract_strided_slice %dot_general3A_2355 {offsets = [0, 128], sizes = [256, 128], strides = [1, 1]} : vector<256x1024xf32> to vector<256x128xf32>
    %slice3A_2369 = vector.extract_strided_slice %get3A_2353 {offsets = [128], sizes = [128], strides = [1]} : vector<1024xf32> to vector<128xf32>
    %broadcast_in_dim3A_2370 = vector.shape_cast %slice3A_2369 : vector<128xf32> to vector<1x128xf32>
    %add3A_2371 = vector.broadcast %reshape3A_1719 : vector<256x1xf32> to vector<256x128xf32>
    %add3A_2372 = vector.broadcast %broadcast_in_dim3A_2370 : vector<1x128xf32> to vector<256x128xf32>
    %add3A_2373 = arith.addf %add3A_2371, %add3A_2372 : vector<256x128xf32>
    %add3A_2374 = arith.addf %add3A_2373, %slice3A_2368 : vector<256x128xf32>
    %lt3A_2375 = arith.cmpf olt, %add3A_2374, %select_n3A_2367 : vector<256x128xf32>
    %jit3A_2376 = arith.constant 4.900000e+01 : f32
    %broadcast_in_dim3A_2377 = vector.broadcast %jit3A_2376 : f32 to vector<256x128xf32>
    %select_n3A_2378 = arith.select %lt3A_2375, %broadcast_in_dim3A_2377, %select_n3A_2366 : vector<256x128xi1>, vector<256x128xf32>
    %select_n3A_2379 = arith.select %lt3A_2375, %add3A_2374, %select_n3A_2367 : vector<256x128xi1>, vector<256x128xf32>
    %slice3A_2380 = vector.extract_strided_slice %dot_general3A_2355 {offsets = [0, 256], sizes = [256, 128], strides = [1, 1]} : vector<256x1024xf32> to vector<256x128xf32>
    %slice3A_2381 = vector.extract_strided_slice %get3A_2353 {offsets = [256], sizes = [128], strides = [1]} : vector<1024xf32> to vector<128xf32>
    %broadcast_in_dim3A_2382 = vector.shape_cast %slice3A_2381 : vector<128xf32> to vector<1x128xf32>
    %add3A_2383 = vector.broadcast %reshape3A_1719 : vector<256x1xf32> to vector<256x128xf32>
    %add3A_2384 = vector.broadcast %broadcast_in_dim3A_2382 : vector<1x128xf32> to vector<256x128xf32>
    %add3A_2385 = arith.addf %add3A_2383, %add3A_2384 : vector<256x128xf32>
    %add3A_2386 = arith.addf %add3A_2385, %slice3A_2380 : vector<256x128xf32>
    %lt3A_2387 = arith.cmpf olt, %add3A_2386, %select_n3A_2379 : vector<256x128xf32>
    %jit3A_2388 = arith.constant 5.000000e+01 : f32
    %broadcast_in_dim3A_2389 = vector.broadcast %jit3A_2388 : f32 to vector<256x128xf32>
    %select_n3A_2390 = arith.select %lt3A_2387, %broadcast_in_dim3A_2389, %select_n3A_2378 : vector<256x128xi1>, vector<256x128xf32>
    %select_n3A_2391 = arith.select %lt3A_2387, %add3A_2386, %select_n3A_2379 : vector<256x128xi1>, vector<256x128xf32>
    %slice3A_2392 = vector.extract_strided_slice %dot_general3A_2355 {offsets = [0, 384], sizes = [256, 128], strides = [1, 1]} : vector<256x1024xf32> to vector<256x128xf32>
    %slice3A_2393 = vector.extract_strided_slice %get3A_2353 {offsets = [384], sizes = [128], strides = [1]} : vector<1024xf32> to vector<128xf32>
    %broadcast_in_dim3A_2394 = vector.shape_cast %slice3A_2393 : vector<128xf32> to vector<1x128xf32>
    %add3A_2395 = vector.broadcast %reshape3A_1719 : vector<256x1xf32> to vector<256x128xf32>
    %add3A_2396 = vector.broadcast %broadcast_in_dim3A_2394 : vector<1x128xf32> to vector<256x128xf32>
    %add3A_2397 = arith.addf %add3A_2395, %add3A_2396 : vector<256x128xf32>
    %add3A_2398 = arith.addf %add3A_2397, %slice3A_2392 : vector<256x128xf32>
    %lt3A_2399 = arith.cmpf olt, %add3A_2398, %select_n3A_2391 : vector<256x128xf32>
    %jit3A_2400 = arith.constant 5.100000e+01 : f32
    %broadcast_in_dim3A_2401 = vector.broadcast %jit3A_2400 : f32 to vector<256x128xf32>
    %select_n3A_2402 = arith.select %lt3A_2399, %broadcast_in_dim3A_2401, %select_n3A_2390 : vector<256x128xi1>, vector<256x128xf32>
    %select_n3A_2403 = arith.select %lt3A_2399, %add3A_2398, %select_n3A_2391 : vector<256x128xi1>, vector<256x128xf32>
    %slice3A_2404 = vector.extract_strided_slice %dot_general3A_2355 {offsets = [0, 512], sizes = [256, 128], strides = [1, 1]} : vector<256x1024xf32> to vector<256x128xf32>
    %slice3A_2405 = vector.extract_strided_slice %get3A_2353 {offsets = [512], sizes = [128], strides = [1]} : vector<1024xf32> to vector<128xf32>
    %broadcast_in_dim3A_2406 = vector.shape_cast %slice3A_2405 : vector<128xf32> to vector<1x128xf32>
    %add3A_2407 = vector.broadcast %reshape3A_1719 : vector<256x1xf32> to vector<256x128xf32>
    %add3A_2408 = vector.broadcast %broadcast_in_dim3A_2406 : vector<1x128xf32> to vector<256x128xf32>
    %add3A_2409 = arith.addf %add3A_2407, %add3A_2408 : vector<256x128xf32>
    %add3A_2410 = arith.addf %add3A_2409, %slice3A_2404 : vector<256x128xf32>
    %lt3A_2411 = arith.cmpf olt, %add3A_2410, %select_n3A_2403 : vector<256x128xf32>
    %jit3A_2412 = arith.constant 5.200000e+01 : f32
    %broadcast_in_dim3A_2413 = vector.broadcast %jit3A_2412 : f32 to vector<256x128xf32>
    %select_n3A_2414 = arith.select %lt3A_2411, %broadcast_in_dim3A_2413, %select_n3A_2402 : vector<256x128xi1>, vector<256x128xf32>
    %select_n3A_2415 = arith.select %lt3A_2411, %add3A_2410, %select_n3A_2403 : vector<256x128xi1>, vector<256x128xf32>
    %slice3A_2416 = vector.extract_strided_slice %dot_general3A_2355 {offsets = [0, 640], sizes = [256, 128], strides = [1, 1]} : vector<256x1024xf32> to vector<256x128xf32>
    %slice3A_2417 = vector.extract_strided_slice %get3A_2353 {offsets = [640], sizes = [128], strides = [1]} : vector<1024xf32> to vector<128xf32>
    %broadcast_in_dim3A_2418 = vector.shape_cast %slice3A_2417 : vector<128xf32> to vector<1x128xf32>
    %add3A_2419 = vector.broadcast %reshape3A_1719 : vector<256x1xf32> to vector<256x128xf32>
    %add3A_2420 = vector.broadcast %broadcast_in_dim3A_2418 : vector<1x128xf32> to vector<256x128xf32>
    %add3A_2421 = arith.addf %add3A_2419, %add3A_2420 : vector<256x128xf32>
    %add3A_2422 = arith.addf %add3A_2421, %slice3A_2416 : vector<256x128xf32>
    %lt3A_2423 = arith.cmpf olt, %add3A_2422, %select_n3A_2415 : vector<256x128xf32>
    %jit3A_2424 = arith.constant 5.300000e+01 : f32
    %broadcast_in_dim3A_2425 = vector.broadcast %jit3A_2424 : f32 to vector<256x128xf32>
    %select_n3A_2426 = arith.select %lt3A_2423, %broadcast_in_dim3A_2425, %select_n3A_2414 : vector<256x128xi1>, vector<256x128xf32>
    %select_n3A_2427 = arith.select %lt3A_2423, %add3A_2422, %select_n3A_2415 : vector<256x128xi1>, vector<256x128xf32>
    %slice3A_2428 = vector.extract_strided_slice %dot_general3A_2355 {offsets = [0, 768], sizes = [256, 128], strides = [1, 1]} : vector<256x1024xf32> to vector<256x128xf32>
    %slice3A_2429 = vector.extract_strided_slice %get3A_2353 {offsets = [768], sizes = [128], strides = [1]} : vector<1024xf32> to vector<128xf32>
    %broadcast_in_dim3A_2430 = vector.shape_cast %slice3A_2429 : vector<128xf32> to vector<1x128xf32>
    %add3A_2431 = vector.broadcast %reshape3A_1719 : vector<256x1xf32> to vector<256x128xf32>
    %add3A_2432 = vector.broadcast %broadcast_in_dim3A_2430 : vector<1x128xf32> to vector<256x128xf32>
    %add3A_2433 = arith.addf %add3A_2431, %add3A_2432 : vector<256x128xf32>
    %add3A_2434 = arith.addf %add3A_2433, %slice3A_2428 : vector<256x128xf32>
    %lt3A_2435 = arith.cmpf olt, %add3A_2434, %select_n3A_2427 : vector<256x128xf32>
    %jit3A_2436 = arith.constant 5.400000e+01 : f32
    %broadcast_in_dim3A_2437 = vector.broadcast %jit3A_2436 : f32 to vector<256x128xf32>
    %select_n3A_2438 = arith.select %lt3A_2435, %broadcast_in_dim3A_2437, %select_n3A_2426 : vector<256x128xi1>, vector<256x128xf32>
    %select_n3A_2439 = arith.select %lt3A_2435, %add3A_2434, %select_n3A_2427 : vector<256x128xi1>, vector<256x128xf32>
    %slice3A_2440 = vector.extract_strided_slice %dot_general3A_2355 {offsets = [0, 896], sizes = [256, 128], strides = [1, 1]} : vector<256x1024xf32> to vector<256x128xf32>
    %slice3A_2441 = vector.extract_strided_slice %get3A_2353 {offsets = [896], sizes = [128], strides = [1]} : vector<1024xf32> to vector<128xf32>
    %broadcast_in_dim3A_2442 = vector.shape_cast %slice3A_2441 : vector<128xf32> to vector<1x128xf32>
    %add3A_2443 = vector.broadcast %reshape3A_1719 : vector<256x1xf32> to vector<256x128xf32>
    %add3A_2444 = vector.broadcast %broadcast_in_dim3A_2442 : vector<1x128xf32> to vector<256x128xf32>
    %add3A_2445 = arith.addf %add3A_2443, %add3A_2444 : vector<256x128xf32>
    %add3A_2446 = arith.addf %add3A_2445, %slice3A_2440 : vector<256x128xf32>
    %lt3A_2447 = arith.cmpf olt, %add3A_2446, %select_n3A_2439 : vector<256x128xf32>
    %jit3A_2448 = arith.constant 5.500000e+01 : f32
    %broadcast_in_dim3A_2449 = vector.broadcast %jit3A_2448 : f32 to vector<256x128xf32>
    %select_n3A_2450 = arith.select %lt3A_2447, %broadcast_in_dim3A_2449, %select_n3A_2438 : vector<256x128xi1>, vector<256x128xf32>
    %select_n3A_2451 = arith.select %lt3A_2447, %add3A_2446, %select_n3A_2439 : vector<256x128xi1>, vector<256x128xf32>
    %get3A_2452 = arith.constant 7168 : index
    %get3A_2453 = arith.constant 0 : index
    %get3A_2454 = vector.load %arg2[%get3A_2452, %get3A_2453] : memref<8192x256xf32, #tpu.memory_space<vmem>>, vector<1024x256xf32>
    %get3A_2455 = arith.constant 7 : index
    %get3A_2456 = arith.constant 0 : index
    %get3A_2457 = vector.load %arg3[%get3A_2455, %get3A_2456] : memref<8x1024xf32, #tpu.memory_space<vmem>>, vector<1x1024xf32>
    %get3A_2458 = vector.shape_cast %get3A_2457 : vector<1x1024xf32> to vector<1024xf32>
    %dot_general3A_2459 = arith.constant dense<0.000000e+00> : vector<256x1024xf32>
    %dot_general3A_2460 = tpu.matmul %slice3A_1715, %get3A_2454, %dot_general3A_2459 {dimension_numbers = #tpu.dot_dimension_numbers<[0], [1], [1], [0], [0, 1, 1, 0], [], []>, transpose_lhs_hint = false} : vector<256x256xf32>, vector<1024x256xf32>, vector<256x1024xf32> -> vector<256x1024xf32>
    %slice3A_2461 = vector.extract_strided_slice %dot_general3A_2460 {offsets = [0, 0], sizes = [256, 128], strides = [1, 1]} : vector<256x1024xf32> to vector<256x128xf32>
    %slice3A_2462 = vector.extract_strided_slice %get3A_2458 {offsets = [0], sizes = [128], strides = [1]} : vector<1024xf32> to vector<128xf32>
    %broadcast_in_dim3A_2463 = vector.shape_cast %slice3A_2462 : vector<128xf32> to vector<1x128xf32>
    %add3A_2464 = vector.broadcast %reshape3A_1719 : vector<256x1xf32> to vector<256x128xf32>
    %add3A_2465 = vector.broadcast %broadcast_in_dim3A_2463 : vector<1x128xf32> to vector<256x128xf32>
    %add3A_2466 = arith.addf %add3A_2464, %add3A_2465 : vector<256x128xf32>
    %add3A_2467 = arith.addf %add3A_2466, %slice3A_2461 : vector<256x128xf32>
    %lt3A_2468 = arith.cmpf olt, %add3A_2467, %select_n3A_2451 : vector<256x128xf32>
    %jit3A_2469 = arith.constant 5.600000e+01 : f32
    %broadcast_in_dim3A_2470 = vector.broadcast %jit3A_2469 : f32 to vector<256x128xf32>
    %select_n3A_2471 = arith.select %lt3A_2468, %broadcast_in_dim3A_2470, %select_n3A_2450 : vector<256x128xi1>, vector<256x128xf32>
    %select_n3A_2472 = arith.select %lt3A_2468, %add3A_2467, %select_n3A_2451 : vector<256x128xi1>, vector<256x128xf32>
    %slice3A_2473 = vector.extract_strided_slice %dot_general3A_2460 {offsets = [0, 128], sizes = [256, 128], strides = [1, 1]} : vector<256x1024xf32> to vector<256x128xf32>
    %slice3A_2474 = vector.extract_strided_slice %get3A_2458 {offsets = [128], sizes = [128], strides = [1]} : vector<1024xf32> to vector<128xf32>
    %broadcast_in_dim3A_2475 = vector.shape_cast %slice3A_2474 : vector<128xf32> to vector<1x128xf32>
    %add3A_2476 = vector.broadcast %reshape3A_1719 : vector<256x1xf32> to vector<256x128xf32>
    %add3A_2477 = vector.broadcast %broadcast_in_dim3A_2475 : vector<1x128xf32> to vector<256x128xf32>
    %add3A_2478 = arith.addf %add3A_2476, %add3A_2477 : vector<256x128xf32>
    %add3A_2479 = arith.addf %add3A_2478, %slice3A_2473 : vector<256x128xf32>
    %lt3A_2480 = arith.cmpf olt, %add3A_2479, %select_n3A_2472 : vector<256x128xf32>
    %jit3A_2481 = arith.constant 5.700000e+01 : f32
    %broadcast_in_dim3A_2482 = vector.broadcast %jit3A_2481 : f32 to vector<256x128xf32>
    %select_n3A_2483 = arith.select %lt3A_2480, %broadcast_in_dim3A_2482, %select_n3A_2471 : vector<256x128xi1>, vector<256x128xf32>
    %select_n3A_2484 = arith.select %lt3A_2480, %add3A_2479, %select_n3A_2472 : vector<256x128xi1>, vector<256x128xf32>
    %slice3A_2485 = vector.extract_strided_slice %dot_general3A_2460 {offsets = [0, 256], sizes = [256, 128], strides = [1, 1]} : vector<256x1024xf32> to vector<256x128xf32>
    %slice3A_2486 = vector.extract_strided_slice %get3A_2458 {offsets = [256], sizes = [128], strides = [1]} : vector<1024xf32> to vector<128xf32>
    %broadcast_in_dim3A_2487 = vector.shape_cast %slice3A_2486 : vector<128xf32> to vector<1x128xf32>
    %add3A_2488 = vector.broadcast %reshape3A_1719 : vector<256x1xf32> to vector<256x128xf32>
    %add3A_2489 = vector.broadcast %broadcast_in_dim3A_2487 : vector<1x128xf32> to vector<256x128xf32>
    %add3A_2490 = arith.addf %add3A_2488, %add3A_2489 : vector<256x128xf32>
    %add3A_2491 = arith.addf %add3A_2490, %slice3A_2485 : vector<256x128xf32>
    %lt3A_2492 = arith.cmpf olt, %add3A_2491, %select_n3A_2484 : vector<256x128xf32>
    %jit3A_2493 = arith.constant 5.800000e+01 : f32
    %broadcast_in_dim3A_2494 = vector.broadcast %jit3A_2493 : f32 to vector<256x128xf32>
    %select_n3A_2495 = arith.select %lt3A_2492, %broadcast_in_dim3A_2494, %select_n3A_2483 : vector<256x128xi1>, vector<256x128xf32>
    %select_n3A_2496 = arith.select %lt3A_2492, %add3A_2491, %select_n3A_2484 : vector<256x128xi1>, vector<256x128xf32>
    %slice3A_2497 = vector.extract_strided_slice %dot_general3A_2460 {offsets = [0, 384], sizes = [256, 128], strides = [1, 1]} : vector<256x1024xf32> to vector<256x128xf32>
    %slice3A_2498 = vector.extract_strided_slice %get3A_2458 {offsets = [384], sizes = [128], strides = [1]} : vector<1024xf32> to vector<128xf32>
    %broadcast_in_dim3A_2499 = vector.shape_cast %slice3A_2498 : vector<128xf32> to vector<1x128xf32>
    %add3A_2500 = vector.broadcast %reshape3A_1719 : vector<256x1xf32> to vector<256x128xf32>
    %add3A_2501 = vector.broadcast %broadcast_in_dim3A_2499 : vector<1x128xf32> to vector<256x128xf32>
    %add3A_2502 = arith.addf %add3A_2500, %add3A_2501 : vector<256x128xf32>
    %add3A_2503 = arith.addf %add3A_2502, %slice3A_2497 : vector<256x128xf32>
    %lt3A_2504 = arith.cmpf olt, %add3A_2503, %select_n3A_2496 : vector<256x128xf32>
    %jit3A_2505 = arith.constant 5.900000e+01 : f32
    %broadcast_in_dim3A_2506 = vector.broadcast %jit3A_2505 : f32 to vector<256x128xf32>
    %select_n3A_2507 = arith.select %lt3A_2504, %broadcast_in_dim3A_2506, %select_n3A_2495 : vector<256x128xi1>, vector<256x128xf32>
    %select_n3A_2508 = arith.select %lt3A_2504, %add3A_2503, %select_n3A_2496 : vector<256x128xi1>, vector<256x128xf32>
    %slice3A_2509 = vector.extract_strided_slice %dot_general3A_2460 {offsets = [0, 512], sizes = [256, 128], strides = [1, 1]} : vector<256x1024xf32> to vector<256x128xf32>
    %slice3A_2510 = vector.extract_strided_slice %get3A_2458 {offsets = [512], sizes = [128], strides = [1]} : vector<1024xf32> to vector<128xf32>
    %broadcast_in_dim3A_2511 = vector.shape_cast %slice3A_2510 : vector<128xf32> to vector<1x128xf32>
    %add3A_2512 = vector.broadcast %reshape3A_1719 : vector<256x1xf32> to vector<256x128xf32>
    %add3A_2513 = vector.broadcast %broadcast_in_dim3A_2511 : vector<1x128xf32> to vector<256x128xf32>
    %add3A_2514 = arith.addf %add3A_2512, %add3A_2513 : vector<256x128xf32>
    %add3A_2515 = arith.addf %add3A_2514, %slice3A_2509 : vector<256x128xf32>
    %lt3A_2516 = arith.cmpf olt, %add3A_2515, %select_n3A_2508 : vector<256x128xf32>
    %jit3A_2517 = arith.constant 6.000000e+01 : f32
    %broadcast_in_dim3A_2518 = vector.broadcast %jit3A_2517 : f32 to vector<256x128xf32>
    %select_n3A_2519 = arith.select %lt3A_2516, %broadcast_in_dim3A_2518, %select_n3A_2507 : vector<256x128xi1>, vector<256x128xf32>
    %select_n3A_2520 = arith.select %lt3A_2516, %add3A_2515, %select_n3A_2508 : vector<256x128xi1>, vector<256x128xf32>
    %slice3A_2521 = vector.extract_strided_slice %dot_general3A_2460 {offsets = [0, 640], sizes = [256, 128], strides = [1, 1]} : vector<256x1024xf32> to vector<256x128xf32>
    %slice3A_2522 = vector.extract_strided_slice %get3A_2458 {offsets = [640], sizes = [128], strides = [1]} : vector<1024xf32> to vector<128xf32>
    %broadcast_in_dim3A_2523 = vector.shape_cast %slice3A_2522 : vector<128xf32> to vector<1x128xf32>
    %add3A_2524 = vector.broadcast %reshape3A_1719 : vector<256x1xf32> to vector<256x128xf32>
    %add3A_2525 = vector.broadcast %broadcast_in_dim3A_2523 : vector<1x128xf32> to vector<256x128xf32>
    %add3A_2526 = arith.addf %add3A_2524, %add3A_2525 : vector<256x128xf32>
    %add3A_2527 = arith.addf %add3A_2526, %slice3A_2521 : vector<256x128xf32>
    %lt3A_2528 = arith.cmpf olt, %add3A_2527, %select_n3A_2520 : vector<256x128xf32>
    %jit3A_2529 = arith.constant 6.100000e+01 : f32
    %broadcast_in_dim3A_2530 = vector.broadcast %jit3A_2529 : f32 to vector<256x128xf32>
    %select_n3A_2531 = arith.select %lt3A_2528, %broadcast_in_dim3A_2530, %select_n3A_2519 : vector<256x128xi1>, vector<256x128xf32>
    %select_n3A_2532 = arith.select %lt3A_2528, %add3A_2527, %select_n3A_2520 : vector<256x128xi1>, vector<256x128xf32>
    %slice3A_2533 = vector.extract_strided_slice %dot_general3A_2460 {offsets = [0, 768], sizes = [256, 128], strides = [1, 1]} : vector<256x1024xf32> to vector<256x128xf32>
    %slice3A_2534 = vector.extract_strided_slice %get3A_2458 {offsets = [768], sizes = [128], strides = [1]} : vector<1024xf32> to vector<128xf32>
    %broadcast_in_dim3A_2535 = vector.shape_cast %slice3A_2534 : vector<128xf32> to vector<1x128xf32>
    %add3A_2536 = vector.broadcast %reshape3A_1719 : vector<256x1xf32> to vector<256x128xf32>
    %add3A_2537 = vector.broadcast %broadcast_in_dim3A_2535 : vector<1x128xf32> to vector<256x128xf32>
    %add3A_2538 = arith.addf %add3A_2536, %add3A_2537 : vector<256x128xf32>
    %add3A_2539 = arith.addf %add3A_2538, %slice3A_2533 : vector<256x128xf32>
    %lt3A_2540 = arith.cmpf olt, %add3A_2539, %select_n3A_2532 : vector<256x128xf32>
    %jit3A_2541 = arith.constant 6.200000e+01 : f32
    %broadcast_in_dim3A_2542 = vector.broadcast %jit3A_2541 : f32 to vector<256x128xf32>
    %select_n3A_2543 = arith.select %lt3A_2540, %broadcast_in_dim3A_2542, %select_n3A_2531 : vector<256x128xi1>, vector<256x128xf32>
    %select_n3A_2544 = arith.select %lt3A_2540, %add3A_2539, %select_n3A_2532 : vector<256x128xi1>, vector<256x128xf32>
    %slice3A_2545 = vector.extract_strided_slice %dot_general3A_2460 {offsets = [0, 896], sizes = [256, 128], strides = [1, 1]} : vector<256x1024xf32> to vector<256x128xf32>
    %slice3A_2546 = vector.extract_strided_slice %get3A_2458 {offsets = [896], sizes = [128], strides = [1]} : vector<1024xf32> to vector<128xf32>
    %broadcast_in_dim3A_2547 = vector.shape_cast %slice3A_2546 : vector<128xf32> to vector<1x128xf32>
    %add3A_2548 = vector.broadcast %reshape3A_1719 : vector<256x1xf32> to vector<256x128xf32>
    %add3A_2549 = vector.broadcast %broadcast_in_dim3A_2547 : vector<1x128xf32> to vector<256x128xf32>
    %add3A_2550 = arith.addf %add3A_2548, %add3A_2549 : vector<256x128xf32>
    %add3A_2551 = arith.addf %add3A_2550, %slice3A_2545 : vector<256x128xf32>
    %lt3A_2552 = arith.cmpf olt, %add3A_2551, %select_n3A_2544 : vector<256x128xf32>
    %jit3A_2553 = arith.constant 6.300000e+01 : f32
    %broadcast_in_dim3A_2554 = vector.broadcast %jit3A_2553 : f32 to vector<256x128xf32>
    %select_n3A_2555 = arith.select %lt3A_2552, %broadcast_in_dim3A_2554, %select_n3A_2543 : vector<256x128xi1>, vector<256x128xf32>
    %select_n3A_2556 = arith.select %lt3A_2552, %add3A_2551, %select_n3A_2544 : vector<256x128xi1>, vector<256x128xf32>
    %mul3A_2557 = arith.constant 1.280000e+02 : f32
    %mul3A_2558 = vector.broadcast %mul3A_2557 : f32 to vector<256x128xf32>
    %mul3A_2559 = arith.mulf %select_n3A_2555, %mul3A_2558 : vector<256x128xf32>
    %add3A_2560 = arith.addf %mul3A_2559, %convert_element_type3A : vector<256x128xf32>
    %reduce_min3A_2561 = arith.constant dense<0x7F800000> : vector<256xf32>
    %reduce_min3A_2562 = vector.multi_reduction <minimumf>, %select_n3A_2556, %reduce_min3A_2561 [1] : vector<256x128xf32> to vector<256xf32>
    %broadcast_in_dim3A_2563 = vector.shape_cast %reduce_min3A_2562 : vector<256xf32> to vector<256x1xf32>
    %eq3A_2564 = vector.broadcast %broadcast_in_dim3A_2563 : vector<256x1xf32> to vector<256x128xf32>
    %eq3A_2565 = arith.cmpf oeq, %select_n3A_2556, %eq3A_2564 : vector<256x128xf32>
    %jit3A_2566 = arith.constant 8.192000e+03 : f32
    %broadcast_in_dim3A_2567 = vector.broadcast %jit3A_2566 : f32 to vector<256x128xf32>
    %select_n3A_2568 = arith.select %eq3A_2565, %add3A_2560, %broadcast_in_dim3A_2567 : vector<256x128xi1>, vector<256x128xf32>
    %reduce_min3A_2569 = arith.constant dense<0x7F800000> : vector<256xf32>
    %reduce_min3A_2570 = vector.multi_reduction <minimumf>, %select_n3A_2568, %reduce_min3A_2569 [1] : vector<256x128xf32> to vector<256xf32>
    %reduce_sum3A_2571 = vector.shape_cast %reduce_min3A_2562 : vector<256xf32> to vector<1x256xf32>
    %reduce_sum3A_2572 = arith.constant dense<0.000000e+00> : vector<1xf32>
    %reduce_sum3A_2573 = vector.multi_reduction <add>, %reduce_sum3A_2571, %reduce_sum3A_2572 [1] : vector<1x256xf32> to vector<1xf32>
    %reduce_sum3A_2574 = vector.shape_cast %reduce_sum3A_2573 : vector<1xf32> to vector<1x1xf32>
    %reduce_sum3A_2575 = vector.extract %reduce_sum3A_2574[0, 0] : f32 from vector<1x1xf32>
    %add3A_2576 = arith.addf %add3A_1714, %reduce_sum3A_2575 : f32
    %slice3A_2577 = vector.extract_strided_slice %get3A_3 {offsets = [0, 768], sizes = [256, 256], strides = [1, 1]} : vector<256x1024xf32> to vector<256x256xf32>
    %mul3A_2578 = arith.mulf %slice3A_2577, %slice3A_2577 : vector<256x256xf32>
    %reduce_sum3A_2579 = arith.constant dense<0.000000e+00> : vector<256xf32>
    %reduce_sum3A_2580 = vector.multi_reduction <add>, %mul3A_2578, %reduce_sum3A_2579 [0] : vector<256x256xf32> to vector<256xf32>
    %reshape3A_2581 = vector.shape_cast %reduce_sum3A_2580 : vector<256xf32> to vector<256x1xf32>
    %get3A_2582 = arith.constant 0 : index
    %get3A_2583 = arith.constant 0 : index
    %get3A_2584 = vector.load %arg2[%get3A_2582, %get3A_2583] : memref<8192x256xf32, #tpu.memory_space<vmem>>, vector<1024x256xf32>
    %get3A_2585 = arith.constant 0 : index
    %get3A_2586 = arith.constant 0 : index
    %get3A_2587 = vector.load %arg3[%get3A_2585, %get3A_2586] : memref<8x1024xf32, #tpu.memory_space<vmem>>, vector<1x1024xf32>
    %get3A_2588 = vector.shape_cast %get3A_2587 : vector<1x1024xf32> to vector<1024xf32>
    %dot_general3A_2589 = arith.constant dense<0.000000e+00> : vector<256x1024xf32>
    %dot_general3A_2590 = tpu.matmul %slice3A_2577, %get3A_2584, %dot_general3A_2589 {dimension_numbers = #tpu.dot_dimension_numbers<[0], [1], [1], [0], [0, 1, 1, 0], [], []>, transpose_lhs_hint = false} : vector<256x256xf32>, vector<1024x256xf32>, vector<256x1024xf32> -> vector<256x1024xf32>
    %slice3A_2591 = vector.extract_strided_slice %dot_general3A_2590 {offsets = [0, 0], sizes = [256, 128], strides = [1, 1]} : vector<256x1024xf32> to vector<256x128xf32>
    %slice3A_2592 = vector.extract_strided_slice %get3A_2588 {offsets = [0], sizes = [128], strides = [1]} : vector<1024xf32> to vector<128xf32>
    %broadcast_in_dim3A_2593 = vector.shape_cast %slice3A_2592 : vector<128xf32> to vector<1x128xf32>
    %add3A_2594 = vector.broadcast %reshape3A_2581 : vector<256x1xf32> to vector<256x128xf32>
    %add3A_2595 = vector.broadcast %broadcast_in_dim3A_2593 : vector<1x128xf32> to vector<256x128xf32>
    %add3A_2596 = arith.addf %add3A_2594, %add3A_2595 : vector<256x128xf32>
    %add3A_2597 = arith.addf %add3A_2596, %slice3A_2591 : vector<256x128xf32>
    %broadcast_in_dim3A_2598 = arith.constant 0.000000e+00 : f32
    %broadcast_in_dim3A_2599 = vector.broadcast %broadcast_in_dim3A_2598 : f32 to vector<256x128xf32>
    %slice3A_2600 = vector.extract_strided_slice %dot_general3A_2590 {offsets = [0, 128], sizes = [256, 128], strides = [1, 1]} : vector<256x1024xf32> to vector<256x128xf32>
    %slice3A_2601 = vector.extract_strided_slice %get3A_2588 {offsets = [128], sizes = [128], strides = [1]} : vector<1024xf32> to vector<128xf32>
    %broadcast_in_dim3A_2602 = vector.shape_cast %slice3A_2601 : vector<128xf32> to vector<1x128xf32>
    %add3A_2603 = vector.broadcast %reshape3A_2581 : vector<256x1xf32> to vector<256x128xf32>
    %add3A_2604 = vector.broadcast %broadcast_in_dim3A_2602 : vector<1x128xf32> to vector<256x128xf32>
    %add3A_2605 = arith.addf %add3A_2603, %add3A_2604 : vector<256x128xf32>
    %add3A_2606 = arith.addf %add3A_2605, %slice3A_2600 : vector<256x128xf32>
    %lt3A_2607 = arith.cmpf olt, %add3A_2606, %add3A_2597 : vector<256x128xf32>
    %jit3A_2608 = arith.constant 1.000000e+00 : f32
    %broadcast_in_dim3A_2609 = vector.broadcast %jit3A_2608 : f32 to vector<256x128xf32>
    %select_n3A_2610 = arith.select %lt3A_2607, %broadcast_in_dim3A_2609, %broadcast_in_dim3A_2599 : vector<256x128xi1>, vector<256x128xf32>
    %select_n3A_2611 = arith.select %lt3A_2607, %add3A_2606, %add3A_2597 : vector<256x128xi1>, vector<256x128xf32>
    %slice3A_2612 = vector.extract_strided_slice %dot_general3A_2590 {offsets = [0, 256], sizes = [256, 128], strides = [1, 1]} : vector<256x1024xf32> to vector<256x128xf32>
    %slice3A_2613 = vector.extract_strided_slice %get3A_2588 {offsets = [256], sizes = [128], strides = [1]} : vector<1024xf32> to vector<128xf32>
    %broadcast_in_dim3A_2614 = vector.shape_cast %slice3A_2613 : vector<128xf32> to vector<1x128xf32>
    %add3A_2615 = vector.broadcast %reshape3A_2581 : vector<256x1xf32> to vector<256x128xf32>
    %add3A_2616 = vector.broadcast %broadcast_in_dim3A_2614 : vector<1x128xf32> to vector<256x128xf32>
    %add3A_2617 = arith.addf %add3A_2615, %add3A_2616 : vector<256x128xf32>
    %add3A_2618 = arith.addf %add3A_2617, %slice3A_2612 : vector<256x128xf32>
    %lt3A_2619 = arith.cmpf olt, %add3A_2618, %select_n3A_2611 : vector<256x128xf32>
    %jit3A_2620 = arith.constant 2.000000e+00 : f32
    %broadcast_in_dim3A_2621 = vector.broadcast %jit3A_2620 : f32 to vector<256x128xf32>
    %select_n3A_2622 = arith.select %lt3A_2619, %broadcast_in_dim3A_2621, %select_n3A_2610 : vector<256x128xi1>, vector<256x128xf32>
    %select_n3A_2623 = arith.select %lt3A_2619, %add3A_2618, %select_n3A_2611 : vector<256x128xi1>, vector<256x128xf32>
    %slice3A_2624 = vector.extract_strided_slice %dot_general3A_2590 {offsets = [0, 384], sizes = [256, 128], strides = [1, 1]} : vector<256x1024xf32> to vector<256x128xf32>
    %slice3A_2625 = vector.extract_strided_slice %get3A_2588 {offsets = [384], sizes = [128], strides = [1]} : vector<1024xf32> to vector<128xf32>
    %broadcast_in_dim3A_2626 = vector.shape_cast %slice3A_2625 : vector<128xf32> to vector<1x128xf32>
    %add3A_2627 = vector.broadcast %reshape3A_2581 : vector<256x1xf32> to vector<256x128xf32>
    %add3A_2628 = vector.broadcast %broadcast_in_dim3A_2626 : vector<1x128xf32> to vector<256x128xf32>
    %add3A_2629 = arith.addf %add3A_2627, %add3A_2628 : vector<256x128xf32>
    %add3A_2630 = arith.addf %add3A_2629, %slice3A_2624 : vector<256x128xf32>
    %lt3A_2631 = arith.cmpf olt, %add3A_2630, %select_n3A_2623 : vector<256x128xf32>
    %jit3A_2632 = arith.constant 3.000000e+00 : f32
    %broadcast_in_dim3A_2633 = vector.broadcast %jit3A_2632 : f32 to vector<256x128xf32>
    %select_n3A_2634 = arith.select %lt3A_2631, %broadcast_in_dim3A_2633, %select_n3A_2622 : vector<256x128xi1>, vector<256x128xf32>
    %select_n3A_2635 = arith.select %lt3A_2631, %add3A_2630, %select_n3A_2623 : vector<256x128xi1>, vector<256x128xf32>
    %slice3A_2636 = vector.extract_strided_slice %dot_general3A_2590 {offsets = [0, 512], sizes = [256, 128], strides = [1, 1]} : vector<256x1024xf32> to vector<256x128xf32>
    %slice3A_2637 = vector.extract_strided_slice %get3A_2588 {offsets = [512], sizes = [128], strides = [1]} : vector<1024xf32> to vector<128xf32>
    %broadcast_in_dim3A_2638 = vector.shape_cast %slice3A_2637 : vector<128xf32> to vector<1x128xf32>
    %add3A_2639 = vector.broadcast %reshape3A_2581 : vector<256x1xf32> to vector<256x128xf32>
    %add3A_2640 = vector.broadcast %broadcast_in_dim3A_2638 : vector<1x128xf32> to vector<256x128xf32>
    %add3A_2641 = arith.addf %add3A_2639, %add3A_2640 : vector<256x128xf32>
    %add3A_2642 = arith.addf %add3A_2641, %slice3A_2636 : vector<256x128xf32>
    %lt3A_2643 = arith.cmpf olt, %add3A_2642, %select_n3A_2635 : vector<256x128xf32>
    %jit3A_2644 = arith.constant 4.000000e+00 : f32
    %broadcast_in_dim3A_2645 = vector.broadcast %jit3A_2644 : f32 to vector<256x128xf32>
    %select_n3A_2646 = arith.select %lt3A_2643, %broadcast_in_dim3A_2645, %select_n3A_2634 : vector<256x128xi1>, vector<256x128xf32>
    %select_n3A_2647 = arith.select %lt3A_2643, %add3A_2642, %select_n3A_2635 : vector<256x128xi1>, vector<256x128xf32>
    %slice3A_2648 = vector.extract_strided_slice %dot_general3A_2590 {offsets = [0, 640], sizes = [256, 128], strides = [1, 1]} : vector<256x1024xf32> to vector<256x128xf32>
    %slice3A_2649 = vector.extract_strided_slice %get3A_2588 {offsets = [640], sizes = [128], strides = [1]} : vector<1024xf32> to vector<128xf32>
    %broadcast_in_dim3A_2650 = vector.shape_cast %slice3A_2649 : vector<128xf32> to vector<1x128xf32>
    %add3A_2651 = vector.broadcast %reshape3A_2581 : vector<256x1xf32> to vector<256x128xf32>
    %add3A_2652 = vector.broadcast %broadcast_in_dim3A_2650 : vector<1x128xf32> to vector<256x128xf32>
    %add3A_2653 = arith.addf %add3A_2651, %add3A_2652 : vector<256x128xf32>
    %add3A_2654 = arith.addf %add3A_2653, %slice3A_2648 : vector<256x128xf32>
    %lt3A_2655 = arith.cmpf olt, %add3A_2654, %select_n3A_2647 : vector<256x128xf32>
    %jit3A_2656 = arith.constant 5.000000e+00 : f32
    %broadcast_in_dim3A_2657 = vector.broadcast %jit3A_2656 : f32 to vector<256x128xf32>
    %select_n3A_2658 = arith.select %lt3A_2655, %broadcast_in_dim3A_2657, %select_n3A_2646 : vector<256x128xi1>, vector<256x128xf32>
    %select_n3A_2659 = arith.select %lt3A_2655, %add3A_2654, %select_n3A_2647 : vector<256x128xi1>, vector<256x128xf32>
    %slice3A_2660 = vector.extract_strided_slice %dot_general3A_2590 {offsets = [0, 768], sizes = [256, 128], strides = [1, 1]} : vector<256x1024xf32> to vector<256x128xf32>
    %slice3A_2661 = vector.extract_strided_slice %get3A_2588 {offsets = [768], sizes = [128], strides = [1]} : vector<1024xf32> to vector<128xf32>
    %broadcast_in_dim3A_2662 = vector.shape_cast %slice3A_2661 : vector<128xf32> to vector<1x128xf32>
    %add3A_2663 = vector.broadcast %reshape3A_2581 : vector<256x1xf32> to vector<256x128xf32>
    %add3A_2664 = vector.broadcast %broadcast_in_dim3A_2662 : vector<1x128xf32> to vector<256x128xf32>
    %add3A_2665 = arith.addf %add3A_2663, %add3A_2664 : vector<256x128xf32>
    %add3A_2666 = arith.addf %add3A_2665, %slice3A_2660 : vector<256x128xf32>
    %lt3A_2667 = arith.cmpf olt, %add3A_2666, %select_n3A_2659 : vector<256x128xf32>
    %jit3A_2668 = arith.constant 6.000000e+00 : f32
    %broadcast_in_dim3A_2669 = vector.broadcast %jit3A_2668 : f32 to vector<256x128xf32>
    %select_n3A_2670 = arith.select %lt3A_2667, %broadcast_in_dim3A_2669, %select_n3A_2658 : vector<256x128xi1>, vector<256x128xf32>
    %select_n3A_2671 = arith.select %lt3A_2667, %add3A_2666, %select_n3A_2659 : vector<256x128xi1>, vector<256x128xf32>
    %slice3A_2672 = vector.extract_strided_slice %dot_general3A_2590 {offsets = [0, 896], sizes = [256, 128], strides = [1, 1]} : vector<256x1024xf32> to vector<256x128xf32>
    %slice3A_2673 = vector.extract_strided_slice %get3A_2588 {offsets = [896], sizes = [128], strides = [1]} : vector<1024xf32> to vector<128xf32>
    %broadcast_in_dim3A_2674 = vector.shape_cast %slice3A_2673 : vector<128xf32> to vector<1x128xf32>
    %add3A_2675 = vector.broadcast %reshape3A_2581 : vector<256x1xf32> to vector<256x128xf32>
    %add3A_2676 = vector.broadcast %broadcast_in_dim3A_2674 : vector<1x128xf32> to vector<256x128xf32>
    %add3A_2677 = arith.addf %add3A_2675, %add3A_2676 : vector<256x128xf32>
    %add3A_2678 = arith.addf %add3A_2677, %slice3A_2672 : vector<256x128xf32>
    %lt3A_2679 = arith.cmpf olt, %add3A_2678, %select_n3A_2671 : vector<256x128xf32>
    %jit3A_2680 = arith.constant 7.000000e+00 : f32
    %broadcast_in_dim3A_2681 = vector.broadcast %jit3A_2680 : f32 to vector<256x128xf32>
    %select_n3A_2682 = arith.select %lt3A_2679, %broadcast_in_dim3A_2681, %select_n3A_2670 : vector<256x128xi1>, vector<256x128xf32>
    %select_n3A_2683 = arith.select %lt3A_2679, %add3A_2678, %select_n3A_2671 : vector<256x128xi1>, vector<256x128xf32>
    %get3A_2684 = arith.constant 1024 : index
    %get3A_2685 = arith.constant 0 : index
    %get3A_2686 = vector.load %arg2[%get3A_2684, %get3A_2685] : memref<8192x256xf32, #tpu.memory_space<vmem>>, vector<1024x256xf32>
    %get3A_2687 = arith.constant 1 : index
    %get3A_2688 = arith.constant 0 : index
    %get3A_2689 = vector.load %arg3[%get3A_2687, %get3A_2688] : memref<8x1024xf32, #tpu.memory_space<vmem>>, vector<1x1024xf32>
    %get3A_2690 = vector.shape_cast %get3A_2689 : vector<1x1024xf32> to vector<1024xf32>
    %dot_general3A_2691 = arith.constant dense<0.000000e+00> : vector<256x1024xf32>
    %dot_general3A_2692 = tpu.matmul %slice3A_2577, %get3A_2686, %dot_general3A_2691 {dimension_numbers = #tpu.dot_dimension_numbers<[0], [1], [1], [0], [0, 1, 1, 0], [], []>, transpose_lhs_hint = false} : vector<256x256xf32>, vector<1024x256xf32>, vector<256x1024xf32> -> vector<256x1024xf32>
    %slice3A_2693 = vector.extract_strided_slice %dot_general3A_2692 {offsets = [0, 0], sizes = [256, 128], strides = [1, 1]} : vector<256x1024xf32> to vector<256x128xf32>
    %slice3A_2694 = vector.extract_strided_slice %get3A_2690 {offsets = [0], sizes = [128], strides = [1]} : vector<1024xf32> to vector<128xf32>
    %broadcast_in_dim3A_2695 = vector.shape_cast %slice3A_2694 : vector<128xf32> to vector<1x128xf32>
    %add3A_2696 = vector.broadcast %reshape3A_2581 : vector<256x1xf32> to vector<256x128xf32>
    %add3A_2697 = vector.broadcast %broadcast_in_dim3A_2695 : vector<1x128xf32> to vector<256x128xf32>
    %add3A_2698 = arith.addf %add3A_2696, %add3A_2697 : vector<256x128xf32>
    %add3A_2699 = arith.addf %add3A_2698, %slice3A_2693 : vector<256x128xf32>
    %lt3A_2700 = arith.cmpf olt, %add3A_2699, %select_n3A_2683 : vector<256x128xf32>
    %jit3A_2701 = arith.constant 8.000000e+00 : f32
    %broadcast_in_dim3A_2702 = vector.broadcast %jit3A_2701 : f32 to vector<256x128xf32>
    %select_n3A_2703 = arith.select %lt3A_2700, %broadcast_in_dim3A_2702, %select_n3A_2682 : vector<256x128xi1>, vector<256x128xf32>
    %select_n3A_2704 = arith.select %lt3A_2700, %add3A_2699, %select_n3A_2683 : vector<256x128xi1>, vector<256x128xf32>
    %slice3A_2705 = vector.extract_strided_slice %dot_general3A_2692 {offsets = [0, 128], sizes = [256, 128], strides = [1, 1]} : vector<256x1024xf32> to vector<256x128xf32>
    %slice3A_2706 = vector.extract_strided_slice %get3A_2690 {offsets = [128], sizes = [128], strides = [1]} : vector<1024xf32> to vector<128xf32>
    %broadcast_in_dim3A_2707 = vector.shape_cast %slice3A_2706 : vector<128xf32> to vector<1x128xf32>
    %add3A_2708 = vector.broadcast %reshape3A_2581 : vector<256x1xf32> to vector<256x128xf32>
    %add3A_2709 = vector.broadcast %broadcast_in_dim3A_2707 : vector<1x128xf32> to vector<256x128xf32>
    %add3A_2710 = arith.addf %add3A_2708, %add3A_2709 : vector<256x128xf32>
    %add3A_2711 = arith.addf %add3A_2710, %slice3A_2705 : vector<256x128xf32>
    %lt3A_2712 = arith.cmpf olt, %add3A_2711, %select_n3A_2704 : vector<256x128xf32>
    %jit3A_2713 = arith.constant 9.000000e+00 : f32
    %broadcast_in_dim3A_2714 = vector.broadcast %jit3A_2713 : f32 to vector<256x128xf32>
    %select_n3A_2715 = arith.select %lt3A_2712, %broadcast_in_dim3A_2714, %select_n3A_2703 : vector<256x128xi1>, vector<256x128xf32>
    %select_n3A_2716 = arith.select %lt3A_2712, %add3A_2711, %select_n3A_2704 : vector<256x128xi1>, vector<256x128xf32>
    %slice3A_2717 = vector.extract_strided_slice %dot_general3A_2692 {offsets = [0, 256], sizes = [256, 128], strides = [1, 1]} : vector<256x1024xf32> to vector<256x128xf32>
    %slice3A_2718 = vector.extract_strided_slice %get3A_2690 {offsets = [256], sizes = [128], strides = [1]} : vector<1024xf32> to vector<128xf32>
    %broadcast_in_dim3A_2719 = vector.shape_cast %slice3A_2718 : vector<128xf32> to vector<1x128xf32>
    %add3A_2720 = vector.broadcast %reshape3A_2581 : vector<256x1xf32> to vector<256x128xf32>
    %add3A_2721 = vector.broadcast %broadcast_in_dim3A_2719 : vector<1x128xf32> to vector<256x128xf32>
    %add3A_2722 = arith.addf %add3A_2720, %add3A_2721 : vector<256x128xf32>
    %add3A_2723 = arith.addf %add3A_2722, %slice3A_2717 : vector<256x128xf32>
    %lt3A_2724 = arith.cmpf olt, %add3A_2723, %select_n3A_2716 : vector<256x128xf32>
    %jit3A_2725 = arith.constant 1.000000e+01 : f32
    %broadcast_in_dim3A_2726 = vector.broadcast %jit3A_2725 : f32 to vector<256x128xf32>
    %select_n3A_2727 = arith.select %lt3A_2724, %broadcast_in_dim3A_2726, %select_n3A_2715 : vector<256x128xi1>, vector<256x128xf32>
    %select_n3A_2728 = arith.select %lt3A_2724, %add3A_2723, %select_n3A_2716 : vector<256x128xi1>, vector<256x128xf32>
    %slice3A_2729 = vector.extract_strided_slice %dot_general3A_2692 {offsets = [0, 384], sizes = [256, 128], strides = [1, 1]} : vector<256x1024xf32> to vector<256x128xf32>
    %slice3A_2730 = vector.extract_strided_slice %get3A_2690 {offsets = [384], sizes = [128], strides = [1]} : vector<1024xf32> to vector<128xf32>
    %broadcast_in_dim3A_2731 = vector.shape_cast %slice3A_2730 : vector<128xf32> to vector<1x128xf32>
    %add3A_2732 = vector.broadcast %reshape3A_2581 : vector<256x1xf32> to vector<256x128xf32>
    %add3A_2733 = vector.broadcast %broadcast_in_dim3A_2731 : vector<1x128xf32> to vector<256x128xf32>
    %add3A_2734 = arith.addf %add3A_2732, %add3A_2733 : vector<256x128xf32>
    %add3A_2735 = arith.addf %add3A_2734, %slice3A_2729 : vector<256x128xf32>
    %lt3A_2736 = arith.cmpf olt, %add3A_2735, %select_n3A_2728 : vector<256x128xf32>
    %jit3A_2737 = arith.constant 1.100000e+01 : f32
    %broadcast_in_dim3A_2738 = vector.broadcast %jit3A_2737 : f32 to vector<256x128xf32>
    %select_n3A_2739 = arith.select %lt3A_2736, %broadcast_in_dim3A_2738, %select_n3A_2727 : vector<256x128xi1>, vector<256x128xf32>
    %select_n3A_2740 = arith.select %lt3A_2736, %add3A_2735, %select_n3A_2728 : vector<256x128xi1>, vector<256x128xf32>
    %slice3A_2741 = vector.extract_strided_slice %dot_general3A_2692 {offsets = [0, 512], sizes = [256, 128], strides = [1, 1]} : vector<256x1024xf32> to vector<256x128xf32>
    %slice3A_2742 = vector.extract_strided_slice %get3A_2690 {offsets = [512], sizes = [128], strides = [1]} : vector<1024xf32> to vector<128xf32>
    %broadcast_in_dim3A_2743 = vector.shape_cast %slice3A_2742 : vector<128xf32> to vector<1x128xf32>
    %add3A_2744 = vector.broadcast %reshape3A_2581 : vector<256x1xf32> to vector<256x128xf32>
    %add3A_2745 = vector.broadcast %broadcast_in_dim3A_2743 : vector<1x128xf32> to vector<256x128xf32>
    %add3A_2746 = arith.addf %add3A_2744, %add3A_2745 : vector<256x128xf32>
    %add3A_2747 = arith.addf %add3A_2746, %slice3A_2741 : vector<256x128xf32>
    %lt3A_2748 = arith.cmpf olt, %add3A_2747, %select_n3A_2740 : vector<256x128xf32>
    %jit3A_2749 = arith.constant 1.200000e+01 : f32
    %broadcast_in_dim3A_2750 = vector.broadcast %jit3A_2749 : f32 to vector<256x128xf32>
    %select_n3A_2751 = arith.select %lt3A_2748, %broadcast_in_dim3A_2750, %select_n3A_2739 : vector<256x128xi1>, vector<256x128xf32>
    %select_n3A_2752 = arith.select %lt3A_2748, %add3A_2747, %select_n3A_2740 : vector<256x128xi1>, vector<256x128xf32>
    %slice3A_2753 = vector.extract_strided_slice %dot_general3A_2692 {offsets = [0, 640], sizes = [256, 128], strides = [1, 1]} : vector<256x1024xf32> to vector<256x128xf32>
    %slice3A_2754 = vector.extract_strided_slice %get3A_2690 {offsets = [640], sizes = [128], strides = [1]} : vector<1024xf32> to vector<128xf32>
    %broadcast_in_dim3A_2755 = vector.shape_cast %slice3A_2754 : vector<128xf32> to vector<1x128xf32>
    %add3A_2756 = vector.broadcast %reshape3A_2581 : vector<256x1xf32> to vector<256x128xf32>
    %add3A_2757 = vector.broadcast %broadcast_in_dim3A_2755 : vector<1x128xf32> to vector<256x128xf32>
    %add3A_2758 = arith.addf %add3A_2756, %add3A_2757 : vector<256x128xf32>
    %add3A_2759 = arith.addf %add3A_2758, %slice3A_2753 : vector<256x128xf32>
    %lt3A_2760 = arith.cmpf olt, %add3A_2759, %select_n3A_2752 : vector<256x128xf32>
    %jit3A_2761 = arith.constant 1.300000e+01 : f32
    %broadcast_in_dim3A_2762 = vector.broadcast %jit3A_2761 : f32 to vector<256x128xf32>
    %select_n3A_2763 = arith.select %lt3A_2760, %broadcast_in_dim3A_2762, %select_n3A_2751 : vector<256x128xi1>, vector<256x128xf32>
    %select_n3A_2764 = arith.select %lt3A_2760, %add3A_2759, %select_n3A_2752 : vector<256x128xi1>, vector<256x128xf32>
    %slice3A_2765 = vector.extract_strided_slice %dot_general3A_2692 {offsets = [0, 768], sizes = [256, 128], strides = [1, 1]} : vector<256x1024xf32> to vector<256x128xf32>
    %slice3A_2766 = vector.extract_strided_slice %get3A_2690 {offsets = [768], sizes = [128], strides = [1]} : vector<1024xf32> to vector<128xf32>
    %broadcast_in_dim3A_2767 = vector.shape_cast %slice3A_2766 : vector<128xf32> to vector<1x128xf32>
    %add3A_2768 = vector.broadcast %reshape3A_2581 : vector<256x1xf32> to vector<256x128xf32>
    %add3A_2769 = vector.broadcast %broadcast_in_dim3A_2767 : vector<1x128xf32> to vector<256x128xf32>
    %add3A_2770 = arith.addf %add3A_2768, %add3A_2769 : vector<256x128xf32>
    %add3A_2771 = arith.addf %add3A_2770, %slice3A_2765 : vector<256x128xf32>
    %lt3A_2772 = arith.cmpf olt, %add3A_2771, %select_n3A_2764 : vector<256x128xf32>
    %jit3A_2773 = arith.constant 1.400000e+01 : f32
    %broadcast_in_dim3A_2774 = vector.broadcast %jit3A_2773 : f32 to vector<256x128xf32>
    %select_n3A_2775 = arith.select %lt3A_2772, %broadcast_in_dim3A_2774, %select_n3A_2763 : vector<256x128xi1>, vector<256x128xf32>
    %select_n3A_2776 = arith.select %lt3A_2772, %add3A_2771, %select_n3A_2764 : vector<256x128xi1>, vector<256x128xf32>
    %slice3A_2777 = vector.extract_strided_slice %dot_general3A_2692 {offsets = [0, 896], sizes = [256, 128], strides = [1, 1]} : vector<256x1024xf32> to vector<256x128xf32>
    %slice3A_2778 = vector.extract_strided_slice %get3A_2690 {offsets = [896], sizes = [128], strides = [1]} : vector<1024xf32> to vector<128xf32>
    %broadcast_in_dim3A_2779 = vector.shape_cast %slice3A_2778 : vector<128xf32> to vector<1x128xf32>
    %add3A_2780 = vector.broadcast %reshape3A_2581 : vector<256x1xf32> to vector<256x128xf32>
    %add3A_2781 = vector.broadcast %broadcast_in_dim3A_2779 : vector<1x128xf32> to vector<256x128xf32>
    %add3A_2782 = arith.addf %add3A_2780, %add3A_2781 : vector<256x128xf32>
    %add3A_2783 = arith.addf %add3A_2782, %slice3A_2777 : vector<256x128xf32>
    %lt3A_2784 = arith.cmpf olt, %add3A_2783, %select_n3A_2776 : vector<256x128xf32>
    %jit3A_2785 = arith.constant 1.500000e+01 : f32
    %broadcast_in_dim3A_2786 = vector.broadcast %jit3A_2785 : f32 to vector<256x128xf32>
    %select_n3A_2787 = arith.select %lt3A_2784, %broadcast_in_dim3A_2786, %select_n3A_2775 : vector<256x128xi1>, vector<256x128xf32>
    %select_n3A_2788 = arith.select %lt3A_2784, %add3A_2783, %select_n3A_2776 : vector<256x128xi1>, vector<256x128xf32>
    %get3A_2789 = arith.constant 2048 : index
    %get3A_2790 = arith.constant 0 : index
    %get3A_2791 = vector.load %arg2[%get3A_2789, %get3A_2790] : memref<8192x256xf32, #tpu.memory_space<vmem>>, vector<1024x256xf32>
    %get3A_2792 = arith.constant 2 : index
    %get3A_2793 = arith.constant 0 : index
    %get3A_2794 = vector.load %arg3[%get3A_2792, %get3A_2793] : memref<8x1024xf32, #tpu.memory_space<vmem>>, vector<1x1024xf32>
    %get3A_2795 = vector.shape_cast %get3A_2794 : vector<1x1024xf32> to vector<1024xf32>
    %dot_general3A_2796 = arith.constant dense<0.000000e+00> : vector<256x1024xf32>
    %dot_general3A_2797 = tpu.matmul %slice3A_2577, %get3A_2791, %dot_general3A_2796 {dimension_numbers = #tpu.dot_dimension_numbers<[0], [1], [1], [0], [0, 1, 1, 0], [], []>, transpose_lhs_hint = false} : vector<256x256xf32>, vector<1024x256xf32>, vector<256x1024xf32> -> vector<256x1024xf32>
    %slice3A_2798 = vector.extract_strided_slice %dot_general3A_2797 {offsets = [0, 0], sizes = [256, 128], strides = [1, 1]} : vector<256x1024xf32> to vector<256x128xf32>
    %slice3A_2799 = vector.extract_strided_slice %get3A_2795 {offsets = [0], sizes = [128], strides = [1]} : vector<1024xf32> to vector<128xf32>
    %broadcast_in_dim3A_2800 = vector.shape_cast %slice3A_2799 : vector<128xf32> to vector<1x128xf32>
    %add3A_2801 = vector.broadcast %reshape3A_2581 : vector<256x1xf32> to vector<256x128xf32>
    %add3A_2802 = vector.broadcast %broadcast_in_dim3A_2800 : vector<1x128xf32> to vector<256x128xf32>
    %add3A_2803 = arith.addf %add3A_2801, %add3A_2802 : vector<256x128xf32>
    %add3A_2804 = arith.addf %add3A_2803, %slice3A_2798 : vector<256x128xf32>
    %lt3A_2805 = arith.cmpf olt, %add3A_2804, %select_n3A_2788 : vector<256x128xf32>
    %jit3A_2806 = arith.constant 1.600000e+01 : f32
    %broadcast_in_dim3A_2807 = vector.broadcast %jit3A_2806 : f32 to vector<256x128xf32>
    %select_n3A_2808 = arith.select %lt3A_2805, %broadcast_in_dim3A_2807, %select_n3A_2787 : vector<256x128xi1>, vector<256x128xf32>
    %select_n3A_2809 = arith.select %lt3A_2805, %add3A_2804, %select_n3A_2788 : vector<256x128xi1>, vector<256x128xf32>
    %slice3A_2810 = vector.extract_strided_slice %dot_general3A_2797 {offsets = [0, 128], sizes = [256, 128], strides = [1, 1]} : vector<256x1024xf32> to vector<256x128xf32>
    %slice3A_2811 = vector.extract_strided_slice %get3A_2795 {offsets = [128], sizes = [128], strides = [1]} : vector<1024xf32> to vector<128xf32>
    %broadcast_in_dim3A_2812 = vector.shape_cast %slice3A_2811 : vector<128xf32> to vector<1x128xf32>
    %add3A_2813 = vector.broadcast %reshape3A_2581 : vector<256x1xf32> to vector<256x128xf32>
    %add3A_2814 = vector.broadcast %broadcast_in_dim3A_2812 : vector<1x128xf32> to vector<256x128xf32>
    %add3A_2815 = arith.addf %add3A_2813, %add3A_2814 : vector<256x128xf32>
    %add3A_2816 = arith.addf %add3A_2815, %slice3A_2810 : vector<256x128xf32>
    %lt3A_2817 = arith.cmpf olt, %add3A_2816, %select_n3A_2809 : vector<256x128xf32>
    %jit3A_2818 = arith.constant 1.700000e+01 : f32
    %broadcast_in_dim3A_2819 = vector.broadcast %jit3A_2818 : f32 to vector<256x128xf32>
    %select_n3A_2820 = arith.select %lt3A_2817, %broadcast_in_dim3A_2819, %select_n3A_2808 : vector<256x128xi1>, vector<256x128xf32>
    %select_n3A_2821 = arith.select %lt3A_2817, %add3A_2816, %select_n3A_2809 : vector<256x128xi1>, vector<256x128xf32>
    %slice3A_2822 = vector.extract_strided_slice %dot_general3A_2797 {offsets = [0, 256], sizes = [256, 128], strides = [1, 1]} : vector<256x1024xf32> to vector<256x128xf32>
    %slice3A_2823 = vector.extract_strided_slice %get3A_2795 {offsets = [256], sizes = [128], strides = [1]} : vector<1024xf32> to vector<128xf32>
    %broadcast_in_dim3A_2824 = vector.shape_cast %slice3A_2823 : vector<128xf32> to vector<1x128xf32>
    %add3A_2825 = vector.broadcast %reshape3A_2581 : vector<256x1xf32> to vector<256x128xf32>
    %add3A_2826 = vector.broadcast %broadcast_in_dim3A_2824 : vector<1x128xf32> to vector<256x128xf32>
    %add3A_2827 = arith.addf %add3A_2825, %add3A_2826 : vector<256x128xf32>
    %add3A_2828 = arith.addf %add3A_2827, %slice3A_2822 : vector<256x128xf32>
    %lt3A_2829 = arith.cmpf olt, %add3A_2828, %select_n3A_2821 : vector<256x128xf32>
    %jit3A_2830 = arith.constant 1.800000e+01 : f32
    %broadcast_in_dim3A_2831 = vector.broadcast %jit3A_2830 : f32 to vector<256x128xf32>
    %select_n3A_2832 = arith.select %lt3A_2829, %broadcast_in_dim3A_2831, %select_n3A_2820 : vector<256x128xi1>, vector<256x128xf32>
    %select_n3A_2833 = arith.select %lt3A_2829, %add3A_2828, %select_n3A_2821 : vector<256x128xi1>, vector<256x128xf32>
    %slice3A_2834 = vector.extract_strided_slice %dot_general3A_2797 {offsets = [0, 384], sizes = [256, 128], strides = [1, 1]} : vector<256x1024xf32> to vector<256x128xf32>
    %slice3A_2835 = vector.extract_strided_slice %get3A_2795 {offsets = [384], sizes = [128], strides = [1]} : vector<1024xf32> to vector<128xf32>
    %broadcast_in_dim3A_2836 = vector.shape_cast %slice3A_2835 : vector<128xf32> to vector<1x128xf32>
    %add3A_2837 = vector.broadcast %reshape3A_2581 : vector<256x1xf32> to vector<256x128xf32>
    %add3A_2838 = vector.broadcast %broadcast_in_dim3A_2836 : vector<1x128xf32> to vector<256x128xf32>
    %add3A_2839 = arith.addf %add3A_2837, %add3A_2838 : vector<256x128xf32>
    %add3A_2840 = arith.addf %add3A_2839, %slice3A_2834 : vector<256x128xf32>
    %lt3A_2841 = arith.cmpf olt, %add3A_2840, %select_n3A_2833 : vector<256x128xf32>
    %jit3A_2842 = arith.constant 1.900000e+01 : f32
    %broadcast_in_dim3A_2843 = vector.broadcast %jit3A_2842 : f32 to vector<256x128xf32>
    %select_n3A_2844 = arith.select %lt3A_2841, %broadcast_in_dim3A_2843, %select_n3A_2832 : vector<256x128xi1>, vector<256x128xf32>
    %select_n3A_2845 = arith.select %lt3A_2841, %add3A_2840, %select_n3A_2833 : vector<256x128xi1>, vector<256x128xf32>
    %slice3A_2846 = vector.extract_strided_slice %dot_general3A_2797 {offsets = [0, 512], sizes = [256, 128], strides = [1, 1]} : vector<256x1024xf32> to vector<256x128xf32>
    %slice3A_2847 = vector.extract_strided_slice %get3A_2795 {offsets = [512], sizes = [128], strides = [1]} : vector<1024xf32> to vector<128xf32>
    %broadcast_in_dim3A_2848 = vector.shape_cast %slice3A_2847 : vector<128xf32> to vector<1x128xf32>
    %add3A_2849 = vector.broadcast %reshape3A_2581 : vector<256x1xf32> to vector<256x128xf32>
    %add3A_2850 = vector.broadcast %broadcast_in_dim3A_2848 : vector<1x128xf32> to vector<256x128xf32>
    %add3A_2851 = arith.addf %add3A_2849, %add3A_2850 : vector<256x128xf32>
    %add3A_2852 = arith.addf %add3A_2851, %slice3A_2846 : vector<256x128xf32>
    %lt3A_2853 = arith.cmpf olt, %add3A_2852, %select_n3A_2845 : vector<256x128xf32>
    %jit3A_2854 = arith.constant 2.000000e+01 : f32
    %broadcast_in_dim3A_2855 = vector.broadcast %jit3A_2854 : f32 to vector<256x128xf32>
    %select_n3A_2856 = arith.select %lt3A_2853, %broadcast_in_dim3A_2855, %select_n3A_2844 : vector<256x128xi1>, vector<256x128xf32>
    %select_n3A_2857 = arith.select %lt3A_2853, %add3A_2852, %select_n3A_2845 : vector<256x128xi1>, vector<256x128xf32>
    %slice3A_2858 = vector.extract_strided_slice %dot_general3A_2797 {offsets = [0, 640], sizes = [256, 128], strides = [1, 1]} : vector<256x1024xf32> to vector<256x128xf32>
    %slice3A_2859 = vector.extract_strided_slice %get3A_2795 {offsets = [640], sizes = [128], strides = [1]} : vector<1024xf32> to vector<128xf32>
    %broadcast_in_dim3A_2860 = vector.shape_cast %slice3A_2859 : vector<128xf32> to vector<1x128xf32>
    %add3A_2861 = vector.broadcast %reshape3A_2581 : vector<256x1xf32> to vector<256x128xf32>
    %add3A_2862 = vector.broadcast %broadcast_in_dim3A_2860 : vector<1x128xf32> to vector<256x128xf32>
    %add3A_2863 = arith.addf %add3A_2861, %add3A_2862 : vector<256x128xf32>
    %add3A_2864 = arith.addf %add3A_2863, %slice3A_2858 : vector<256x128xf32>
    %lt3A_2865 = arith.cmpf olt, %add3A_2864, %select_n3A_2857 : vector<256x128xf32>
    %jit3A_2866 = arith.constant 2.100000e+01 : f32
    %broadcast_in_dim3A_2867 = vector.broadcast %jit3A_2866 : f32 to vector<256x128xf32>
    %select_n3A_2868 = arith.select %lt3A_2865, %broadcast_in_dim3A_2867, %select_n3A_2856 : vector<256x128xi1>, vector<256x128xf32>
    %select_n3A_2869 = arith.select %lt3A_2865, %add3A_2864, %select_n3A_2857 : vector<256x128xi1>, vector<256x128xf32>
    %slice3A_2870 = vector.extract_strided_slice %dot_general3A_2797 {offsets = [0, 768], sizes = [256, 128], strides = [1, 1]} : vector<256x1024xf32> to vector<256x128xf32>
    %slice3A_2871 = vector.extract_strided_slice %get3A_2795 {offsets = [768], sizes = [128], strides = [1]} : vector<1024xf32> to vector<128xf32>
    %broadcast_in_dim3A_2872 = vector.shape_cast %slice3A_2871 : vector<128xf32> to vector<1x128xf32>
    %add3A_2873 = vector.broadcast %reshape3A_2581 : vector<256x1xf32> to vector<256x128xf32>
    %add3A_2874 = vector.broadcast %broadcast_in_dim3A_2872 : vector<1x128xf32> to vector<256x128xf32>
    %add3A_2875 = arith.addf %add3A_2873, %add3A_2874 : vector<256x128xf32>
    %add3A_2876 = arith.addf %add3A_2875, %slice3A_2870 : vector<256x128xf32>
    %lt3A_2877 = arith.cmpf olt, %add3A_2876, %select_n3A_2869 : vector<256x128xf32>
    %jit3A_2878 = arith.constant 2.200000e+01 : f32
    %broadcast_in_dim3A_2879 = vector.broadcast %jit3A_2878 : f32 to vector<256x128xf32>
    %select_n3A_2880 = arith.select %lt3A_2877, %broadcast_in_dim3A_2879, %select_n3A_2868 : vector<256x128xi1>, vector<256x128xf32>
    %select_n3A_2881 = arith.select %lt3A_2877, %add3A_2876, %select_n3A_2869 : vector<256x128xi1>, vector<256x128xf32>
    %slice3A_2882 = vector.extract_strided_slice %dot_general3A_2797 {offsets = [0, 896], sizes = [256, 128], strides = [1, 1]} : vector<256x1024xf32> to vector<256x128xf32>
    %slice3A_2883 = vector.extract_strided_slice %get3A_2795 {offsets = [896], sizes = [128], strides = [1]} : vector<1024xf32> to vector<128xf32>
    %broadcast_in_dim3A_2884 = vector.shape_cast %slice3A_2883 : vector<128xf32> to vector<1x128xf32>
    %add3A_2885 = vector.broadcast %reshape3A_2581 : vector<256x1xf32> to vector<256x128xf32>
    %add3A_2886 = vector.broadcast %broadcast_in_dim3A_2884 : vector<1x128xf32> to vector<256x128xf32>
    %add3A_2887 = arith.addf %add3A_2885, %add3A_2886 : vector<256x128xf32>
    %add3A_2888 = arith.addf %add3A_2887, %slice3A_2882 : vector<256x128xf32>
    %lt3A_2889 = arith.cmpf olt, %add3A_2888, %select_n3A_2881 : vector<256x128xf32>
    %jit3A_2890 = arith.constant 2.300000e+01 : f32
    %broadcast_in_dim3A_2891 = vector.broadcast %jit3A_2890 : f32 to vector<256x128xf32>
    %select_n3A_2892 = arith.select %lt3A_2889, %broadcast_in_dim3A_2891, %select_n3A_2880 : vector<256x128xi1>, vector<256x128xf32>
    %select_n3A_2893 = arith.select %lt3A_2889, %add3A_2888, %select_n3A_2881 : vector<256x128xi1>, vector<256x128xf32>
    %get3A_2894 = arith.constant 3072 : index
    %get3A_2895 = arith.constant 0 : index
    %get3A_2896 = vector.load %arg2[%get3A_2894, %get3A_2895] : memref<8192x256xf32, #tpu.memory_space<vmem>>, vector<1024x256xf32>
    %get3A_2897 = arith.constant 3 : index
    %get3A_2898 = arith.constant 0 : index
    %get3A_2899 = vector.load %arg3[%get3A_2897, %get3A_2898] : memref<8x1024xf32, #tpu.memory_space<vmem>>, vector<1x1024xf32>
    %get3A_2900 = vector.shape_cast %get3A_2899 : vector<1x1024xf32> to vector<1024xf32>
    %dot_general3A_2901 = arith.constant dense<0.000000e+00> : vector<256x1024xf32>
    %dot_general3A_2902 = tpu.matmul %slice3A_2577, %get3A_2896, %dot_general3A_2901 {dimension_numbers = #tpu.dot_dimension_numbers<[0], [1], [1], [0], [0, 1, 1, 0], [], []>, transpose_lhs_hint = false} : vector<256x256xf32>, vector<1024x256xf32>, vector<256x1024xf32> -> vector<256x1024xf32>
    %slice3A_2903 = vector.extract_strided_slice %dot_general3A_2902 {offsets = [0, 0], sizes = [256, 128], strides = [1, 1]} : vector<256x1024xf32> to vector<256x128xf32>
    %slice3A_2904 = vector.extract_strided_slice %get3A_2900 {offsets = [0], sizes = [128], strides = [1]} : vector<1024xf32> to vector<128xf32>
    %broadcast_in_dim3A_2905 = vector.shape_cast %slice3A_2904 : vector<128xf32> to vector<1x128xf32>
    %add3A_2906 = vector.broadcast %reshape3A_2581 : vector<256x1xf32> to vector<256x128xf32>
    %add3A_2907 = vector.broadcast %broadcast_in_dim3A_2905 : vector<1x128xf32> to vector<256x128xf32>
    %add3A_2908 = arith.addf %add3A_2906, %add3A_2907 : vector<256x128xf32>
    %add3A_2909 = arith.addf %add3A_2908, %slice3A_2903 : vector<256x128xf32>
    %lt3A_2910 = arith.cmpf olt, %add3A_2909, %select_n3A_2893 : vector<256x128xf32>
    %jit3A_2911 = arith.constant 2.400000e+01 : f32
    %broadcast_in_dim3A_2912 = vector.broadcast %jit3A_2911 : f32 to vector<256x128xf32>
    %select_n3A_2913 = arith.select %lt3A_2910, %broadcast_in_dim3A_2912, %select_n3A_2892 : vector<256x128xi1>, vector<256x128xf32>
    %select_n3A_2914 = arith.select %lt3A_2910, %add3A_2909, %select_n3A_2893 : vector<256x128xi1>, vector<256x128xf32>
    %slice3A_2915 = vector.extract_strided_slice %dot_general3A_2902 {offsets = [0, 128], sizes = [256, 128], strides = [1, 1]} : vector<256x1024xf32> to vector<256x128xf32>
    %slice3A_2916 = vector.extract_strided_slice %get3A_2900 {offsets = [128], sizes = [128], strides = [1]} : vector<1024xf32> to vector<128xf32>
    %broadcast_in_dim3A_2917 = vector.shape_cast %slice3A_2916 : vector<128xf32> to vector<1x128xf32>
    %add3A_2918 = vector.broadcast %reshape3A_2581 : vector<256x1xf32> to vector<256x128xf32>
    %add3A_2919 = vector.broadcast %broadcast_in_dim3A_2917 : vector<1x128xf32> to vector<256x128xf32>
    %add3A_2920 = arith.addf %add3A_2918, %add3A_2919 : vector<256x128xf32>
    %add3A_2921 = arith.addf %add3A_2920, %slice3A_2915 : vector<256x128xf32>
    %lt3A_2922 = arith.cmpf olt, %add3A_2921, %select_n3A_2914 : vector<256x128xf32>
    %jit3A_2923 = arith.constant 2.500000e+01 : f32
    %broadcast_in_dim3A_2924 = vector.broadcast %jit3A_2923 : f32 to vector<256x128xf32>
    %select_n3A_2925 = arith.select %lt3A_2922, %broadcast_in_dim3A_2924, %select_n3A_2913 : vector<256x128xi1>, vector<256x128xf32>
    %select_n3A_2926 = arith.select %lt3A_2922, %add3A_2921, %select_n3A_2914 : vector<256x128xi1>, vector<256x128xf32>
    %slice3A_2927 = vector.extract_strided_slice %dot_general3A_2902 {offsets = [0, 256], sizes = [256, 128], strides = [1, 1]} : vector<256x1024xf32> to vector<256x128xf32>
    %slice3A_2928 = vector.extract_strided_slice %get3A_2900 {offsets = [256], sizes = [128], strides = [1]} : vector<1024xf32> to vector<128xf32>
    %broadcast_in_dim3A_2929 = vector.shape_cast %slice3A_2928 : vector<128xf32> to vector<1x128xf32>
    %add3A_2930 = vector.broadcast %reshape3A_2581 : vector<256x1xf32> to vector<256x128xf32>
    %add3A_2931 = vector.broadcast %broadcast_in_dim3A_2929 : vector<1x128xf32> to vector<256x128xf32>
    %add3A_2932 = arith.addf %add3A_2930, %add3A_2931 : vector<256x128xf32>
    %add3A_2933 = arith.addf %add3A_2932, %slice3A_2927 : vector<256x128xf32>
    %lt3A_2934 = arith.cmpf olt, %add3A_2933, %select_n3A_2926 : vector<256x128xf32>
    %jit3A_2935 = arith.constant 2.600000e+01 : f32
    %broadcast_in_dim3A_2936 = vector.broadcast %jit3A_2935 : f32 to vector<256x128xf32>
    %select_n3A_2937 = arith.select %lt3A_2934, %broadcast_in_dim3A_2936, %select_n3A_2925 : vector<256x128xi1>, vector<256x128xf32>
    %select_n3A_2938 = arith.select %lt3A_2934, %add3A_2933, %select_n3A_2926 : vector<256x128xi1>, vector<256x128xf32>
    %slice3A_2939 = vector.extract_strided_slice %dot_general3A_2902 {offsets = [0, 384], sizes = [256, 128], strides = [1, 1]} : vector<256x1024xf32> to vector<256x128xf32>
    %slice3A_2940 = vector.extract_strided_slice %get3A_2900 {offsets = [384], sizes = [128], strides = [1]} : vector<1024xf32> to vector<128xf32>
    %broadcast_in_dim3A_2941 = vector.shape_cast %slice3A_2940 : vector<128xf32> to vector<1x128xf32>
    %add3A_2942 = vector.broadcast %reshape3A_2581 : vector<256x1xf32> to vector<256x128xf32>
    %add3A_2943 = vector.broadcast %broadcast_in_dim3A_2941 : vector<1x128xf32> to vector<256x128xf32>
    %add3A_2944 = arith.addf %add3A_2942, %add3A_2943 : vector<256x128xf32>
    %add3A_2945 = arith.addf %add3A_2944, %slice3A_2939 : vector<256x128xf32>
    %lt3A_2946 = arith.cmpf olt, %add3A_2945, %select_n3A_2938 : vector<256x128xf32>
    %jit3A_2947 = arith.constant 2.700000e+01 : f32
    %broadcast_in_dim3A_2948 = vector.broadcast %jit3A_2947 : f32 to vector<256x128xf32>
    %select_n3A_2949 = arith.select %lt3A_2946, %broadcast_in_dim3A_2948, %select_n3A_2937 : vector<256x128xi1>, vector<256x128xf32>
    %select_n3A_2950 = arith.select %lt3A_2946, %add3A_2945, %select_n3A_2938 : vector<256x128xi1>, vector<256x128xf32>
    %slice3A_2951 = vector.extract_strided_slice %dot_general3A_2902 {offsets = [0, 512], sizes = [256, 128], strides = [1, 1]} : vector<256x1024xf32> to vector<256x128xf32>
    %slice3A_2952 = vector.extract_strided_slice %get3A_2900 {offsets = [512], sizes = [128], strides = [1]} : vector<1024xf32> to vector<128xf32>
    %broadcast_in_dim3A_2953 = vector.shape_cast %slice3A_2952 : vector<128xf32> to vector<1x128xf32>
    %add3A_2954 = vector.broadcast %reshape3A_2581 : vector<256x1xf32> to vector<256x128xf32>
    %add3A_2955 = vector.broadcast %broadcast_in_dim3A_2953 : vector<1x128xf32> to vector<256x128xf32>
    %add3A_2956 = arith.addf %add3A_2954, %add3A_2955 : vector<256x128xf32>
    %add3A_2957 = arith.addf %add3A_2956, %slice3A_2951 : vector<256x128xf32>
    %lt3A_2958 = arith.cmpf olt, %add3A_2957, %select_n3A_2950 : vector<256x128xf32>
    %jit3A_2959 = arith.constant 2.800000e+01 : f32
    %broadcast_in_dim3A_2960 = vector.broadcast %jit3A_2959 : f32 to vector<256x128xf32>
    %select_n3A_2961 = arith.select %lt3A_2958, %broadcast_in_dim3A_2960, %select_n3A_2949 : vector<256x128xi1>, vector<256x128xf32>
    %select_n3A_2962 = arith.select %lt3A_2958, %add3A_2957, %select_n3A_2950 : vector<256x128xi1>, vector<256x128xf32>
    %slice3A_2963 = vector.extract_strided_slice %dot_general3A_2902 {offsets = [0, 640], sizes = [256, 128], strides = [1, 1]} : vector<256x1024xf32> to vector<256x128xf32>
    %slice3A_2964 = vector.extract_strided_slice %get3A_2900 {offsets = [640], sizes = [128], strides = [1]} : vector<1024xf32> to vector<128xf32>
    %broadcast_in_dim3A_2965 = vector.shape_cast %slice3A_2964 : vector<128xf32> to vector<1x128xf32>
    %add3A_2966 = vector.broadcast %reshape3A_2581 : vector<256x1xf32> to vector<256x128xf32>
    %add3A_2967 = vector.broadcast %broadcast_in_dim3A_2965 : vector<1x128xf32> to vector<256x128xf32>
    %add3A_2968 = arith.addf %add3A_2966, %add3A_2967 : vector<256x128xf32>
    %add3A_2969 = arith.addf %add3A_2968, %slice3A_2963 : vector<256x128xf32>
    %lt3A_2970 = arith.cmpf olt, %add3A_2969, %select_n3A_2962 : vector<256x128xf32>
    %jit3A_2971 = arith.constant 2.900000e+01 : f32
    %broadcast_in_dim3A_2972 = vector.broadcast %jit3A_2971 : f32 to vector<256x128xf32>
    %select_n3A_2973 = arith.select %lt3A_2970, %broadcast_in_dim3A_2972, %select_n3A_2961 : vector<256x128xi1>, vector<256x128xf32>
    %select_n3A_2974 = arith.select %lt3A_2970, %add3A_2969, %select_n3A_2962 : vector<256x128xi1>, vector<256x128xf32>
    %slice3A_2975 = vector.extract_strided_slice %dot_general3A_2902 {offsets = [0, 768], sizes = [256, 128], strides = [1, 1]} : vector<256x1024xf32> to vector<256x128xf32>
    %slice3A_2976 = vector.extract_strided_slice %get3A_2900 {offsets = [768], sizes = [128], strides = [1]} : vector<1024xf32> to vector<128xf32>
    %broadcast_in_dim3A_2977 = vector.shape_cast %slice3A_2976 : vector<128xf32> to vector<1x128xf32>
    %add3A_2978 = vector.broadcast %reshape3A_2581 : vector<256x1xf32> to vector<256x128xf32>
    %add3A_2979 = vector.broadcast %broadcast_in_dim3A_2977 : vector<1x128xf32> to vector<256x128xf32>
    %add3A_2980 = arith.addf %add3A_2978, %add3A_2979 : vector<256x128xf32>
    %add3A_2981 = arith.addf %add3A_2980, %slice3A_2975 : vector<256x128xf32>
    %lt3A_2982 = arith.cmpf olt, %add3A_2981, %select_n3A_2974 : vector<256x128xf32>
    %jit3A_2983 = arith.constant 3.000000e+01 : f32
    %broadcast_in_dim3A_2984 = vector.broadcast %jit3A_2983 : f32 to vector<256x128xf32>
    %select_n3A_2985 = arith.select %lt3A_2982, %broadcast_in_dim3A_2984, %select_n3A_2973 : vector<256x128xi1>, vector<256x128xf32>
    %select_n3A_2986 = arith.select %lt3A_2982, %add3A_2981, %select_n3A_2974 : vector<256x128xi1>, vector<256x128xf32>
    %slice3A_2987 = vector.extract_strided_slice %dot_general3A_2902 {offsets = [0, 896], sizes = [256, 128], strides = [1, 1]} : vector<256x1024xf32> to vector<256x128xf32>
    %slice3A_2988 = vector.extract_strided_slice %get3A_2900 {offsets = [896], sizes = [128], strides = [1]} : vector<1024xf32> to vector<128xf32>
    %broadcast_in_dim3A_2989 = vector.shape_cast %slice3A_2988 : vector<128xf32> to vector<1x128xf32>
    %add3A_2990 = vector.broadcast %reshape3A_2581 : vector<256x1xf32> to vector<256x128xf32>
    %add3A_2991 = vector.broadcast %broadcast_in_dim3A_2989 : vector<1x128xf32> to vector<256x128xf32>
    %add3A_2992 = arith.addf %add3A_2990, %add3A_2991 : vector<256x128xf32>
    %add3A_2993 = arith.addf %add3A_2992, %slice3A_2987 : vector<256x128xf32>
    %lt3A_2994 = arith.cmpf olt, %add3A_2993, %select_n3A_2986 : vector<256x128xf32>
    %jit3A_2995 = arith.constant 3.100000e+01 : f32
    %broadcast_in_dim3A_2996 = vector.broadcast %jit3A_2995 : f32 to vector<256x128xf32>
    %select_n3A_2997 = arith.select %lt3A_2994, %broadcast_in_dim3A_2996, %select_n3A_2985 : vector<256x128xi1>, vector<256x128xf32>
    %select_n3A_2998 = arith.select %lt3A_2994, %add3A_2993, %select_n3A_2986 : vector<256x128xi1>, vector<256x128xf32>
    %get3A_2999 = arith.constant 4096 : index
    %get3A_3000 = arith.constant 0 : index
    %get3A_3001 = vector.load %arg2[%get3A_2999, %get3A_3000] : memref<8192x256xf32, #tpu.memory_space<vmem>>, vector<1024x256xf32>
    %get3A_3002 = arith.constant 4 : index
    %get3A_3003 = arith.constant 0 : index
    %get3A_3004 = vector.load %arg3[%get3A_3002, %get3A_3003] : memref<8x1024xf32, #tpu.memory_space<vmem>>, vector<1x1024xf32>
    %get3A_3005 = vector.shape_cast %get3A_3004 : vector<1x1024xf32> to vector<1024xf32>
    %dot_general3A_3006 = arith.constant dense<0.000000e+00> : vector<256x1024xf32>
    %dot_general3A_3007 = tpu.matmul %slice3A_2577, %get3A_3001, %dot_general3A_3006 {dimension_numbers = #tpu.dot_dimension_numbers<[0], [1], [1], [0], [0, 1, 1, 0], [], []>, transpose_lhs_hint = false} : vector<256x256xf32>, vector<1024x256xf32>, vector<256x1024xf32> -> vector<256x1024xf32>
    %slice3A_3008 = vector.extract_strided_slice %dot_general3A_3007 {offsets = [0, 0], sizes = [256, 128], strides = [1, 1]} : vector<256x1024xf32> to vector<256x128xf32>
    %slice3A_3009 = vector.extract_strided_slice %get3A_3005 {offsets = [0], sizes = [128], strides = [1]} : vector<1024xf32> to vector<128xf32>
    %broadcast_in_dim3A_3010 = vector.shape_cast %slice3A_3009 : vector<128xf32> to vector<1x128xf32>
    %add3A_3011 = vector.broadcast %reshape3A_2581 : vector<256x1xf32> to vector<256x128xf32>
    %add3A_3012 = vector.broadcast %broadcast_in_dim3A_3010 : vector<1x128xf32> to vector<256x128xf32>
    %add3A_3013 = arith.addf %add3A_3011, %add3A_3012 : vector<256x128xf32>
    %add3A_3014 = arith.addf %add3A_3013, %slice3A_3008 : vector<256x128xf32>
    %lt3A_3015 = arith.cmpf olt, %add3A_3014, %select_n3A_2998 : vector<256x128xf32>
    %jit3A_3016 = arith.constant 3.200000e+01 : f32
    %broadcast_in_dim3A_3017 = vector.broadcast %jit3A_3016 : f32 to vector<256x128xf32>
    %select_n3A_3018 = arith.select %lt3A_3015, %broadcast_in_dim3A_3017, %select_n3A_2997 : vector<256x128xi1>, vector<256x128xf32>
    %select_n3A_3019 = arith.select %lt3A_3015, %add3A_3014, %select_n3A_2998 : vector<256x128xi1>, vector<256x128xf32>
    %slice3A_3020 = vector.extract_strided_slice %dot_general3A_3007 {offsets = [0, 128], sizes = [256, 128], strides = [1, 1]} : vector<256x1024xf32> to vector<256x128xf32>
    %slice3A_3021 = vector.extract_strided_slice %get3A_3005 {offsets = [128], sizes = [128], strides = [1]} : vector<1024xf32> to vector<128xf32>
    %broadcast_in_dim3A_3022 = vector.shape_cast %slice3A_3021 : vector<128xf32> to vector<1x128xf32>
    %add3A_3023 = vector.broadcast %reshape3A_2581 : vector<256x1xf32> to vector<256x128xf32>
    %add3A_3024 = vector.broadcast %broadcast_in_dim3A_3022 : vector<1x128xf32> to vector<256x128xf32>
    %add3A_3025 = arith.addf %add3A_3023, %add3A_3024 : vector<256x128xf32>
    %add3A_3026 = arith.addf %add3A_3025, %slice3A_3020 : vector<256x128xf32>
    %lt3A_3027 = arith.cmpf olt, %add3A_3026, %select_n3A_3019 : vector<256x128xf32>
    %jit3A_3028 = arith.constant 3.300000e+01 : f32
    %broadcast_in_dim3A_3029 = vector.broadcast %jit3A_3028 : f32 to vector<256x128xf32>
    %select_n3A_3030 = arith.select %lt3A_3027, %broadcast_in_dim3A_3029, %select_n3A_3018 : vector<256x128xi1>, vector<256x128xf32>
    %select_n3A_3031 = arith.select %lt3A_3027, %add3A_3026, %select_n3A_3019 : vector<256x128xi1>, vector<256x128xf32>
    %slice3A_3032 = vector.extract_strided_slice %dot_general3A_3007 {offsets = [0, 256], sizes = [256, 128], strides = [1, 1]} : vector<256x1024xf32> to vector<256x128xf32>
    %slice3A_3033 = vector.extract_strided_slice %get3A_3005 {offsets = [256], sizes = [128], strides = [1]} : vector<1024xf32> to vector<128xf32>
    %broadcast_in_dim3A_3034 = vector.shape_cast %slice3A_3033 : vector<128xf32> to vector<1x128xf32>
    %add3A_3035 = vector.broadcast %reshape3A_2581 : vector<256x1xf32> to vector<256x128xf32>
    %add3A_3036 = vector.broadcast %broadcast_in_dim3A_3034 : vector<1x128xf32> to vector<256x128xf32>
    %add3A_3037 = arith.addf %add3A_3035, %add3A_3036 : vector<256x128xf32>
    %add3A_3038 = arith.addf %add3A_3037, %slice3A_3032 : vector<256x128xf32>
    %lt3A_3039 = arith.cmpf olt, %add3A_3038, %select_n3A_3031 : vector<256x128xf32>
    %jit3A_3040 = arith.constant 3.400000e+01 : f32
    %broadcast_in_dim3A_3041 = vector.broadcast %jit3A_3040 : f32 to vector<256x128xf32>
    %select_n3A_3042 = arith.select %lt3A_3039, %broadcast_in_dim3A_3041, %select_n3A_3030 : vector<256x128xi1>, vector<256x128xf32>
    %select_n3A_3043 = arith.select %lt3A_3039, %add3A_3038, %select_n3A_3031 : vector<256x128xi1>, vector<256x128xf32>
    %slice3A_3044 = vector.extract_strided_slice %dot_general3A_3007 {offsets = [0, 384], sizes = [256, 128], strides = [1, 1]} : vector<256x1024xf32> to vector<256x128xf32>
    %slice3A_3045 = vector.extract_strided_slice %get3A_3005 {offsets = [384], sizes = [128], strides = [1]} : vector<1024xf32> to vector<128xf32>
    %broadcast_in_dim3A_3046 = vector.shape_cast %slice3A_3045 : vector<128xf32> to vector<1x128xf32>
    %add3A_3047 = vector.broadcast %reshape3A_2581 : vector<256x1xf32> to vector<256x128xf32>
    %add3A_3048 = vector.broadcast %broadcast_in_dim3A_3046 : vector<1x128xf32> to vector<256x128xf32>
    %add3A_3049 = arith.addf %add3A_3047, %add3A_3048 : vector<256x128xf32>
    %add3A_3050 = arith.addf %add3A_3049, %slice3A_3044 : vector<256x128xf32>
    %lt3A_3051 = arith.cmpf olt, %add3A_3050, %select_n3A_3043 : vector<256x128xf32>
    %jit3A_3052 = arith.constant 3.500000e+01 : f32
    %broadcast_in_dim3A_3053 = vector.broadcast %jit3A_3052 : f32 to vector<256x128xf32>
    %select_n3A_3054 = arith.select %lt3A_3051, %broadcast_in_dim3A_3053, %select_n3A_3042 : vector<256x128xi1>, vector<256x128xf32>
    %select_n3A_3055 = arith.select %lt3A_3051, %add3A_3050, %select_n3A_3043 : vector<256x128xi1>, vector<256x128xf32>
    %slice3A_3056 = vector.extract_strided_slice %dot_general3A_3007 {offsets = [0, 512], sizes = [256, 128], strides = [1, 1]} : vector<256x1024xf32> to vector<256x128xf32>
    %slice3A_3057 = vector.extract_strided_slice %get3A_3005 {offsets = [512], sizes = [128], strides = [1]} : vector<1024xf32> to vector<128xf32>
    %broadcast_in_dim3A_3058 = vector.shape_cast %slice3A_3057 : vector<128xf32> to vector<1x128xf32>
    %add3A_3059 = vector.broadcast %reshape3A_2581 : vector<256x1xf32> to vector<256x128xf32>
    %add3A_3060 = vector.broadcast %broadcast_in_dim3A_3058 : vector<1x128xf32> to vector<256x128xf32>
    %add3A_3061 = arith.addf %add3A_3059, %add3A_3060 : vector<256x128xf32>
    %add3A_3062 = arith.addf %add3A_3061, %slice3A_3056 : vector<256x128xf32>
    %lt3A_3063 = arith.cmpf olt, %add3A_3062, %select_n3A_3055 : vector<256x128xf32>
    %jit3A_3064 = arith.constant 3.600000e+01 : f32
    %broadcast_in_dim3A_3065 = vector.broadcast %jit3A_3064 : f32 to vector<256x128xf32>
    %select_n3A_3066 = arith.select %lt3A_3063, %broadcast_in_dim3A_3065, %select_n3A_3054 : vector<256x128xi1>, vector<256x128xf32>
    %select_n3A_3067 = arith.select %lt3A_3063, %add3A_3062, %select_n3A_3055 : vector<256x128xi1>, vector<256x128xf32>
    %slice3A_3068 = vector.extract_strided_slice %dot_general3A_3007 {offsets = [0, 640], sizes = [256, 128], strides = [1, 1]} : vector<256x1024xf32> to vector<256x128xf32>
    %slice3A_3069 = vector.extract_strided_slice %get3A_3005 {offsets = [640], sizes = [128], strides = [1]} : vector<1024xf32> to vector<128xf32>
    %broadcast_in_dim3A_3070 = vector.shape_cast %slice3A_3069 : vector<128xf32> to vector<1x128xf32>
    %add3A_3071 = vector.broadcast %reshape3A_2581 : vector<256x1xf32> to vector<256x128xf32>
    %add3A_3072 = vector.broadcast %broadcast_in_dim3A_3070 : vector<1x128xf32> to vector<256x128xf32>
    %add3A_3073 = arith.addf %add3A_3071, %add3A_3072 : vector<256x128xf32>
    %add3A_3074 = arith.addf %add3A_3073, %slice3A_3068 : vector<256x128xf32>
    %lt3A_3075 = arith.cmpf olt, %add3A_3074, %select_n3A_3067 : vector<256x128xf32>
    %jit3A_3076 = arith.constant 3.700000e+01 : f32
    %broadcast_in_dim3A_3077 = vector.broadcast %jit3A_3076 : f32 to vector<256x128xf32>
    %select_n3A_3078 = arith.select %lt3A_3075, %broadcast_in_dim3A_3077, %select_n3A_3066 : vector<256x128xi1>, vector<256x128xf32>
    %select_n3A_3079 = arith.select %lt3A_3075, %add3A_3074, %select_n3A_3067 : vector<256x128xi1>, vector<256x128xf32>
    %slice3A_3080 = vector.extract_strided_slice %dot_general3A_3007 {offsets = [0, 768], sizes = [256, 128], strides = [1, 1]} : vector<256x1024xf32> to vector<256x128xf32>
    %slice3A_3081 = vector.extract_strided_slice %get3A_3005 {offsets = [768], sizes = [128], strides = [1]} : vector<1024xf32> to vector<128xf32>
    %broadcast_in_dim3A_3082 = vector.shape_cast %slice3A_3081 : vector<128xf32> to vector<1x128xf32>
    %add3A_3083 = vector.broadcast %reshape3A_2581 : vector<256x1xf32> to vector<256x128xf32>
    %add3A_3084 = vector.broadcast %broadcast_in_dim3A_3082 : vector<1x128xf32> to vector<256x128xf32>
    %add3A_3085 = arith.addf %add3A_3083, %add3A_3084 : vector<256x128xf32>
    %add3A_3086 = arith.addf %add3A_3085, %slice3A_3080 : vector<256x128xf32>
    %lt3A_3087 = arith.cmpf olt, %add3A_3086, %select_n3A_3079 : vector<256x128xf32>
    %jit3A_3088 = arith.constant 3.800000e+01 : f32
    %broadcast_in_dim3A_3089 = vector.broadcast %jit3A_3088 : f32 to vector<256x128xf32>
    %select_n3A_3090 = arith.select %lt3A_3087, %broadcast_in_dim3A_3089, %select_n3A_3078 : vector<256x128xi1>, vector<256x128xf32>
    %select_n3A_3091 = arith.select %lt3A_3087, %add3A_3086, %select_n3A_3079 : vector<256x128xi1>, vector<256x128xf32>
    %slice3A_3092 = vector.extract_strided_slice %dot_general3A_3007 {offsets = [0, 896], sizes = [256, 128], strides = [1, 1]} : vector<256x1024xf32> to vector<256x128xf32>
    %slice3A_3093 = vector.extract_strided_slice %get3A_3005 {offsets = [896], sizes = [128], strides = [1]} : vector<1024xf32> to vector<128xf32>
    %broadcast_in_dim3A_3094 = vector.shape_cast %slice3A_3093 : vector<128xf32> to vector<1x128xf32>
    %add3A_3095 = vector.broadcast %reshape3A_2581 : vector<256x1xf32> to vector<256x128xf32>
    %add3A_3096 = vector.broadcast %broadcast_in_dim3A_3094 : vector<1x128xf32> to vector<256x128xf32>
    %add3A_3097 = arith.addf %add3A_3095, %add3A_3096 : vector<256x128xf32>
    %add3A_3098 = arith.addf %add3A_3097, %slice3A_3092 : vector<256x128xf32>
    %lt3A_3099 = arith.cmpf olt, %add3A_3098, %select_n3A_3091 : vector<256x128xf32>
    %jit3A_3100 = arith.constant 3.900000e+01 : f32
    %broadcast_in_dim3A_3101 = vector.broadcast %jit3A_3100 : f32 to vector<256x128xf32>
    %select_n3A_3102 = arith.select %lt3A_3099, %broadcast_in_dim3A_3101, %select_n3A_3090 : vector<256x128xi1>, vector<256x128xf32>
    %select_n3A_3103 = arith.select %lt3A_3099, %add3A_3098, %select_n3A_3091 : vector<256x128xi1>, vector<256x128xf32>
    %get3A_3104 = arith.constant 5120 : index
    %get3A_3105 = arith.constant 0 : index
    %get3A_3106 = vector.load %arg2[%get3A_3104, %get3A_3105] : memref<8192x256xf32, #tpu.memory_space<vmem>>, vector<1024x256xf32>
    %get3A_3107 = arith.constant 5 : index
    %get3A_3108 = arith.constant 0 : index
    %get3A_3109 = vector.load %arg3[%get3A_3107, %get3A_3108] : memref<8x1024xf32, #tpu.memory_space<vmem>>, vector<1x1024xf32>
    %get3A_3110 = vector.shape_cast %get3A_3109 : vector<1x1024xf32> to vector<1024xf32>
    %dot_general3A_3111 = arith.constant dense<0.000000e+00> : vector<256x1024xf32>
    %dot_general3A_3112 = tpu.matmul %slice3A_2577, %get3A_3106, %dot_general3A_3111 {dimension_numbers = #tpu.dot_dimension_numbers<[0], [1], [1], [0], [0, 1, 1, 0], [], []>, transpose_lhs_hint = false} : vector<256x256xf32>, vector<1024x256xf32>, vector<256x1024xf32> -> vector<256x1024xf32>
    %slice3A_3113 = vector.extract_strided_slice %dot_general3A_3112 {offsets = [0, 0], sizes = [256, 128], strides = [1, 1]} : vector<256x1024xf32> to vector<256x128xf32>
    %slice3A_3114 = vector.extract_strided_slice %get3A_3110 {offsets = [0], sizes = [128], strides = [1]} : vector<1024xf32> to vector<128xf32>
    %broadcast_in_dim3A_3115 = vector.shape_cast %slice3A_3114 : vector<128xf32> to vector<1x128xf32>
    %add3A_3116 = vector.broadcast %reshape3A_2581 : vector<256x1xf32> to vector<256x128xf32>
    %add3A_3117 = vector.broadcast %broadcast_in_dim3A_3115 : vector<1x128xf32> to vector<256x128xf32>
    %add3A_3118 = arith.addf %add3A_3116, %add3A_3117 : vector<256x128xf32>
    %add3A_3119 = arith.addf %add3A_3118, %slice3A_3113 : vector<256x128xf32>
    %lt3A_3120 = arith.cmpf olt, %add3A_3119, %select_n3A_3103 : vector<256x128xf32>
    %jit3A_3121 = arith.constant 4.000000e+01 : f32
    %broadcast_in_dim3A_3122 = vector.broadcast %jit3A_3121 : f32 to vector<256x128xf32>
    %select_n3A_3123 = arith.select %lt3A_3120, %broadcast_in_dim3A_3122, %select_n3A_3102 : vector<256x128xi1>, vector<256x128xf32>
    %select_n3A_3124 = arith.select %lt3A_3120, %add3A_3119, %select_n3A_3103 : vector<256x128xi1>, vector<256x128xf32>
    %slice3A_3125 = vector.extract_strided_slice %dot_general3A_3112 {offsets = [0, 128], sizes = [256, 128], strides = [1, 1]} : vector<256x1024xf32> to vector<256x128xf32>
    %slice3A_3126 = vector.extract_strided_slice %get3A_3110 {offsets = [128], sizes = [128], strides = [1]} : vector<1024xf32> to vector<128xf32>
    %broadcast_in_dim3A_3127 = vector.shape_cast %slice3A_3126 : vector<128xf32> to vector<1x128xf32>
    %add3A_3128 = vector.broadcast %reshape3A_2581 : vector<256x1xf32> to vector<256x128xf32>
    %add3A_3129 = vector.broadcast %broadcast_in_dim3A_3127 : vector<1x128xf32> to vector<256x128xf32>
    %add3A_3130 = arith.addf %add3A_3128, %add3A_3129 : vector<256x128xf32>
    %add3A_3131 = arith.addf %add3A_3130, %slice3A_3125 : vector<256x128xf32>
    %lt3A_3132 = arith.cmpf olt, %add3A_3131, %select_n3A_3124 : vector<256x128xf32>
    %jit3A_3133 = arith.constant 4.100000e+01 : f32
    %broadcast_in_dim3A_3134 = vector.broadcast %jit3A_3133 : f32 to vector<256x128xf32>
    %select_n3A_3135 = arith.select %lt3A_3132, %broadcast_in_dim3A_3134, %select_n3A_3123 : vector<256x128xi1>, vector<256x128xf32>
    %select_n3A_3136 = arith.select %lt3A_3132, %add3A_3131, %select_n3A_3124 : vector<256x128xi1>, vector<256x128xf32>
    %slice3A_3137 = vector.extract_strided_slice %dot_general3A_3112 {offsets = [0, 256], sizes = [256, 128], strides = [1, 1]} : vector<256x1024xf32> to vector<256x128xf32>
    %slice3A_3138 = vector.extract_strided_slice %get3A_3110 {offsets = [256], sizes = [128], strides = [1]} : vector<1024xf32> to vector<128xf32>
    %broadcast_in_dim3A_3139 = vector.shape_cast %slice3A_3138 : vector<128xf32> to vector<1x128xf32>
    %add3A_3140 = vector.broadcast %reshape3A_2581 : vector<256x1xf32> to vector<256x128xf32>
    %add3A_3141 = vector.broadcast %broadcast_in_dim3A_3139 : vector<1x128xf32> to vector<256x128xf32>
    %add3A_3142 = arith.addf %add3A_3140, %add3A_3141 : vector<256x128xf32>
    %add3A_3143 = arith.addf %add3A_3142, %slice3A_3137 : vector<256x128xf32>
    %lt3A_3144 = arith.cmpf olt, %add3A_3143, %select_n3A_3136 : vector<256x128xf32>
    %jit3A_3145 = arith.constant 4.200000e+01 : f32
    %broadcast_in_dim3A_3146 = vector.broadcast %jit3A_3145 : f32 to vector<256x128xf32>
    %select_n3A_3147 = arith.select %lt3A_3144, %broadcast_in_dim3A_3146, %select_n3A_3135 : vector<256x128xi1>, vector<256x128xf32>
    %select_n3A_3148 = arith.select %lt3A_3144, %add3A_3143, %select_n3A_3136 : vector<256x128xi1>, vector<256x128xf32>
    %slice3A_3149 = vector.extract_strided_slice %dot_general3A_3112 {offsets = [0, 384], sizes = [256, 128], strides = [1, 1]} : vector<256x1024xf32> to vector<256x128xf32>
    %slice3A_3150 = vector.extract_strided_slice %get3A_3110 {offsets = [384], sizes = [128], strides = [1]} : vector<1024xf32> to vector<128xf32>
    %broadcast_in_dim3A_3151 = vector.shape_cast %slice3A_3150 : vector<128xf32> to vector<1x128xf32>
    %add3A_3152 = vector.broadcast %reshape3A_2581 : vector<256x1xf32> to vector<256x128xf32>
    %add3A_3153 = vector.broadcast %broadcast_in_dim3A_3151 : vector<1x128xf32> to vector<256x128xf32>
    %add3A_3154 = arith.addf %add3A_3152, %add3A_3153 : vector<256x128xf32>
    %add3A_3155 = arith.addf %add3A_3154, %slice3A_3149 : vector<256x128xf32>
    %lt3A_3156 = arith.cmpf olt, %add3A_3155, %select_n3A_3148 : vector<256x128xf32>
    %jit3A_3157 = arith.constant 4.300000e+01 : f32
    %broadcast_in_dim3A_3158 = vector.broadcast %jit3A_3157 : f32 to vector<256x128xf32>
    %select_n3A_3159 = arith.select %lt3A_3156, %broadcast_in_dim3A_3158, %select_n3A_3147 : vector<256x128xi1>, vector<256x128xf32>
    %select_n3A_3160 = arith.select %lt3A_3156, %add3A_3155, %select_n3A_3148 : vector<256x128xi1>, vector<256x128xf32>
    %slice3A_3161 = vector.extract_strided_slice %dot_general3A_3112 {offsets = [0, 512], sizes = [256, 128], strides = [1, 1]} : vector<256x1024xf32> to vector<256x128xf32>
    %slice3A_3162 = vector.extract_strided_slice %get3A_3110 {offsets = [512], sizes = [128], strides = [1]} : vector<1024xf32> to vector<128xf32>
    %broadcast_in_dim3A_3163 = vector.shape_cast %slice3A_3162 : vector<128xf32> to vector<1x128xf32>
    %add3A_3164 = vector.broadcast %reshape3A_2581 : vector<256x1xf32> to vector<256x128xf32>
    %add3A_3165 = vector.broadcast %broadcast_in_dim3A_3163 : vector<1x128xf32> to vector<256x128xf32>
    %add3A_3166 = arith.addf %add3A_3164, %add3A_3165 : vector<256x128xf32>
    %add3A_3167 = arith.addf %add3A_3166, %slice3A_3161 : vector<256x128xf32>
    %lt3A_3168 = arith.cmpf olt, %add3A_3167, %select_n3A_3160 : vector<256x128xf32>
    %jit3A_3169 = arith.constant 4.400000e+01 : f32
    %broadcast_in_dim3A_3170 = vector.broadcast %jit3A_3169 : f32 to vector<256x128xf32>
    %select_n3A_3171 = arith.select %lt3A_3168, %broadcast_in_dim3A_3170, %select_n3A_3159 : vector<256x128xi1>, vector<256x128xf32>
    %select_n3A_3172 = arith.select %lt3A_3168, %add3A_3167, %select_n3A_3160 : vector<256x128xi1>, vector<256x128xf32>
    %slice3A_3173 = vector.extract_strided_slice %dot_general3A_3112 {offsets = [0, 640], sizes = [256, 128], strides = [1, 1]} : vector<256x1024xf32> to vector<256x128xf32>
    %slice3A_3174 = vector.extract_strided_slice %get3A_3110 {offsets = [640], sizes = [128], strides = [1]} : vector<1024xf32> to vector<128xf32>
    %broadcast_in_dim3A_3175 = vector.shape_cast %slice3A_3174 : vector<128xf32> to vector<1x128xf32>
    %add3A_3176 = vector.broadcast %reshape3A_2581 : vector<256x1xf32> to vector<256x128xf32>
    %add3A_3177 = vector.broadcast %broadcast_in_dim3A_3175 : vector<1x128xf32> to vector<256x128xf32>
    %add3A_3178 = arith.addf %add3A_3176, %add3A_3177 : vector<256x128xf32>
    %add3A_3179 = arith.addf %add3A_3178, %slice3A_3173 : vector<256x128xf32>
    %lt3A_3180 = arith.cmpf olt, %add3A_3179, %select_n3A_3172 : vector<256x128xf32>
    %jit3A_3181 = arith.constant 4.500000e+01 : f32
    %broadcast_in_dim3A_3182 = vector.broadcast %jit3A_3181 : f32 to vector<256x128xf32>
    %select_n3A_3183 = arith.select %lt3A_3180, %broadcast_in_dim3A_3182, %select_n3A_3171 : vector<256x128xi1>, vector<256x128xf32>
    %select_n3A_3184 = arith.select %lt3A_3180, %add3A_3179, %select_n3A_3172 : vector<256x128xi1>, vector<256x128xf32>
    %slice3A_3185 = vector.extract_strided_slice %dot_general3A_3112 {offsets = [0, 768], sizes = [256, 128], strides = [1, 1]} : vector<256x1024xf32> to vector<256x128xf32>
    %slice3A_3186 = vector.extract_strided_slice %get3A_3110 {offsets = [768], sizes = [128], strides = [1]} : vector<1024xf32> to vector<128xf32>
    %broadcast_in_dim3A_3187 = vector.shape_cast %slice3A_3186 : vector<128xf32> to vector<1x128xf32>
    %add3A_3188 = vector.broadcast %reshape3A_2581 : vector<256x1xf32> to vector<256x128xf32>
    %add3A_3189 = vector.broadcast %broadcast_in_dim3A_3187 : vector<1x128xf32> to vector<256x128xf32>
    %add3A_3190 = arith.addf %add3A_3188, %add3A_3189 : vector<256x128xf32>
    %add3A_3191 = arith.addf %add3A_3190, %slice3A_3185 : vector<256x128xf32>
    %lt3A_3192 = arith.cmpf olt, %add3A_3191, %select_n3A_3184 : vector<256x128xf32>
    %jit3A_3193 = arith.constant 4.600000e+01 : f32
    %broadcast_in_dim3A_3194 = vector.broadcast %jit3A_3193 : f32 to vector<256x128xf32>
    %select_n3A_3195 = arith.select %lt3A_3192, %broadcast_in_dim3A_3194, %select_n3A_3183 : vector<256x128xi1>, vector<256x128xf32>
    %select_n3A_3196 = arith.select %lt3A_3192, %add3A_3191, %select_n3A_3184 : vector<256x128xi1>, vector<256x128xf32>
    %slice3A_3197 = vector.extract_strided_slice %dot_general3A_3112 {offsets = [0, 896], sizes = [256, 128], strides = [1, 1]} : vector<256x1024xf32> to vector<256x128xf32>
    %slice3A_3198 = vector.extract_strided_slice %get3A_3110 {offsets = [896], sizes = [128], strides = [1]} : vector<1024xf32> to vector<128xf32>
    %broadcast_in_dim3A_3199 = vector.shape_cast %slice3A_3198 : vector<128xf32> to vector<1x128xf32>
    %add3A_3200 = vector.broadcast %reshape3A_2581 : vector<256x1xf32> to vector<256x128xf32>
    %add3A_3201 = vector.broadcast %broadcast_in_dim3A_3199 : vector<1x128xf32> to vector<256x128xf32>
    %add3A_3202 = arith.addf %add3A_3200, %add3A_3201 : vector<256x128xf32>
    %add3A_3203 = arith.addf %add3A_3202, %slice3A_3197 : vector<256x128xf32>
    %lt3A_3204 = arith.cmpf olt, %add3A_3203, %select_n3A_3196 : vector<256x128xf32>
    %jit3A_3205 = arith.constant 4.700000e+01 : f32
    %broadcast_in_dim3A_3206 = vector.broadcast %jit3A_3205 : f32 to vector<256x128xf32>
    %select_n3A_3207 = arith.select %lt3A_3204, %broadcast_in_dim3A_3206, %select_n3A_3195 : vector<256x128xi1>, vector<256x128xf32>
    %select_n3A_3208 = arith.select %lt3A_3204, %add3A_3203, %select_n3A_3196 : vector<256x128xi1>, vector<256x128xf32>
    %get3A_3209 = arith.constant 6144 : index
    %get3A_3210 = arith.constant 0 : index
    %get3A_3211 = vector.load %arg2[%get3A_3209, %get3A_3210] : memref<8192x256xf32, #tpu.memory_space<vmem>>, vector<1024x256xf32>
    %get3A_3212 = arith.constant 6 : index
    %get3A_3213 = arith.constant 0 : index
    %get3A_3214 = vector.load %arg3[%get3A_3212, %get3A_3213] : memref<8x1024xf32, #tpu.memory_space<vmem>>, vector<1x1024xf32>
    %get3A_3215 = vector.shape_cast %get3A_3214 : vector<1x1024xf32> to vector<1024xf32>
    %dot_general3A_3216 = arith.constant dense<0.000000e+00> : vector<256x1024xf32>
    %dot_general3A_3217 = tpu.matmul %slice3A_2577, %get3A_3211, %dot_general3A_3216 {dimension_numbers = #tpu.dot_dimension_numbers<[0], [1], [1], [0], [0, 1, 1, 0], [], []>, transpose_lhs_hint = false} : vector<256x256xf32>, vector<1024x256xf32>, vector<256x1024xf32> -> vector<256x1024xf32>
    %slice3A_3218 = vector.extract_strided_slice %dot_general3A_3217 {offsets = [0, 0], sizes = [256, 128], strides = [1, 1]} : vector<256x1024xf32> to vector<256x128xf32>
    %slice3A_3219 = vector.extract_strided_slice %get3A_3215 {offsets = [0], sizes = [128], strides = [1]} : vector<1024xf32> to vector<128xf32>
    %broadcast_in_dim3A_3220 = vector.shape_cast %slice3A_3219 : vector<128xf32> to vector<1x128xf32>
    %add3A_3221 = vector.broadcast %reshape3A_2581 : vector<256x1xf32> to vector<256x128xf32>
    %add3A_3222 = vector.broadcast %broadcast_in_dim3A_3220 : vector<1x128xf32> to vector<256x128xf32>
    %add3A_3223 = arith.addf %add3A_3221, %add3A_3222 : vector<256x128xf32>
    %add3A_3224 = arith.addf %add3A_3223, %slice3A_3218 : vector<256x128xf32>
    %lt3A_3225 = arith.cmpf olt, %add3A_3224, %select_n3A_3208 : vector<256x128xf32>
    %jit3A_3226 = arith.constant 4.800000e+01 : f32
    %broadcast_in_dim3A_3227 = vector.broadcast %jit3A_3226 : f32 to vector<256x128xf32>
    %select_n3A_3228 = arith.select %lt3A_3225, %broadcast_in_dim3A_3227, %select_n3A_3207 : vector<256x128xi1>, vector<256x128xf32>
    %select_n3A_3229 = arith.select %lt3A_3225, %add3A_3224, %select_n3A_3208 : vector<256x128xi1>, vector<256x128xf32>
    %slice3A_3230 = vector.extract_strided_slice %dot_general3A_3217 {offsets = [0, 128], sizes = [256, 128], strides = [1, 1]} : vector<256x1024xf32> to vector<256x128xf32>
    %slice3A_3231 = vector.extract_strided_slice %get3A_3215 {offsets = [128], sizes = [128], strides = [1]} : vector<1024xf32> to vector<128xf32>
    %broadcast_in_dim3A_3232 = vector.shape_cast %slice3A_3231 : vector<128xf32> to vector<1x128xf32>
    %add3A_3233 = vector.broadcast %reshape3A_2581 : vector<256x1xf32> to vector<256x128xf32>
    %add3A_3234 = vector.broadcast %broadcast_in_dim3A_3232 : vector<1x128xf32> to vector<256x128xf32>
    %add3A_3235 = arith.addf %add3A_3233, %add3A_3234 : vector<256x128xf32>
    %add3A_3236 = arith.addf %add3A_3235, %slice3A_3230 : vector<256x128xf32>
    %lt3A_3237 = arith.cmpf olt, %add3A_3236, %select_n3A_3229 : vector<256x128xf32>
    %jit3A_3238 = arith.constant 4.900000e+01 : f32
    %broadcast_in_dim3A_3239 = vector.broadcast %jit3A_3238 : f32 to vector<256x128xf32>
    %select_n3A_3240 = arith.select %lt3A_3237, %broadcast_in_dim3A_3239, %select_n3A_3228 : vector<256x128xi1>, vector<256x128xf32>
    %select_n3A_3241 = arith.select %lt3A_3237, %add3A_3236, %select_n3A_3229 : vector<256x128xi1>, vector<256x128xf32>
    %slice3A_3242 = vector.extract_strided_slice %dot_general3A_3217 {offsets = [0, 256], sizes = [256, 128], strides = [1, 1]} : vector<256x1024xf32> to vector<256x128xf32>
    %slice3A_3243 = vector.extract_strided_slice %get3A_3215 {offsets = [256], sizes = [128], strides = [1]} : vector<1024xf32> to vector<128xf32>
    %broadcast_in_dim3A_3244 = vector.shape_cast %slice3A_3243 : vector<128xf32> to vector<1x128xf32>
    %add3A_3245 = vector.broadcast %reshape3A_2581 : vector<256x1xf32> to vector<256x128xf32>
    %add3A_3246 = vector.broadcast %broadcast_in_dim3A_3244 : vector<1x128xf32> to vector<256x128xf32>
    %add3A_3247 = arith.addf %add3A_3245, %add3A_3246 : vector<256x128xf32>
    %add3A_3248 = arith.addf %add3A_3247, %slice3A_3242 : vector<256x128xf32>
    %lt3A_3249 = arith.cmpf olt, %add3A_3248, %select_n3A_3241 : vector<256x128xf32>
    %jit3A_3250 = arith.constant 5.000000e+01 : f32
    %broadcast_in_dim3A_3251 = vector.broadcast %jit3A_3250 : f32 to vector<256x128xf32>
    %select_n3A_3252 = arith.select %lt3A_3249, %broadcast_in_dim3A_3251, %select_n3A_3240 : vector<256x128xi1>, vector<256x128xf32>
    %select_n3A_3253 = arith.select %lt3A_3249, %add3A_3248, %select_n3A_3241 : vector<256x128xi1>, vector<256x128xf32>
    %slice3A_3254 = vector.extract_strided_slice %dot_general3A_3217 {offsets = [0, 384], sizes = [256, 128], strides = [1, 1]} : vector<256x1024xf32> to vector<256x128xf32>
    %slice3A_3255 = vector.extract_strided_slice %get3A_3215 {offsets = [384], sizes = [128], strides = [1]} : vector<1024xf32> to vector<128xf32>
    %broadcast_in_dim3A_3256 = vector.shape_cast %slice3A_3255 : vector<128xf32> to vector<1x128xf32>
    %add3A_3257 = vector.broadcast %reshape3A_2581 : vector<256x1xf32> to vector<256x128xf32>
    %add3A_3258 = vector.broadcast %broadcast_in_dim3A_3256 : vector<1x128xf32> to vector<256x128xf32>
    %add3A_3259 = arith.addf %add3A_3257, %add3A_3258 : vector<256x128xf32>
    %add3A_3260 = arith.addf %add3A_3259, %slice3A_3254 : vector<256x128xf32>
    %lt3A_3261 = arith.cmpf olt, %add3A_3260, %select_n3A_3253 : vector<256x128xf32>
    %jit3A_3262 = arith.constant 5.100000e+01 : f32
    %broadcast_in_dim3A_3263 = vector.broadcast %jit3A_3262 : f32 to vector<256x128xf32>
    %select_n3A_3264 = arith.select %lt3A_3261, %broadcast_in_dim3A_3263, %select_n3A_3252 : vector<256x128xi1>, vector<256x128xf32>
    %select_n3A_3265 = arith.select %lt3A_3261, %add3A_3260, %select_n3A_3253 : vector<256x128xi1>, vector<256x128xf32>
    %slice3A_3266 = vector.extract_strided_slice %dot_general3A_3217 {offsets = [0, 512], sizes = [256, 128], strides = [1, 1]} : vector<256x1024xf32> to vector<256x128xf32>
    %slice3A_3267 = vector.extract_strided_slice %get3A_3215 {offsets = [512], sizes = [128], strides = [1]} : vector<1024xf32> to vector<128xf32>
    %broadcast_in_dim3A_3268 = vector.shape_cast %slice3A_3267 : vector<128xf32> to vector<1x128xf32>
    %add3A_3269 = vector.broadcast %reshape3A_2581 : vector<256x1xf32> to vector<256x128xf32>
    %add3A_3270 = vector.broadcast %broadcast_in_dim3A_3268 : vector<1x128xf32> to vector<256x128xf32>
    %add3A_3271 = arith.addf %add3A_3269, %add3A_3270 : vector<256x128xf32>
    %add3A_3272 = arith.addf %add3A_3271, %slice3A_3266 : vector<256x128xf32>
    %lt3A_3273 = arith.cmpf olt, %add3A_3272, %select_n3A_3265 : vector<256x128xf32>
    %jit3A_3274 = arith.constant 5.200000e+01 : f32
    %broadcast_in_dim3A_3275 = vector.broadcast %jit3A_3274 : f32 to vector<256x128xf32>
    %select_n3A_3276 = arith.select %lt3A_3273, %broadcast_in_dim3A_3275, %select_n3A_3264 : vector<256x128xi1>, vector<256x128xf32>
    %select_n3A_3277 = arith.select %lt3A_3273, %add3A_3272, %select_n3A_3265 : vector<256x128xi1>, vector<256x128xf32>
    %slice3A_3278 = vector.extract_strided_slice %dot_general3A_3217 {offsets = [0, 640], sizes = [256, 128], strides = [1, 1]} : vector<256x1024xf32> to vector<256x128xf32>
    %slice3A_3279 = vector.extract_strided_slice %get3A_3215 {offsets = [640], sizes = [128], strides = [1]} : vector<1024xf32> to vector<128xf32>
    %broadcast_in_dim3A_3280 = vector.shape_cast %slice3A_3279 : vector<128xf32> to vector<1x128xf32>
    %add3A_3281 = vector.broadcast %reshape3A_2581 : vector<256x1xf32> to vector<256x128xf32>
    %add3A_3282 = vector.broadcast %broadcast_in_dim3A_3280 : vector<1x128xf32> to vector<256x128xf32>
    %add3A_3283 = arith.addf %add3A_3281, %add3A_3282 : vector<256x128xf32>
    %add3A_3284 = arith.addf %add3A_3283, %slice3A_3278 : vector<256x128xf32>
    %lt3A_3285 = arith.cmpf olt, %add3A_3284, %select_n3A_3277 : vector<256x128xf32>
    %jit3A_3286 = arith.constant 5.300000e+01 : f32
    %broadcast_in_dim3A_3287 = vector.broadcast %jit3A_3286 : f32 to vector<256x128xf32>
    %select_n3A_3288 = arith.select %lt3A_3285, %broadcast_in_dim3A_3287, %select_n3A_3276 : vector<256x128xi1>, vector<256x128xf32>
    %select_n3A_3289 = arith.select %lt3A_3285, %add3A_3284, %select_n3A_3277 : vector<256x128xi1>, vector<256x128xf32>
    %slice3A_3290 = vector.extract_strided_slice %dot_general3A_3217 {offsets = [0, 768], sizes = [256, 128], strides = [1, 1]} : vector<256x1024xf32> to vector<256x128xf32>
    %slice3A_3291 = vector.extract_strided_slice %get3A_3215 {offsets = [768], sizes = [128], strides = [1]} : vector<1024xf32> to vector<128xf32>
    %broadcast_in_dim3A_3292 = vector.shape_cast %slice3A_3291 : vector<128xf32> to vector<1x128xf32>
    %add3A_3293 = vector.broadcast %reshape3A_2581 : vector<256x1xf32> to vector<256x128xf32>
    %add3A_3294 = vector.broadcast %broadcast_in_dim3A_3292 : vector<1x128xf32> to vector<256x128xf32>
    %add3A_3295 = arith.addf %add3A_3293, %add3A_3294 : vector<256x128xf32>
    %add3A_3296 = arith.addf %add3A_3295, %slice3A_3290 : vector<256x128xf32>
    %lt3A_3297 = arith.cmpf olt, %add3A_3296, %select_n3A_3289 : vector<256x128xf32>
    %jit3A_3298 = arith.constant 5.400000e+01 : f32
    %broadcast_in_dim3A_3299 = vector.broadcast %jit3A_3298 : f32 to vector<256x128xf32>
    %select_n3A_3300 = arith.select %lt3A_3297, %broadcast_in_dim3A_3299, %select_n3A_3288 : vector<256x128xi1>, vector<256x128xf32>
    %select_n3A_3301 = arith.select %lt3A_3297, %add3A_3296, %select_n3A_3289 : vector<256x128xi1>, vector<256x128xf32>
    %slice3A_3302 = vector.extract_strided_slice %dot_general3A_3217 {offsets = [0, 896], sizes = [256, 128], strides = [1, 1]} : vector<256x1024xf32> to vector<256x128xf32>
    %slice3A_3303 = vector.extract_strided_slice %get3A_3215 {offsets = [896], sizes = [128], strides = [1]} : vector<1024xf32> to vector<128xf32>
    %broadcast_in_dim3A_3304 = vector.shape_cast %slice3A_3303 : vector<128xf32> to vector<1x128xf32>
    %add3A_3305 = vector.broadcast %reshape3A_2581 : vector<256x1xf32> to vector<256x128xf32>
    %add3A_3306 = vector.broadcast %broadcast_in_dim3A_3304 : vector<1x128xf32> to vector<256x128xf32>
    %add3A_3307 = arith.addf %add3A_3305, %add3A_3306 : vector<256x128xf32>
    %add3A_3308 = arith.addf %add3A_3307, %slice3A_3302 : vector<256x128xf32>
    %lt3A_3309 = arith.cmpf olt, %add3A_3308, %select_n3A_3301 : vector<256x128xf32>
    %jit3A_3310 = arith.constant 5.500000e+01 : f32
    %broadcast_in_dim3A_3311 = vector.broadcast %jit3A_3310 : f32 to vector<256x128xf32>
    %select_n3A_3312 = arith.select %lt3A_3309, %broadcast_in_dim3A_3311, %select_n3A_3300 : vector<256x128xi1>, vector<256x128xf32>
    %select_n3A_3313 = arith.select %lt3A_3309, %add3A_3308, %select_n3A_3301 : vector<256x128xi1>, vector<256x128xf32>
    %get3A_3314 = arith.constant 7168 : index
    %get3A_3315 = arith.constant 0 : index
    %get3A_3316 = vector.load %arg2[%get3A_3314, %get3A_3315] : memref<8192x256xf32, #tpu.memory_space<vmem>>, vector<1024x256xf32>
    %get3A_3317 = arith.constant 7 : index
    %get3A_3318 = arith.constant 0 : index
    %get3A_3319 = vector.load %arg3[%get3A_3317, %get3A_3318] : memref<8x1024xf32, #tpu.memory_space<vmem>>, vector<1x1024xf32>
    %get3A_3320 = vector.shape_cast %get3A_3319 : vector<1x1024xf32> to vector<1024xf32>
    %dot_general3A_3321 = arith.constant dense<0.000000e+00> : vector<256x1024xf32>
    %dot_general3A_3322 = tpu.matmul %slice3A_2577, %get3A_3316, %dot_general3A_3321 {dimension_numbers = #tpu.dot_dimension_numbers<[0], [1], [1], [0], [0, 1, 1, 0], [], []>, transpose_lhs_hint = false} : vector<256x256xf32>, vector<1024x256xf32>, vector<256x1024xf32> -> vector<256x1024xf32>
    %slice3A_3323 = vector.extract_strided_slice %dot_general3A_3322 {offsets = [0, 0], sizes = [256, 128], strides = [1, 1]} : vector<256x1024xf32> to vector<256x128xf32>
    %slice3A_3324 = vector.extract_strided_slice %get3A_3320 {offsets = [0], sizes = [128], strides = [1]} : vector<1024xf32> to vector<128xf32>
    %broadcast_in_dim3A_3325 = vector.shape_cast %slice3A_3324 : vector<128xf32> to vector<1x128xf32>
    %add3A_3326 = vector.broadcast %reshape3A_2581 : vector<256x1xf32> to vector<256x128xf32>
    %add3A_3327 = vector.broadcast %broadcast_in_dim3A_3325 : vector<1x128xf32> to vector<256x128xf32>
    %add3A_3328 = arith.addf %add3A_3326, %add3A_3327 : vector<256x128xf32>
    %add3A_3329 = arith.addf %add3A_3328, %slice3A_3323 : vector<256x128xf32>
    %lt3A_3330 = arith.cmpf olt, %add3A_3329, %select_n3A_3313 : vector<256x128xf32>
    %jit3A_3331 = arith.constant 5.600000e+01 : f32
    %broadcast_in_dim3A_3332 = vector.broadcast %jit3A_3331 : f32 to vector<256x128xf32>
    %select_n3A_3333 = arith.select %lt3A_3330, %broadcast_in_dim3A_3332, %select_n3A_3312 : vector<256x128xi1>, vector<256x128xf32>
    %select_n3A_3334 = arith.select %lt3A_3330, %add3A_3329, %select_n3A_3313 : vector<256x128xi1>, vector<256x128xf32>
    %slice3A_3335 = vector.extract_strided_slice %dot_general3A_3322 {offsets = [0, 128], sizes = [256, 128], strides = [1, 1]} : vector<256x1024xf32> to vector<256x128xf32>
    %slice3A_3336 = vector.extract_strided_slice %get3A_3320 {offsets = [128], sizes = [128], strides = [1]} : vector<1024xf32> to vector<128xf32>
    %broadcast_in_dim3A_3337 = vector.shape_cast %slice3A_3336 : vector<128xf32> to vector<1x128xf32>
    %add3A_3338 = vector.broadcast %reshape3A_2581 : vector<256x1xf32> to vector<256x128xf32>
    %add3A_3339 = vector.broadcast %broadcast_in_dim3A_3337 : vector<1x128xf32> to vector<256x128xf32>
    %add3A_3340 = arith.addf %add3A_3338, %add3A_3339 : vector<256x128xf32>
    %add3A_3341 = arith.addf %add3A_3340, %slice3A_3335 : vector<256x128xf32>
    %lt3A_3342 = arith.cmpf olt, %add3A_3341, %select_n3A_3334 : vector<256x128xf32>
    %jit3A_3343 = arith.constant 5.700000e+01 : f32
    %broadcast_in_dim3A_3344 = vector.broadcast %jit3A_3343 : f32 to vector<256x128xf32>
    %select_n3A_3345 = arith.select %lt3A_3342, %broadcast_in_dim3A_3344, %select_n3A_3333 : vector<256x128xi1>, vector<256x128xf32>
    %select_n3A_3346 = arith.select %lt3A_3342, %add3A_3341, %select_n3A_3334 : vector<256x128xi1>, vector<256x128xf32>
    %slice3A_3347 = vector.extract_strided_slice %dot_general3A_3322 {offsets = [0, 256], sizes = [256, 128], strides = [1, 1]} : vector<256x1024xf32> to vector<256x128xf32>
    %slice3A_3348 = vector.extract_strided_slice %get3A_3320 {offsets = [256], sizes = [128], strides = [1]} : vector<1024xf32> to vector<128xf32>
    %broadcast_in_dim3A_3349 = vector.shape_cast %slice3A_3348 : vector<128xf32> to vector<1x128xf32>
    %add3A_3350 = vector.broadcast %reshape3A_2581 : vector<256x1xf32> to vector<256x128xf32>
    %add3A_3351 = vector.broadcast %broadcast_in_dim3A_3349 : vector<1x128xf32> to vector<256x128xf32>
    %add3A_3352 = arith.addf %add3A_3350, %add3A_3351 : vector<256x128xf32>
    %add3A_3353 = arith.addf %add3A_3352, %slice3A_3347 : vector<256x128xf32>
    %lt3A_3354 = arith.cmpf olt, %add3A_3353, %select_n3A_3346 : vector<256x128xf32>
    %jit3A_3355 = arith.constant 5.800000e+01 : f32
    %broadcast_in_dim3A_3356 = vector.broadcast %jit3A_3355 : f32 to vector<256x128xf32>
    %select_n3A_3357 = arith.select %lt3A_3354, %broadcast_in_dim3A_3356, %select_n3A_3345 : vector<256x128xi1>, vector<256x128xf32>
    %select_n3A_3358 = arith.select %lt3A_3354, %add3A_3353, %select_n3A_3346 : vector<256x128xi1>, vector<256x128xf32>
    %slice3A_3359 = vector.extract_strided_slice %dot_general3A_3322 {offsets = [0, 384], sizes = [256, 128], strides = [1, 1]} : vector<256x1024xf32> to vector<256x128xf32>
    %slice3A_3360 = vector.extract_strided_slice %get3A_3320 {offsets = [384], sizes = [128], strides = [1]} : vector<1024xf32> to vector<128xf32>
    %broadcast_in_dim3A_3361 = vector.shape_cast %slice3A_3360 : vector<128xf32> to vector<1x128xf32>
    %add3A_3362 = vector.broadcast %reshape3A_2581 : vector<256x1xf32> to vector<256x128xf32>
    %add3A_3363 = vector.broadcast %broadcast_in_dim3A_3361 : vector<1x128xf32> to vector<256x128xf32>
    %add3A_3364 = arith.addf %add3A_3362, %add3A_3363 : vector<256x128xf32>
    %add3A_3365 = arith.addf %add3A_3364, %slice3A_3359 : vector<256x128xf32>
    %lt3A_3366 = arith.cmpf olt, %add3A_3365, %select_n3A_3358 : vector<256x128xf32>
    %jit3A_3367 = arith.constant 5.900000e+01 : f32
    %broadcast_in_dim3A_3368 = vector.broadcast %jit3A_3367 : f32 to vector<256x128xf32>
    %select_n3A_3369 = arith.select %lt3A_3366, %broadcast_in_dim3A_3368, %select_n3A_3357 : vector<256x128xi1>, vector<256x128xf32>
    %select_n3A_3370 = arith.select %lt3A_3366, %add3A_3365, %select_n3A_3358 : vector<256x128xi1>, vector<256x128xf32>
    %slice3A_3371 = vector.extract_strided_slice %dot_general3A_3322 {offsets = [0, 512], sizes = [256, 128], strides = [1, 1]} : vector<256x1024xf32> to vector<256x128xf32>
    %slice3A_3372 = vector.extract_strided_slice %get3A_3320 {offsets = [512], sizes = [128], strides = [1]} : vector<1024xf32> to vector<128xf32>
    %broadcast_in_dim3A_3373 = vector.shape_cast %slice3A_3372 : vector<128xf32> to vector<1x128xf32>
    %add3A_3374 = vector.broadcast %reshape3A_2581 : vector<256x1xf32> to vector<256x128xf32>
    %add3A_3375 = vector.broadcast %broadcast_in_dim3A_3373 : vector<1x128xf32> to vector<256x128xf32>
    %add3A_3376 = arith.addf %add3A_3374, %add3A_3375 : vector<256x128xf32>
    %add3A_3377 = arith.addf %add3A_3376, %slice3A_3371 : vector<256x128xf32>
    %lt3A_3378 = arith.cmpf olt, %add3A_3377, %select_n3A_3370 : vector<256x128xf32>
    %jit3A_3379 = arith.constant 6.000000e+01 : f32
    %broadcast_in_dim3A_3380 = vector.broadcast %jit3A_3379 : f32 to vector<256x128xf32>
    %select_n3A_3381 = arith.select %lt3A_3378, %broadcast_in_dim3A_3380, %select_n3A_3369 : vector<256x128xi1>, vector<256x128xf32>
    %select_n3A_3382 = arith.select %lt3A_3378, %add3A_3377, %select_n3A_3370 : vector<256x128xi1>, vector<256x128xf32>
    %slice3A_3383 = vector.extract_strided_slice %dot_general3A_3322 {offsets = [0, 640], sizes = [256, 128], strides = [1, 1]} : vector<256x1024xf32> to vector<256x128xf32>
    %slice3A_3384 = vector.extract_strided_slice %get3A_3320 {offsets = [640], sizes = [128], strides = [1]} : vector<1024xf32> to vector<128xf32>
    %broadcast_in_dim3A_3385 = vector.shape_cast %slice3A_3384 : vector<128xf32> to vector<1x128xf32>
    %add3A_3386 = vector.broadcast %reshape3A_2581 : vector<256x1xf32> to vector<256x128xf32>
    %add3A_3387 = vector.broadcast %broadcast_in_dim3A_3385 : vector<1x128xf32> to vector<256x128xf32>
    %add3A_3388 = arith.addf %add3A_3386, %add3A_3387 : vector<256x128xf32>
    %add3A_3389 = arith.addf %add3A_3388, %slice3A_3383 : vector<256x128xf32>
    %lt3A_3390 = arith.cmpf olt, %add3A_3389, %select_n3A_3382 : vector<256x128xf32>
    %jit3A_3391 = arith.constant 6.100000e+01 : f32
    %broadcast_in_dim3A_3392 = vector.broadcast %jit3A_3391 : f32 to vector<256x128xf32>
    %select_n3A_3393 = arith.select %lt3A_3390, %broadcast_in_dim3A_3392, %select_n3A_3381 : vector<256x128xi1>, vector<256x128xf32>
    %select_n3A_3394 = arith.select %lt3A_3390, %add3A_3389, %select_n3A_3382 : vector<256x128xi1>, vector<256x128xf32>
    %slice3A_3395 = vector.extract_strided_slice %dot_general3A_3322 {offsets = [0, 768], sizes = [256, 128], strides = [1, 1]} : vector<256x1024xf32> to vector<256x128xf32>
    %slice3A_3396 = vector.extract_strided_slice %get3A_3320 {offsets = [768], sizes = [128], strides = [1]} : vector<1024xf32> to vector<128xf32>
    %broadcast_in_dim3A_3397 = vector.shape_cast %slice3A_3396 : vector<128xf32> to vector<1x128xf32>
    %add3A_3398 = vector.broadcast %reshape3A_2581 : vector<256x1xf32> to vector<256x128xf32>
    %add3A_3399 = vector.broadcast %broadcast_in_dim3A_3397 : vector<1x128xf32> to vector<256x128xf32>
    %add3A_3400 = arith.addf %add3A_3398, %add3A_3399 : vector<256x128xf32>
    %add3A_3401 = arith.addf %add3A_3400, %slice3A_3395 : vector<256x128xf32>
    %lt3A_3402 = arith.cmpf olt, %add3A_3401, %select_n3A_3394 : vector<256x128xf32>
    %jit3A_3403 = arith.constant 6.200000e+01 : f32
    %broadcast_in_dim3A_3404 = vector.broadcast %jit3A_3403 : f32 to vector<256x128xf32>
    %select_n3A_3405 = arith.select %lt3A_3402, %broadcast_in_dim3A_3404, %select_n3A_3393 : vector<256x128xi1>, vector<256x128xf32>
    %select_n3A_3406 = arith.select %lt3A_3402, %add3A_3401, %select_n3A_3394 : vector<256x128xi1>, vector<256x128xf32>
    %slice3A_3407 = vector.extract_strided_slice %dot_general3A_3322 {offsets = [0, 896], sizes = [256, 128], strides = [1, 1]} : vector<256x1024xf32> to vector<256x128xf32>
    %slice3A_3408 = vector.extract_strided_slice %get3A_3320 {offsets = [896], sizes = [128], strides = [1]} : vector<1024xf32> to vector<128xf32>
    %broadcast_in_dim3A_3409 = vector.shape_cast %slice3A_3408 : vector<128xf32> to vector<1x128xf32>
    %add3A_3410 = vector.broadcast %reshape3A_2581 : vector<256x1xf32> to vector<256x128xf32>
    %add3A_3411 = vector.broadcast %broadcast_in_dim3A_3409 : vector<1x128xf32> to vector<256x128xf32>
    %add3A_3412 = arith.addf %add3A_3410, %add3A_3411 : vector<256x128xf32>
    %add3A_3413 = arith.addf %add3A_3412, %slice3A_3407 : vector<256x128xf32>
    %lt3A_3414 = arith.cmpf olt, %add3A_3413, %select_n3A_3406 : vector<256x128xf32>
    %jit3A_3415 = arith.constant 6.300000e+01 : f32
    %broadcast_in_dim3A_3416 = vector.broadcast %jit3A_3415 : f32 to vector<256x128xf32>
    %select_n3A_3417 = arith.select %lt3A_3414, %broadcast_in_dim3A_3416, %select_n3A_3405 : vector<256x128xi1>, vector<256x128xf32>
    %select_n3A_3418 = arith.select %lt3A_3414, %add3A_3413, %select_n3A_3406 : vector<256x128xi1>, vector<256x128xf32>
    %mul3A_3419 = arith.constant 1.280000e+02 : f32
    %mul3A_3420 = vector.broadcast %mul3A_3419 : f32 to vector<256x128xf32>
    %mul3A_3421 = arith.mulf %select_n3A_3417, %mul3A_3420 : vector<256x128xf32>
    %add3A_3422 = arith.addf %mul3A_3421, %convert_element_type3A : vector<256x128xf32>
    %reduce_min3A_3423 = arith.constant dense<0x7F800000> : vector<256xf32>
    %reduce_min3A_3424 = vector.multi_reduction <minimumf>, %select_n3A_3418, %reduce_min3A_3423 [1] : vector<256x128xf32> to vector<256xf32>
    %broadcast_in_dim3A_3425 = vector.shape_cast %reduce_min3A_3424 : vector<256xf32> to vector<256x1xf32>
    %eq3A_3426 = vector.broadcast %broadcast_in_dim3A_3425 : vector<256x1xf32> to vector<256x128xf32>
    %eq3A_3427 = arith.cmpf oeq, %select_n3A_3418, %eq3A_3426 : vector<256x128xf32>
    %jit3A_3428 = arith.constant 8.192000e+03 : f32
    %broadcast_in_dim3A_3429 = vector.broadcast %jit3A_3428 : f32 to vector<256x128xf32>
    %select_n3A_3430 = arith.select %eq3A_3427, %add3A_3422, %broadcast_in_dim3A_3429 : vector<256x128xi1>, vector<256x128xf32>
    %reduce_min3A_3431 = arith.constant dense<0x7F800000> : vector<256xf32>
    %reduce_min3A_3432 = vector.multi_reduction <minimumf>, %select_n3A_3430, %reduce_min3A_3431 [1] : vector<256x128xf32> to vector<256xf32>
    %reduce_sum3A_3433 = vector.shape_cast %reduce_min3A_3424 : vector<256xf32> to vector<1x256xf32>
    %reduce_sum3A_3434 = arith.constant dense<0.000000e+00> : vector<1xf32>
    %reduce_sum3A_3435 = vector.multi_reduction <add>, %reduce_sum3A_3433, %reduce_sum3A_3434 [1] : vector<1x256xf32> to vector<1xf32>
    %reduce_sum3A_3436 = vector.shape_cast %reduce_sum3A_3435 : vector<1xf32> to vector<1x1xf32>
    %reduce_sum3A_3437 = vector.extract %reduce_sum3A_3436[0, 0] : f32 from vector<1x1xf32>
    %add3A_3438 = arith.addf %add3A_2576, %reduce_sum3A_3437 : f32
    %concatenate3A = tpu.concatenate %reduce_min3A_847, %reduce_min3A_1708, %reduce_min3A_2570, %reduce_min3A_3432 in 0 : vector<256xf32>, vector<256xf32>, vector<256xf32>, vector<256xf32> -> vector<1024xf32>
    %convert_element_type3A_3439 = arith.fptosi %concatenate3A : vector<1024xf32> to vector<1024xi32>
    %swap3A = arith.constant 0 : index
    %swap3A_3440 = vector.load %arg4[%swap3A] : memref<1024xi32, #tpu.memory_space<vmem>>, vector<1024xi32>
    tpu.vector_store %arg4[%swap3A], %convert_element_type3A_3439 {strides = array<i32>} : memref<1024xi32, #tpu.memory_space<vmem>>, vector<1024xi32>,
    %eq3A_3441 = arith.constant 0 : i32
    %eq3A_3442 = arith.cmpi eq, %arg0, %eq3A_3441 : i32
    %convert_element_type3A_3443 = arith.extui %eq3A_3442 : i1 to i32
    %cond3A = arith.constant 0 : i32
    %cond3A_3444 = arith.cmpi ne, %convert_element_type3A_3443, %cond3A : i32
    scf.if %cond3A_3444 {
      %swap3A_3454 = arith.constant 0 : index
      %swap3A_3455 = memref.load %arg8[%swap3A_3454] : memref<1xf32, #tpu.memory_space<smem>>
      memref.store %add3A_3438, %arg8[%swap3A_3454] : memref<1xf32, #tpu.memory_space<smem>>
    } else {
    }
    %gt3A = arith.constant 0 : i32
    %gt3A_3445 = arith.cmpi sgt, %arg0, %gt3A : i32
    %convert_element_type3A_3446 = arith.extui %gt3A_3445 : i1 to i32
    %cond3A_3447 = arith.constant 0 : i32
    %cond3A_3448 = arith.cmpi ne, %convert_element_type3A_3446, %cond3A_3447 : i32
    scf.if %cond3A_3448 {
      %get3A_3454 = arith.constant 0 : index
      %get3A_3455 = memref.load %arg8[%get3A_3454] : memref<1xf32, #tpu.memory_space<smem>>
      %add3A_3456 = arith.addf %get3A_3455, %add3A_3438 : f32
      %swap3A_3457 = arith.constant 0 : index
      %swap3A_3458 = memref.load %arg8[%swap3A_3457] : memref<1xf32, #tpu.memory_space<smem>>
      memref.store %add3A_3456, %arg8[%swap3A_3457] : memref<1xf32, #tpu.memory_space<smem>>
    } else {
    }
    %eq3A_3449 = arith.constant 7 : i32
    %eq3A_3450 = arith.cmpi eq, %arg0, %eq3A_3449 : i32
    %convert_element_type3A_3451 = arith.extui %eq3A_3450 : i1 to i32
    %cond3A_3452 = arith.constant 0 : i32
    %cond3A_3453 = arith.cmpi ne, %convert_element_type3A_3451, %cond3A_3452 : i32
    scf.if %cond3A_3453 {
      %get3A_3454 = arith.constant 0 : index
      %get3A_3455 = memref.load %arg8[%get3A_3454] : memref<1xf32, #tpu.memory_space<smem>>
      %mul3A_3456 = arith.constant 4.76837158E-7 : f32
      %mul3A_3457 = arith.mulf %get3A_3455, %mul3A_3456 : f32
      %mul3A_3458 = arith.constant 2.500000e-01 : f32
      %mul3A_3459 = arith.mulf %mul3A_3458, %mul3A_3457 : f32
      %broadcast_in_dim3A_3460 = vector.broadcast %mul3A_3457 : f32 to vector<1x1xf32>
      %swap3A_3461 = arith.constant 0 : index
      %swap3A_3462 = arith.constant 0 : index
      %swap3A_3463 = vector.load %arg5[%swap3A_3461, %swap3A_3462] : memref<1x1xf32, #tpu.memory_space<vmem>>, vector<1x1xf32>
      tpu.vector_store %arg5[%swap3A_3461, %swap3A_3462], %broadcast_in_dim3A_3460 {strides = array<i32>} : memref<1x1xf32, #tpu.memory_space<vmem>>, vector<1x1xf32>,
      %broadcast_in_dim3A_3464 = vector.broadcast %mul3A_3459 : f32 to vector<1x1xf32>
      %swap3A_3465 = arith.constant 0 : index
      %swap3A_3466 = arith.constant 0 : index
      %swap3A_3467 = vector.load %arg6[%swap3A_3465, %swap3A_3466] : memref<1x1xf32, #tpu.memory_space<vmem>>, vector<1x1xf32>
      tpu.vector_store %arg6[%swap3A_3465, %swap3A_3466], %broadcast_in_dim3A_3464 {strides = array<i32>} : memref<1x1xf32, #tpu.memory_space<vmem>>, vector<1x1xf32>,
      %add3A_3468 = arith.addf %mul3A_3457, %mul3A_3459 : f32
      %broadcast_in_dim3A_3469 = vector.broadcast %add3A_3468 : f32 to vector<1x1xf32>
      %swap3A_3470 = arith.constant 0 : index
      %swap3A_3471 = arith.constant 0 : index
      %swap3A_3472 = vector.load %arg7[%swap3A_3470, %swap3A_3471] : memref<1x1xf32, #tpu.memory_space<vmem>>, vector<1x1xf32>
      tpu.vector_store %arg7[%swap3A_3470, %swap3A_3471], %broadcast_in_dim3A_3469 {strides = array<i32>} : memref<1x1xf32, #tpu.memory_space<vmem>>, vector<1x1xf32>,
    } else {
    }
    return
  }
  func.func @transform_0(%arg0: i32) -> (i32, i32, i32) {
    %c0_i32 = arith.constant 0 : i32
    %c0_i32_0 = arith.constant 0 : i32
    %c0_i32_1 = arith.constant 0 : i32
    return %arg0, %c0_i32, %c0_i32_0 : i32, i32, i32
  }
  func.func @transform_1(%arg0: i32) -> (i32, i32) {
    %c0_i32 = arith.constant 0 : i32
    %c0_i32_0 = arith.constant 0 : i32
    %c0_i32_1 = arith.constant 0 : i32
    return %c0_i32, %c0_i32_0 : i32, i32
  }
  func.func @transform_2(%arg0: i32) -> (i32, i32) {
    %c0_i32 = arith.constant 0 : i32
    %c0_i32_0 = arith.constant 0 : i32
    %c0_i32_1 = arith.constant 0 : i32
    return %c0_i32, %c0_i32_0 : i32, i32
  }
  func.func @transform_3(%arg0: i32) -> i32 {
    %c0_i32 = arith.constant 0 : i32
    return %arg0 : i32
  }
  func.func @transform_4(%arg0: i32) -> (i32, i32) {
    %c0_i32 = arith.constant 0 : i32
    %c0_i32_0 = arith.constant 0 : i32
    %c0_i32_1 = arith.constant 0 : i32
    return %c0_i32, %c0_i32_0 : i32, i32
  }
  func.func @transform_5(%arg0: i32) -> (i32, i32) {
    %c0_i32 = arith.constant 0 : i32
    %c0_i32_0 = arith.constant 0 : i32
    %c0_i32_1 = arith.constant 0 : i32
    return %c0_i32, %c0_i32_0 : i32, i32
  }
  func.func @transform_6(%arg0: i32) -> (i32, i32) {
    %c0_i32 = arith.constant 0 : i32
    %c0_i32_0 = arith.constant 0 : i32
    %c0_i32_1 = arith.constant 0 : i32
    return %c0_i32, %c0_i32_0 : i32, i32
  }
}

module attributes {stable_mosaic.version = 14 : i64} {
  func.func @_k3_body(%arg0: i32, %arg1: memref<1x256x1024xf32, #tpu.memory_space<vmem>>, %arg2: memref<1x1024x256xf32, #tpu.memory_space<vmem>>, %arg3: memref<2x8192xf32, #tpu.memory_space<vmem>>, %arg4: memref<1x256x1024xf32, #tpu.memory_space<vmem>>, %arg5: memref<1x1xf32, #tpu.memory_space<vmem>>) attributes {dimension_semantics = [#tpu.dimension_semantics<arbitrary>], iteration_bounds = array<i64: 8>, scalar_prefetch = 0 : i64, scratch_operands = 0 : i64, tpu.core_type = #tpu.core_type<tc>, window_params = [{transform_indices = @transform_0, window_bounds = array<i64: 1, 256, 1024>}, {transform_indices = @transform_1, window_bounds = array<i64: 1, 1024, 256>}, {pipeline_mode = #tpu.pipeline_mode<synchronous>, transform_indices = @transform_2, window_bounds = array<i64: 2, 8192>}, {transform_indices = @transform_3, window_bounds = array<i64: 1, 256, 1024>}, {pipeline_mode = #tpu.pipeline_mode<synchronous>, transform_indices = @transform_4, window_bounds = array<i64: 1, 1>}]} {
    %get3A = arith.constant 0 : index
    %get3A_0 = arith.constant 0 : index
    %get3A_1 = arith.constant 0 : index
    %get3A_2 = vector.load %arg2[%get3A, %get3A_0, %get3A_1] : memref<1x1024x256xf32, #tpu.memory_space<vmem>>, vector<1x1024x256xf32>
    %get3A_3 = vector.shape_cast %get3A_2 : vector<1x1024x256xf32> to vector<1024x256xf32>
    %transpose3A = tpu.transpose %get3A_3, [1, 0] : vector<1024x256xf32> -> vector<256x1024xf32>
    %get3A_4 = arith.constant 0 : index
    %get3A_5 = arith.constant 0 : index
    %get3A_6 = arith.constant 0 : index
    %get3A_7 = vector.load %arg1[%get3A_4, %get3A_5, %get3A_6] : memref<1x256x1024xf32, #tpu.memory_space<vmem>>, vector<1x256x1024xf32>
    %get3A_8 = vector.shape_cast %get3A_7 : vector<1x256x1024xf32> to vector<256x1024xf32>
    %sub3A = arith.subf %transpose3A, %get3A_8 : vector<256x1024xf32>
    %add3A = arith.addf %get3A_8, %sub3A : vector<256x1024xf32>
    %swap3A = arith.constant 0 : index
    %swap3A_9 = arith.constant 0 : index
    %swap3A_10 = arith.constant 0 : index
    %swap3A_11 = vector.load %arg4[%swap3A, %swap3A_9, %swap3A_10] : memref<1x256x1024xf32, #tpu.memory_space<vmem>>, vector<1x256x1024xf32>
    %swap3A_12 = vector.shape_cast %swap3A_11 : vector<1x256x1024xf32> to vector<256x1024xf32>
    %swap3A_13 = vector.shape_cast %add3A : vector<256x1024xf32> to vector<1x256x1024xf32>
    tpu.vector_store %arg4[%swap3A, %swap3A_9, %swap3A_10], %swap3A_13 {strides = array<i32>} : memref<1x256x1024xf32, #tpu.memory_space<vmem>>, vector<1x256x1024xf32>,
    %eq3A = arith.constant 0 : i32
    %eq3A_14 = arith.cmpi eq, %arg0, %eq3A : i32
    %convert_element_type3A = arith.extui %eq3A_14 : i1 to i32
    %cond3A = arith.constant 0 : i32
    %cond3A_15 = arith.cmpi ne, %convert_element_type3A, %cond3A : i32
    scf.if %cond3A_15 {
      %get3A_16 = arith.constant 0 : index
      %get3A_17 = arith.constant 0 : index
      %get3A_18 = vector.load %arg3[%get3A_16, %get3A_17] : memref<2x8192xf32, #tpu.memory_space<vmem>>, vector<1x8192xf32>
      %get3A_19 = vector.shape_cast %get3A_18 : vector<1x8192xf32> to vector<8192xf32>
      %get3A_20 = arith.constant 1 : index
      %get3A_21 = arith.constant 0 : index
      %get3A_22 = vector.load %arg3[%get3A_20, %get3A_21] : memref<2x8192xf32, #tpu.memory_space<vmem>>, vector<1x8192xf32>
      %get3A_23 = vector.shape_cast %get3A_22 : vector<1x8192xf32> to vector<8192xf32>
      %add3A_24 = arith.addf %get3A_19, %get3A_23 : vector<8192xf32>
      %mul3A = arith.constant 1.22070313E-4 : f32
      %mul3A_25 = vector.broadcast %mul3A : f32 to vector<8192xf32>
      %mul3A_26 = arith.mulf %add3A_24, %mul3A_25 : vector<8192xf32>
      %add3A_27 = arith.constant 1.000000e-10 : f32
      %add3A_28 = vector.broadcast %add3A_27 : f32 to vector<8192xf32>
      %add3A_29 = arith.addf %mul3A_26, %add3A_28 : vector<8192xf32>
      %log3A = math.log %add3A_29 : vector<8192xf32>
      %mul3A_30 = arith.mulf %mul3A_26, %log3A : vector<8192xf32>
      %reduce_sum3A = vector.shape_cast %mul3A_30 : vector<8192xf32> to vector<1x8192xf32>
      %reduce_sum3A_31 = arith.constant dense<0.000000e+00> : vector<1xf32>
      %reduce_sum3A_32 = vector.multi_reduction <add>, %reduce_sum3A, %reduce_sum3A_31 [1] : vector<1x8192xf32> to vector<1xf32>
      %reduce_sum3A_33 = vector.shape_cast %reduce_sum3A_32 : vector<1xf32> to vector<1x1xf32>
      %reduce_sum3A_34 = vector.extract %reduce_sum3A_33[0, 0] : f32 from vector<1x1xf32>
      %neg3A = arith.constant 0.000000e+00 : f32
      %neg3A_35 = arith.subf %neg3A, %reduce_sum3A_34 : f32
      %exp3A = math.exp %neg3A_35 : f32
      %broadcast_in_dim3A = vector.broadcast %exp3A : f32 to vector<1x1xf32>
      %swap3A_36 = arith.constant 0 : index
      %swap3A_37 = arith.constant 0 : index
      %swap3A_38 = vector.load %arg5[%swap3A_36, %swap3A_37] : memref<1x1xf32, #tpu.memory_space<vmem>>, vector<1x1xf32>
      tpu.vector_store %arg5[%swap3A_36, %swap3A_37], %broadcast_in_dim3A {strides = array<i32>} : memref<1x1xf32, #tpu.memory_space<vmem>>, vector<1x1xf32>,
    } else {
    }
    return
  }
  func.func @transform_0(%arg0: i32) -> (i32, i32, i32) {
    %c0_i32 = arith.constant 0 : i32
    %c0_i32_0 = arith.constant 0 : i32
    %c0_i32_1 = arith.constant 0 : i32
    return %arg0, %c0_i32, %c0_i32_0 : i32, i32, i32
  }
  func.func @transform_1(%arg0: i32) -> (i32, i32, i32) {
    %c0_i32 = arith.constant 0 : i32
    %c0_i32_0 = arith.constant 0 : i32
    %c0_i32_1 = arith.constant 0 : i32
    return %arg0, %c0_i32, %c0_i32_0 : i32, i32, i32
  }
  func.func @transform_2(%arg0: i32) -> (i32, i32) {
    %c0_i32 = arith.constant 0 : i32
    %c0_i32_0 = arith.constant 0 : i32
    %c0_i32_1 = arith.constant 0 : i32
    return %c0_i32, %c0_i32_0 : i32, i32
  }
  func.func @transform_3(%arg0: i32) -> (i32, i32, i32) {
    %c0_i32 = arith.constant 0 : i32
    %c0_i32_0 = arith.constant 0 : i32
    %c0_i32_1 = arith.constant 0 : i32
    return %arg0, %c0_i32, %c0_i32_0 : i32, i32, i32
  }
  func.func @transform_4(%arg0: i32) -> (i32, i32) {
    %c0_i32 = arith.constant 0 : i32
    %c0_i32_0 = arith.constant 0 : i32
    %c0_i32_1 = arith.constant 0 : i32
    return %c0_i32, %c0_i32_0 : i32, i32
  }
}

</mosaic_0001>

<sc_bundles>
// kernel: kernel.5.cloned.1.call-start
scs
__scs_entry_jumppad:
0x0: {  	(pc) =	sbr.rel $0x88, $3  }
0x1: {  	(tag) =	ssettag $0x0;
	lr =	simm.s32 $0x1  }
0x2: {  	[smem:$0x3F9F] =	sst lr;
	_ =	strace $0xD0000000  }
0x3: {  	_ = 	snop  }
0x4: {  	_ = 	snop  }
0x5: {  	_ = 	snop  }
0x6: {  	_ = 	snop  }
0x7: {  	_ = 	snop  }
__scs_overlays_trampoline_lowered:
0x8: {  	[smem:$0x3FAE] =	sst s0  }
0x9: {  	[smem:$0x3FAF] =	sst s1  }
0xa: {  	[smem:$0x3FB0] =	sst s2  }
0xb: {  	[smem:$0x3FB1] =	sst s3  }
0xc: {  	[smem:$0x3FB2] =	sst s4  }
0xd: {  	[smem:$0x3FB3] =	sst s5  }
0xe: {  	[smem:$0x3FB4] =	sst s6  }
0xf: {  	[smem:$0x3FB5] =	sst s7  }
0x10: {  	[smem:$0x3FB6] =	sst s8  }
0x11: {  	[smem:$0x3FB7] =	sst s9;
	s0 =	simm.s32 @!p0 $0x0  }
0x12: {  	s1 =	sld [smem:$0x3F9D];
	s0 =	simm.s32 @p0 $0x1  }
0x13: {  	[smem:$0x3FB8] =	sst s0;
	s0 =	simm.s32 @!p1 $0x0  }
0x14: {  	s2 =	sld [smem:$0x3F9C];
	s0 =	simm.s32 @p1 $0x1  }
0x15: {  	[smem:$0x3FB9] =	sst s0;
	s0 =	simm.s32 @!p2 $0x0  }
0x16: {  	s3 =	sld [smem:$0x3FDB];
	s0 =	simm.s32 @p2 $0x1  }
0x17: {  	s4 =	simm.s32 $0x1BF5;
	[smem:$0x3FBB] =	sst s0  }
0x18: {  	s0 =	sld [smem:$0x3F9E];
	_ =	swait.ge [sflag:s4], $0x0  }
0x19: {  	s7 =	sld [smem:$0x3F9F]  }
0x1a: {  	s8 =	sadd.s32 $0xFFFFE003, lr  }
0x1b: {  	s9 =	sadd.s32 $0xFFFFFEF7, lr;
	s5 =	simm.s32 $0xFFFFFFFF;
	p2 =	slt.u32 s8, $0xFFFFF086  }
0x1c: {  	p1 =	slt.u32 s9, $0xF7A;
	s5 =	simm.s32 @!p2 $0x0  }
0x1d: {  	s5 =	simm.s32 @p1 $0x1;
	p0 =	seq.s32 s7, s2  }
0x1e: {  	s7 =	smul.u32 @!p0 $0xF7A, s2;
	p2 =	seq.s32 @!p0 s5, $0x0  }
0x1f: {  	s9 =	smul.u32 $0xF7A, s1;
	s8 =	simm.s32 @!p0 $0x1BF5;
	p2 =	por !p2, p0  }
0x20: {  	[sflag:s8] =	ssyncset.s32 @!p0 $0xFFFFF086;
	s6 =	sadd.s32 @!p0 s3, s7;
	s7 =	simm.s32 @!p0 $0x108  }
0x21: {  	s3 =	sadd.s32 s3, s9;
	s6 =	sadd.s32 @!p0 $0x88, s6;
	s7 =	simm.s32 @p2 $0x1082  }
0x22: {  	[simem:s7], [sflag:s8] =	dma.local @!p0 [hbm:s6], $0xF7A  }
0x23: {  	s9 =	sor.u32 $0xD0000000, s2;
	s6 =	simm.s32 $0x108;
	_ =	swait.ge @!p0 [sflag:s8], $0x0  }
0x24: {  	s3 =	sadd.s32 $0x88, s3;
	s6 =	simm.s32 @!p1 $0x1082;
	[sflag:s4] =	ssyncset.s32 $0xFFFFF086  }
0x25: {  	[simem:s6], [sflag:s4] =	dma.local [hbm:s3], $0xF7A  }
0x26: {  	[smem:$0x3F9F] =	sst s1;
	(tag) =	ssettag s2;
	_ =	strace s9  }
0x27: {  	s1 =	sld [smem:$0x3FAF]  }
0x28: {  	s2 =	sld [smem:$0x3FB0]  }
0x29: {  	s4 =	sld [smem:$0x3FB2]  }
0x2a: {  	p0 =	seq.s32 s5, $0x0;
	s5 =	sld [smem:$0x3FB3]  }
0x2b: {  	s6 =	sld [smem:$0x3FB4]  }
0x2c: {  	s7 =	sld [smem:$0x3FB5]  }
0x2d: {  	s3 =	simm.s32 $0x108;
	s8 =	sld [smem:$0x3FB6]  }
0x2e: {  	s3 =	simm.s32 @!p0 $0x1082;
	s9 =	sld [smem:$0x3FB7]  }
0x2f: {  	lr =	sadd.s32 s0, s3;
	s0 =	sld [smem:$0x3FAE]  }
0x30: {  	s3 =	sld [smem:$0x3FB1]  }
0x31: {  	[smem:$0x3FBA] =	sst s10  }
0x32: {  	s10 =	sld [smem:$0x3FB8];
	_ =	sdelay $0x3  }
0x33: {  	p0 =	seq.s32 s10, $0x1;
	s10 =	sld [smem:$0x3FBA];
	_ =	sdelay $0x3  }
0x34: {  	[smem:$0x3FBA] =	sst s10  }
0x35: {  	s10 =	sld [smem:$0x3FB9];
	_ =	sdelay $0x3  }
0x36: {  	p1 =	seq.s32 s10, $0x1;
	s10 =	sld [smem:$0x3FBA];
	_ =	sdelay $0x3  }
0x37: {  	[smem:$0x3FBA] =	sst s10  }
0x38: {  	s10 =	sld [smem:$0x3FBB]  }
0x39: {  	_ = 	snop;
	(pc) =	sbr.ind lr, $3  }
0x3a: {  	_ = 	snop  }
0x3b: {  	_ = 	snop  }
0x3c: {  	p2 =	seq.s32 s10, $0x1;
	s10 =	sld [smem:$0x3FBA]  }
0x3d: {  	_ =	shalt  }
0x3e: {  	_ =	shalt  }
0x3f: {  	_ =	shalt  }
0x40: {  	_ =	shalt  }
0x41: {  	_ =	shalt  }
0x42: {  	_ =	shalt  }
0x43: {  	_ =	shalt  }
0x44: {  	_ =	shalt  }
0x45: {  	_ =	shalt  }
0x46: {  	_ =	shalt  }
0x47: {  	_ =	shalt  }
0x48: {  	_ =	shalt  }
0x49: {  	_ =	shalt  }
0x4a: {  	_ =	shalt  }
0x4b: {  	_ =	shalt  }
0x4c: {  	_ =	shalt  }
0x4d: {  	_ =	shalt  }
0x4e: {  	_ =	shalt  }
0x4f: {  	_ =	shalt  }
0x50: {  	_ =	shalt  }
0x51: {  	_ =	shalt  }
0x52: {  	_ =	shalt  }
0x53: {  	_ =	shalt  }
0x54: {  	_ =	shalt  }
0x55: {  	_ =	shalt  }
0x56: {  	_ =	shalt  }
0x57: {  	_ =	shalt  }
0x58: {  	_ =	shalt  }
0x59: {  	_ =	shalt  }
0x5a: {  	_ =	shalt  }
0x5b: {  	_ =	shalt  }
0x5c: {  	_ =	shalt  }
0x5d: {  	_ =	shalt  }
0x5e: {  	_ =	shalt  }
0x5f: {  	_ =	shalt  }
0x60: {  	_ =	shalt  }
0x61: {  	_ =	shalt  }
0x62: {  	_ =	shalt  }
0x63: {  	_ =	shalt  }
0x64: {  	_ =	shalt  }
0x65: {  	_ =	shalt  }
0x66: {  	_ =	shalt  }
0x67: {  	_ =	shalt  }
0x68: {  	_ =	shalt  }
0x69: {  	_ =	shalt  }
0x6a: {  	_ =	shalt  }
0x6b: {  	_ =	shalt  }
0x6c: {  	_ =	shalt  }
0x6d: {  	_ =	shalt  }
0x6e: {  	_ =	shalt  }
0x6f: {  	_ =	shalt  }
0x70: {  	_ =	shalt  }
0x71: {  	_ =	shalt  }
0x72: {  	_ =	shalt  }
0x73: {  	_ =	shalt  }
0x74: {  	_ =	shalt  }
0x75: {  	_ =	shalt  }
0x76: {  	_ =	shalt  }
0x77: {  	_ =	shalt  }
0x78: {  	_ =	shalt  }
0x79: {  	_ =	shalt  }
0x7a: {  	_ =	shalt  }
0x7b: {  	_ =	shalt  }
0x7c: {  	_ =	shalt  }
0x7d: {  	_ =	shalt  }
0x7e: {  	_ =	shalt  }
0x7f: {  	_ =	shalt  }
0x80: {  	_ =	shalt  }
0x81: {  	_ =	shalt  }
0x82: {  	_ =	shalt  }
0x83: {  	_ =	shalt  }
0x84: {  	_ =	shalt  }
0x85: {  	_ =	shalt  }
0x86: {  	_ =	shalt  }
0x87: {  	_ =	shalt  }
.Lfunc_end0:
.L_simem_size_0:
called_computation_lowered:
.L_overlay_start_0:
0x88: {  	s2 =	sld [smem:$0x3FD9]  }
0x89: {  	s3 =	sld [smem:$0x3FFE];
	_ =	sdelay $0x1  }
0x8a: {  	s1 =	srdreg.scid  }
0x8b: {  	s0 =	sand.u32 $0x1, s1  }
0x8c: {  	s14 =	sshll.u32 s0, $0xA;
	s2 =	sadd.s32 s3, s2  }
0x8d: {  	s2 =	sadd.s32 s2, s14  }
0x8e: {  	[smem:$0x3FC6] =	sst s2  }
0x8f: {  	_ = 	snop  }
0x90: {  	s2 =	sld [smem:$0x3FD0];
	_ =	sdelay $0x2  }
0x91: {  	s4 =	simm.s32 $0xA;
	s5 =	simm.s32 $0x10;
	s15 =	sld [smem:$0x3FC8]  }
0x92: {  	[smem:s5], [sflag:s4] =	dma.local [hbm:s2], $0x1  }
0x93: {  	_ =	swait.eq [sflag:s4], $0x1  }
0x94: {  	[sflag:s4] =	ssyncset.done $0x0  }
0x95: {  	s16 =	sld [smem:$0x10];
	[sflag:s4] =	ssyncadd.s32 $0xFFFFFFFF  }
0x96: {  	s17 =	sld [smem:$0x15];
	(tm) =	ssettm $0x1  }
0x97: {  	s18 =	sld [smem:$0x3FFB];
	_ =	sdelay $0x3  }
0x98: {  	_ =	strace s18  }
0x99: {  	s5 =	sld [smem:$0x3FFC];
	_ =	sdelay $0x3  }
0x9a: {  	_ =	strace s5  }
0x9b: {  	s5 =	sld [smem:$0x3FFD];
	_ =	sdelay $0x3  }
0x9c: {  	_ =	strace s5  }
0x9d: {  	_ =	strace $0x8FFFFFFF  }
0x9e: {  	s19 =	sld [smem:$0x3FDB];
	_ =	sdelay $0x1  }
0x9f: {  	s6 =	simm.s32 $_scs_section_size  }
0xa0: {  	s7 =	simm.s32 $_size__tile_overlayer_lowered;
	s8 =	simm.s32 $_tile_overlayer_lowered  }
0xa1: {  	s22 =	simm.s32 $0x1BFF;
	s21 =	sshll.u32 s8, $0x1;
	s5 =	sadd.s32 s6, s19  }
0xa2: {  	s9 =	simm.s32 $0x0;
	s20 =	sshll.u32 s7, $0x1;
	s7 =	sadd.s32 s21, s5  }
0xa3: {  	[timem:s9], [sflag:s22] =	dma.local [hbm:s7], s20  }
0xa4: {  	_ =	swait.ge [sflag:s22], s20  }
0xa5: {  	s6 =	ssub.s32 $0x0, s20;
	[sflag:s22] =	ssyncset.done $0x0  }
0xa6: {  	[sflag:s22] =	ssyncadd.s32 s6;
	_ =	sdelay $0x1  }
0xa7: {  	s23 =	simm.s32 $0x1B8B  }
0xa8: {  	_ =	swait.ge [sflag:s23], $0x1  }
0xa9: {  	[sflag:s23] =	ssyncset.done $0x0  }
0xaa: {  	s25 =	simm.s32 $0x1B8E;
	s24 =	sld [smem:$0x3FFE];
	[sflag:s23] =	ssyncadd.s32 $0xFFFFFFFF  }
0xab: {  	s26 =	simm.s32 $execute0_lowered;
	[smem:$0x3FD2] =	sst s25  }
0xac: {  	s7 =	sshll.u32 s26, $0x1;
	_ =	strace $0x80000046;
	[dreg:$0x1] =	wrdreg $0xFFFFFFFF  }
0xad: {  	s28 =	simm.s32 $_size_execute0_lowered;
	s5 =	sadd.s32 s5, s7;
	[dreg:$0x0] =	wrdreg $0x0  }
0xae: {  	s7 =	sshll.u32 s28, $0x1;
	[dreg:$0x2] =	wrdreg s5  }
0xaf: {  	[dreg:$0x3] =	wrdreg s7  }
0xb0: {  	[dreg:$0x4] =	wrdreg $0xC0  }
0xb1: {  	_ =	task [dreg:s9], $0x5FFFF  }
0xb2: {  	[dreg:$0x1] =	wrdreg $0xFFFFFFFF  }
0xb3: {  	[dreg:$0x0] =	wrdreg $0x60  }
0xb4: {  	[dreg:$0x2] =	wrdreg s15  }
0xb5: {  	[dreg:$0x3] =	wrdreg s17  }
0xb6: {  	[dreg:$0x4] =	wrdreg s24  }
0xb7: {  	[dreg:$0x5] =	wrdreg s16  }
0xb8: {  	[dreg:$0x6] =	wrdreg $0x101800  }
0xb9: {  	[dreg:$0x7] =	wrdreg $0x9  }
0xba: {  	_ =	task.clear_ibuf [dreg:s9], $0x8FFFF;
	_ =	strace $0x90000046  }
0xbb: {  	s29 =	simm.s32 $0x9;
	_ =	strace $0x80000048  }
0xbc: {  	_ =	swait.ge [sflag:s29], $0x1  }
0xbd: {  	[sflag:s29] =	ssyncadd.s32 $0xFFFFFFFF  }
0xbe: {  	_ =	strace $0x90000048  }
0xbf: {  	_ =	sfence  }
0xc0: {  	s30 =	sld [smem:$0x0];
	_ =	sdelay $0x2  }
0xc1: {  	s31 =	sshll.u32 s1, $0xD;
	s1 =	sshrl.u32 s1, $0x2  }
0xc2: {  	s3 =	sand.u32 $0x4000, s31;
	s1 =	sadd.s32 s1, s30  }
0xc3: {  	s0 =	sor.u32 s3, s0;
	s1 =	sshll.u32 s1, $0x11  }
0xc4: {  	s0 =	sor.u32 s1, s0  }
0xc5: {  	s0 =	sadd.s32 $0x8F2B, s0  }
0xc6: {  	[sflag:s0] =	ssyncadd.remote.s32 $0x1  }
0xc7: {  	_ =	sfence.sel $0xFFFF  }
0xc8: {  	[dreg:$0x0] =	wrdreg $0xFFFFFFFF;
	(pc) =	sbr.abs _section_cstart, $3  }
0xc9: {  	[dreg:$0x1] =	wrdreg $0xFFFFFFFF  }
0xca: {  	_ =	task.clear_ibuf [dreg:s9], $0x2FFFF;
	_ =	strace $0x9FFFFFFF  }
0xcb: {  	(tm) =	ssettm $0x7FFFFFFF  }
tec
execute0_lowered:
.L_overlay_start_1:
0x0: {  	(tag) =	ssettag $0x1  }
0x1: {  	s0 =	rddreg [dreg:$0x0]  }
0x2: {  	s4 =	rddreg [dreg:$0x1]  }
0x3: {  	s5 =	rddreg [dreg:$0x2]  }
0x4: {  	s7 =	rddreg [dreg:$0x3]  }
0x5: {  	s2 =	rddreg [dreg:$0x4];
	s3 =	srdreg.scid  }
0x6: {  	s1 =	rddreg [dreg:$0x5];
	s8 =	sand.u32 $0x1, s3;
	s3 =	simm.s32 $0x0  }
0x7: {  	s11 =	sadd.s32 $0xE00, s5;
	[smem:$0x7FF] =	sst s3  }
0x8: {  	s13 =	simm.s32 $0x2100;
	_ =	strace $0x80000047;
	[dreg:$0x6] =	wrdreg s11  }
0x9: {  	s14 =	simm.s32 $0x2900;
	[dreg:$0xe] =	wrdreg s13  }
0xa: {  	s15 =	simm.s32 $0x3100;
	[dreg:$0xf] =	wrdreg s14  }
0xb: {  	s16 =	simm.s32 $0x3900;
	[dreg:$0x10] =	wrdreg s15  }
0xc: {  	s17 =	simm.s32 $0x4100;
	[dreg:$0x11] =	wrdreg s16  }
0xd: {  	s18 =	simm.s32 $0x4900;
	[dreg:$0x12] =	wrdreg s17  }
0xe: {  	s19 =	simm.s32 $0x5100;
	[dreg:$0x13] =	wrdreg s18  }
0xf: {  	s6 =	stileid.u32;
	s20 =	simm.s32 $0x5900;
	[dreg:$0x14] =	wrdreg s19  }
0x10: {  	s21 =	simm.s32 $0x6100;
	s22 =	simm.s32 $0x6900;
	[dreg:$0x15] =	wrdreg s20  }
0x11: {  	s23 =	simm.s32 $0x7100;
	s24 =	simm.s32 $0x7900;
	[dreg:$0x16] =	wrdreg s21  }
0x12: {  	s26 =	simm.s32 $0x8100;
	s28 =	simm.s32 $0x8900;
	[dreg:$0x17] =	wrdreg s22  }
0x13: {  	s29 =	simm.s32 $0x9100;
	s30 =	simm.s32 $0x9900;
	[dreg:$0x18] =	wrdreg s23  }
0x14: {  	s31 =	simm.s32 $0xA100;
	s9 =	sshll.u32 s6, $0x9;
	[dreg:$0x19] =	wrdreg s24  }
0x15: {  	p0 =	sne.s32 s6, $0x0;
	s6 =	simm.s32 $0x2;
	[dreg:$0x1a] =	wrdreg s26  }
0x16: {  	s10 =	sshll.u32 s8, $0x8;
	s12 =	sshll.u32 s8, $0x4;
	[dreg:$0x1b] =	wrdreg s28  }
0x17: {  	s25 =	ssub.s32 $0x2, s8;
	s9 =	sor.u32 s10, s9;
	[dreg:$0x1c] =	wrdreg s29  }
0x18: {  	s5 =	sadd.s32 s12, s5;
	s11 =	simm.s32 $0x1100;
	[dreg:$0x1d] =	wrdreg s30  }
0x19: {  	s12 =	simm.s32 $0x1900;
	s8 =	sshrl.u32 s25, $0x1;
	[dreg:$0x1e] =	wrdreg s31  }
0x1a: {  	s13 =	simm.s32 $0xD100;
	s14 =	simm.s32 $0xD900;
	s15 =	simm.s32 $0xE100  }
0x1b: {  	s16 =	simm.s32 $0xE900;
	s17 =	simm.s32 $0xF100;
	s18 =	simm.s32 $0xF900  }
0x1c: {  	s19 =	simm.s32 $0x1;
	s10 =	sshrl.u32 s9, $0x3;
	[dreg:$0xc] =	wrdreg s11  }
0x1d: {  	s5 =	sadd.s32 $0x1200, s5;
	s9 =	sshll.u32 s9, $0x5;
	[dreg:$0xd] =	wrdreg s12  }
0x1e: {  	s11 =	simm.s32 $0xC100;
	[dreg:$0x8] =	wrdreg s5;
	s7 =	sadd.s32 s7, s9  }
0x1f: {  	s4 =	sadd.s32 s4, s10;
	s9 =	simm.s32 $0x80;
	[dreg:$0x9] =	wrdreg s7  }
0x20: {  	s12 =	simm.s32 $0xC900;
	s10 =	sadd.s32 $0x10, s4;
	[dreg:$0xa] =	wrdreg s9  }
0x21: {  	v3 =	vlaneseq.u32;
	s7 =	ssub.s32 s25, s8;
	s8 =	simm.s32 $0xA900;
	s9 =	simm.s32 $0xB100  }
0x22: {  	v0 =	vimm.f32 $1.000000000e+00;
	vm0 =	vmmov $0xffff;
	v2 =	vshrl.u32 v3, $0x3;
	[dreg:$0x7] =	wrdreg s10;
	s10 =	simm.s32 $0x900;
	s5 =	smax.u32 s7, $0x1  }
0x23: {  	v1 =	vand.u32 $0x7, v3;
	v3 =	vor.u32 $0x8, v3;
	v2 =	vmul.u32 $0x8, v2;
	s7 =	simm.s32 $0x100;
	[dreg:$0xb] =	wrdreg s10;
	s10 =	simm.s32 $0xB900  }
.LBB2_1:
0x24: {  	[tilespmem:$0x10100] =	vst v0  }
0x25: {  	[tilespmem:$0x10110] =	vst v0  }
0x26: {  	[tilespmem:$0x10120] =	vst v0  }
0x27: {  	[tilespmem:$0x10130] =	vst v0  }
0x28: {  	[tilespmem:$0x10140] =	vst v0  }
0x29: {  	[tilespmem:$0x10150] =	vst v0  }
0x2a: {  	[tilespmem:$0x10160] =	vst v0  }
0x2b: {  	[tilespmem:$0x10170] =	vst v0  }
0x2c: {  	[tilespmem:s3], [sflag:$0x2] =	stream.linear.gather [hbm4b:s4+s3], $0x80, $0x38;
	[tilespmem:$0x10380] =	vst v63  }
0x2d: {  	_ =	swait.ge [sflag:s6], $0x80  }
0x2e: {  	s20 =	rddreg [dreg:$0x7];
	[sflag:s6] =	ssyncset.done $0x0  }
0x2f: {  	s21 =	rddreg [dreg:$0xa];
	[sflag:s6] =	ssyncadd.s32 $0xFFFFFF80  }
0x30: {  	[tilespmem:s21], [sflag:$0x2] =	stream.linear.gather [hbm4b:s20+s3], $0x80, $0x38;
	[tilespmem:$0x10380] =	vst v63  }
0x31: {  	_ =	swait.ge [sflag:s6], $0x80  }
0x32: {  	[sflag:s6] =	ssyncset.done $0x0  }
0x33: {  	[sflag:s6] =	ssyncadd.s32 $0xFFFFFF80  }
0x34: {  	v4 =	vld [tilespmem:$0x0];
	_ =	sdelay $0x4  }
0x35: {  	v5 =	vshll.u32 v4, $0x1  }
0x36: {  	v4 =	vand.u32 $0x7, v4;
	v5 =	vand.u32 $0xFFFFFFF0, v5  }
0x37: {  	v4 =	vor.u32 v4, v5  }
0x38: {  	v5 =	vperm.xlane v4, v1;
	_ =	sdelay $0x1  }
0x39: {  	v4 =	vperm.xlane v4, v3;
	v5 =	vadd.s32 v2, v5;
	_ =	sdelay $0x1  }
0x3a: {  	v4 =	vadd.s32 v2, v4;
	_ =	sdelay $0x2  }
0x3b: {  	[tilespmem:s7], [sflag:$0x1] =	stream.indirect_vreg.gather [hbm4b:s0+s3], $0x80, v5, vm0, $0xb8;
	[tilespmem:$0x10380] =	vst v63  }
0x3c: {  	s31 =	rddreg [dreg:$0xb]  }
0x3d: {  	[tilespmem:s31], [sflag:$0x1] =	stream.indirect_vreg.gather [hbm4b:s0+s3], $0x80, v4, vm0, $0xb8;
	[tilespmem:$0x10380] =	vst v63  }
0x3e: {  	v4 =	vld [tilespmem:$0x10];
	_ =	sdelay $0x4  }
0x3f: {  	v5 =	vshll.u32 v4, $0x1  }
0x40: {  	v4 =	vand.u32 $0x7, v4;
	v5 =	vand.u32 $0xFFFFFFF0, v5  }
0x41: {  	v4 =	vor.u32 v4, v5  }
0x42: {  	v5 =	vperm.xlane v4, v1;
	_ =	sdelay $0x1  }
0x43: {  	v4 =	vperm.xlane v4, v3;
	v5 =	vadd.s32 v2, v5;
	_ =	sdelay $0x1  }
0x44: {  	v4 =	vadd.s32 v2, v4;
	_ =	sdelay $0x1  }
0x45: {  	s21 =	rddreg [dreg:$0xc]  }
0x46: {  	[tilespmem:s21], [sflag:$0x1] =	stream.indirect_vreg.gather [hbm4b:s0+s3], $0x80, v5, vm0, $0xb8;
	[tilespmem:$0x10380] =	vst v63  }
0x47: {  	s22 =	rddreg [dreg:$0xd]  }
0x48: {  	[tilespmem:s22], [sflag:$0x1] =	stream.indirect_vreg.gather [hbm4b:s0+s3], $0x80, v4, vm0, $0xb8;
	[tilespmem:$0x10380] =	vst v63  }
0x49: {  	v4 =	vld [tilespmem:$0x20];
	_ =	sdelay $0x4  }
0x4a: {  	v5 =	vshll.u32 v4, $0x1  }
0x4b: {  	v4 =	vand.u32 $0x7, v4;
	v5 =	vand.u32 $0xFFFFFFF0, v5  }
0x4c: {  	v4 =	vor.u32 v4, v5  }
0x4d: {  	v5 =	vperm.xlane v4, v1;
	_ =	sdelay $0x1  }
0x4e: {  	v4 =	vperm.xlane v4, v3;
	v5 =	vadd.s32 v2, v5;
	_ =	sdelay $0x1  }
0x4f: {  	v4 =	vadd.s32 v2, v4;
	_ =	sdelay $0x1  }
0x50: {  	s23 =	rddreg [dreg:$0xe]  }
0x51: {  	[tilespmem:s23], [sflag:$0x1] =	stream.indirect_vreg.gather [hbm4b:s0+s3], $0x80, v5, vm0, $0xb8;
	[tilespmem:$0x10380] =	vst v63  }
0x52: {  	s24 =	rddreg [dreg:$0xf]  }
0x53: {  	[tilespmem:s24], [sflag:$0x1] =	stream.indirect_vreg.gather [hbm4b:s0+s3], $0x80, v4, vm0, $0xb8;
	[tilespmem:$0x10380] =	vst v63  }
0x54: {  	v4 =	vld [tilespmem:$0x30];
	_ =	sdelay $0x4  }
0x55: {  	v5 =	vshll.u32 v4, $0x1  }
0x56: {  	v4 =	vand.u32 $0x7, v4;
	v5 =	vand.u32 $0xFFFFFFF0, v5  }
0x57: {  	v4 =	vor.u32 v4, v5  }
0x58: {  	v5 =	vperm.xlane v4, v1;
	_ =	sdelay $0x1  }
0x59: {  	v4 =	vperm.xlane v4, v3;
	v5 =	vadd.s32 v2, v5;
	_ =	sdelay $0x1  }
0x5a: {  	v4 =	vadd.s32 v2, v4;
	_ =	sdelay $0x1  }
0x5b: {  	s25 =	rddreg [dreg:$0x10]  }
0x5c: {  	[tilespmem:s25], [sflag:$0x1] =	stream.indirect_vreg.gather [hbm4b:s0+s3], $0x80, v5, vm0, $0xb8;
	[tilespmem:$0x10380] =	vst v63  }
0x5d: {  	s26 =	rddreg [dreg:$0x11]  }
0x5e: {  	[tilespmem:s26], [sflag:$0x1] =	stream.indirect_vreg.gather [hbm4b:s0+s3], $0x80, v4, vm0, $0xb8;
	[tilespmem:$0x10380] =	vst v63  }
0x5f: {  	v4 =	vld [tilespmem:$0x40];
	_ =	sdelay $0x4  }
0x60: {  	v5 =	vshll.u32 v4, $0x1  }
0x61: {  	v4 =	vand.u32 $0x7, v4;
	v5 =	vand.u32 $0xFFFFFFF0, v5  }
0x62: {  	v4 =	vor.u32 v4, v5  }
0x63: {  	v5 =	vperm.xlane v4, v1;
	_ =	sdelay $0x1  }
0x64: {  	v4 =	vperm.xlane v4, v3;
	v5 =	vadd.s32 v2, v5;
	_ =	sdelay $0x1  }
0x65: {  	v4 =	vadd.s32 v2, v4;
	_ =	sdelay $0x1  }
0x66: {  	s28 =	rddreg [dreg:$0x12]  }
0x67: {  	[tilespmem:s28], [sflag:$0x1] =	stream.indirect_vreg.gather [hbm4b:s0+s3], $0x80, v5, vm0, $0xb8;
	[tilespmem:$0x10380] =	vst v63  }
0x68: {  	s29 =	rddreg [dreg:$0x13]  }
0x69: {  	[tilespmem:s29], [sflag:$0x1] =	stream.indirect_vreg.gather [hbm4b:s0+s3], $0x80, v4, vm0, $0xb8;
	[tilespmem:$0x10380] =	vst v63  }
0x6a: {  	v4 =	vld [tilespmem:$0x50];
	_ =	sdelay $0x4  }
0x6b: {  	v5 =	vshll.u32 v4, $0x1  }
0x6c: {  	v4 =	vand.u32 $0x7, v4;
	v5 =	vand.u32 $0xFFFFFFF0, v5  }
0x6d: {  	v4 =	vor.u32 v4, v5  }
0x6e: {  	v5 =	vperm.xlane v4, v1;
	_ =	sdelay $0x1  }
0x6f: {  	v4 =	vperm.xlane v4, v3;
	v5 =	vadd.s32 v2, v5;
	_ =	sdelay $0x1  }
0x70: {  	v4 =	vadd.s32 v2, v4;
	_ =	sdelay $0x1  }
0x71: {  	s30 =	rddreg [dreg:$0x14]  }
0x72: {  	[tilespmem:s30], [sflag:$0x1] =	stream.indirect_vreg.gather [hbm4b:s0+s3], $0x80, v5, vm0, $0xb8;
	[tilespmem:$0x10380] =	vst v63  }
0x73: {  	s31 =	rddreg [dreg:$0x15]  }
0x74: {  	[tilespmem:s31], [sflag:$0x1] =	stream.indirect_vreg.gather [hbm4b:s0+s3], $0x80, v4, vm0, $0xb8;
	[tilespmem:$0x10380] =	vst v63  }
0x75: {  	v4 =	vld [tilespmem:$0x60];
	_ =	sdelay $0x4  }
0x76: {  	v5 =	vshll.u32 v4, $0x1  }
0x77: {  	v4 =	vand.u32 $0x7, v4;
	v5 =	vand.u32 $0xFFFFFFF0, v5  }
0x78: {  	v4 =	vor.u32 v4, v5  }
0x79: {  	v5 =	vperm.xlane v4, v1;
	_ =	sdelay $0x1  }
0x7a: {  	v4 =	vperm.xlane v4, v3;
	v5 =	vadd.s32 v2, v5;
	_ =	sdelay $0x1  }
0x7b: {  	v4 =	vadd.s32 v2, v4;
	_ =	sdelay $0x1  }
0x7c: {  	s21 =	rddreg [dreg:$0x16]  }
0x7d: {  	[tilespmem:s21], [sflag:$0x1] =	stream.indirect_vreg.gather [hbm4b:s0+s3], $0x80, v5, vm0, $0xb8;
	[tilespmem:$0x10380] =	vst v63  }
0x7e: {  	s22 =	rddreg [dreg:$0x17]  }
0x7f: {  	[tilespmem:s22], [sflag:$0x1] =	stream.indirect_vreg.gather [hbm4b:s0+s3], $0x80, v4, vm0, $0xb8;
	[tilespmem:$0x10380] =	vst v63  }
0x80: {  	v4 =	vld [tilespmem:$0x70];
	_ =	sdelay $0x4  }
0x81: {  	v5 =	vshll.u32 v4, $0x1  }
0x82: {  	v4 =	vand.u32 $0x7, v4;
	v5 =	vand.u32 $0xFFFFFFF0, v5  }
0x83: {  	v4 =	vor.u32 v4, v5  }
0x84: {  	v5 =	vperm.xlane v4, v1;
	_ =	sdelay $0x1  }
0x85: {  	v4 =	vperm.xlane v4, v3;
	v5 =	vadd.s32 v2, v5;
	_ =	sdelay $0x1  }
0x86: {  	v4 =	vadd.s32 v2, v4;
	_ =	sdelay $0x1  }
0x87: {  	s23 =	rddreg [dreg:$0x18]  }
0x88: {  	[tilespmem:s23], [sflag:$0x1] =	stream.indirect_vreg.gather [hbm4b:s0+s3], $0x80, v5, vm0, $0xb8;
	[tilespmem:$0x10380] =	vst v63  }
0x89: {  	s24 =	rddreg [dreg:$0x19]  }
0x8a: {  	[tilespmem:s24], [sflag:$0x1] =	stream.indirect_vreg.gather [hbm4b:s0+s3], $0x80, v4, vm0, $0xb8;
	[tilespmem:$0x10380] =	vst v63  }
0x8b: {  	v4 =	vld [tilespmem:$0x80];
	_ =	sdelay $0x4  }
0x8c: {  	v5 =	vshll.u32 v4, $0x1  }
0x8d: {  	v4 =	vand.u32 $0x7, v4;
	v5 =	vand.u32 $0xFFFFFFF0, v5  }
0x8e: {  	v4 =	vor.u32 v4, v5  }
0x8f: {  	v5 =	vperm.xlane v4, v1;
	_ =	sdelay $0x1  }
0x90: {  	v4 =	vperm.xlane v4, v3;
	v5 =	vadd.s32 v2, v5;
	_ =	sdelay $0x1  }
0x91: {  	v4 =	vadd.s32 v2, v4;
	_ =	sdelay $0x1  }
0x92: {  	s25 =	rddreg [dreg:$0x1a]  }
0x93: {  	[tilespmem:s25], [sflag:$0x1] =	stream.indirect_vreg.gather [hbm4b:s0+s3], $0x80, v5, vm0, $0xb8;
	[tilespmem:$0x10380] =	vst v63  }
0x94: {  	s26 =	rddreg [dreg:$0x1b]  }
0x95: {  	[tilespmem:s26], [sflag:$0x1] =	stream.indirect_vreg.gather [hbm4b:s0+s3], $0x80, v4, vm0, $0xb8;
	[tilespmem:$0x10380] =	vst v63  }
0x96: {  	v4 =	vld [tilespmem:$0x90];
	_ =	sdelay $0x4  }
0x97: {  	v5 =	vshll.u32 v4, $0x1  }
0x98: {  	v4 =	vand.u32 $0x7, v4;
	v5 =	vand.u32 $0xFFFFFFF0, v5  }
0x99: {  	v4 =	vor.u32 v4, v5  }
0x9a: {  	v5 =	vperm.xlane v4, v1;
	_ =	sdelay $0x1  }
0x9b: {  	v4 =	vperm.xlane v4, v3;
	v5 =	vadd.s32 v2, v5;
	_ =	sdelay $0x1  }
0x9c: {  	v4 =	vadd.s32 v2, v4;
	_ =	sdelay $0x1  }
0x9d: {  	s28 =	rddreg [dreg:$0x1c]  }
0x9e: {  	[tilespmem:s28], [sflag:$0x1] =	stream.indirect_vreg.gather [hbm4b:s0+s3], $0x80, v5, vm0, $0xb8;
	[tilespmem:$0x10380] =	vst v63  }
0x9f: {  	s29 =	rddreg [dreg:$0x1d]  }
0xa0: {  	[tilespmem:s29], [sflag:$0x1] =	stream.indirect_vreg.gather [hbm4b:s0+s3], $0x80, v4, vm0, $0xb8;
	[tilespmem:$0x10380] =	vst v63  }
0xa1: {  	v4 =	vld [tilespmem:$0xA0];
	_ =	sdelay $0x4  }
0xa2: {  	v5 =	vshll.u32 v4, $0x1  }
0xa3: {  	v4 =	vand.u32 $0x7, v4;
	v5 =	vand.u32 $0xFFFFFFF0, v5  }
0xa4: {  	v4 =	vor.u32 v4, v5  }
0xa5: {  	v5 =	vperm.xlane v4, v1;
	_ =	sdelay $0x1  }
0xa6: {  	v4 =	vperm.xlane v4, v3;
	v5 =	vadd.s32 v2, v5;
	_ =	sdelay $0x1  }
0xa7: {  	v4 =	vadd.s32 v2, v4;
	_ =	sdelay $0x1  }
0xa8: {  	s30 =	rddreg [dreg:$0x1e]  }
0xa9: {  	[tilespmem:s30], [sflag:$0x1] =	stream.indirect_vreg.gather [hbm4b:s0+s3], $0x80, v5, vm0, $0xb8;
	[tilespmem:$0x10380] =	vst v63  }
0xaa: {  	_ = 	snop  }
0xab: {  	[tilespmem:s8], [sflag:$0x1] =	stream.indirect_vreg.gather [hbm4b:s0+s3], $0x80, v4, vm0, $0xb8;
	[tilespmem:$0x10380] =	vst v63  }
0xac: {  	v4 =	vld [tilespmem:$0xB0];
	_ =	sdelay $0x4  }
0xad: {  	v5 =	vshll.u32 v4, $0x1  }
0xae: {  	v4 =	vand.u32 $0x7, v4;
	v5 =	vand.u32 $0xFFFFFFF0, v5  }
0xaf: {  	v4 =	vor.u32 v4, v5  }
0xb0: {  	v5 =	vperm.xlane v4, v1;
	_ =	sdelay $0x1  }
0xb1: {  	v4 =	vperm.xlane v4, v3;
	v5 =	vadd.s32 v2, v5;
	_ =	sdelay $0x1  }
0xb2: {  	v4 =	vadd.s32 v2, v4;
	_ =	sdelay $0x2  }
0xb3: {  	[tilespmem:s9], [sflag:$0x1] =	stream.indirect_vreg.gather [hbm4b:s0+s3], $0x80, v5, vm0, $0xb8;
	[tilespmem:$0x10380] =	vst v63  }
0xb4: {  	_ = 	snop  }
0xb5: {  	[tilespmem:s10], [sflag:$0x1] =	stream.indirect_vreg.gather [hbm4b:s0+s3], $0x80, v4, vm0, $0xb8;
	[tilespmem:$0x10380] =	vst v63  }
0xb6: {  	v4 =	vld [tilespmem:$0xC0];
	_ =	sdelay $0x4  }
0xb7: {  	v5 =	vshll.u32 v4, $0x1  }
0xb8: {  	v4 =	vand.u32 $0x7, v4;
	v5 =	vand.u32 $0xFFFFFFF0, v5  }
0xb9: {  	v4 =	vor.u32 v4, v5  }
0xba: {  	v5 =	vperm.xlane v4, v1;
	_ =	sdelay $0x1  }
0xbb: {  	v4 =	vperm.xlane v4, v3;
	v5 =	vadd.s32 v2, v5;
	_ =	sdelay $0x1  }
0xbc: {  	v4 =	vadd.s32 v2, v4;
	_ =	sdelay $0x2  }
0xbd: {  	[tilespmem:s11], [sflag:$0x1] =	stream.indirect_vreg.gather [hbm4b:s0+s3], $0x80, v5, vm0, $0xb8;
	[tilespmem:$0x10380] =	vst v63  }
0xbe: {  	_ = 	snop  }
0xbf: {  	[tilespmem:s12], [sflag:$0x1] =	stream.indirect_vreg.gather [hbm4b:s0+s3], $0x80, v4, vm0, $0xb8;
	[tilespmem:$0x10380] =	vst v63  }
0xc0: {  	v4 =	vld [tilespmem:$0xD0];
	_ =	sdelay $0x4  }
0xc1: {  	v5 =	vshll.u32 v4, $0x1  }
0xc2: {  	v4 =	vand.u32 $0x7, v4;
	v5 =	vand.u32 $0xFFFFFFF0, v5  }
0xc3: {  	v4 =	vor.u32 v4, v5  }
0xc4: {  	v5 =	vperm.xlane v4, v1;
	_ =	sdelay $0x1  }
0xc5: {  	v4 =	vperm.xlane v4, v3;
	v5 =	vadd.s32 v2, v5;
	_ =	sdelay $0x1  }
0xc6: {  	v4 =	vadd.s32 v2, v4;
	_ =	sdelay $0x2  }
0xc7: {  	[tilespmem:s13], [sflag:$0x1] =	stream.indirect_vreg.gather [hbm4b:s0+s3], $0x80, v5, vm0, $0xb8;
	[tilespmem:$0x10380] =	vst v63  }
0xc8: {  	_ = 	snop  }
0xc9: {  	[tilespmem:s14], [sflag:$0x1] =	stream.indirect_vreg.gather [hbm4b:s0+s3], $0x80, v4, vm0, $0xb8;
	[tilespmem:$0x10380] =	vst v63  }
0xca: {  	v4 =	vld [tilespmem:$0xE0];
	_ =	sdelay $0x4  }
0xcb: {  	v5 =	vshll.u32 v4, $0x1  }
0xcc: {  	v4 =	vand.u32 $0x7, v4;
	v5 =	vand.u32 $0xFFFFFFF0, v5  }
0xcd: {  	v4 =	vor.u32 v4, v5  }
0xce: {  	v5 =	vperm.xlane v4, v1;
	_ =	sdelay $0x1  }
0xcf: {  	v4 =	vperm.xlane v4, v3;
	v5 =	vadd.s32 v2, v5;
	_ =	sdelay $0x1  }
0xd0: {  	v4 =	vadd.s32 v2, v4;
	_ =	sdelay $0x2  }
0xd1: {  	[tilespmem:s15], [sflag:$0x1] =	stream.indirect_vreg.gather [hbm4b:s0+s3], $0x80, v5, vm0, $0xb8;
	[tilespmem:$0x10380] =	vst v63  }
0xd2: {  	_ = 	snop  }
0xd3: {  	[tilespmem:s16], [sflag:$0x1] =	stream.indirect_vreg.gather [hbm4b:s0+s3], $0x80, v4, vm0, $0xb8;
	[tilespmem:$0x10380] =	vst v63  }
0xd4: {  	v4 =	vld [tilespmem:$0xF0];
	_ =	sdelay $0x4  }
0xd5: {  	v5 =	vshll.u32 v4, $0x1  }
0xd6: {  	v4 =	vand.u32 $0x7, v4;
	v5 =	vand.u32 $0xFFFFFFF0, v5  }
0xd7: {  	v4 =	vor.u32 v4, v5  }
0xd8: {  	v5 =	vperm.xlane v4, v1;
	_ =	sdelay $0x1  }
0xd9: {  	v4 =	vperm.xlane v4, v3;
	v5 =	vadd.s32 v2, v5;
	_ =	sdelay $0x1  }
0xda: {  	v4 =	vadd.s32 v2, v4;
	_ =	sdelay $0x2  }
0xdb: {  	[tilespmem:s17], [sflag:$0x1] =	stream.indirect_vreg.gather [hbm4b:s0+s3], $0x80, v5, vm0, $0xb8;
	[tilespmem:$0x10380] =	vst v63  }
0xdc: {  	s20 =	simm.s32 @p0 $0x80  }
0xdd: {  	[tilespmem:s18], [sflag:$0x1] =	stream.indirect_vreg.gather [hbm4b:s0+s3], $0x80, v4, vm0, $0xb8;
	[tilespmem:$0x10380] =	vst v63  }
0xde: {  	s21 =	simm.s32 @p0 $0x0;
	s22 =	simm.s32 @p0 $0x10100;
	[bflag:$0x0] =	sbarrier.arrive @p0 $0xFFFF  }
0xdf: {  	[spmem:s2] =	stream.indirect.scatter.add.f32 @p0 [tilespmem:s22], [sflag:$0x2], $0x1, s21, s20, $0xb8;
	[tilespmem:$0x10380] =	vst v63  }
0xe0: {  	s21 =	simm.s32 @p0 $0x2  }
0xe1: {  	_ =	swait.ge @p0 [sflag:s21], $0x80  }
0xe2: {  	[sflag:s21] =	ssyncset.done @p0 $0x0  }
0xe3: {  	[sflag:s21] =	ssyncadd.s32 @p0 $0xFFFFFF80  }
0xe4: {  	[spmem:s2] =	stream.indirect.scatter.add.f32 @p0 [tilespmem:s22], [sflag:$0x2], $0x1, s20, s20, $0xb8;
	[tilespmem:$0x10380] =	vst v63  }
0xe5: {  	_ =	swait.ge @p0 [sflag:s21], $0x80  }
0xe6: {  	[sflag:s21] =	ssyncset.done @p0 $0x0  }
0xe7: {  	[sflag:s21] =	ssyncadd.s32 @p0 $0xFFFFFF80  }
0xe8: {  	[bflag:$0x0] =	sbarrier.arrive @p0 $0xFFFF  }
0xe9: {  	s22 =	simm.s32 @!p0 $0x1C02;
	s21 =	sshrl.u32 @!p0 s2, $0x3;
	s20 =	rddreg [dreg:$0x6]  }
0xea: {  	[spmem:s21], [sflag:s22] =	dma.local @!p0 [hbm:s20], $0x400  }
0xeb: {  	s20 =	simm.s32 @!p0 $0x2  }
0xec: {  	_ =	swait.ge @!p0 [sflag:s20], $0x400  }
0xed: {  	[sflag:s20] =	ssyncset.done @!p0 $0x0  }
0xee: {  	s23 =	simm.s32 @!p0 $0x80;
	[sflag:s20] =	ssyncadd.s32 @!p0 $0xFFFFFC00  }
0xef: {  	s24 =	simm.s32 @!p0 $0x0;
	s25 =	simm.s32 @!p0 $0x10100;
	[bflag:$0x0] =	sbarrier.arrive @!p0 $0xFFFF  }
0xf0: {  	[spmem:s2] =	stream.indirect.scatter.add.f32 @!p0 [tilespmem:s25], [sflag:$0x2], $0x1, s24, s23, $0xb8;
	[tilespmem:$0x10380] =	vst v63  }
0xf1: {  	_ =	swait.ge @!p0 [sflag:s20], $0x80  }
0xf2: {  	[sflag:s20] =	ssyncset.done @!p0 $0x0  }
0xf3: {  	[sflag:s20] =	ssyncadd.s32 @!p0 $0xFFFFFF80  }
0xf4: {  	[spmem:s2] =	stream.indirect.scatter.add.f32 @!p0 [tilespmem:s25], [sflag:$0x2], $0x1, s23, s23, $0xb8;
	[tilespmem:$0x10380] =	vst v63  }
0xf5: {  	_ =	swait.ge @!p0 [sflag:s20], $0x80  }
0xf6: {  	[sflag:s20] =	ssyncset.done @!p0 $0x0  }
0xf7: {  	[sflag:s20] =	ssyncadd.s32 @!p0 $0xFFFFFF80  }
0xf8: {  	s26 =	simm.s32 @!p0 $0x10;
	[bflag:$0x0] =	sbarrier.arrive @!p0 $0xFFFF  }
0xf9: {  	s24 =	simm.s32 @!p0 $0x1;
	s25 =	simm.s32 @!p0 $0x20;
	s23 =	rddreg [dreg:$0x8]  }
0xfa: {  	[hbm:s23@s25], [sflag:s22] =	dma.strided @!p0 [spmem:s21@s26], $0x400, s24, $0x10   }
0xfb: {  	_ =	swait.ge @!p0 [sflag:s20], $0x400  }
0xfc: {  	[sflag:s20] =	ssyncset.done @!p0 $0x0  }
0xfd: {  	[sflag:s20] =	ssyncadd.s32 @!p0 $0xFFFFFC00  }
0xfe: {  	_ =	swait.ge [sflag:s19], $0x8000  }
0xff: {  	[sflag:s19] =	ssyncset.done $0x0  }
0x100: {  	[sflag:s19] =	ssyncadd.s32 $0xFFFF8000  }
0x101: {  	s5 =	sadd.s32 $0xFFFFFFFF, s5;
	_ =	swait.ge [sflag:s19], $0x8000  }
0x102: {  	p1 =	sne.s32 s5, $0x0;
	[sflag:s19] =	ssyncset.done $0x0  }
.Ltmp0:
0x103: {  	s31 =	rddreg [dreg:$0x9];
	[sflag:s19] =	ssyncadd.s32 $0xFFFF8000;
	(pc) =	sbr.rel @p1 .LBB2_1-.Ltmp0, $4  }
0x104: {  	[hbm4b:s31+s3] =	stream.linear.scatter [tilespmem:s7], [sflag:$0x2], $0x10000, $0x38;
	[tilespmem:$0x10380] =	vst v63  }
0x105: {  	_ =	swait.ge [sflag:s6], $0x10000  }
0x106: {  	[sflag:s6] =	ssyncset.done $0x0  }
0x107: {  	[sflag:s6] =	ssyncadd.s32 $0xFFFF0000  }
0x108: {  	_ =	sfence.sel $0x180000  }
0x109: {  	[bflag:$0x0] =	sbarrier.arrive $0xFFFF  }
0x10a: {  	_ =	strace $0x90000047  }
0x10b: {  	s0 =	sadd.s32 @!p0 $0x100000, s1;
	[bflag:$0x2] =	sbarrier.arrive $0xFFFF  }
0x10c: {  	[sflag:s0] =	ssyncadd.tile.s32 @!p0 $0x1;
	_ =	shalt  }
.Lfunc_end2:
_tile_overlayer_lowered:
.L_overlay_start_2:
0x10d: {  	(tag) =	ssettag $0x2  }
0x10e: {  	s0 =	rddreg [dreg:$0x0];
	s2 =	stileid.u32  }
0x10f: {  	s1 =	rddreg [dreg:$0x1];
	p0 =	sne.s32 s2, $0x0  }
0x110: {  	s3 =	rddreg [dreg:$0x2];
	[bflag:$0x3] =	sbarrier.arrive $0xFFFF;
	s2 =	simm.s32 @!p0 $0x1C02  }
0x111: {  	[timem:s3], [sflag:s2] =	dma.local @!p0 [hbm:s0], s1  }
0x112: {  	s0 =	simm.s32 @!p0 $0x2  }
0x113: {  	_ =	swait.ge @!p0 [sflag:s0], s1  }
0x114: {  	s1 =	ssub.s32 @!p0 $0x0, s1;
	[sflag:s0] =	ssyncset.done @!p0 $0x0  }
0x115: {  	[sflag:s0] =	ssyncadd.s32 @!p0 s1  }
0x116: {  	[bflag:$0x3] =	sbarrier.arrive $0xFFFF  }
0x117: {  	_ =	shalt  }

</sc_bundles>
